<compile_context>
chip_gen: v7x
topology: tpu7x:2x2x1
jax: 0.10.2.dev20260603
libtpu: 0.0.44.dev20260713+nightly
codegen_flags: <defaults>
</compile_context>

<pallas_src>
import functools

import jax
import jax.numpy as jnp
from jax import lax
from jax.experimental import pallas as pl
from jax.experimental.pallas import tpu as pltpu
from jax.experimental.pallas import tpu_sc as plsc

_N_CORES = 2
_N_SUBCORES = 16
_N_WORKERS = _N_CORES * _N_SUBCORES

_CHUNK = 125
_K = 10
_NBUF = 10
_ZC = 80


@functools.lru_cache(maxsize=None)
def _make_sc_aggregate(n_nodes, n_edges, d):
    epw = n_edges // _N_WORKERS
    n_chunks = epw // _CHUNK
    n_super = n_chunks // _K
    assert n_edges == _N_WORKERS * n_super * _K * _CHUNK
    assert n_super % 2 == 0 and n_super >= 4 and _K == 10
    assert (2 * _K) % _NBUF == 0
    rows_per_tile = -(-n_nodes // (_N_SUBCORES * _ZC)) * _ZC
    acc_rows = rows_per_tile * _N_SUBCORES
    mesh = plsc.VectorSubcoreMesh(core_axis_name="c", subcore_axis_name="s")

    @functools.partial(
        pl.kernel,
        out_type=jax.ShapeDtypeStruct((_N_CORES, acc_rows, d), jnp.bfloat16),
        mesh=mesh,
        compiler_params=pltpu.CompilerParams(use_tc_tiling_on_sc=False),
        scratch_types=[
            pltpu.VMEM((_K, _CHUNK), jnp.int32),
            pltpu.VMEM((_K, _CHUNK), jnp.int32),
            pltpu.VMEM((_K, _CHUNK), jnp.int32),
            pltpu.VMEM((_K, _CHUNK), jnp.int32),
        ] + [pltpu.VMEM((_CHUNK, d), jnp.bfloat16)] * _NBUF
        + [pltpu.VMEM_SHARED((acc_rows, d), jnp.bfloat16)]
        + [pltpu.SemaphoreType.DMA] * (2 + 2 * _NBUF),
    )
    def sc_aggregate(x_hbm, ei_hbm, out_hbm, sa_src, sa_dst, sb_src, sb_dst,
                     *rest):
        slot_a = (sa_src, sa_dst)
        slot_b = (sb_src, sb_dst)
        bufs = rest[:_NBUF]
        acc = rest[_NBUF]
        isem_a = rest[_NBUF + 1]
        isem_b = rest[_NBUF + 2]
        gsems = rest[_NBUF + 3:2 * _NBUF + 3]
        ssems = rest[2 * _NBUF + 3:]
        c = lax.axis_index("c")
        s = lax.axis_index("s")
        wid = s * _N_CORES + c

        zero2x16 = jnp.zeros((2, 16), jnp.bfloat16)

        def zero_body(i2, carry):
            i = pl.multiple_of(i2 * 2, 2)
            for j in range(d // 16):
                bufs[0][pl.ds(i, 2), pl.ds(j * 16, 16)] = zero2x16
            return carry

        lax.fori_loop(0, _ZC // 2, zero_body, 0)
        for q in range(rows_per_tile // _ZC):
            pltpu.sync_copy(
                bufs[0].at[pl.ds(0, _ZC)],
                acc.at[pl.ds(s * rows_per_tile + q * _ZC, _ZC)])
        plsc.subcore_barrier()

        def issue_idx(sb, slot, isem):
            pltpu.async_copy(ei_hbm.at[0, wid, pl.ds(sb * _K, _K)], slot[0],
                             isem)
            pltpu.async_copy(ei_hbm.at[1, wid, pl.ds(sb * _K, _K)], slot[1],
                             isem)

        def wait_idx(slot, isem):
            pltpu.make_async_copy(ei_hbm.at[0, wid, pl.ds(0, _K)], slot[0],
                                  isem).wait()
            pltpu.make_async_copy(ei_hbm.at[1, wid, pl.ds(0, _K)], slot[1],
                                  isem).wait()

        def issue_g(slot, row, b):
            pltpu.async_copy(x_hbm.at[slot[0].at[row]], bufs[b], gsems[b])

        def wait_g(slot, row, b):
            pltpu.make_async_copy(x_hbm.at[slot[0].at[row]], bufs[b],
                                  gsems[b]).wait()

        def issue_s(slot, row, b):
            pltpu.async_copy(bufs[b], acc.at[slot[1].at[row]], ssems[b],
                             add=True)

        def wait_s(slot, row, b):
            pltpu.make_async_copy(bufs[b], acc.at[slot[1].at[row]],
                                  ssems[b]).wait()

        def slot_row(q):
            return (slot_a if q < _K else slot_b), q % _K

        pltpu.sync_copy(ei_hbm.at[0, wid, pl.ds(0, _K)], sa_src)
        pltpu.sync_copy(ei_hbm.at[1, wid, pl.ds(0, _K)], sa_dst)
        issue_idx(1, slot_b, isem_b)
        for b in range(_NBUF):
            issue_g(slot_a, b, b)

        n_rounds = 2 * _K // _NBUF
        jj_wait_b = next(j for j in range(n_rounds)
                         if _NBUF * j + 2 * _NBUF - 1 >= _K)
        jj_issue_a = next(j for j in range(n_rounds)
                          if _NBUF * j + _NBUF - 1 >= _K - 1)

        def round_(t, jj, last):
            q0 = _NBUF * jj
            for b in range(_NBUF):
                sl, row = slot_row(q0 + b)
                wait_g(sl, row, b)
                issue_s(sl, row, b)
            if jj == jj_wait_b:
                wait_idx(slot_b, isem_b)
            if jj == n_rounds - 1 and not last:
                wait_idx(slot_a, isem_a)
            for b in range(_NBUF):
                q = q0 + b
                sl, row = slot_row(q)
                wait_s(sl, row, b)
                if not (last and jj == n_rounds - 1):
                    nsl, nrow = slot_row((q + _NBUF) % (2 * _K))
                    issue_g(nsl, nrow, b)
            if jj == jj_issue_a and not last:
                issue_idx(2 * t + 2, slot_a, isem_a)
            if jj == n_rounds - 1 and not last:
                issue_idx(2 * t + 3, slot_b, isem_b)

        def pair_body(t, carry):
            for jj in range(n_rounds):
                round_(t, jj, False)
            return carry

        lax.fori_loop(0, n_super // 2 - 1, pair_body, 0)
        for jj in range(n_rounds):
            round_(n_super // 2 - 1, jj, True)
        plsc.subcore_barrier()

        pltpu.sync_copy(
            acc.at[pl.ds(s * rows_per_tile, rows_per_tile)],
            out_hbm.at[c, pl.ds(s * rows_per_tile, rows_per_tile)])

    return sc_aggregate


@functools.lru_cache(maxsize=None)
def _make_sc_combine(acc_rows, d):
    rpt = acc_rows // _N_WORKERS
    assert rpt * _N_WORKERS == acc_rows and rpt % 2 == 0
    mesh = plsc.VectorSubcoreMesh(core_axis_name="c", subcore_axis_name="s")

    @functools.partial(
        pl.kernel,
        out_type=jax.ShapeDtypeStruct((acc_rows, d), jnp.bfloat16),
        mesh=mesh,
        compiler_params=pltpu.CompilerParams(use_tc_tiling_on_sc=False),
        scratch_types=[pltpu.VMEM((rpt, d), jnp.bfloat16)] * 3,
    )
    def sc_combine(p_hbm, o_hbm, b0, b1, ob):
        c = lax.axis_index("c")
        s = lax.axis_index("s")
        wid = s * _N_CORES + c
        base = wid * rpt
        pltpu.sync_copy(p_hbm.at[0, pl.ds(base, rpt)], b0)
        pltpu.sync_copy(p_hbm.at[1, pl.ds(base, rpt)], b1)

        def body(i2, carry):
            i = pl.multiple_of(i2 * 2, 2)
            for j in range(d // 16):
                cs = pl.ds(j * 16, 16)
                ob[pl.ds(i, 2), cs] = (b0[pl.ds(i, 2), cs] +
                                       b1[pl.ds(i, 2), cs])
            return carry

        lax.fori_loop(0, rpt // 2, body, 0)
        pltpu.sync_copy(ob, o_hbm.at[pl.ds(base, rpt)])

    return sc_combine


def kernel(feature_matrix, edge_index, weights1):
    x = jnp.squeeze(feature_matrix).astype(jnp.bfloat16)
    n_nodes, d = x.shape
    n_edges = edge_index.shape[1]
    acc_rows = (-(-n_nodes // (_N_SUBCORES * _ZC)) * _ZC) * _N_SUBCORES
    grain = _N_WORKERS * _K * _CHUNK * 2
    n_pad = -n_edges % grain
    if n_pad:
        pad = jnp.stack([
            jnp.zeros((n_pad,), jnp.int32),
            jnp.full((n_pad,), acc_rows - 1, jnp.int32),
        ])
        edge_index = jnp.concatenate([edge_index, pad], axis=1)
    n_edges_p = n_edges + n_pad
    n_chunks = n_edges_p // (_N_WORKERS * _CHUNK)
    ei = edge_index.reshape(2, _N_WORKERS, n_chunks, _CHUNK)
    partials = _make_sc_aggregate(n_nodes, n_edges_p, d)(x, ei)
    summed = _make_sc_combine(acc_rows, d)(partials)
    return summed[:n_nodes].astype(jnp.float32) * weights1

# --- scband reference (transcript-rebuilt; emitter-appended) ---
"""Pipeline reference for scband-face-gcnlayer-4166118277559 (READ-ONLY COPY).

The authoritative reference and input builder live on the scoring server;
editing this copy changes nothing except your own understanding.
"""

import jax, jax.numpy as jnp
import numpy as np

N_NODES = 10000
N_EDGES = 320000
D_FEAT = 128


def setup_inputs(seed: int = 0) -> dict:
    key = jax.random.key(seed)
    k1, k2, k3 = jax.random.split(key, 3)
    feature_matrix = jax.random.normal(k1, (N_NODES, D_FEAT), dtype=jnp.float32)
    # Sparse adjacency adj_m represented in COO form as edge_index[2, E] with unit values.
    edge_index = jax.random.randint(k2, (2, N_EDGES), 0, N_NODES, dtype=jnp.int32)
    # Learned parameter weights1 from build(): shape (1, input_shape[-1]).
    weights1 = jax.random.normal(k3, (1, D_FEAT), dtype=jnp.float32) * 0.05
    return {"feature_matrix": feature_matrix, "edge_index": edge_index, "weights1": weights1}


def reference(feature_matrix, edge_index, weights1):
    # Faithful translation of FaceGCNLayer.call (training branch):
    #   ax = sparse_dense_matmul(adj_m, feature_matrix); z = ax * weights1
    x = jnp.squeeze(feature_matrix)
    src = edge_index[0]
    dst = edge_index[1]
    # sparse @ dense with unit-valued COO adjacency == gather rows at src, scatter-add at dst
    gathered = jnp.take(x, src, axis=0)
    ax = jax.ops.segment_sum(gathered, dst, num_segments=N_NODES)
    z = ax * weights1
    return z

if __name__ == "__main__":
    import jax
    _d = setup_inputs()
    print(jax.jit(kernel)(*tuple(_d.values())))

</pallas_src>

<mosaic_0001>
#map = affine_map<(d0, d1) -> (0, 0)>
#map1 = affine_map<(d0, d1) -> (0, 0, 0, 0)>
#map2 = affine_map<(d0, d1) -> (0, 0, 0)>
module attributes {stable_mosaic.version = 14 : i64} {
  func.func @sc_aggregate(%arg0: i32, %arg1: i32, %arg2: memref<10000x128xbf16, #tpu.memory_space<hbm>>, %arg3: memref<2x32x80x125xi32, #tpu.memory_space<hbm>>, %arg4: memref<2x10240x128xbf16, #tpu.memory_space<hbm>>, %arg5: memref<10x125xi32, #tpu.memory_space<vmem>>, %arg6: memref<10x125xi32, #tpu.memory_space<vmem>>, %arg7: memref<10x125xi32, #tpu.memory_space<vmem>>, %arg8: memref<10x125xi32, #tpu.memory_space<vmem>>, %arg9: memref<125x128xbf16, #tpu.memory_space<vmem>>, %arg10: memref<125x128xbf16, #tpu.memory_space<vmem>>, %arg11: memref<125x128xbf16, #tpu.memory_space<vmem>>, %arg12: memref<125x128xbf16, #tpu.memory_space<vmem>>, %arg13: memref<125x128xbf16, #tpu.memory_space<vmem>>, %arg14: memref<125x128xbf16, #tpu.memory_space<vmem>>, %arg15: memref<125x128xbf16, #tpu.memory_space<vmem>>, %arg16: memref<125x128xbf16, #tpu.memory_space<vmem>>, %arg17: memref<125x128xbf16, #tpu.memory_space<vmem>>, %arg18: memref<125x128xbf16, #tpu.memory_space<vmem>>, %arg19: memref<10240x128xbf16, #tpu.memory_space<vmem_shared>>, %arg20: memref<!tpu.dma_semaphore, #tpu.memory_space<semaphore_mem>>, %arg21: memref<!tpu.dma_semaphore, #tpu.memory_space<semaphore_mem>>, %arg22: memref<!tpu.dma_semaphore, #tpu.memory_space<semaphore_mem>>, %arg23: memref<!tpu.dma_semaphore, #tpu.memory_space<semaphore_mem>>, %arg24: memref<!tpu.dma_semaphore, #tpu.memory_space<semaphore_mem>>, %arg25: memref<!tpu.dma_semaphore, #tpu.memory_space<semaphore_mem>>, %arg26: memref<!tpu.dma_semaphore, #tpu.memory_space<semaphore_mem>>, %arg27: memref<!tpu.dma_semaphore, #tpu.memory_space<semaphore_mem>>, %arg28: memref<!tpu.dma_semaphore, #tpu.memory_space<semaphore_mem>>, %arg29: memref<!tpu.dma_semaphore, #tpu.memory_space<semaphore_mem>>, %arg30: memref<!tpu.dma_semaphore, #tpu.memory_space<semaphore_mem>>, %arg31: memref<!tpu.dma_semaphore, #tpu.memory_space<semaphore_mem>>, %arg32: memref<!tpu.dma_semaphore, #tpu.memory_space<semaphore_mem>>, %arg33: memref<!tpu.dma_semaphore, #tpu.memory_space<semaphore_mem>>, %arg34: memref<!tpu.dma_semaphore, #tpu.memory_space<semaphore_mem>>, %arg35: memref<!tpu.dma_semaphore, #tpu.memory_space<semaphore_mem>>, %arg36: memref<!tpu.dma_semaphore, #tpu.memory_space<semaphore_mem>>, %arg37: memref<!tpu.dma_semaphore, #tpu.memory_space<semaphore_mem>>, %arg38: memref<!tpu.dma_semaphore, #tpu.memory_space<semaphore_mem>>, %arg39: memref<!tpu.dma_semaphore, #tpu.memory_space<semaphore_mem>>, %arg40: memref<!tpu.dma_semaphore, #tpu.memory_space<semaphore_mem>>, %arg41: memref<!tpu.dma_semaphore, #tpu.memory_space<semaphore_mem>>) attributes {dimension_semantics = [#tpu.dimension_semantics<core_parallel>, #tpu.dimension_semantics<subcore_parallel>], iteration_bounds = array<i64: 2, 16>, scalar_prefetch = 0 : i64, scratch_operands = 37 : i64, tpu.core_type = #tpu.core_type<sc_vector_subcore>, window_params = [{transform_indices = #map}, {transform_indices = #map1}, {transform_indices = #map2}]} {
    %mul3A = arith.constant 2 : i32
    %mul3A_0 = arith.muli %arg1, %mul3A : i32
    %add3A = arith.addi %mul3A_0, %arg0 : i32
    %broadcast_in_dim3A = arith.constant 0.000000e+00 : bf16
    %broadcast_in_dim3A_1 = vector.broadcast %broadcast_in_dim3A : bf16 to vector<2x16xbf16>
    %scan3A = arith.constant 0 : i32
    %scan3A_2 = arith.constant 0 : i32
    %scan3A_3 = arith.constant 40 : i32
    %scan3A_4 = arith.addi %scan3A_2, %scan3A_3 : i32
    %scan3A_5 = arith.constant 1 : i32
    scf.for %scan3A_645 = %scan3A_2 to %scan3A_4 step %scan3A_5  : i32 {
      %mul3A_646 = arith.constant 2 : i32
      %mul3A_647 = arith.muli %scan3A_645, %mul3A_646 : i32
      %multiple_of3A = tpu.assume_multiple %mul3A_647, 2 : i32
      %swap3A = arith.index_cast %multiple_of3A : i32 to index
      %swap3A_648 = arith.constant 0 : index
      %swap3A_649 = tpu.vector_load %arg9[%swap3A, %swap3A_648] {strides = array<i32>} : memref<125x128xbf16, #tpu.memory_space<vmem>>, vector<2x16xbf16>,
      %swap3A_650 = vector.shape_cast %swap3A_649 : vector<2x16xbf16> to vector<2x16xbf16>
      %swap3A_651 = vector.shape_cast %broadcast_in_dim3A_1 : vector<2x16xbf16> to vector<2x16xbf16>
      tpu.vector_store %arg9[%swap3A, %swap3A_648], %swap3A_651 {strides = array<i32>} : memref<125x128xbf16, #tpu.memory_space<vmem>>, vector<2x16xbf16>,
      %swap3A_652 = arith.index_cast %multiple_of3A : i32 to index
      %swap3A_653 = arith.constant 16 : index
      %swap3A_654 = tpu.vector_load %arg9[%swap3A_652, %swap3A_653] {strides = array<i32>} : memref<125x128xbf16, #tpu.memory_space<vmem>>, vector<2x16xbf16>,
      %swap3A_655 = vector.shape_cast %swap3A_654 : vector<2x16xbf16> to vector<2x16xbf16>
      %swap3A_656 = vector.shape_cast %broadcast_in_dim3A_1 : vector<2x16xbf16> to vector<2x16xbf16>
      tpu.vector_store %arg9[%swap3A_652, %swap3A_653], %swap3A_656 {strides = array<i32>} : memref<125x128xbf16, #tpu.memory_space<vmem>>, vector<2x16xbf16>,
      %swap3A_657 = arith.index_cast %multiple_of3A : i32 to index
      %swap3A_658 = arith.constant 32 : index
      %swap3A_659 = tpu.vector_load %arg9[%swap3A_657, %swap3A_658] {strides = array<i32>} : memref<125x128xbf16, #tpu.memory_space<vmem>>, vector<2x16xbf16>,
      %swap3A_660 = vector.shape_cast %swap3A_659 : vector<2x16xbf16> to vector<2x16xbf16>
      %swap3A_661 = vector.shape_cast %broadcast_in_dim3A_1 : vector<2x16xbf16> to vector<2x16xbf16>
      tpu.vector_store %arg9[%swap3A_657, %swap3A_658], %swap3A_661 {strides = array<i32>} : memref<125x128xbf16, #tpu.memory_space<vmem>>, vector<2x16xbf16>,
      %swap3A_662 = arith.index_cast %multiple_of3A : i32 to index
      %swap3A_663 = arith.constant 48 : index
      %swap3A_664 = tpu.vector_load %arg9[%swap3A_662, %swap3A_663] {strides = array<i32>} : memref<125x128xbf16, #tpu.memory_space<vmem>>, vector<2x16xbf16>,
      %swap3A_665 = vector.shape_cast %swap3A_664 : vector<2x16xbf16> to vector<2x16xbf16>
      %swap3A_666 = vector.shape_cast %broadcast_in_dim3A_1 : vector<2x16xbf16> to vector<2x16xbf16>
      tpu.vector_store %arg9[%swap3A_662, %swap3A_663], %swap3A_666 {strides = array<i32>} : memref<125x128xbf16, #tpu.memory_space<vmem>>, vector<2x16xbf16>,
      %swap3A_667 = arith.index_cast %multiple_of3A : i32 to index
      %swap3A_668 = arith.constant 64 : index
      %swap3A_669 = tpu.vector_load %arg9[%swap3A_667, %swap3A_668] {strides = array<i32>} : memref<125x128xbf16, #tpu.memory_space<vmem>>, vector<2x16xbf16>,
      %swap3A_670 = vector.shape_cast %swap3A_669 : vector<2x16xbf16> to vector<2x16xbf16>
      %swap3A_671 = vector.shape_cast %broadcast_in_dim3A_1 : vector<2x16xbf16> to vector<2x16xbf16>
      tpu.vector_store %arg9[%swap3A_667, %swap3A_668], %swap3A_671 {strides = array<i32>} : memref<125x128xbf16, #tpu.memory_space<vmem>>, vector<2x16xbf16>,
      %swap3A_672 = arith.index_cast %multiple_of3A : i32 to index
      %swap3A_673 = arith.constant 80 : index
      %swap3A_674 = tpu.vector_load %arg9[%swap3A_672, %swap3A_673] {strides = array<i32>} : memref<125x128xbf16, #tpu.memory_space<vmem>>, vector<2x16xbf16>,
      %swap3A_675 = vector.shape_cast %swap3A_674 : vector<2x16xbf16> to vector<2x16xbf16>
      %swap3A_676 = vector.shape_cast %broadcast_in_dim3A_1 : vector<2x16xbf16> to vector<2x16xbf16>
      tpu.vector_store %arg9[%swap3A_672, %swap3A_673], %swap3A_676 {strides = array<i32>} : memref<125x128xbf16, #tpu.memory_space<vmem>>, vector<2x16xbf16>,
      %swap3A_677 = arith.index_cast %multiple_of3A : i32 to index
      %swap3A_678 = arith.constant 96 : index
      %swap3A_679 = tpu.vector_load %arg9[%swap3A_677, %swap3A_678] {strides = array<i32>} : memref<125x128xbf16, #tpu.memory_space<vmem>>, vector<2x16xbf16>,
      %swap3A_680 = vector.shape_cast %swap3A_679 : vector<2x16xbf16> to vector<2x16xbf16>
      %swap3A_681 = vector.shape_cast %broadcast_in_dim3A_1 : vector<2x16xbf16> to vector<2x16xbf16>
      tpu.vector_store %arg9[%swap3A_677, %swap3A_678], %swap3A_681 {strides = array<i32>} : memref<125x128xbf16, #tpu.memory_space<vmem>>, vector<2x16xbf16>,
      %swap3A_682 = arith.index_cast %multiple_of3A : i32 to index
      %swap3A_683 = arith.constant 112 : index
      %swap3A_684 = tpu.vector_load %arg9[%swap3A_682, %swap3A_683] {strides = array<i32>} : memref<125x128xbf16, #tpu.memory_space<vmem>>, vector<2x16xbf16>,
      %swap3A_685 = vector.shape_cast %swap3A_684 : vector<2x16xbf16> to vector<2x16xbf16>
      %swap3A_686 = vector.shape_cast %broadcast_in_dim3A_1 : vector<2x16xbf16> to vector<2x16xbf16>
      tpu.vector_store %arg9[%swap3A_682, %swap3A_683], %swap3A_686 {strides = array<i32>} : memref<125x128xbf16, #tpu.memory_space<vmem>>, vector<2x16xbf16>,
    }
    %scan3A_6 = arith.constant 40 : i32
    %mul3A_7 = arith.constant 640 : i32
    %mul3A_8 = arith.muli %arg1, %mul3A_7 : i32
    %add3A_9 = arith.constant 0 : i32
    %add3A_10 = arith.addi %mul3A_8, %add3A_9 : i32
    "tpu.region"() ({
      %run_scoped3A_645 = tpu.sem_alloc : memref<!tpu.dma_semaphore, #tpu.memory_space<semaphore_mem>>
      %dma_start3A_646 = arith.constant 0 : i32
      %dma_start3A_647 = arith.constant 0 : i32
      %dma_start3A_648 = tpu.memref_slice %arg9[%dma_start3A_646, %dma_start3A_647] : memref<125x128xbf16, #tpu.memory_space<vmem>> -> memref<80x128xbf16, #tpu.memory_space<vmem>>
      %dma_start3A_649 = arith.constant 0 : i32
      %dma_start3A_650 = tpu.memref_slice %arg19[%add3A_10, %dma_start3A_649] : memref<10240x128xbf16, #tpu.memory_space<vmem_shared>> -> memref<80x128xbf16, #tpu.memory_space<vmem_shared>>
      %dma_start3A_651 = arith.constant 0 : i32
      %dma_start3A_652 = tpu.memref_slice %arg19[%add3A_10, %dma_start3A_651] : memref<10240x128xbf16, #tpu.memory_space<vmem_shared>> -> memref<80x128xbf16, #tpu.memory_space<vmem_shared>>
      %dma_start3A_653 = arith.constant 0 : i32
      %dma_start3A_654 = arith.constant 0 : i32
      %dma_start3A_655 = tpu.memref_slice %arg9[%dma_start3A_653, %dma_start3A_654] : memref<125x128xbf16, #tpu.memory_space<vmem>> -> memref<80x128xbf16, #tpu.memory_space<vmem>>
      tpu.enqueue_dma source(%dma_start3A_655 : memref<80x128xbf16, #tpu.memory_space<vmem>>) target(%dma_start3A_652 : memref<80x128xbf16, #tpu.memory_space<vmem_shared>>) target_semaphore(%run_scoped3A_645 : memref<!tpu.dma_semaphore, #tpu.memory_space<semaphore_mem>>)
      %dma_wait3A_656 = arith.constant 0 : i32
      %dma_wait3A_657 = arith.constant 0 : i32
      %dma_wait3A_658 = tpu.memref_slice %arg9[%dma_wait3A_656, %dma_wait3A_657] : memref<125x128xbf16, #tpu.memory_space<vmem>> -> memref<80x128xbf16, #tpu.memory_space<vmem>>
      %dma_wait3A_659 = arith.constant 0 : i32
      %dma_wait3A_660 = tpu.memref_slice %arg19[%add3A_10, %dma_wait3A_659] : memref<10240x128xbf16, #tpu.memory_space<vmem_shared>> -> memref<80x128xbf16, #tpu.memory_space<vmem_shared>>
      %dma_wait3A_661 = arith.constant 0 : i32
      %dma_wait3A_662 = tpu.memref_slice %arg19[%add3A_10, %dma_wait3A_661] : memref<10240x128xbf16, #tpu.memory_space<vmem_shared>> -> memref<80x128xbf16, #tpu.memory_space<vmem_shared>>
      %dma_wait3A_663 = arith.constant 0 : i32
      %dma_wait3A_664 = arith.constant 0 : i32
      %dma_wait3A_665 = tpu.memref_slice %arg9[%dma_wait3A_663, %dma_wait3A_664] : memref<125x128xbf16, #tpu.memory_space<vmem>> -> memref<80x128xbf16, #tpu.memory_space<vmem>>
      tpu.wait_dma2 semaphore(%run_scoped3A_645 : memref<!tpu.dma_semaphore, #tpu.memory_space<semaphore_mem>>) src(%dma_wait3A_665 : memref<80x128xbf16, #tpu.memory_space<vmem>>) dst(%dma_wait3A_662 : memref<80x128xbf16, #tpu.memory_space<vmem_shared>>)
      tpu.yield
    }) : () -> ()
    %mul3A_11 = arith.constant 640 : i32
    %mul3A_12 = arith.muli %arg1, %mul3A_11 : i32
    %add3A_13 = arith.constant 80 : i32
    %add3A_14 = arith.addi %mul3A_12, %add3A_13 : i32
    "tpu.region"() ({
      %run_scoped3A_645 = tpu.sem_alloc : memref<!tpu.dma_semaphore, #tpu.memory_space<semaphore_mem>>
      %dma_start3A_646 = arith.constant 0 : i32
      %dma_start3A_647 = arith.constant 0 : i32
      %dma_start3A_648 = tpu.memref_slice %arg9[%dma_start3A_646, %dma_start3A_647] : memref<125x128xbf16, #tpu.memory_space<vmem>> -> memref<80x128xbf16, #tpu.memory_space<vmem>>
      %dma_start3A_649 = arith.constant 0 : i32
      %dma_start3A_650 = tpu.memref_slice %arg19[%add3A_14, %dma_start3A_649] : memref<10240x128xbf16, #tpu.memory_space<vmem_shared>> -> memref<80x128xbf16, #tpu.memory_space<vmem_shared>>
      %dma_start3A_651 = arith.constant 0 : i32
      %dma_start3A_652 = tpu.memref_slice %arg19[%add3A_14, %dma_start3A_651] : memref<10240x128xbf16, #tpu.memory_space<vmem_shared>> -> memref<80x128xbf16, #tpu.memory_space<vmem_shared>>
      %dma_start3A_653 = arith.constant 0 : i32
      %dma_start3A_654 = arith.constant 0 : i32
      %dma_start3A_655 = tpu.memref_slice %arg9[%dma_start3A_653, %dma_start3A_654] : memref<125x128xbf16, #tpu.memory_space<vmem>> -> memref<80x128xbf16, #tpu.memory_space<vmem>>
      tpu.enqueue_dma source(%dma_start3A_655 : memref<80x128xbf16, #tpu.memory_space<vmem>>) target(%dma_start3A_652 : memref<80x128xbf16, #tpu.memory_space<vmem_shared>>) target_semaphore(%run_scoped3A_645 : memref<!tpu.dma_semaphore, #tpu.memory_space<semaphore_mem>>)
      %dma_wait3A_656 = arith.constant 0 : i32
      %dma_wait3A_657 = arith.constant 0 : i32
      %dma_wait3A_658 = tpu.memref_slice %arg9[%dma_wait3A_656, %dma_wait3A_657] : memref<125x128xbf16, #tpu.memory_space<vmem>> -> memref<80x128xbf16, #tpu.memory_space<vmem>>
      %dma_wait3A_659 = arith.constant 0 : i32
      %dma_wait3A_660 = tpu.memref_slice %arg19[%add3A_14, %dma_wait3A_659] : memref<10240x128xbf16, #tpu.memory_space<vmem_shared>> -> memref<80x128xbf16, #tpu.memory_space<vmem_shared>>
      %dma_wait3A_661 = arith.constant 0 : i32
      %dma_wait3A_662 = tpu.memref_slice %arg19[%add3A_14, %dma_wait3A_661] : memref<10240x128xbf16, #tpu.memory_space<vmem_shared>> -> memref<80x128xbf16, #tpu.memory_space<vmem_shared>>
      %dma_wait3A_663 = arith.constant 0 : i32
      %dma_wait3A_664 = arith.constant 0 : i32
      %dma_wait3A_665 = tpu.memref_slice %arg9[%dma_wait3A_663, %dma_wait3A_664] : memref<125x128xbf16, #tpu.memory_space<vmem>> -> memref<80x128xbf16, #tpu.memory_space<vmem>>
      tpu.wait_dma2 semaphore(%run_scoped3A_645 : memref<!tpu.dma_semaphore, #tpu.memory_space<semaphore_mem>>) src(%dma_wait3A_665 : memref<80x128xbf16, #tpu.memory_space<vmem>>) dst(%dma_wait3A_662 : memref<80x128xbf16, #tpu.memory_space<vmem_shared>>)
      tpu.yield
    }) : () -> ()
    %mul3A_15 = arith.constant 640 : i32
    %mul3A_16 = arith.muli %arg1, %mul3A_15 : i32
    %add3A_17 = arith.constant 160 : i32
    %add3A_18 = arith.addi %mul3A_16, %add3A_17 : i32
    "tpu.region"() ({
      %run_scoped3A_645 = tpu.sem_alloc : memref<!tpu.dma_semaphore, #tpu.memory_space<semaphore_mem>>
      %dma_start3A_646 = arith.constant 0 : i32
      %dma_start3A_647 = arith.constant 0 : i32
      %dma_start3A_648 = tpu.memref_slice %arg9[%dma_start3A_646, %dma_start3A_647] : memref<125x128xbf16, #tpu.memory_space<vmem>> -> memref<80x128xbf16, #tpu.memory_space<vmem>>
      %dma_start3A_649 = arith.constant 0 : i32
      %dma_start3A_650 = tpu.memref_slice %arg19[%add3A_18, %dma_start3A_649] : memref<10240x128xbf16, #tpu.memory_space<vmem_shared>> -> memref<80x128xbf16, #tpu.memory_space<vmem_shared>>
      %dma_start3A_651 = arith.constant 0 : i32
      %dma_start3A_652 = tpu.memref_slice %arg19[%add3A_18, %dma_start3A_651] : memref<10240x128xbf16, #tpu.memory_space<vmem_shared>> -> memref<80x128xbf16, #tpu.memory_space<vmem_shared>>
      %dma_start3A_653 = arith.constant 0 : i32
      %dma_start3A_654 = arith.constant 0 : i32
      %dma_start3A_655 = tpu.memref_slice %arg9[%dma_start3A_653, %dma_start3A_654] : memref<125x128xbf16, #tpu.memory_space<vmem>> -> memref<80x128xbf16, #tpu.memory_space<vmem>>
      tpu.enqueue_dma source(%dma_start3A_655 : memref<80x128xbf16, #tpu.memory_space<vmem>>) target(%dma_start3A_652 : memref<80x128xbf16, #tpu.memory_space<vmem_shared>>) target_semaphore(%run_scoped3A_645 : memref<!tpu.dma_semaphore, #tpu.memory_space<semaphore_mem>>)
      %dma_wait3A_656 = arith.constant 0 : i32
      %dma_wait3A_657 = arith.constant 0 : i32
      %dma_wait3A_658 = tpu.memref_slice %arg9[%dma_wait3A_656, %dma_wait3A_657] : memref<125x128xbf16, #tpu.memory_space<vmem>> -> memref<80x128xbf16, #tpu.memory_space<vmem>>
      %dma_wait3A_659 = arith.constant 0 : i32
      %dma_wait3A_660 = tpu.memref_slice %arg19[%add3A_18, %dma_wait3A_659] : memref<10240x128xbf16, #tpu.memory_space<vmem_shared>> -> memref<80x128xbf16, #tpu.memory_space<vmem_shared>>
      %dma_wait3A_661 = arith.constant 0 : i32
      %dma_wait3A_662 = tpu.memref_slice %arg19[%add3A_18, %dma_wait3A_661] : memref<10240x128xbf16, #tpu.memory_space<vmem_shared>> -> memref<80x128xbf16, #tpu.memory_space<vmem_shared>>
      %dma_wait3A_663 = arith.constant 0 : i32
      %dma_wait3A_664 = arith.constant 0 : i32
      %dma_wait3A_665 = tpu.memref_slice %arg9[%dma_wait3A_663, %dma_wait3A_664] : memref<125x128xbf16, #tpu.memory_space<vmem>> -> memref<80x128xbf16, #tpu.memory_space<vmem>>
      tpu.wait_dma2 semaphore(%run_scoped3A_645 : memref<!tpu.dma_semaphore, #tpu.memory_space<semaphore_mem>>) src(%dma_wait3A_665 : memref<80x128xbf16, #tpu.memory_space<vmem>>) dst(%dma_wait3A_662 : memref<80x128xbf16, #tpu.memory_space<vmem_shared>>)
      tpu.yield
    }) : () -> ()
    %mul3A_19 = arith.constant 640 : i32
    %mul3A_20 = arith.muli %arg1, %mul3A_19 : i32
    %add3A_21 = arith.constant 240 : i32
    %add3A_22 = arith.addi %mul3A_20, %add3A_21 : i32
    "tpu.region"() ({
      %run_scoped3A_645 = tpu.sem_alloc : memref<!tpu.dma_semaphore, #tpu.memory_space<semaphore_mem>>
      %dma_start3A_646 = arith.constant 0 : i32
      %dma_start3A_647 = arith.constant 0 : i32
      %dma_start3A_648 = tpu.memref_slice %arg9[%dma_start3A_646, %dma_start3A_647] : memref<125x128xbf16, #tpu.memory_space<vmem>> -> memref<80x128xbf16, #tpu.memory_space<vmem>>
      %dma_start3A_649 = arith.constant 0 : i32
      %dma_start3A_650 = tpu.memref_slice %arg19[%add3A_22, %dma_start3A_649] : memref<10240x128xbf16, #tpu.memory_space<vmem_shared>> -> memref<80x128xbf16, #tpu.memory_space<vmem_shared>>
      %dma_start3A_651 = arith.constant 0 : i32
      %dma_start3A_652 = tpu.memref_slice %arg19[%add3A_22, %dma_start3A_651] : memref<10240x128xbf16, #tpu.memory_space<vmem_shared>> -> memref<80x128xbf16, #tpu.memory_space<vmem_shared>>
      %dma_start3A_653 = arith.constant 0 : i32
      %dma_start3A_654 = arith.constant 0 : i32
      %dma_start3A_655 = tpu.memref_slice %arg9[%dma_start3A_653, %dma_start3A_654] : memref<125x128xbf16, #tpu.memory_space<vmem>> -> memref<80x128xbf16, #tpu.memory_space<vmem>>
      tpu.enqueue_dma source(%dma_start3A_655 : memref<80x128xbf16, #tpu.memory_space<vmem>>) target(%dma_start3A_652 : memref<80x128xbf16, #tpu.memory_space<vmem_shared>>) target_semaphore(%run_scoped3A_645 : memref<!tpu.dma_semaphore, #tpu.memory_space<semaphore_mem>>)
      %dma_wait3A_656 = arith.constant 0 : i32
      %dma_wait3A_657 = arith.constant 0 : i32
      %dma_wait3A_658 = tpu.memref_slice %arg9[%dma_wait3A_656, %dma_wait3A_657] : memref<125x128xbf16, #tpu.memory_space<vmem>> -> memref<80x128xbf16, #tpu.memory_space<vmem>>
      %dma_wait3A_659 = arith.constant 0 : i32
      %dma_wait3A_660 = tpu.memref_slice %arg19[%add3A_22, %dma_wait3A_659] : memref<10240x128xbf16, #tpu.memory_space<vmem_shared>> -> memref<80x128xbf16, #tpu.memory_space<vmem_shared>>
      %dma_wait3A_661 = arith.constant 0 : i32
      %dma_wait3A_662 = tpu.memref_slice %arg19[%add3A_22, %dma_wait3A_661] : memref<10240x128xbf16, #tpu.memory_space<vmem_shared>> -> memref<80x128xbf16, #tpu.memory_space<vmem_shared>>
      %dma_wait3A_663 = arith.constant 0 : i32
      %dma_wait3A_664 = arith.constant 0 : i32
      %dma_wait3A_665 = tpu.memref_slice %arg9[%dma_wait3A_663, %dma_wait3A_664] : memref<125x128xbf16, #tpu.memory_space<vmem>> -> memref<80x128xbf16, #tpu.memory_space<vmem>>
      tpu.wait_dma2 semaphore(%run_scoped3A_645 : memref<!tpu.dma_semaphore, #tpu.memory_space<semaphore_mem>>) src(%dma_wait3A_665 : memref<80x128xbf16, #tpu.memory_space<vmem>>) dst(%dma_wait3A_662 : memref<80x128xbf16, #tpu.memory_space<vmem_shared>>)
      tpu.yield
    }) : () -> ()
    %mul3A_23 = arith.constant 640 : i32
    %mul3A_24 = arith.muli %arg1, %mul3A_23 : i32
    %add3A_25 = arith.constant 320 : i32
    %add3A_26 = arith.addi %mul3A_24, %add3A_25 : i32
    "tpu.region"() ({
      %run_scoped3A_645 = tpu.sem_alloc : memref<!tpu.dma_semaphore, #tpu.memory_space<semaphore_mem>>
      %dma_start3A_646 = arith.constant 0 : i32
      %dma_start3A_647 = arith.constant 0 : i32
      %dma_start3A_648 = tpu.memref_slice %arg9[%dma_start3A_646, %dma_start3A_647] : memref<125x128xbf16, #tpu.memory_space<vmem>> -> memref<80x128xbf16, #tpu.memory_space<vmem>>
      %dma_start3A_649 = arith.constant 0 : i32
      %dma_start3A_650 = tpu.memref_slice %arg19[%add3A_26, %dma_start3A_649] : memref<10240x128xbf16, #tpu.memory_space<vmem_shared>> -> memref<80x128xbf16, #tpu.memory_space<vmem_shared>>
      %dma_start3A_651 = arith.constant 0 : i32
      %dma_start3A_652 = tpu.memref_slice %arg19[%add3A_26, %dma_start3A_651] : memref<10240x128xbf16, #tpu.memory_space<vmem_shared>> -> memref<80x128xbf16, #tpu.memory_space<vmem_shared>>
      %dma_start3A_653 = arith.constant 0 : i32
      %dma_start3A_654 = arith.constant 0 : i32
      %dma_start3A_655 = tpu.memref_slice %arg9[%dma_start3A_653, %dma_start3A_654] : memref<125x128xbf16, #tpu.memory_space<vmem>> -> memref<80x128xbf16, #tpu.memory_space<vmem>>
      tpu.enqueue_dma source(%dma_start3A_655 : memref<80x128xbf16, #tpu.memory_space<vmem>>) target(%dma_start3A_652 : memref<80x128xbf16, #tpu.memory_space<vmem_shared>>) target_semaphore(%run_scoped3A_645 : memref<!tpu.dma_semaphore, #tpu.memory_space<semaphore_mem>>)
      %dma_wait3A_656 = arith.constant 0 : i32
      %dma_wait3A_657 = arith.constant 0 : i32
      %dma_wait3A_658 = tpu.memref_slice %arg9[%dma_wait3A_656, %dma_wait3A_657] : memref<125x128xbf16, #tpu.memory_space<vmem>> -> memref<80x128xbf16, #tpu.memory_space<vmem>>
      %dma_wait3A_659 = arith.constant 0 : i32
      %dma_wait3A_660 = tpu.memref_slice %arg19[%add3A_26, %dma_wait3A_659] : memref<10240x128xbf16, #tpu.memory_space<vmem_shared>> -> memref<80x128xbf16, #tpu.memory_space<vmem_shared>>
      %dma_wait3A_661 = arith.constant 0 : i32
      %dma_wait3A_662 = tpu.memref_slice %arg19[%add3A_26, %dma_wait3A_661] : memref<10240x128xbf16, #tpu.memory_space<vmem_shared>> -> memref<80x128xbf16, #tpu.memory_space<vmem_shared>>
      %dma_wait3A_663 = arith.constant 0 : i32
      %dma_wait3A_664 = arith.constant 0 : i32
      %dma_wait3A_665 = tpu.memref_slice %arg9[%dma_wait3A_663, %dma_wait3A_664] : memref<125x128xbf16, #tpu.memory_space<vmem>> -> memref<80x128xbf16, #tpu.memory_space<vmem>>
      tpu.wait_dma2 semaphore(%run_scoped3A_645 : memref<!tpu.dma_semaphore, #tpu.memory_space<semaphore_mem>>) src(%dma_wait3A_665 : memref<80x128xbf16, #tpu.memory_space<vmem>>) dst(%dma_wait3A_662 : memref<80x128xbf16, #tpu.memory_space<vmem_shared>>)
      tpu.yield
    }) : () -> ()
    %mul3A_27 = arith.constant 640 : i32
    %mul3A_28 = arith.muli %arg1, %mul3A_27 : i32
    %add3A_29 = arith.constant 400 : i32
    %add3A_30 = arith.addi %mul3A_28, %add3A_29 : i32
    "tpu.region"() ({
      %run_scoped3A_645 = tpu.sem_alloc : memref<!tpu.dma_semaphore, #tpu.memory_space<semaphore_mem>>
      %dma_start3A_646 = arith.constant 0 : i32
      %dma_start3A_647 = arith.constant 0 : i32
      %dma_start3A_648 = tpu.memref_slice %arg9[%dma_start3A_646, %dma_start3A_647] : memref<125x128xbf16, #tpu.memory_space<vmem>> -> memref<80x128xbf16, #tpu.memory_space<vmem>>
      %dma_start3A_649 = arith.constant 0 : i32
      %dma_start3A_650 = tpu.memref_slice %arg19[%add3A_30, %dma_start3A_649] : memref<10240x128xbf16, #tpu.memory_space<vmem_shared>> -> memref<80x128xbf16, #tpu.memory_space<vmem_shared>>
      %dma_start3A_651 = arith.constant 0 : i32
      %dma_start3A_652 = tpu.memref_slice %arg19[%add3A_30, %dma_start3A_651] : memref<10240x128xbf16, #tpu.memory_space<vmem_shared>> -> memref<80x128xbf16, #tpu.memory_space<vmem_shared>>
      %dma_start3A_653 = arith.constant 0 : i32
      %dma_start3A_654 = arith.constant 0 : i32
      %dma_start3A_655 = tpu.memref_slice %arg9[%dma_start3A_653, %dma_start3A_654] : memref<125x128xbf16, #tpu.memory_space<vmem>> -> memref<80x128xbf16, #tpu.memory_space<vmem>>
      tpu.enqueue_dma source(%dma_start3A_655 : memref<80x128xbf16, #tpu.memory_space<vmem>>) target(%dma_start3A_652 : memref<80x128xbf16, #tpu.memory_space<vmem_shared>>) target_semaphore(%run_scoped3A_645 : memref<!tpu.dma_semaphore, #tpu.memory_space<semaphore_mem>>)
      %dma_wait3A_656 = arith.constant 0 : i32
      %dma_wait3A_657 = arith.constant 0 : i32
      %dma_wait3A_658 = tpu.memref_slice %arg9[%dma_wait3A_656, %dma_wait3A_657] : memref<125x128xbf16, #tpu.memory_space<vmem>> -> memref<80x128xbf16, #tpu.memory_space<vmem>>
      %dma_wait3A_659 = arith.constant 0 : i32
      %dma_wait3A_660 = tpu.memref_slice %arg19[%add3A_30, %dma_wait3A_659] : memref<10240x128xbf16, #tpu.memory_space<vmem_shared>> -> memref<80x128xbf16, #tpu.memory_space<vmem_shared>>
      %dma_wait3A_661 = arith.constant 0 : i32
      %dma_wait3A_662 = tpu.memref_slice %arg19[%add3A_30, %dma_wait3A_661] : memref<10240x128xbf16, #tpu.memory_space<vmem_shared>> -> memref<80x128xbf16, #tpu.memory_space<vmem_shared>>
      %dma_wait3A_663 = arith.constant 0 : i32
      %dma_wait3A_664 = arith.constant 0 : i32
      %dma_wait3A_665 = tpu.memref_slice %arg9[%dma_wait3A_663, %dma_wait3A_664] : memref<125x128xbf16, #tpu.memory_space<vmem>> -> memref<80x128xbf16, #tpu.memory_space<vmem>>
      tpu.wait_dma2 semaphore(%run_scoped3A_645 : memref<!tpu.dma_semaphore, #tpu.memory_space<semaphore_mem>>) src(%dma_wait3A_665 : memref<80x128xbf16, #tpu.memory_space<vmem>>) dst(%dma_wait3A_662 : memref<80x128xbf16, #tpu.memory_space<vmem_shared>>)
      tpu.yield
    }) : () -> ()
    %mul3A_31 = arith.constant 640 : i32
    %mul3A_32 = arith.muli %arg1, %mul3A_31 : i32
    %add3A_33 = arith.constant 480 : i32
    %add3A_34 = arith.addi %mul3A_32, %add3A_33 : i32
    "tpu.region"() ({
      %run_scoped3A_645 = tpu.sem_alloc : memref<!tpu.dma_semaphore, #tpu.memory_space<semaphore_mem>>
      %dma_start3A_646 = arith.constant 0 : i32
      %dma_start3A_647 = arith.constant 0 : i32
      %dma_start3A_648 = tpu.memref_slice %arg9[%dma_start3A_646, %dma_start3A_647] : memref<125x128xbf16, #tpu.memory_space<vmem>> -> memref<80x128xbf16, #tpu.memory_space<vmem>>
      %dma_start3A_649 = arith.constant 0 : i32
      %dma_start3A_650 = tpu.memref_slice %arg19[%add3A_34, %dma_start3A_649] : memref<10240x128xbf16, #tpu.memory_space<vmem_shared>> -> memref<80x128xbf16, #tpu.memory_space<vmem_shared>>
      %dma_start3A_651 = arith.constant 0 : i32
      %dma_start3A_652 = tpu.memref_slice %arg19[%add3A_34, %dma_start3A_651] : memref<10240x128xbf16, #tpu.memory_space<vmem_shared>> -> memref<80x128xbf16, #tpu.memory_space<vmem_shared>>
      %dma_start3A_653 = arith.constant 0 : i32
      %dma_start3A_654 = arith.constant 0 : i32
      %dma_start3A_655 = tpu.memref_slice %arg9[%dma_start3A_653, %dma_start3A_654] : memref<125x128xbf16, #tpu.memory_space<vmem>> -> memref<80x128xbf16, #tpu.memory_space<vmem>>
      tpu.enqueue_dma source(%dma_start3A_655 : memref<80x128xbf16, #tpu.memory_space<vmem>>) target(%dma_start3A_652 : memref<80x128xbf16, #tpu.memory_space<vmem_shared>>) target_semaphore(%run_scoped3A_645 : memref<!tpu.dma_semaphore, #tpu.memory_space<semaphore_mem>>)
      %dma_wait3A_656 = arith.constant 0 : i32
      %dma_wait3A_657 = arith.constant 0 : i32
      %dma_wait3A_658 = tpu.memref_slice %arg9[%dma_wait3A_656, %dma_wait3A_657] : memref<125x128xbf16, #tpu.memory_space<vmem>> -> memref<80x128xbf16, #tpu.memory_space<vmem>>
      %dma_wait3A_659 = arith.constant 0 : i32
      %dma_wait3A_660 = tpu.memref_slice %arg19[%add3A_34, %dma_wait3A_659] : memref<10240x128xbf16, #tpu.memory_space<vmem_shared>> -> memref<80x128xbf16, #tpu.memory_space<vmem_shared>>
      %dma_wait3A_661 = arith.constant 0 : i32
      %dma_wait3A_662 = tpu.memref_slice %arg19[%add3A_34, %dma_wait3A_661] : memref<10240x128xbf16, #tpu.memory_space<vmem_shared>> -> memref<80x128xbf16, #tpu.memory_space<vmem_shared>>
      %dma_wait3A_663 = arith.constant 0 : i32
      %dma_wait3A_664 = arith.constant 0 : i32
      %dma_wait3A_665 = tpu.memref_slice %arg9[%dma_wait3A_663, %dma_wait3A_664] : memref<125x128xbf16, #tpu.memory_space<vmem>> -> memref<80x128xbf16, #tpu.memory_space<vmem>>
      tpu.wait_dma2 semaphore(%run_scoped3A_645 : memref<!tpu.dma_semaphore, #tpu.memory_space<semaphore_mem>>) src(%dma_wait3A_665 : memref<80x128xbf16, #tpu.memory_space<vmem>>) dst(%dma_wait3A_662 : memref<80x128xbf16, #tpu.memory_space<vmem_shared>>)
      tpu.yield
    }) : () -> ()
    %mul3A_35 = arith.constant 640 : i32
    %mul3A_36 = arith.muli %arg1, %mul3A_35 : i32
    %add3A_37 = arith.constant 560 : i32
    %add3A_38 = arith.addi %mul3A_36, %add3A_37 : i32
    "tpu.region"() ({
      %run_scoped3A_645 = tpu.sem_alloc : memref<!tpu.dma_semaphore, #tpu.memory_space<semaphore_mem>>
      %dma_start3A_646 = arith.constant 0 : i32
      %dma_start3A_647 = arith.constant 0 : i32
      %dma_start3A_648 = tpu.memref_slice %arg9[%dma_start3A_646, %dma_start3A_647] : memref<125x128xbf16, #tpu.memory_space<vmem>> -> memref<80x128xbf16, #tpu.memory_space<vmem>>
      %dma_start3A_649 = arith.constant 0 : i32
      %dma_start3A_650 = tpu.memref_slice %arg19[%add3A_38, %dma_start3A_649] : memref<10240x128xbf16, #tpu.memory_space<vmem_shared>> -> memref<80x128xbf16, #tpu.memory_space<vmem_shared>>
      %dma_start3A_651 = arith.constant 0 : i32
      %dma_start3A_652 = tpu.memref_slice %arg19[%add3A_38, %dma_start3A_651] : memref<10240x128xbf16, #tpu.memory_space<vmem_shared>> -> memref<80x128xbf16, #tpu.memory_space<vmem_shared>>
      %dma_start3A_653 = arith.constant 0 : i32
      %dma_start3A_654 = arith.constant 0 : i32
      %dma_start3A_655 = tpu.memref_slice %arg9[%dma_start3A_653, %dma_start3A_654] : memref<125x128xbf16, #tpu.memory_space<vmem>> -> memref<80x128xbf16, #tpu.memory_space<vmem>>
      tpu.enqueue_dma source(%dma_start3A_655 : memref<80x128xbf16, #tpu.memory_space<vmem>>) target(%dma_start3A_652 : memref<80x128xbf16, #tpu.memory_space<vmem_shared>>) target_semaphore(%run_scoped3A_645 : memref<!tpu.dma_semaphore, #tpu.memory_space<semaphore_mem>>)
      %dma_wait3A_656 = arith.constant 0 : i32
      %dma_wait3A_657 = arith.constant 0 : i32
      %dma_wait3A_658 = tpu.memref_slice %arg9[%dma_wait3A_656, %dma_wait3A_657] : memref<125x128xbf16, #tpu.memory_space<vmem>> -> memref<80x128xbf16, #tpu.memory_space<vmem>>
      %dma_wait3A_659 = arith.constant 0 : i32
      %dma_wait3A_660 = tpu.memref_slice %arg19[%add3A_38, %dma_wait3A_659] : memref<10240x128xbf16, #tpu.memory_space<vmem_shared>> -> memref<80x128xbf16, #tpu.memory_space<vmem_shared>>
      %dma_wait3A_661 = arith.constant 0 : i32
      %dma_wait3A_662 = tpu.memref_slice %arg19[%add3A_38, %dma_wait3A_661] : memref<10240x128xbf16, #tpu.memory_space<vmem_shared>> -> memref<80x128xbf16, #tpu.memory_space<vmem_shared>>
      %dma_wait3A_663 = arith.constant 0 : i32
      %dma_wait3A_664 = arith.constant 0 : i32
      %dma_wait3A_665 = tpu.memref_slice %arg9[%dma_wait3A_663, %dma_wait3A_664] : memref<125x128xbf16, #tpu.memory_space<vmem>> -> memref<80x128xbf16, #tpu.memory_space<vmem>>
      tpu.wait_dma2 semaphore(%run_scoped3A_645 : memref<!tpu.dma_semaphore, #tpu.memory_space<semaphore_mem>>) src(%dma_wait3A_665 : memref<80x128xbf16, #tpu.memory_space<vmem>>) dst(%dma_wait3A_662 : memref<80x128xbf16, #tpu.memory_space<vmem_shared>>)
      tpu.yield
    }) : () -> ()
    %barrier3A = arith.constant 0 : index
    tpu.barrier barrier_id(%barrier3A)
    %run_scoped3A = arith.constant 0 : i32
    "tpu.region"() ({
      %run_scoped3A_645 = tpu.sem_alloc : memref<!tpu.dma_semaphore, #tpu.memory_space<semaphore_mem>>
      %dma_start3A_646 = arith.constant 0 : i32
      %dma_start3A_647 = arith.constant 0 : i32
      %dma_start3A_648 = tpu.memref_slice %arg3[%run_scoped3A, %add3A, %dma_start3A_646, %dma_start3A_647] : memref<2x32x80x125xi32, #tpu.memory_space<hbm>> -> memref<1x1x10x125xi32, #tpu.memory_space<hbm>>
      %dma_start3A_649 = tpu.memref_squeeze %dma_start3A_648 : memref<1x1x10x125xi32, #tpu.memory_space<hbm>> -> memref<10x125xi32, #tpu.memory_space<hbm>>
      %dma_start3A_650 = arith.constant 0 : i32
      %dma_start3A_651 = arith.constant 0 : i32
      %dma_start3A_652 = tpu.memref_slice %arg3[%run_scoped3A, %add3A, %dma_start3A_650, %dma_start3A_651] : memref<2x32x80x125xi32, #tpu.memory_space<hbm>> -> memref<1x1x10x125xi32, #tpu.memory_space<hbm>>
      %dma_start3A_653 = tpu.memref_squeeze %dma_start3A_652 : memref<1x1x10x125xi32, #tpu.memory_space<hbm>> -> memref<10x125xi32, #tpu.memory_space<hbm>>
      tpu.enqueue_dma source(%dma_start3A_653 : memref<10x125xi32, #tpu.memory_space<hbm>>) target(%arg5 : memref<10x125xi32, #tpu.memory_space<vmem>>) target_semaphore(%run_scoped3A_645 : memref<!tpu.dma_semaphore, #tpu.memory_space<semaphore_mem>>)
      %dma_wait3A_654 = arith.constant 0 : i32
      %dma_wait3A_655 = arith.constant 0 : i32
      %dma_wait3A_656 = tpu.memref_slice %arg3[%run_scoped3A, %add3A, %dma_wait3A_654, %dma_wait3A_655] : memref<2x32x80x125xi32, #tpu.memory_space<hbm>> -> memref<1x1x10x125xi32, #tpu.memory_space<hbm>>
      %dma_wait3A_657 = tpu.memref_squeeze %dma_wait3A_656 : memref<1x1x10x125xi32, #tpu.memory_space<hbm>> -> memref<10x125xi32, #tpu.memory_space<hbm>>
      %dma_wait3A_658 = arith.constant 0 : i32
      %dma_wait3A_659 = arith.constant 0 : i32
      %dma_wait3A_660 = tpu.memref_slice %arg3[%run_scoped3A, %add3A, %dma_wait3A_658, %dma_wait3A_659] : memref<2x32x80x125xi32, #tpu.memory_space<hbm>> -> memref<1x1x10x125xi32, #tpu.memory_space<hbm>>
      %dma_wait3A_661 = tpu.memref_squeeze %dma_wait3A_660 : memref<1x1x10x125xi32, #tpu.memory_space<hbm>> -> memref<10x125xi32, #tpu.memory_space<hbm>>
      tpu.wait_dma2 semaphore(%run_scoped3A_645 : memref<!tpu.dma_semaphore, #tpu.memory_space<semaphore_mem>>) src(%dma_wait3A_661 : memref<10x125xi32, #tpu.memory_space<hbm>>) dst(%arg5 : memref<10x125xi32, #tpu.memory_space<vmem>>)
      tpu.yield
    }) : () -> ()
    %run_scoped3A_39 = arith.constant 1 : i32
    "tpu.region"() ({
      %run_scoped3A_645 = tpu.sem_alloc : memref<!tpu.dma_semaphore, #tpu.memory_space<semaphore_mem>>
      %dma_start3A_646 = arith.constant 0 : i32
      %dma_start3A_647 = arith.constant 0 : i32
      %dma_start3A_648 = tpu.memref_slice %arg3[%run_scoped3A_39, %add3A, %dma_start3A_646, %dma_start3A_647] : memref<2x32x80x125xi32, #tpu.memory_space<hbm>> -> memref<1x1x10x125xi32, #tpu.memory_space<hbm>>
      %dma_start3A_649 = tpu.memref_squeeze %dma_start3A_648 : memref<1x1x10x125xi32, #tpu.memory_space<hbm>> -> memref<10x125xi32, #tpu.memory_space<hbm>>
      %dma_start3A_650 = arith.constant 0 : i32
      %dma_start3A_651 = arith.constant 0 : i32
      %dma_start3A_652 = tpu.memref_slice %arg3[%run_scoped3A_39, %add3A, %dma_start3A_650, %dma_start3A_651] : memref<2x32x80x125xi32, #tpu.memory_space<hbm>> -> memref<1x1x10x125xi32, #tpu.memory_space<hbm>>
      %dma_start3A_653 = tpu.memref_squeeze %dma_start3A_652 : memref<1x1x10x125xi32, #tpu.memory_space<hbm>> -> memref<10x125xi32, #tpu.memory_space<hbm>>
      tpu.enqueue_dma source(%dma_start3A_653 : memref<10x125xi32, #tpu.memory_space<hbm>>) target(%arg6 : memref<10x125xi32, #tpu.memory_space<vmem>>) target_semaphore(%run_scoped3A_645 : memref<!tpu.dma_semaphore, #tpu.memory_space<semaphore_mem>>)
      %dma_wait3A_654 = arith.constant 0 : i32
      %dma_wait3A_655 = arith.constant 0 : i32
      %dma_wait3A_656 = tpu.memref_slice %arg3[%run_scoped3A_39, %add3A, %dma_wait3A_654, %dma_wait3A_655] : memref<2x32x80x125xi32, #tpu.memory_space<hbm>> -> memref<1x1x10x125xi32, #tpu.memory_space<hbm>>
      %dma_wait3A_657 = tpu.memref_squeeze %dma_wait3A_656 : memref<1x1x10x125xi32, #tpu.memory_space<hbm>> -> memref<10x125xi32, #tpu.memory_space<hbm>>
      %dma_wait3A_658 = arith.constant 0 : i32
      %dma_wait3A_659 = arith.constant 0 : i32
      %dma_wait3A_660 = tpu.memref_slice %arg3[%run_scoped3A_39, %add3A, %dma_wait3A_658, %dma_wait3A_659] : memref<2x32x80x125xi32, #tpu.memory_space<hbm>> -> memref<1x1x10x125xi32, #tpu.memory_space<hbm>>
      %dma_wait3A_661 = tpu.memref_squeeze %dma_wait3A_660 : memref<1x1x10x125xi32, #tpu.memory_space<hbm>> -> memref<10x125xi32, #tpu.memory_space<hbm>>
      tpu.wait_dma2 semaphore(%run_scoped3A_645 : memref<!tpu.dma_semaphore, #tpu.memory_space<semaphore_mem>>) src(%dma_wait3A_661 : memref<10x125xi32, #tpu.memory_space<hbm>>) dst(%arg6 : memref<10x125xi32, #tpu.memory_space<vmem>>)
      tpu.yield
    }) : () -> ()
    %dma_start3A = arith.constant 0 : i32
    %dma_start3A_40 = arith.constant 10 : i32
    %dma_start3A_41 = arith.constant 0 : i32
    %dma_start3A_42 = tpu.memref_slice %arg3[%dma_start3A, %add3A, %dma_start3A_40, %dma_start3A_41] : memref<2x32x80x125xi32, #tpu.memory_space<hbm>> -> memref<1x1x10x125xi32, #tpu.memory_space<hbm>>
    %dma_start3A_43 = tpu.memref_squeeze %dma_start3A_42 : memref<1x1x10x125xi32, #tpu.memory_space<hbm>> -> memref<10x125xi32, #tpu.memory_space<hbm>>
    %dma_start3A_44 = arith.constant 10 : i32
    %dma_start3A_45 = arith.constant 0 : i32
    %dma_start3A_46 = tpu.memref_slice %arg3[%dma_start3A, %add3A, %dma_start3A_44, %dma_start3A_45] : memref<2x32x80x125xi32, #tpu.memory_space<hbm>> -> memref<1x1x10x125xi32, #tpu.memory_space<hbm>>
    %dma_start3A_47 = tpu.memref_squeeze %dma_start3A_46 : memref<1x1x10x125xi32, #tpu.memory_space<hbm>> -> memref<10x125xi32, #tpu.memory_space<hbm>>
    tpu.enqueue_dma source(%dma_start3A_47 : memref<10x125xi32, #tpu.memory_space<hbm>>) target(%arg7 : memref<10x125xi32, #tpu.memory_space<vmem>>) target_semaphore(%arg21 : memref<!tpu.dma_semaphore, #tpu.memory_space<semaphore_mem>>)
    %dma_start3A_48 = arith.constant 1 : i32
    %dma_start3A_49 = arith.constant 10 : i32
    %dma_start3A_50 = arith.constant 0 : i32
    %dma_start3A_51 = tpu.memref_slice %arg3[%dma_start3A_48, %add3A, %dma_start3A_49, %dma_start3A_50] : memref<2x32x80x125xi32, #tpu.memory_space<hbm>> -> memref<1x1x10x125xi32, #tpu.memory_space<hbm>>
    %dma_start3A_52 = tpu.memref_squeeze %dma_start3A_51 : memref<1x1x10x125xi32, #tpu.memory_space<hbm>> -> memref<10x125xi32, #tpu.memory_space<hbm>>
    %dma_start3A_53 = arith.constant 10 : i32
    %dma_start3A_54 = arith.constant 0 : i32
    %dma_start3A_55 = tpu.memref_slice %arg3[%dma_start3A_48, %add3A, %dma_start3A_53, %dma_start3A_54] : memref<2x32x80x125xi32, #tpu.memory_space<hbm>> -> memref<1x1x10x125xi32, #tpu.memory_space<hbm>>
    %dma_start3A_56 = tpu.memref_squeeze %dma_start3A_55 : memref<1x1x10x125xi32, #tpu.memory_space<hbm>> -> memref<10x125xi32, #tpu.memory_space<hbm>>
    tpu.enqueue_dma source(%dma_start3A_56 : memref<10x125xi32, #tpu.memory_space<hbm>>) target(%arg8 : memref<10x125xi32, #tpu.memory_space<vmem>>) target_semaphore(%arg21 : memref<!tpu.dma_semaphore, #tpu.memory_space<semaphore_mem>>)
    %dma_start3A_57 = arith.constant 0 : i32
    %dma_start3A_58 = arith.constant 0 : i32
    %dma_start3A_59 = tpu.memref_slice %arg5[%dma_start3A_57, %dma_start3A_58] : memref<10x125xi32, #tpu.memory_space<vmem>> -> memref<1x125xi32, #tpu.memory_space<vmem>>
    %dma_start3A_60 = tpu.memref_squeeze %dma_start3A_59 : memref<1x125xi32, #tpu.memory_space<vmem>> -> memref<125xi32, #tpu.memory_space<vmem>>
    %dma_start3A_61 = arith.constant 0 : i32
    %dma_start3A_62 = arith.constant 0 : i32
    %dma_start3A_63 = tpu.memref_slice %arg2[%dma_start3A_61, %dma_start3A_62] : memref<10000x128xbf16, #tpu.memory_space<hbm>> -> memref<10000x128xbf16, #tpu.memory_space<hbm>>
    tpu.enqueue_indirect_dma source(%dma_start3A_63 : memref<10000x128xbf16, #tpu.memory_space<hbm>>) target(%arg9 : memref<125x128xbf16, #tpu.memory_space<vmem>>) offsets(%dma_start3A_60 : memref<125xi32, #tpu.memory_space<vmem>>) semaphore(%arg22 : memref<!tpu.dma_semaphore, #tpu.memory_space<semaphore_mem>>)
    %dma_start3A_64 = arith.constant 1 : i32
    %dma_start3A_65 = arith.constant 0 : i32
    %dma_start3A_66 = tpu.memref_slice %arg5[%dma_start3A_64, %dma_start3A_65] : memref<10x125xi32, #tpu.memory_space<vmem>> -> memref<1x125xi32, #tpu.memory_space<vmem>>
    %dma_start3A_67 = tpu.memref_squeeze %dma_start3A_66 : memref<1x125xi32, #tpu.memory_space<vmem>> -> memref<125xi32, #tpu.memory_space<vmem>>
    %dma_start3A_68 = arith.constant 0 : i32
    %dma_start3A_69 = arith.constant 0 : i32
    %dma_start3A_70 = tpu.memref_slice %arg2[%dma_start3A_68, %dma_start3A_69] : memref<10000x128xbf16, #tpu.memory_space<hbm>> -> memref<10000x128xbf16, #tpu.memory_space<hbm>>
    tpu.enqueue_indirect_dma source(%dma_start3A_70 : memref<10000x128xbf16, #tpu.memory_space<hbm>>) target(%arg10 : memref<125x128xbf16, #tpu.memory_space<vmem>>) offsets(%dma_start3A_67 : memref<125xi32, #tpu.memory_space<vmem>>) semaphore(%arg23 : memref<!tpu.dma_semaphore, #tpu.memory_space<semaphore_mem>>)
    %dma_start3A_71 = arith.constant 2 : i32
    %dma_start3A_72 = arith.constant 0 : i32
    %dma_start3A_73 = tpu.memref_slice %arg5[%dma_start3A_71, %dma_start3A_72] : memref<10x125xi32, #tpu.memory_space<vmem>> -> memref<1x125xi32, #tpu.memory_space<vmem>>
    %dma_start3A_74 = tpu.memref_squeeze %dma_start3A_73 : memref<1x125xi32, #tpu.memory_space<vmem>> -> memref<125xi32, #tpu.memory_space<vmem>>
    %dma_start3A_75 = arith.constant 0 : i32
    %dma_start3A_76 = arith.constant 0 : i32
    %dma_start3A_77 = tpu.memref_slice %arg2[%dma_start3A_75, %dma_start3A_76] : memref<10000x128xbf16, #tpu.memory_space<hbm>> -> memref<10000x128xbf16, #tpu.memory_space<hbm>>
    tpu.enqueue_indirect_dma source(%dma_start3A_77 : memref<10000x128xbf16, #tpu.memory_space<hbm>>) target(%arg11 : memref<125x128xbf16, #tpu.memory_space<vmem>>) offsets(%dma_start3A_74 : memref<125xi32, #tpu.memory_space<vmem>>) semaphore(%arg24 : memref<!tpu.dma_semaphore, #tpu.memory_space<semaphore_mem>>)
    %dma_start3A_78 = arith.constant 3 : i32
    %dma_start3A_79 = arith.constant 0 : i32
    %dma_start3A_80 = tpu.memref_slice %arg5[%dma_start3A_78, %dma_start3A_79] : memref<10x125xi32, #tpu.memory_space<vmem>> -> memref<1x125xi32, #tpu.memory_space<vmem>>
    %dma_start3A_81 = tpu.memref_squeeze %dma_start3A_80 : memref<1x125xi32, #tpu.memory_space<vmem>> -> memref<125xi32, #tpu.memory_space<vmem>>
    %dma_start3A_82 = arith.constant 0 : i32
    %dma_start3A_83 = arith.constant 0 : i32
    %dma_start3A_84 = tpu.memref_slice %arg2[%dma_start3A_82, %dma_start3A_83] : memref<10000x128xbf16, #tpu.memory_space<hbm>> -> memref<10000x128xbf16, #tpu.memory_space<hbm>>
    tpu.enqueue_indirect_dma source(%dma_start3A_84 : memref<10000x128xbf16, #tpu.memory_space<hbm>>) target(%arg12 : memref<125x128xbf16, #tpu.memory_space<vmem>>) offsets(%dma_start3A_81 : memref<125xi32, #tpu.memory_space<vmem>>) semaphore(%arg25 : memref<!tpu.dma_semaphore, #tpu.memory_space<semaphore_mem>>)
    %dma_start3A_85 = arith.constant 4 : i32
    %dma_start3A_86 = arith.constant 0 : i32
    %dma_start3A_87 = tpu.memref_slice %arg5[%dma_start3A_85, %dma_start3A_86] : memref<10x125xi32, #tpu.memory_space<vmem>> -> memref<1x125xi32, #tpu.memory_space<vmem>>
    %dma_start3A_88 = tpu.memref_squeeze %dma_start3A_87 : memref<1x125xi32, #tpu.memory_space<vmem>> -> memref<125xi32, #tpu.memory_space<vmem>>
    %dma_start3A_89 = arith.constant 0 : i32
    %dma_start3A_90 = arith.constant 0 : i32
    %dma_start3A_91 = tpu.memref_slice %arg2[%dma_start3A_89, %dma_start3A_90] : memref<10000x128xbf16, #tpu.memory_space<hbm>> -> memref<10000x128xbf16, #tpu.memory_space<hbm>>
    tpu.enqueue_indirect_dma source(%dma_start3A_91 : memref<10000x128xbf16, #tpu.memory_space<hbm>>) target(%arg13 : memref<125x128xbf16, #tpu.memory_space<vmem>>) offsets(%dma_start3A_88 : memref<125xi32, #tpu.memory_space<vmem>>) semaphore(%arg26 : memref<!tpu.dma_semaphore, #tpu.memory_space<semaphore_mem>>)
    %dma_start3A_92 = arith.constant 5 : i32
    %dma_start3A_93 = arith.constant 0 : i32
    %dma_start3A_94 = tpu.memref_slice %arg5[%dma_start3A_92, %dma_start3A_93] : memref<10x125xi32, #tpu.memory_space<vmem>> -> memref<1x125xi32, #tpu.memory_space<vmem>>
    %dma_start3A_95 = tpu.memref_squeeze %dma_start3A_94 : memref<1x125xi32, #tpu.memory_space<vmem>> -> memref<125xi32, #tpu.memory_space<vmem>>
    %dma_start3A_96 = arith.constant 0 : i32
    %dma_start3A_97 = arith.constant 0 : i32
    %dma_start3A_98 = tpu.memref_slice %arg2[%dma_start3A_96, %dma_start3A_97] : memref<10000x128xbf16, #tpu.memory_space<hbm>> -> memref<10000x128xbf16, #tpu.memory_space<hbm>>
    tpu.enqueue_indirect_dma source(%dma_start3A_98 : memref<10000x128xbf16, #tpu.memory_space<hbm>>) target(%arg14 : memref<125x128xbf16, #tpu.memory_space<vmem>>) offsets(%dma_start3A_95 : memref<125xi32, #tpu.memory_space<vmem>>) semaphore(%arg27 : memref<!tpu.dma_semaphore, #tpu.memory_space<semaphore_mem>>)
    %dma_start3A_99 = arith.constant 6 : i32
    %dma_start3A_100 = arith.constant 0 : i32
    %dma_start3A_101 = tpu.memref_slice %arg5[%dma_start3A_99, %dma_start3A_100] : memref<10x125xi32, #tpu.memory_space<vmem>> -> memref<1x125xi32, #tpu.memory_space<vmem>>
    %dma_start3A_102 = tpu.memref_squeeze %dma_start3A_101 : memref<1x125xi32, #tpu.memory_space<vmem>> -> memref<125xi32, #tpu.memory_space<vmem>>
    %dma_start3A_103 = arith.constant 0 : i32
    %dma_start3A_104 = arith.constant 0 : i32
    %dma_start3A_105 = tpu.memref_slice %arg2[%dma_start3A_103, %dma_start3A_104] : memref<10000x128xbf16, #tpu.memory_space<hbm>> -> memref<10000x128xbf16, #tpu.memory_space<hbm>>
    tpu.enqueue_indirect_dma source(%dma_start3A_105 : memref<10000x128xbf16, #tpu.memory_space<hbm>>) target(%arg15 : memref<125x128xbf16, #tpu.memory_space<vmem>>) offsets(%dma_start3A_102 : memref<125xi32, #tpu.memory_space<vmem>>) semaphore(%arg28 : memref<!tpu.dma_semaphore, #tpu.memory_space<semaphore_mem>>)
    %dma_start3A_106 = arith.constant 7 : i32
    %dma_start3A_107 = arith.constant 0 : i32
    %dma_start3A_108 = tpu.memref_slice %arg5[%dma_start3A_106, %dma_start3A_107] : memref<10x125xi32, #tpu.memory_space<vmem>> -> memref<1x125xi32, #tpu.memory_space<vmem>>
    %dma_start3A_109 = tpu.memref_squeeze %dma_start3A_108 : memref<1x125xi32, #tpu.memory_space<vmem>> -> memref<125xi32, #tpu.memory_space<vmem>>
    %dma_start3A_110 = arith.constant 0 : i32
    %dma_start3A_111 = arith.constant 0 : i32
    %dma_start3A_112 = tpu.memref_slice %arg2[%dma_start3A_110, %dma_start3A_111] : memref<10000x128xbf16, #tpu.memory_space<hbm>> -> memref<10000x128xbf16, #tpu.memory_space<hbm>>
    tpu.enqueue_indirect_dma source(%dma_start3A_112 : memref<10000x128xbf16, #tpu.memory_space<hbm>>) target(%arg16 : memref<125x128xbf16, #tpu.memory_space<vmem>>) offsets(%dma_start3A_109 : memref<125xi32, #tpu.memory_space<vmem>>) semaphore(%arg29 : memref<!tpu.dma_semaphore, #tpu.memory_space<semaphore_mem>>)
    %dma_start3A_113 = arith.constant 8 : i32
    %dma_start3A_114 = arith.constant 0 : i32
    %dma_start3A_115 = tpu.memref_slice %arg5[%dma_start3A_113, %dma_start3A_114] : memref<10x125xi32, #tpu.memory_space<vmem>> -> memref<1x125xi32, #tpu.memory_space<vmem>>
    %dma_start3A_116 = tpu.memref_squeeze %dma_start3A_115 : memref<1x125xi32, #tpu.memory_space<vmem>> -> memref<125xi32, #tpu.memory_space<vmem>>
    %dma_start3A_117 = arith.constant 0 : i32
    %dma_start3A_118 = arith.constant 0 : i32
    %dma_start3A_119 = tpu.memref_slice %arg2[%dma_start3A_117, %dma_start3A_118] : memref<10000x128xbf16, #tpu.memory_space<hbm>> -> memref<10000x128xbf16, #tpu.memory_space<hbm>>
    tpu.enqueue_indirect_dma source(%dma_start3A_119 : memref<10000x128xbf16, #tpu.memory_space<hbm>>) target(%arg17 : memref<125x128xbf16, #tpu.memory_space<vmem>>) offsets(%dma_start3A_116 : memref<125xi32, #tpu.memory_space<vmem>>) semaphore(%arg30 : memref<!tpu.dma_semaphore, #tpu.memory_space<semaphore_mem>>)
    %dma_start3A_120 = arith.constant 9 : i32
    %dma_start3A_121 = arith.constant 0 : i32
    %dma_start3A_122 = tpu.memref_slice %arg5[%dma_start3A_120, %dma_start3A_121] : memref<10x125xi32, #tpu.memory_space<vmem>> -> memref<1x125xi32, #tpu.memory_space<vmem>>
    %dma_start3A_123 = tpu.memref_squeeze %dma_start3A_122 : memref<1x125xi32, #tpu.memory_space<vmem>> -> memref<125xi32, #tpu.memory_space<vmem>>
    %dma_start3A_124 = arith.constant 0 : i32
    %dma_start3A_125 = arith.constant 0 : i32
    %dma_start3A_126 = tpu.memref_slice %arg2[%dma_start3A_124, %dma_start3A_125] : memref<10000x128xbf16, #tpu.memory_space<hbm>> -> memref<10000x128xbf16, #tpu.memory_space<hbm>>
    tpu.enqueue_indirect_dma source(%dma_start3A_126 : memref<10000x128xbf16, #tpu.memory_space<hbm>>) target(%arg18 : memref<125x128xbf16, #tpu.memory_space<vmem>>) offsets(%dma_start3A_123 : memref<125xi32, #tpu.memory_space<vmem>>) semaphore(%arg31 : memref<!tpu.dma_semaphore, #tpu.memory_space<semaphore_mem>>)
    %scan3A_127 = arith.constant 0 : i32
    %scan3A_128 = arith.constant 0 : i32
    %scan3A_129 = arith.constant 3 : i32
    %scan3A_130 = arith.addi %scan3A_128, %scan3A_129 : i32
    %scan3A_131 = arith.constant 1 : i32
    scf.for %scan3A_645 = %scan3A_128 to %scan3A_130 step %scan3A_131  : i32 {
      %dma_wait3A_646 = arith.constant 0 : i32
      %dma_wait3A_647 = arith.constant 0 : i32
      %dma_wait3A_648 = tpu.memref_slice %arg5[%dma_wait3A_646, %dma_wait3A_647] : memref<10x125xi32, #tpu.memory_space<vmem>> -> memref<1x125xi32, #tpu.memory_space<vmem>>
      %dma_wait3A_649 = tpu.memref_squeeze %dma_wait3A_648 : memref<1x125xi32, #tpu.memory_space<vmem>> -> memref<125xi32, #tpu.memory_space<vmem>>
      %dma_wait3A_650 = arith.constant 0 : i32
      %dma_wait3A_651 = arith.constant 0 : i32
      %dma_wait3A_652 = tpu.memref_slice %arg2[%dma_wait3A_650, %dma_wait3A_651] : memref<10000x128xbf16, #tpu.memory_space<hbm>> -> memref<10000x128xbf16, #tpu.memory_space<hbm>>
      tpu.wait_indirect_dma semaphore(%arg22 : memref<!tpu.dma_semaphore, #tpu.memory_space<semaphore_mem>>) src(%dma_wait3A_652 : memref<10000x128xbf16, #tpu.memory_space<hbm>>) dst(%arg9 : memref<125x128xbf16, #tpu.memory_space<vmem>>)
      %dma_start3A_653 = arith.constant 0 : i32
      %dma_start3A_654 = arith.constant 0 : i32
      %dma_start3A_655 = tpu.memref_slice %arg6[%dma_start3A_653, %dma_start3A_654] : memref<10x125xi32, #tpu.memory_space<vmem>> -> memref<1x125xi32, #tpu.memory_space<vmem>>
      %dma_start3A_656 = tpu.memref_squeeze %dma_start3A_655 : memref<1x125xi32, #tpu.memory_space<vmem>> -> memref<125xi32, #tpu.memory_space<vmem>>
      %dma_start3A_657 = arith.constant 0 : i32
      %dma_start3A_658 = arith.constant 0 : i32
      %dma_start3A_659 = tpu.memref_slice %arg19[%dma_start3A_657, %dma_start3A_658] : memref<10240x128xbf16, #tpu.memory_space<vmem_shared>> -> memref<10240x128xbf16, #tpu.memory_space<vmem_shared>>
      tpu.enqueue_indirect_dma source(%arg9 : memref<125x128xbf16, #tpu.memory_space<vmem>>) target(%dma_start3A_659 : memref<10240x128xbf16, #tpu.memory_space<vmem_shared>>) offsets(%dma_start3A_656 : memref<125xi32, #tpu.memory_space<vmem>>) semaphore(%arg32 : memref<!tpu.dma_semaphore, #tpu.memory_space<semaphore_mem>>) {add = true}
      %dma_wait3A_660 = arith.constant 1 : i32
      %dma_wait3A_661 = arith.constant 0 : i32
      %dma_wait3A_662 = tpu.memref_slice %arg5[%dma_wait3A_660, %dma_wait3A_661] : memref<10x125xi32, #tpu.memory_space<vmem>> -> memref<1x125xi32, #tpu.memory_space<vmem>>
      %dma_wait3A_663 = tpu.memref_squeeze %dma_wait3A_662 : memref<1x125xi32, #tpu.memory_space<vmem>> -> memref<125xi32, #tpu.memory_space<vmem>>
      %dma_wait3A_664 = arith.constant 0 : i32
      %dma_wait3A_665 = arith.constant 0 : i32
      %dma_wait3A_666 = tpu.memref_slice %arg2[%dma_wait3A_664, %dma_wait3A_665] : memref<10000x128xbf16, #tpu.memory_space<hbm>> -> memref<10000x128xbf16, #tpu.memory_space<hbm>>
      tpu.wait_indirect_dma semaphore(%arg23 : memref<!tpu.dma_semaphore, #tpu.memory_space<semaphore_mem>>) src(%dma_wait3A_666 : memref<10000x128xbf16, #tpu.memory_space<hbm>>) dst(%arg10 : memref<125x128xbf16, #tpu.memory_space<vmem>>)
      %dma_start3A_667 = arith.constant 1 : i32
      %dma_start3A_668 = arith.constant 0 : i32
      %dma_start3A_669 = tpu.memref_slice %arg6[%dma_start3A_667, %dma_start3A_668] : memref<10x125xi32, #tpu.memory_space<vmem>> -> memref<1x125xi32, #tpu.memory_space<vmem>>
      %dma_start3A_670 = tpu.memref_squeeze %dma_start3A_669 : memref<1x125xi32, #tpu.memory_space<vmem>> -> memref<125xi32, #tpu.memory_space<vmem>>
      %dma_start3A_671 = arith.constant 0 : i32
      %dma_start3A_672 = arith.constant 0 : i32
      %dma_start3A_673 = tpu.memref_slice %arg19[%dma_start3A_671, %dma_start3A_672] : memref<10240x128xbf16, #tpu.memory_space<vmem_shared>> -> memref<10240x128xbf16, #tpu.memory_space<vmem_shared>>
      tpu.enqueue_indirect_dma source(%arg10 : memref<125x128xbf16, #tpu.memory_space<vmem>>) target(%dma_start3A_673 : memref<10240x128xbf16, #tpu.memory_space<vmem_shared>>) offsets(%dma_start3A_670 : memref<125xi32, #tpu.memory_space<vmem>>) semaphore(%arg33 : memref<!tpu.dma_semaphore, #tpu.memory_space<semaphore_mem>>) {add = true}
      %dma_wait3A_674 = arith.constant 2 : i32
      %dma_wait3A_675 = arith.constant 0 : i32
      %dma_wait3A_676 = tpu.memref_slice %arg5[%dma_wait3A_674, %dma_wait3A_675] : memref<10x125xi32, #tpu.memory_space<vmem>> -> memref<1x125xi32, #tpu.memory_space<vmem>>
      %dma_wait3A_677 = tpu.memref_squeeze %dma_wait3A_676 : memref<1x125xi32, #tpu.memory_space<vmem>> -> memref<125xi32, #tpu.memory_space<vmem>>
      %dma_wait3A_678 = arith.constant 0 : i32
      %dma_wait3A_679 = arith.constant 0 : i32
      %dma_wait3A_680 = tpu.memref_slice %arg2[%dma_wait3A_678, %dma_wait3A_679] : memref<10000x128xbf16, #tpu.memory_space<hbm>> -> memref<10000x128xbf16, #tpu.memory_space<hbm>>
      tpu.wait_indirect_dma semaphore(%arg24 : memref<!tpu.dma_semaphore, #tpu.memory_space<semaphore_mem>>) src(%dma_wait3A_680 : memref<10000x128xbf16, #tpu.memory_space<hbm>>) dst(%arg11 : memref<125x128xbf16, #tpu.memory_space<vmem>>)
      %dma_start3A_681 = arith.constant 2 : i32
      %dma_start3A_682 = arith.constant 0 : i32
      %dma_start3A_683 = tpu.memref_slice %arg6[%dma_start3A_681, %dma_start3A_682] : memref<10x125xi32, #tpu.memory_space<vmem>> -> memref<1x125xi32, #tpu.memory_space<vmem>>
      %dma_start3A_684 = tpu.memref_squeeze %dma_start3A_683 : memref<1x125xi32, #tpu.memory_space<vmem>> -> memref<125xi32, #tpu.memory_space<vmem>>
      %dma_start3A_685 = arith.constant 0 : i32
      %dma_start3A_686 = arith.constant 0 : i32
      %dma_start3A_687 = tpu.memref_slice %arg19[%dma_start3A_685, %dma_start3A_686] : memref<10240x128xbf16, #tpu.memory_space<vmem_shared>> -> memref<10240x128xbf16, #tpu.memory_space<vmem_shared>>
      tpu.enqueue_indirect_dma source(%arg11 : memref<125x128xbf16, #tpu.memory_space<vmem>>) target(%dma_start3A_687 : memref<10240x128xbf16, #tpu.memory_space<vmem_shared>>) offsets(%dma_start3A_684 : memref<125xi32, #tpu.memory_space<vmem>>) semaphore(%arg34 : memref<!tpu.dma_semaphore, #tpu.memory_space<semaphore_mem>>) {add = true}
      %dma_wait3A_688 = arith.constant 3 : i32
      %dma_wait3A_689 = arith.constant 0 : i32
      %dma_wait3A_690 = tpu.memref_slice %arg5[%dma_wait3A_688, %dma_wait3A_689] : memref<10x125xi32, #tpu.memory_space<vmem>> -> memref<1x125xi32, #tpu.memory_space<vmem>>
      %dma_wait3A_691 = tpu.memref_squeeze %dma_wait3A_690 : memref<1x125xi32, #tpu.memory_space<vmem>> -> memref<125xi32, #tpu.memory_space<vmem>>
      %dma_wait3A_692 = arith.constant 0 : i32
      %dma_wait3A_693 = arith.constant 0 : i32
      %dma_wait3A_694 = tpu.memref_slice %arg2[%dma_wait3A_692, %dma_wait3A_693] : memref<10000x128xbf16, #tpu.memory_space<hbm>> -> memref<10000x128xbf16, #tpu.memory_space<hbm>>
      tpu.wait_indirect_dma semaphore(%arg25 : memref<!tpu.dma_semaphore, #tpu.memory_space<semaphore_mem>>) src(%dma_wait3A_694 : memref<10000x128xbf16, #tpu.memory_space<hbm>>) dst(%arg12 : memref<125x128xbf16, #tpu.memory_space<vmem>>)
      %dma_start3A_695 = arith.constant 3 : i32
      %dma_start3A_696 = arith.constant 0 : i32
      %dma_start3A_697 = tpu.memref_slice %arg6[%dma_start3A_695, %dma_start3A_696] : memref<10x125xi32, #tpu.memory_space<vmem>> -> memref<1x125xi32, #tpu.memory_space<vmem>>
      %dma_start3A_698 = tpu.memref_squeeze %dma_start3A_697 : memref<1x125xi32, #tpu.memory_space<vmem>> -> memref<125xi32, #tpu.memory_space<vmem>>
      %dma_start3A_699 = arith.constant 0 : i32
      %dma_start3A_700 = arith.constant 0 : i32
      %dma_start3A_701 = tpu.memref_slice %arg19[%dma_start3A_699, %dma_start3A_700] : memref<10240x128xbf16, #tpu.memory_space<vmem_shared>> -> memref<10240x128xbf16, #tpu.memory_space<vmem_shared>>
      tpu.enqueue_indirect_dma source(%arg12 : memref<125x128xbf16, #tpu.memory_space<vmem>>) target(%dma_start3A_701 : memref<10240x128xbf16, #tpu.memory_space<vmem_shared>>) offsets(%dma_start3A_698 : memref<125xi32, #tpu.memory_space<vmem>>) semaphore(%arg35 : memref<!tpu.dma_semaphore, #tpu.memory_space<semaphore_mem>>) {add = true}
      %dma_wait3A_702 = arith.constant 4 : i32
      %dma_wait3A_703 = arith.constant 0 : i32
      %dma_wait3A_704 = tpu.memref_slice %arg5[%dma_wait3A_702, %dma_wait3A_703] : memref<10x125xi32, #tpu.memory_space<vmem>> -> memref<1x125xi32, #tpu.memory_space<vmem>>
      %dma_wait3A_705 = tpu.memref_squeeze %dma_wait3A_704 : memref<1x125xi32, #tpu.memory_space<vmem>> -> memref<125xi32, #tpu.memory_space<vmem>>
      %dma_wait3A_706 = arith.constant 0 : i32
      %dma_wait3A_707 = arith.constant 0 : i32
      %dma_wait3A_708 = tpu.memref_slice %arg2[%dma_wait3A_706, %dma_wait3A_707] : memref<10000x128xbf16, #tpu.memory_space<hbm>> -> memref<10000x128xbf16, #tpu.memory_space<hbm>>
      tpu.wait_indirect_dma semaphore(%arg26 : memref<!tpu.dma_semaphore, #tpu.memory_space<semaphore_mem>>) src(%dma_wait3A_708 : memref<10000x128xbf16, #tpu.memory_space<hbm>>) dst(%arg13 : memref<125x128xbf16, #tpu.memory_space<vmem>>)
      %dma_start3A_709 = arith.constant 4 : i32
      %dma_start3A_710 = arith.constant 0 : i32
      %dma_start3A_711 = tpu.memref_slice %arg6[%dma_start3A_709, %dma_start3A_710] : memref<10x125xi32, #tpu.memory_space<vmem>> -> memref<1x125xi32, #tpu.memory_space<vmem>>
      %dma_start3A_712 = tpu.memref_squeeze %dma_start3A_711 : memref<1x125xi32, #tpu.memory_space<vmem>> -> memref<125xi32, #tpu.memory_space<vmem>>
      %dma_start3A_713 = arith.constant 0 : i32
      %dma_start3A_714 = arith.constant 0 : i32
      %dma_start3A_715 = tpu.memref_slice %arg19[%dma_start3A_713, %dma_start3A_714] : memref<10240x128xbf16, #tpu.memory_space<vmem_shared>> -> memref<10240x128xbf16, #tpu.memory_space<vmem_shared>>
      tpu.enqueue_indirect_dma source(%arg13 : memref<125x128xbf16, #tpu.memory_space<vmem>>) target(%dma_start3A_715 : memref<10240x128xbf16, #tpu.memory_space<vmem_shared>>) offsets(%dma_start3A_712 : memref<125xi32, #tpu.memory_space<vmem>>) semaphore(%arg36 : memref<!tpu.dma_semaphore, #tpu.memory_space<semaphore_mem>>) {add = true}
      %dma_wait3A_716 = arith.constant 5 : i32
      %dma_wait3A_717 = arith.constant 0 : i32
      %dma_wait3A_718 = tpu.memref_slice %arg5[%dma_wait3A_716, %dma_wait3A_717] : memref<10x125xi32, #tpu.memory_space<vmem>> -> memref<1x125xi32, #tpu.memory_space<vmem>>
      %dma_wait3A_719 = tpu.memref_squeeze %dma_wait3A_718 : memref<1x125xi32, #tpu.memory_space<vmem>> -> memref<125xi32, #tpu.memory_space<vmem>>
      %dma_wait3A_720 = arith.constant 0 : i32
      %dma_wait3A_721 = arith.constant 0 : i32
      %dma_wait3A_722 = tpu.memref_slice %arg2[%dma_wait3A_720, %dma_wait3A_721] : memref<10000x128xbf16, #tpu.memory_space<hbm>> -> memref<10000x128xbf16, #tpu.memory_space<hbm>>
      tpu.wait_indirect_dma semaphore(%arg27 : memref<!tpu.dma_semaphore, #tpu.memory_space<semaphore_mem>>) src(%dma_wait3A_722 : memref<10000x128xbf16, #tpu.memory_space<hbm>>) dst(%arg14 : memref<125x128xbf16, #tpu.memory_space<vmem>>)
      %dma_start3A_723 = arith.constant 5 : i32
      %dma_start3A_724 = arith.constant 0 : i32
      %dma_start3A_725 = tpu.memref_slice %arg6[%dma_start3A_723, %dma_start3A_724] : memref<10x125xi32, #tpu.memory_space<vmem>> -> memref<1x125xi32, #tpu.memory_space<vmem>>
      %dma_start3A_726 = tpu.memref_squeeze %dma_start3A_725 : memref<1x125xi32, #tpu.memory_space<vmem>> -> memref<125xi32, #tpu.memory_space<vmem>>
      %dma_start3A_727 = arith.constant 0 : i32
      %dma_start3A_728 = arith.constant 0 : i32
      %dma_start3A_729 = tpu.memref_slice %arg19[%dma_start3A_727, %dma_start3A_728] : memref<10240x128xbf16, #tpu.memory_space<vmem_shared>> -> memref<10240x128xbf16, #tpu.memory_space<vmem_shared>>
      tpu.enqueue_indirect_dma source(%arg14 : memref<125x128xbf16, #tpu.memory_space<vmem>>) target(%dma_start3A_729 : memref<10240x128xbf16, #tpu.memory_space<vmem_shared>>) offsets(%dma_start3A_726 : memref<125xi32, #tpu.memory_space<vmem>>) semaphore(%arg37 : memref<!tpu.dma_semaphore, #tpu.memory_space<semaphore_mem>>) {add = true}
      %dma_wait3A_730 = arith.constant 6 : i32
      %dma_wait3A_731 = arith.constant 0 : i32
      %dma_wait3A_732 = tpu.memref_slice %arg5[%dma_wait3A_730, %dma_wait3A_731] : memref<10x125xi32, #tpu.memory_space<vmem>> -> memref<1x125xi32, #tpu.memory_space<vmem>>
      %dma_wait3A_733 = tpu.memref_squeeze %dma_wait3A_732 : memref<1x125xi32, #tpu.memory_space<vmem>> -> memref<125xi32, #tpu.memory_space<vmem>>
      %dma_wait3A_734 = arith.constant 0 : i32
      %dma_wait3A_735 = arith.constant 0 : i32
      %dma_wait3A_736 = tpu.memref_slice %arg2[%dma_wait3A_734, %dma_wait3A_735] : memref<10000x128xbf16, #tpu.memory_space<hbm>> -> memref<10000x128xbf16, #tpu.memory_space<hbm>>
      tpu.wait_indirect_dma semaphore(%arg28 : memref<!tpu.dma_semaphore, #tpu.memory_space<semaphore_mem>>) src(%dma_wait3A_736 : memref<10000x128xbf16, #tpu.memory_space<hbm>>) dst(%arg15 : memref<125x128xbf16, #tpu.memory_space<vmem>>)
      %dma_start3A_737 = arith.constant 6 : i32
      %dma_start3A_738 = arith.constant 0 : i32
      %dma_start3A_739 = tpu.memref_slice %arg6[%dma_start3A_737, %dma_start3A_738] : memref<10x125xi32, #tpu.memory_space<vmem>> -> memref<1x125xi32, #tpu.memory_space<vmem>>
      %dma_start3A_740 = tpu.memref_squeeze %dma_start3A_739 : memref<1x125xi32, #tpu.memory_space<vmem>> -> memref<125xi32, #tpu.memory_space<vmem>>
      %dma_start3A_741 = arith.constant 0 : i32
      %dma_start3A_742 = arith.constant 0 : i32
      %dma_start3A_743 = tpu.memref_slice %arg19[%dma_start3A_741, %dma_start3A_742] : memref<10240x128xbf16, #tpu.memory_space<vmem_shared>> -> memref<10240x128xbf16, #tpu.memory_space<vmem_shared>>
      tpu.enqueue_indirect_dma source(%arg15 : memref<125x128xbf16, #tpu.memory_space<vmem>>) target(%dma_start3A_743 : memref<10240x128xbf16, #tpu.memory_space<vmem_shared>>) offsets(%dma_start3A_740 : memref<125xi32, #tpu.memory_space<vmem>>) semaphore(%arg38 : memref<!tpu.dma_semaphore, #tpu.memory_space<semaphore_mem>>) {add = true}
      %dma_wait3A_744 = arith.constant 7 : i32
      %dma_wait3A_745 = arith.constant 0 : i32
      %dma_wait3A_746 = tpu.memref_slice %arg5[%dma_wait3A_744, %dma_wait3A_745] : memref<10x125xi32, #tpu.memory_space<vmem>> -> memref<1x125xi32, #tpu.memory_space<vmem>>
      %dma_wait3A_747 = tpu.memref_squeeze %dma_wait3A_746 : memref<1x125xi32, #tpu.memory_space<vmem>> -> memref<125xi32, #tpu.memory_space<vmem>>
      %dma_wait3A_748 = arith.constant 0 : i32
      %dma_wait3A_749 = arith.constant 0 : i32
      %dma_wait3A_750 = tpu.memref_slice %arg2[%dma_wait3A_748, %dma_wait3A_749] : memref<10000x128xbf16, #tpu.memory_space<hbm>> -> memref<10000x128xbf16, #tpu.memory_space<hbm>>
      tpu.wait_indirect_dma semaphore(%arg29 : memref<!tpu.dma_semaphore, #tpu.memory_space<semaphore_mem>>) src(%dma_wait3A_750 : memref<10000x128xbf16, #tpu.memory_space<hbm>>) dst(%arg16 : memref<125x128xbf16, #tpu.memory_space<vmem>>)
      %dma_start3A_751 = arith.constant 7 : i32
      %dma_start3A_752 = arith.constant 0 : i32
      %dma_start3A_753 = tpu.memref_slice %arg6[%dma_start3A_751, %dma_start3A_752] : memref<10x125xi32, #tpu.memory_space<vmem>> -> memref<1x125xi32, #tpu.memory_space<vmem>>
      %dma_start3A_754 = tpu.memref_squeeze %dma_start3A_753 : memref<1x125xi32, #tpu.memory_space<vmem>> -> memref<125xi32, #tpu.memory_space<vmem>>
      %dma_start3A_755 = arith.constant 0 : i32
      %dma_start3A_756 = arith.constant 0 : i32
      %dma_start3A_757 = tpu.memref_slice %arg19[%dma_start3A_755, %dma_start3A_756] : memref<10240x128xbf16, #tpu.memory_space<vmem_shared>> -> memref<10240x128xbf16, #tpu.memory_space<vmem_shared>>
      tpu.enqueue_indirect_dma source(%arg16 : memref<125x128xbf16, #tpu.memory_space<vmem>>) target(%dma_start3A_757 : memref<10240x128xbf16, #tpu.memory_space<vmem_shared>>) offsets(%dma_start3A_754 : memref<125xi32, #tpu.memory_space<vmem>>) semaphore(%arg39 : memref<!tpu.dma_semaphore, #tpu.memory_space<semaphore_mem>>) {add = true}
      %dma_wait3A_758 = arith.constant 8 : i32
      %dma_wait3A_759 = arith.constant 0 : i32
      %dma_wait3A_760 = tpu.memref_slice %arg5[%dma_wait3A_758, %dma_wait3A_759] : memref<10x125xi32, #tpu.memory_space<vmem>> -> memref<1x125xi32, #tpu.memory_space<vmem>>
      %dma_wait3A_761 = tpu.memref_squeeze %dma_wait3A_760 : memref<1x125xi32, #tpu.memory_space<vmem>> -> memref<125xi32, #tpu.memory_space<vmem>>
      %dma_wait3A_762 = arith.constant 0 : i32
      %dma_wait3A_763 = arith.constant 0 : i32
      %dma_wait3A_764 = tpu.memref_slice %arg2[%dma_wait3A_762, %dma_wait3A_763] : memref<10000x128xbf16, #tpu.memory_space<hbm>> -> memref<10000x128xbf16, #tpu.memory_space<hbm>>
      tpu.wait_indirect_dma semaphore(%arg30 : memref<!tpu.dma_semaphore, #tpu.memory_space<semaphore_mem>>) src(%dma_wait3A_764 : memref<10000x128xbf16, #tpu.memory_space<hbm>>) dst(%arg17 : memref<125x128xbf16, #tpu.memory_space<vmem>>)
      %dma_start3A_765 = arith.constant 8 : i32
      %dma_start3A_766 = arith.constant 0 : i32
      %dma_start3A_767 = tpu.memref_slice %arg6[%dma_start3A_765, %dma_start3A_766] : memref<10x125xi32, #tpu.memory_space<vmem>> -> memref<1x125xi32, #tpu.memory_space<vmem>>
      %dma_start3A_768 = tpu.memref_squeeze %dma_start3A_767 : memref<1x125xi32, #tpu.memory_space<vmem>> -> memref<125xi32, #tpu.memory_space<vmem>>
      %dma_start3A_769 = arith.constant 0 : i32
      %dma_start3A_770 = arith.constant 0 : i32
      %dma_start3A_771 = tpu.memref_slice %arg19[%dma_start3A_769, %dma_start3A_770] : memref<10240x128xbf16, #tpu.memory_space<vmem_shared>> -> memref<10240x128xbf16, #tpu.memory_space<vmem_shared>>
      tpu.enqueue_indirect_dma source(%arg17 : memref<125x128xbf16, #tpu.memory_space<vmem>>) target(%dma_start3A_771 : memref<10240x128xbf16, #tpu.memory_space<vmem_shared>>) offsets(%dma_start3A_768 : memref<125xi32, #tpu.memory_space<vmem>>) semaphore(%arg40 : memref<!tpu.dma_semaphore, #tpu.memory_space<semaphore_mem>>) {add = true}
      %dma_wait3A_772 = arith.constant 9 : i32
      %dma_wait3A_773 = arith.constant 0 : i32
      %dma_wait3A_774 = tpu.memref_slice %arg5[%dma_wait3A_772, %dma_wait3A_773] : memref<10x125xi32, #tpu.memory_space<vmem>> -> memref<1x125xi32, #tpu.memory_space<vmem>>
      %dma_wait3A_775 = tpu.memref_squeeze %dma_wait3A_774 : memref<1x125xi32, #tpu.memory_space<vmem>> -> memref<125xi32, #tpu.memory_space<vmem>>
      %dma_wait3A_776 = arith.constant 0 : i32
      %dma_wait3A_777 = arith.constant 0 : i32
      %dma_wait3A_778 = tpu.memref_slice %arg2[%dma_wait3A_776, %dma_wait3A_777] : memref<10000x128xbf16, #tpu.memory_space<hbm>> -> memref<10000x128xbf16, #tpu.memory_space<hbm>>
      tpu.wait_indirect_dma semaphore(%arg31 : memref<!tpu.dma_semaphore, #tpu.memory_space<semaphore_mem>>) src(%dma_wait3A_778 : memref<10000x128xbf16, #tpu.memory_space<hbm>>) dst(%arg18 : memref<125x128xbf16, #tpu.memory_space<vmem>>)
      %dma_start3A_779 = arith.constant 9 : i32
      %dma_start3A_780 = arith.constant 0 : i32
      %dma_start3A_781 = tpu.memref_slice %arg6[%dma_start3A_779, %dma_start3A_780] : memref<10x125xi32, #tpu.memory_space<vmem>> -> memref<1x125xi32, #tpu.memory_space<vmem>>
      %dma_start3A_782 = tpu.memref_squeeze %dma_start3A_781 : memref<1x125xi32, #tpu.memory_space<vmem>> -> memref<125xi32, #tpu.memory_space<vmem>>
      %dma_start3A_783 = arith.constant 0 : i32
      %dma_start3A_784 = arith.constant 0 : i32
      %dma_start3A_785 = tpu.memref_slice %arg19[%dma_start3A_783, %dma_start3A_784] : memref<10240x128xbf16, #tpu.memory_space<vmem_shared>> -> memref<10240x128xbf16, #tpu.memory_space<vmem_shared>>
      tpu.enqueue_indirect_dma source(%arg18 : memref<125x128xbf16, #tpu.memory_space<vmem>>) target(%dma_start3A_785 : memref<10240x128xbf16, #tpu.memory_space<vmem_shared>>) offsets(%dma_start3A_782 : memref<125xi32, #tpu.memory_space<vmem>>) semaphore(%arg41 : memref<!tpu.dma_semaphore, #tpu.memory_space<semaphore_mem>>) {add = true}
      %dma_wait3A_786 = arith.constant 0 : i32
      %dma_wait3A_787 = arith.constant 0 : i32
      %dma_wait3A_788 = arith.constant 0 : i32
      %dma_wait3A_789 = tpu.memref_slice %arg3[%dma_wait3A_786, %add3A, %dma_wait3A_787, %dma_wait3A_788] : memref<2x32x80x125xi32, #tpu.memory_space<hbm>> -> memref<1x1x10x125xi32, #tpu.memory_space<hbm>>
      %dma_wait3A_790 = tpu.memref_squeeze %dma_wait3A_789 : memref<1x1x10x125xi32, #tpu.memory_space<hbm>> -> memref<10x125xi32, #tpu.memory_space<hbm>>
      %dma_wait3A_791 = arith.constant 0 : i32
      %dma_wait3A_792 = arith.constant 0 : i32
      %dma_wait3A_793 = tpu.memref_slice %arg3[%dma_wait3A_786, %add3A, %dma_wait3A_791, %dma_wait3A_792] : memref<2x32x80x125xi32, #tpu.memory_space<hbm>> -> memref<1x1x10x125xi32, #tpu.memory_space<hbm>>
      %dma_wait3A_794 = tpu.memref_squeeze %dma_wait3A_793 : memref<1x1x10x125xi32, #tpu.memory_space<hbm>> -> memref<10x125xi32, #tpu.memory_space<hbm>>
      tpu.wait_dma2 semaphore(%arg21 : memref<!tpu.dma_semaphore, #tpu.memory_space<semaphore_mem>>) src(%dma_wait3A_794 : memref<10x125xi32, #tpu.memory_space<hbm>>) dst(%arg7 : memref<10x125xi32, #tpu.memory_space<vmem>>)
      %dma_wait3A_795 = arith.constant 1 : i32
      %dma_wait3A_796 = arith.constant 0 : i32
      %dma_wait3A_797 = arith.constant 0 : i32
      %dma_wait3A_798 = tpu.memref_slice %arg3[%dma_wait3A_795, %add3A, %dma_wait3A_796, %dma_wait3A_797] : memref<2x32x80x125xi32, #tpu.memory_space<hbm>> -> memref<1x1x10x125xi32, #tpu.memory_space<hbm>>
      %dma_wait3A_799 = tpu.memref_squeeze %dma_wait3A_798 : memref<1x1x10x125xi32, #tpu.memory_space<hbm>> -> memref<10x125xi32, #tpu.memory_space<hbm>>
      %dma_wait3A_800 = arith.constant 0 : i32
      %dma_wait3A_801 = arith.constant 0 : i32
      %dma_wait3A_802 = tpu.memref_slice %arg3[%dma_wait3A_795, %add3A, %dma_wait3A_800, %dma_wait3A_801] : memref<2x32x80x125xi32, #tpu.memory_space<hbm>> -> memref<1x1x10x125xi32, #tpu.memory_space<hbm>>
      %dma_wait3A_803 = tpu.memref_squeeze %dma_wait3A_802 : memref<1x1x10x125xi32, #tpu.memory_space<hbm>> -> memref<10x125xi32, #tpu.memory_space<hbm>>
      tpu.wait_dma2 semaphore(%arg21 : memref<!tpu.dma_semaphore, #tpu.memory_space<semaphore_mem>>) src(%dma_wait3A_803 : memref<10x125xi32, #tpu.memory_space<hbm>>) dst(%arg8 : memref<10x125xi32, #tpu.memory_space<vmem>>)
      %dma_wait3A_804 = arith.constant 0 : i32
      %dma_wait3A_805 = arith.constant 0 : i32
      %dma_wait3A_806 = tpu.memref_slice %arg6[%dma_wait3A_804, %dma_wait3A_805] : memref<10x125xi32, #tpu.memory_space<vmem>> -> memref<1x125xi32, #tpu.memory_space<vmem>>
      %dma_wait3A_807 = tpu.memref_squeeze %dma_wait3A_806 : memref<1x125xi32, #tpu.memory_space<vmem>> -> memref<125xi32, #tpu.memory_space<vmem>>
      %dma_wait3A_808 = arith.constant 0 : i32
      %dma_wait3A_809 = arith.constant 0 : i32
      %dma_wait3A_810 = tpu.memref_slice %arg19[%dma_wait3A_808, %dma_wait3A_809] : memref<10240x128xbf16, #tpu.memory_space<vmem_shared>> -> memref<10240x128xbf16, #tpu.memory_space<vmem_shared>>
      tpu.wait_indirect_dma semaphore(%arg32 : memref<!tpu.dma_semaphore, #tpu.memory_space<semaphore_mem>>) src(%arg9 : memref<125x128xbf16, #tpu.memory_space<vmem>>) dst(%dma_wait3A_810 : memref<10240x128xbf16, #tpu.memory_space<vmem_shared>>)
      %dma_start3A_811 = arith.constant 0 : i32
      %dma_start3A_812 = arith.constant 0 : i32
      %dma_start3A_813 = tpu.memref_slice %arg7[%dma_start3A_811, %dma_start3A_812] : memref<10x125xi32, #tpu.memory_space<vmem>> -> memref<1x125xi32, #tpu.memory_space<vmem>>
      %dma_start3A_814 = tpu.memref_squeeze %dma_start3A_813 : memref<1x125xi32, #tpu.memory_space<vmem>> -> memref<125xi32, #tpu.memory_space<vmem>>
      %dma_start3A_815 = arith.constant 0 : i32
      %dma_start3A_816 = arith.constant 0 : i32
      %dma_start3A_817 = tpu.memref_slice %arg2[%dma_start3A_815, %dma_start3A_816] : memref<10000x128xbf16, #tpu.memory_space<hbm>> -> memref<10000x128xbf16, #tpu.memory_space<hbm>>
      tpu.enqueue_indirect_dma source(%dma_start3A_817 : memref<10000x128xbf16, #tpu.memory_space<hbm>>) target(%arg9 : memref<125x128xbf16, #tpu.memory_space<vmem>>) offsets(%dma_start3A_814 : memref<125xi32, #tpu.memory_space<vmem>>) semaphore(%arg22 : memref<!tpu.dma_semaphore, #tpu.memory_space<semaphore_mem>>)
      %dma_wait3A_818 = arith.constant 1 : i32
      %dma_wait3A_819 = arith.constant 0 : i32
      %dma_wait3A_820 = tpu.memref_slice %arg6[%dma_wait3A_818, %dma_wait3A_819] : memref<10x125xi32, #tpu.memory_space<vmem>> -> memref<1x125xi32, #tpu.memory_space<vmem>>
      %dma_wait3A_821 = tpu.memref_squeeze %dma_wait3A_820 : memref<1x125xi32, #tpu.memory_space<vmem>> -> memref<125xi32, #tpu.memory_space<vmem>>
      %dma_wait3A_822 = arith.constant 0 : i32
      %dma_wait3A_823 = arith.constant 0 : i32
      %dma_wait3A_824 = tpu.memref_slice %arg19[%dma_wait3A_822, %dma_wait3A_823] : memref<10240x128xbf16, #tpu.memory_space<vmem_shared>> -> memref<10240x128xbf16, #tpu.memory_space<vmem_shared>>
      tpu.wait_indirect_dma semaphore(%arg33 : memref<!tpu.dma_semaphore, #tpu.memory_space<semaphore_mem>>) src(%arg10 : memref<125x128xbf16, #tpu.memory_space<vmem>>) dst(%dma_wait3A_824 : memref<10240x128xbf16, #tpu.memory_space<vmem_shared>>)
      %dma_start3A_825 = arith.constant 1 : i32
      %dma_start3A_826 = arith.constant 0 : i32
      %dma_start3A_827 = tpu.memref_slice %arg7[%dma_start3A_825, %dma_start3A_826] : memref<10x125xi32, #tpu.memory_space<vmem>> -> memref<1x125xi32, #tpu.memory_space<vmem>>
      %dma_start3A_828 = tpu.memref_squeeze %dma_start3A_827 : memref<1x125xi32, #tpu.memory_space<vmem>> -> memref<125xi32, #tpu.memory_space<vmem>>
      %dma_start3A_829 = arith.constant 0 : i32
      %dma_start3A_830 = arith.constant 0 : i32
      %dma_start3A_831 = tpu.memref_slice %arg2[%dma_start3A_829, %dma_start3A_830] : memref<10000x128xbf16, #tpu.memory_space<hbm>> -> memref<10000x128xbf16, #tpu.memory_space<hbm>>
      tpu.enqueue_indirect_dma source(%dma_start3A_831 : memref<10000x128xbf16, #tpu.memory_space<hbm>>) target(%arg10 : memref<125x128xbf16, #tpu.memory_space<vmem>>) offsets(%dma_start3A_828 : memref<125xi32, #tpu.memory_space<vmem>>) semaphore(%arg23 : memref<!tpu.dma_semaphore, #tpu.memory_space<semaphore_mem>>)
      %dma_wait3A_832 = arith.constant 2 : i32
      %dma_wait3A_833 = arith.constant 0 : i32
      %dma_wait3A_834 = tpu.memref_slice %arg6[%dma_wait3A_832, %dma_wait3A_833] : memref<10x125xi32, #tpu.memory_space<vmem>> -> memref<1x125xi32, #tpu.memory_space<vmem>>
      %dma_wait3A_835 = tpu.memref_squeeze %dma_wait3A_834 : memref<1x125xi32, #tpu.memory_space<vmem>> -> memref<125xi32, #tpu.memory_space<vmem>>
      %dma_wait3A_836 = arith.constant 0 : i32
      %dma_wait3A_837 = arith.constant 0 : i32
      %dma_wait3A_838 = tpu.memref_slice %arg19[%dma_wait3A_836, %dma_wait3A_837] : memref<10240x128xbf16, #tpu.memory_space<vmem_shared>> -> memref<10240x128xbf16, #tpu.memory_space<vmem_shared>>
      tpu.wait_indirect_dma semaphore(%arg34 : memref<!tpu.dma_semaphore, #tpu.memory_space<semaphore_mem>>) src(%arg11 : memref<125x128xbf16, #tpu.memory_space<vmem>>) dst(%dma_wait3A_838 : memref<10240x128xbf16, #tpu.memory_space<vmem_shared>>)
      %dma_start3A_839 = arith.constant 2 : i32
      %dma_start3A_840 = arith.constant 0 : i32
      %dma_start3A_841 = tpu.memref_slice %arg7[%dma_start3A_839, %dma_start3A_840] : memref<10x125xi32, #tpu.memory_space<vmem>> -> memref<1x125xi32, #tpu.memory_space<vmem>>
      %dma_start3A_842 = tpu.memref_squeeze %dma_start3A_841 : memref<1x125xi32, #tpu.memory_space<vmem>> -> memref<125xi32, #tpu.memory_space<vmem>>
      %dma_start3A_843 = arith.constant 0 : i32
      %dma_start3A_844 = arith.constant 0 : i32
      %dma_start3A_845 = tpu.memref_slice %arg2[%dma_start3A_843, %dma_start3A_844] : memref<10000x128xbf16, #tpu.memory_space<hbm>> -> memref<10000x128xbf16, #tpu.memory_space<hbm>>
      tpu.enqueue_indirect_dma source(%dma_start3A_845 : memref<10000x128xbf16, #tpu.memory_space<hbm>>) target(%arg11 : memref<125x128xbf16, #tpu.memory_space<vmem>>) offsets(%dma_start3A_842 : memref<125xi32, #tpu.memory_space<vmem>>) semaphore(%arg24 : memref<!tpu.dma_semaphore, #tpu.memory_space<semaphore_mem>>)
      %dma_wait3A_846 = arith.constant 3 : i32
      %dma_wait3A_847 = arith.constant 0 : i32
      %dma_wait3A_848 = tpu.memref_slice %arg6[%dma_wait3A_846, %dma_wait3A_847] : memref<10x125xi32, #tpu.memory_space<vmem>> -> memref<1x125xi32, #tpu.memory_space<vmem>>
      %dma_wait3A_849 = tpu.memref_squeeze %dma_wait3A_848 : memref<1x125xi32, #tpu.memory_space<vmem>> -> memref<125xi32, #tpu.memory_space<vmem>>
      %dma_wait3A_850 = arith.constant 0 : i32
      %dma_wait3A_851 = arith.constant 0 : i32
      %dma_wait3A_852 = tpu.memref_slice %arg19[%dma_wait3A_850, %dma_wait3A_851] : memref<10240x128xbf16, #tpu.memory_space<vmem_shared>> -> memref<10240x128xbf16, #tpu.memory_space<vmem_shared>>
      tpu.wait_indirect_dma semaphore(%arg35 : memref<!tpu.dma_semaphore, #tpu.memory_space<semaphore_mem>>) src(%arg12 : memref<125x128xbf16, #tpu.memory_space<vmem>>) dst(%dma_wait3A_852 : memref<10240x128xbf16, #tpu.memory_space<vmem_shared>>)
      %dma_start3A_853 = arith.constant 3 : i32
      %dma_start3A_854 = arith.constant 0 : i32
      %dma_start3A_855 = tpu.memref_slice %arg7[%dma_start3A_853, %dma_start3A_854] : memref<10x125xi32, #tpu.memory_space<vmem>> -> memref<1x125xi32, #tpu.memory_space<vmem>>
      %dma_start3A_856 = tpu.memref_squeeze %dma_start3A_855 : memref<1x125xi32, #tpu.memory_space<vmem>> -> memref<125xi32, #tpu.memory_space<vmem>>
      %dma_start3A_857 = arith.constant 0 : i32
      %dma_start3A_858 = arith.constant 0 : i32
      %dma_start3A_859 = tpu.memref_slice %arg2[%dma_start3A_857, %dma_start3A_858] : memref<10000x128xbf16, #tpu.memory_space<hbm>> -> memref<10000x128xbf16, #tpu.memory_space<hbm>>
      tpu.enqueue_indirect_dma source(%dma_start3A_859 : memref<10000x128xbf16, #tpu.memory_space<hbm>>) target(%arg12 : memref<125x128xbf16, #tpu.memory_space<vmem>>) offsets(%dma_start3A_856 : memref<125xi32, #tpu.memory_space<vmem>>) semaphore(%arg25 : memref<!tpu.dma_semaphore, #tpu.memory_space<semaphore_mem>>)
      %dma_wait3A_860 = arith.constant 4 : i32
      %dma_wait3A_861 = arith.constant 0 : i32
      %dma_wait3A_862 = tpu.memref_slice %arg6[%dma_wait3A_860, %dma_wait3A_861] : memref<10x125xi32, #tpu.memory_space<vmem>> -> memref<1x125xi32, #tpu.memory_space<vmem>>
      %dma_wait3A_863 = tpu.memref_squeeze %dma_wait3A_862 : memref<1x125xi32, #tpu.memory_space<vmem>> -> memref<125xi32, #tpu.memory_space<vmem>>
      %dma_wait3A_864 = arith.constant 0 : i32
      %dma_wait3A_865 = arith.constant 0 : i32
      %dma_wait3A_866 = tpu.memref_slice %arg19[%dma_wait3A_864, %dma_wait3A_865] : memref<10240x128xbf16, #tpu.memory_space<vmem_shared>> -> memref<10240x128xbf16, #tpu.memory_space<vmem_shared>>
      tpu.wait_indirect_dma semaphore(%arg36 : memref<!tpu.dma_semaphore, #tpu.memory_space<semaphore_mem>>) src(%arg13 : memref<125x128xbf16, #tpu.memory_space<vmem>>) dst(%dma_wait3A_866 : memref<10240x128xbf16, #tpu.memory_space<vmem_shared>>)
      %dma_start3A_867 = arith.constant 4 : i32
      %dma_start3A_868 = arith.constant 0 : i32
      %dma_start3A_869 = tpu.memref_slice %arg7[%dma_start3A_867, %dma_start3A_868] : memref<10x125xi32, #tpu.memory_space<vmem>> -> memref<1x125xi32, #tpu.memory_space<vmem>>
      %dma_start3A_870 = tpu.memref_squeeze %dma_start3A_869 : memref<1x125xi32, #tpu.memory_space<vmem>> -> memref<125xi32, #tpu.memory_space<vmem>>
      %dma_start3A_871 = arith.constant 0 : i32
      %dma_start3A_872 = arith.constant 0 : i32
      %dma_start3A_873 = tpu.memref_slice %arg2[%dma_start3A_871, %dma_start3A_872] : memref<10000x128xbf16, #tpu.memory_space<hbm>> -> memref<10000x128xbf16, #tpu.memory_space<hbm>>
      tpu.enqueue_indirect_dma source(%dma_start3A_873 : memref<10000x128xbf16, #tpu.memory_space<hbm>>) target(%arg13 : memref<125x128xbf16, #tpu.memory_space<vmem>>) offsets(%dma_start3A_870 : memref<125xi32, #tpu.memory_space<vmem>>) semaphore(%arg26 : memref<!tpu.dma_semaphore, #tpu.memory_space<semaphore_mem>>)
      %dma_wait3A_874 = arith.constant 5 : i32
      %dma_wait3A_875 = arith.constant 0 : i32
      %dma_wait3A_876 = tpu.memref_slice %arg6[%dma_wait3A_874, %dma_wait3A_875] : memref<10x125xi32, #tpu.memory_space<vmem>> -> memref<1x125xi32, #tpu.memory_space<vmem>>
      %dma_wait3A_877 = tpu.memref_squeeze %dma_wait3A_876 : memref<1x125xi32, #tpu.memory_space<vmem>> -> memref<125xi32, #tpu.memory_space<vmem>>
      %dma_wait3A_878 = arith.constant 0 : i32
      %dma_wait3A_879 = arith.constant 0 : i32
      %dma_wait3A_880 = tpu.memref_slice %arg19[%dma_wait3A_878, %dma_wait3A_879] : memref<10240x128xbf16, #tpu.memory_space<vmem_shared>> -> memref<10240x128xbf16, #tpu.memory_space<vmem_shared>>
      tpu.wait_indirect_dma semaphore(%arg37 : memref<!tpu.dma_semaphore, #tpu.memory_space<semaphore_mem>>) src(%arg14 : memref<125x128xbf16, #tpu.memory_space<vmem>>) dst(%dma_wait3A_880 : memref<10240x128xbf16, #tpu.memory_space<vmem_shared>>)
      %dma_start3A_881 = arith.constant 5 : i32
      %dma_start3A_882 = arith.constant 0 : i32
      %dma_start3A_883 = tpu.memref_slice %arg7[%dma_start3A_881, %dma_start3A_882] : memref<10x125xi32, #tpu.memory_space<vmem>> -> memref<1x125xi32, #tpu.memory_space<vmem>>
      %dma_start3A_884 = tpu.memref_squeeze %dma_start3A_883 : memref<1x125xi32, #tpu.memory_space<vmem>> -> memref<125xi32, #tpu.memory_space<vmem>>
      %dma_start3A_885 = arith.constant 0 : i32
      %dma_start3A_886 = arith.constant 0 : i32
      %dma_start3A_887 = tpu.memref_slice %arg2[%dma_start3A_885, %dma_start3A_886] : memref<10000x128xbf16, #tpu.memory_space<hbm>> -> memref<10000x128xbf16, #tpu.memory_space<hbm>>
      tpu.enqueue_indirect_dma source(%dma_start3A_887 : memref<10000x128xbf16, #tpu.memory_space<hbm>>) target(%arg14 : memref<125x128xbf16, #tpu.memory_space<vmem>>) offsets(%dma_start3A_884 : memref<125xi32, #tpu.memory_space<vmem>>) semaphore(%arg27 : memref<!tpu.dma_semaphore, #tpu.memory_space<semaphore_mem>>)
      %dma_wait3A_888 = arith.constant 6 : i32
      %dma_wait3A_889 = arith.constant 0 : i32
      %dma_wait3A_890 = tpu.memref_slice %arg6[%dma_wait3A_888, %dma_wait3A_889] : memref<10x125xi32, #tpu.memory_space<vmem>> -> memref<1x125xi32, #tpu.memory_space<vmem>>
      %dma_wait3A_891 = tpu.memref_squeeze %dma_wait3A_890 : memref<1x125xi32, #tpu.memory_space<vmem>> -> memref<125xi32, #tpu.memory_space<vmem>>
      %dma_wait3A_892 = arith.constant 0 : i32
      %dma_wait3A_893 = arith.constant 0 : i32
      %dma_wait3A_894 = tpu.memref_slice %arg19[%dma_wait3A_892, %dma_wait3A_893] : memref<10240x128xbf16, #tpu.memory_space<vmem_shared>> -> memref<10240x128xbf16, #tpu.memory_space<vmem_shared>>
      tpu.wait_indirect_dma semaphore(%arg38 : memref<!tpu.dma_semaphore, #tpu.memory_space<semaphore_mem>>) src(%arg15 : memref<125x128xbf16, #tpu.memory_space<vmem>>) dst(%dma_wait3A_894 : memref<10240x128xbf16, #tpu.memory_space<vmem_shared>>)
      %dma_start3A_895 = arith.constant 6 : i32
      %dma_start3A_896 = arith.constant 0 : i32
      %dma_start3A_897 = tpu.memref_slice %arg7[%dma_start3A_895, %dma_start3A_896] : memref<10x125xi32, #tpu.memory_space<vmem>> -> memref<1x125xi32, #tpu.memory_space<vmem>>
      %dma_start3A_898 = tpu.memref_squeeze %dma_start3A_897 : memref<1x125xi32, #tpu.memory_space<vmem>> -> memref<125xi32, #tpu.memory_space<vmem>>
      %dma_start3A_899 = arith.constant 0 : i32
      %dma_start3A_900 = arith.constant 0 : i32
      %dma_start3A_901 = tpu.memref_slice %arg2[%dma_start3A_899, %dma_start3A_900] : memref<10000x128xbf16, #tpu.memory_space<hbm>> -> memref<10000x128xbf16, #tpu.memory_space<hbm>>
      tpu.enqueue_indirect_dma source(%dma_start3A_901 : memref<10000x128xbf16, #tpu.memory_space<hbm>>) target(%arg15 : memref<125x128xbf16, #tpu.memory_space<vmem>>) offsets(%dma_start3A_898 : memref<125xi32, #tpu.memory_space<vmem>>) semaphore(%arg28 : memref<!tpu.dma_semaphore, #tpu.memory_space<semaphore_mem>>)
      %dma_wait3A_902 = arith.constant 7 : i32
      %dma_wait3A_903 = arith.constant 0 : i32
      %dma_wait3A_904 = tpu.memref_slice %arg6[%dma_wait3A_902, %dma_wait3A_903] : memref<10x125xi32, #tpu.memory_space<vmem>> -> memref<1x125xi32, #tpu.memory_space<vmem>>
      %dma_wait3A_905 = tpu.memref_squeeze %dma_wait3A_904 : memref<1x125xi32, #tpu.memory_space<vmem>> -> memref<125xi32, #tpu.memory_space<vmem>>
      %dma_wait3A_906 = arith.constant 0 : i32
      %dma_wait3A_907 = arith.constant 0 : i32
      %dma_wait3A_908 = tpu.memref_slice %arg19[%dma_wait3A_906, %dma_wait3A_907] : memref<10240x128xbf16, #tpu.memory_space<vmem_shared>> -> memref<10240x128xbf16, #tpu.memory_space<vmem_shared>>
      tpu.wait_indirect_dma semaphore(%arg39 : memref<!tpu.dma_semaphore, #tpu.memory_space<semaphore_mem>>) src(%arg16 : memref<125x128xbf16, #tpu.memory_space<vmem>>) dst(%dma_wait3A_908 : memref<10240x128xbf16, #tpu.memory_space<vmem_shared>>)
      %dma_start3A_909 = arith.constant 7 : i32
      %dma_start3A_910 = arith.constant 0 : i32
      %dma_start3A_911 = tpu.memref_slice %arg7[%dma_start3A_909, %dma_start3A_910] : memref<10x125xi32, #tpu.memory_space<vmem>> -> memref<1x125xi32, #tpu.memory_space<vmem>>
      %dma_start3A_912 = tpu.memref_squeeze %dma_start3A_911 : memref<1x125xi32, #tpu.memory_space<vmem>> -> memref<125xi32, #tpu.memory_space<vmem>>
      %dma_start3A_913 = arith.constant 0 : i32
      %dma_start3A_914 = arith.constant 0 : i32
      %dma_start3A_915 = tpu.memref_slice %arg2[%dma_start3A_913, %dma_start3A_914] : memref<10000x128xbf16, #tpu.memory_space<hbm>> -> memref<10000x128xbf16, #tpu.memory_space<hbm>>
      tpu.enqueue_indirect_dma source(%dma_start3A_915 : memref<10000x128xbf16, #tpu.memory_space<hbm>>) target(%arg16 : memref<125x128xbf16, #tpu.memory_space<vmem>>) offsets(%dma_start3A_912 : memref<125xi32, #tpu.memory_space<vmem>>) semaphore(%arg29 : memref<!tpu.dma_semaphore, #tpu.memory_space<semaphore_mem>>)
      %dma_wait3A_916 = arith.constant 8 : i32
      %dma_wait3A_917 = arith.constant 0 : i32
      %dma_wait3A_918 = tpu.memref_slice %arg6[%dma_wait3A_916, %dma_wait3A_917] : memref<10x125xi32, #tpu.memory_space<vmem>> -> memref<1x125xi32, #tpu.memory_space<vmem>>
      %dma_wait3A_919 = tpu.memref_squeeze %dma_wait3A_918 : memref<1x125xi32, #tpu.memory_space<vmem>> -> memref<125xi32, #tpu.memory_space<vmem>>
      %dma_wait3A_920 = arith.constant 0 : i32
      %dma_wait3A_921 = arith.constant 0 : i32
      %dma_wait3A_922 = tpu.memref_slice %arg19[%dma_wait3A_920, %dma_wait3A_921] : memref<10240x128xbf16, #tpu.memory_space<vmem_shared>> -> memref<10240x128xbf16, #tpu.memory_space<vmem_shared>>
      tpu.wait_indirect_dma semaphore(%arg40 : memref<!tpu.dma_semaphore, #tpu.memory_space<semaphore_mem>>) src(%arg17 : memref<125x128xbf16, #tpu.memory_space<vmem>>) dst(%dma_wait3A_922 : memref<10240x128xbf16, #tpu.memory_space<vmem_shared>>)
      %dma_start3A_923 = arith.constant 8 : i32
      %dma_start3A_924 = arith.constant 0 : i32
      %dma_start3A_925 = tpu.memref_slice %arg7[%dma_start3A_923, %dma_start3A_924] : memref<10x125xi32, #tpu.memory_space<vmem>> -> memref<1x125xi32, #tpu.memory_space<vmem>>
      %dma_start3A_926 = tpu.memref_squeeze %dma_start3A_925 : memref<1x125xi32, #tpu.memory_space<vmem>> -> memref<125xi32, #tpu.memory_space<vmem>>
      %dma_start3A_927 = arith.constant 0 : i32
      %dma_start3A_928 = arith.constant 0 : i32
      %dma_start3A_929 = tpu.memref_slice %arg2[%dma_start3A_927, %dma_start3A_928] : memref<10000x128xbf16, #tpu.memory_space<hbm>> -> memref<10000x128xbf16, #tpu.memory_space<hbm>>
      tpu.enqueue_indirect_dma source(%dma_start3A_929 : memref<10000x128xbf16, #tpu.memory_space<hbm>>) target(%arg17 : memref<125x128xbf16, #tpu.memory_space<vmem>>) offsets(%dma_start3A_926 : memref<125xi32, #tpu.memory_space<vmem>>) semaphore(%arg30 : memref<!tpu.dma_semaphore, #tpu.memory_space<semaphore_mem>>)
      %dma_wait3A_930 = arith.constant 9 : i32
      %dma_wait3A_931 = arith.constant 0 : i32
      %dma_wait3A_932 = tpu.memref_slice %arg6[%dma_wait3A_930, %dma_wait3A_931] : memref<10x125xi32, #tpu.memory_space<vmem>> -> memref<1x125xi32, #tpu.memory_space<vmem>>
      %dma_wait3A_933 = tpu.memref_squeeze %dma_wait3A_932 : memref<1x125xi32, #tpu.memory_space<vmem>> -> memref<125xi32, #tpu.memory_space<vmem>>
      %dma_wait3A_934 = arith.constant 0 : i32
      %dma_wait3A_935 = arith.constant 0 : i32
      %dma_wait3A_936 = tpu.memref_slice %arg19[%dma_wait3A_934, %dma_wait3A_935] : memref<10240x128xbf16, #tpu.memory_space<vmem_shared>> -> memref<10240x128xbf16, #tpu.memory_space<vmem_shared>>
      tpu.wait_indirect_dma semaphore(%arg41 : memref<!tpu.dma_semaphore, #tpu.memory_space<semaphore_mem>>) src(%arg18 : memref<125x128xbf16, #tpu.memory_space<vmem>>) dst(%dma_wait3A_936 : memref<10240x128xbf16, #tpu.memory_space<vmem_shared>>)
      %dma_start3A_937 = arith.constant 9 : i32
      %dma_start3A_938 = arith.constant 0 : i32
      %dma_start3A_939 = tpu.memref_slice %arg7[%dma_start3A_937, %dma_start3A_938] : memref<10x125xi32, #tpu.memory_space<vmem>> -> memref<1x125xi32, #tpu.memory_space<vmem>>
      %dma_start3A_940 = tpu.memref_squeeze %dma_start3A_939 : memref<1x125xi32, #tpu.memory_space<vmem>> -> memref<125xi32, #tpu.memory_space<vmem>>
      %dma_start3A_941 = arith.constant 0 : i32
      %dma_start3A_942 = arith.constant 0 : i32
      %dma_start3A_943 = tpu.memref_slice %arg2[%dma_start3A_941, %dma_start3A_942] : memref<10000x128xbf16, #tpu.memory_space<hbm>> -> memref<10000x128xbf16, #tpu.memory_space<hbm>>
      tpu.enqueue_indirect_dma source(%dma_start3A_943 : memref<10000x128xbf16, #tpu.memory_space<hbm>>) target(%arg18 : memref<125x128xbf16, #tpu.memory_space<vmem>>) offsets(%dma_start3A_940 : memref<125xi32, #tpu.memory_space<vmem>>) semaphore(%arg31 : memref<!tpu.dma_semaphore, #tpu.memory_space<semaphore_mem>>)
      %mul3A_944 = arith.constant 2 : i32
      %mul3A_945 = arith.muli %mul3A_944, %scan3A_645 : i32
      %add3A_946 = arith.constant 2 : i32
      %add3A_947 = arith.addi %mul3A_945, %add3A_946 : i32
      %mul3A_948 = arith.constant 10 : i32
      %mul3A_949 = arith.muli %add3A_947, %mul3A_948 : i32
      %dma_start3A_950 = arith.constant 0 : i32
      %dma_start3A_951 = arith.constant 0 : i32
      %dma_start3A_952 = tpu.memref_slice %arg3[%dma_start3A_950, %add3A, %mul3A_949, %dma_start3A_951] : memref<2x32x80x125xi32, #tpu.memory_space<hbm>> -> memref<1x1x10x125xi32, #tpu.memory_space<hbm>>
      %dma_start3A_953 = tpu.memref_squeeze %dma_start3A_952 : memref<1x1x10x125xi32, #tpu.memory_space<hbm>> -> memref<10x125xi32, #tpu.memory_space<hbm>>
      %dma_start3A_954 = arith.constant 0 : i32
      %dma_start3A_955 = tpu.memref_slice %arg3[%dma_start3A_950, %add3A, %mul3A_949, %dma_start3A_954] : memref<2x32x80x125xi32, #tpu.memory_space<hbm>> -> memref<1x1x10x125xi32, #tpu.memory_space<hbm>>
      %dma_start3A_956 = tpu.memref_squeeze %dma_start3A_955 : memref<1x1x10x125xi32, #tpu.memory_space<hbm>> -> memref<10x125xi32, #tpu.memory_space<hbm>>
      tpu.enqueue_dma source(%dma_start3A_956 : memref<10x125xi32, #tpu.memory_space<hbm>>) target(%arg5 : memref<10x125xi32, #tpu.memory_space<vmem>>) target_semaphore(%arg20 : memref<!tpu.dma_semaphore, #tpu.memory_space<semaphore_mem>>)
      %mul3A_957 = arith.constant 10 : i32
      %mul3A_958 = arith.muli %add3A_947, %mul3A_957 : i32
      %dma_start3A_959 = arith.constant 1 : i32
      %dma_start3A_960 = arith.constant 0 : i32
      %dma_start3A_961 = tpu.memref_slice %arg3[%dma_start3A_959, %add3A, %mul3A_958, %dma_start3A_960] : memref<2x32x80x125xi32, #tpu.memory_space<hbm>> -> memref<1x1x10x125xi32, #tpu.memory_space<hbm>>
      %dma_start3A_962 = tpu.memref_squeeze %dma_start3A_961 : memref<1x1x10x125xi32, #tpu.memory_space<hbm>> -> memref<10x125xi32, #tpu.memory_space<hbm>>
      %dma_start3A_963 = arith.constant 0 : i32
      %dma_start3A_964 = tpu.memref_slice %arg3[%dma_start3A_959, %add3A, %mul3A_958, %dma_start3A_963] : memref<2x32x80x125xi32, #tpu.memory_space<hbm>> -> memref<1x1x10x125xi32, #tpu.memory_space<hbm>>
      %dma_start3A_965 = tpu.memref_squeeze %dma_start3A_964 : memref<1x1x10x125xi32, #tpu.memory_space<hbm>> -> memref<10x125xi32, #tpu.memory_space<hbm>>
      tpu.enqueue_dma source(%dma_start3A_965 : memref<10x125xi32, #tpu.memory_space<hbm>>) target(%arg6 : memref<10x125xi32, #tpu.memory_space<vmem>>) target_semaphore(%arg20 : memref<!tpu.dma_semaphore, #tpu.memory_space<semaphore_mem>>)
      %dma_wait3A_966 = arith.constant 0 : i32
      %dma_wait3A_967 = arith.constant 0 : i32
      %dma_wait3A_968 = tpu.memref_slice %arg7[%dma_wait3A_966, %dma_wait3A_967] : memref<10x125xi32, #tpu.memory_space<vmem>> -> memref<1x125xi32, #tpu.memory_space<vmem>>
      %dma_wait3A_969 = tpu.memref_squeeze %dma_wait3A_968 : memref<1x125xi32, #tpu.memory_space<vmem>> -> memref<125xi32, #tpu.memory_space<vmem>>
      %dma_wait3A_970 = arith.constant 0 : i32
      %dma_wait3A_971 = arith.constant 0 : i32
      %dma_wait3A_972 = tpu.memref_slice %arg2[%dma_wait3A_970, %dma_wait3A_971] : memref<10000x128xbf16, #tpu.memory_space<hbm>> -> memref<10000x128xbf16, #tpu.memory_space<hbm>>
      tpu.wait_indirect_dma semaphore(%arg22 : memref<!tpu.dma_semaphore, #tpu.memory_space<semaphore_mem>>) src(%dma_wait3A_972 : memref<10000x128xbf16, #tpu.memory_space<hbm>>) dst(%arg9 : memref<125x128xbf16, #tpu.memory_space<vmem>>)
      %dma_start3A_973 = arith.constant 0 : i32
      %dma_start3A_974 = arith.constant 0 : i32
      %dma_start3A_975 = tpu.memref_slice %arg8[%dma_start3A_973, %dma_start3A_974] : memref<10x125xi32, #tpu.memory_space<vmem>> -> memref<1x125xi32, #tpu.memory_space<vmem>>
      %dma_start3A_976 = tpu.memref_squeeze %dma_start3A_975 : memref<1x125xi32, #tpu.memory_space<vmem>> -> memref<125xi32, #tpu.memory_space<vmem>>
      %dma_start3A_977 = arith.constant 0 : i32
      %dma_start3A_978 = arith.constant 0 : i32
      %dma_start3A_979 = tpu.memref_slice %arg19[%dma_start3A_977, %dma_start3A_978] : memref<10240x128xbf16, #tpu.memory_space<vmem_shared>> -> memref<10240x128xbf16, #tpu.memory_space<vmem_shared>>
      tpu.enqueue_indirect_dma source(%arg9 : memref<125x128xbf16, #tpu.memory_space<vmem>>) target(%dma_start3A_979 : memref<10240x128xbf16, #tpu.memory_space<vmem_shared>>) offsets(%dma_start3A_976 : memref<125xi32, #tpu.memory_space<vmem>>) semaphore(%arg32 : memref<!tpu.dma_semaphore, #tpu.memory_space<semaphore_mem>>) {add = true}
      %dma_wait3A_980 = arith.constant 1 : i32
      %dma_wait3A_981 = arith.constant 0 : i32
      %dma_wait3A_982 = tpu.memref_slice %arg7[%dma_wait3A_980, %dma_wait3A_981] : memref<10x125xi32, #tpu.memory_space<vmem>> -> memref<1x125xi32, #tpu.memory_space<vmem>>
      %dma_wait3A_983 = tpu.memref_squeeze %dma_wait3A_982 : memref<1x125xi32, #tpu.memory_space<vmem>> -> memref<125xi32, #tpu.memory_space<vmem>>
      %dma_wait3A_984 = arith.constant 0 : i32
      %dma_wait3A_985 = arith.constant 0 : i32
      %dma_wait3A_986 = tpu.memref_slice %arg2[%dma_wait3A_984, %dma_wait3A_985] : memref<10000x128xbf16, #tpu.memory_space<hbm>> -> memref<10000x128xbf16, #tpu.memory_space<hbm>>
      tpu.wait_indirect_dma semaphore(%arg23 : memref<!tpu.dma_semaphore, #tpu.memory_space<semaphore_mem>>) src(%dma_wait3A_986 : memref<10000x128xbf16, #tpu.memory_space<hbm>>) dst(%arg10 : memref<125x128xbf16, #tpu.memory_space<vmem>>)
      %dma_start3A_987 = arith.constant 1 : i32
      %dma_start3A_988 = arith.constant 0 : i32
      %dma_start3A_989 = tpu.memref_slice %arg8[%dma_start3A_987, %dma_start3A_988] : memref<10x125xi32, #tpu.memory_space<vmem>> -> memref<1x125xi32, #tpu.memory_space<vmem>>
      %dma_start3A_990 = tpu.memref_squeeze %dma_start3A_989 : memref<1x125xi32, #tpu.memory_space<vmem>> -> memref<125xi32, #tpu.memory_space<vmem>>
      %dma_start3A_991 = arith.constant 0 : i32
      %dma_start3A_992 = arith.constant 0 : i32
      %dma_start3A_993 = tpu.memref_slice %arg19[%dma_start3A_991, %dma_start3A_992] : memref<10240x128xbf16, #tpu.memory_space<vmem_shared>> -> memref<10240x128xbf16, #tpu.memory_space<vmem_shared>>
      tpu.enqueue_indirect_dma source(%arg10 : memref<125x128xbf16, #tpu.memory_space<vmem>>) target(%dma_start3A_993 : memref<10240x128xbf16, #tpu.memory_space<vmem_shared>>) offsets(%dma_start3A_990 : memref<125xi32, #tpu.memory_space<vmem>>) semaphore(%arg33 : memref<!tpu.dma_semaphore, #tpu.memory_space<semaphore_mem>>) {add = true}
      %dma_wait3A_994 = arith.constant 2 : i32
      %dma_wait3A_995 = arith.constant 0 : i32
      %dma_wait3A_996 = tpu.memref_slice %arg7[%dma_wait3A_994, %dma_wait3A_995] : memref<10x125xi32, #tpu.memory_space<vmem>> -> memref<1x125xi32, #tpu.memory_space<vmem>>
      %dma_wait3A_997 = tpu.memref_squeeze %dma_wait3A_996 : memref<1x125xi32, #tpu.memory_space<vmem>> -> memref<125xi32, #tpu.memory_space<vmem>>
      %dma_wait3A_998 = arith.constant 0 : i32
      %dma_wait3A_999 = arith.constant 0 : i32
      %dma_wait3A_1000 = tpu.memref_slice %arg2[%dma_wait3A_998, %dma_wait3A_999] : memref<10000x128xbf16, #tpu.memory_space<hbm>> -> memref<10000x128xbf16, #tpu.memory_space<hbm>>
      tpu.wait_indirect_dma semaphore(%arg24 : memref<!tpu.dma_semaphore, #tpu.memory_space<semaphore_mem>>) src(%dma_wait3A_1000 : memref<10000x128xbf16, #tpu.memory_space<hbm>>) dst(%arg11 : memref<125x128xbf16, #tpu.memory_space<vmem>>)
      %dma_start3A_1001 = arith.constant 2 : i32
      %dma_start3A_1002 = arith.constant 0 : i32
      %dma_start3A_1003 = tpu.memref_slice %arg8[%dma_start3A_1001, %dma_start3A_1002] : memref<10x125xi32, #tpu.memory_space<vmem>> -> memref<1x125xi32, #tpu.memory_space<vmem>>
      %dma_start3A_1004 = tpu.memref_squeeze %dma_start3A_1003 : memref<1x125xi32, #tpu.memory_space<vmem>> -> memref<125xi32, #tpu.memory_space<vmem>>
      %dma_start3A_1005 = arith.constant 0 : i32
      %dma_start3A_1006 = arith.constant 0 : i32
      %dma_start3A_1007 = tpu.memref_slice %arg19[%dma_start3A_1005, %dma_start3A_1006] : memref<10240x128xbf16, #tpu.memory_space<vmem_shared>> -> memref<10240x128xbf16, #tpu.memory_space<vmem_shared>>
      tpu.enqueue_indirect_dma source(%arg11 : memref<125x128xbf16, #tpu.memory_space<vmem>>) target(%dma_start3A_1007 : memref<10240x128xbf16, #tpu.memory_space<vmem_shared>>) offsets(%dma_start3A_1004 : memref<125xi32, #tpu.memory_space<vmem>>) semaphore(%arg34 : memref<!tpu.dma_semaphore, #tpu.memory_space<semaphore_mem>>) {add = true}
      %dma_wait3A_1008 = arith.constant 3 : i32
      %dma_wait3A_1009 = arith.constant 0 : i32
      %dma_wait3A_1010 = tpu.memref_slice %arg7[%dma_wait3A_1008, %dma_wait3A_1009] : memref<10x125xi32, #tpu.memory_space<vmem>> -> memref<1x125xi32, #tpu.memory_space<vmem>>
      %dma_wait3A_1011 = tpu.memref_squeeze %dma_wait3A_1010 : memref<1x125xi32, #tpu.memory_space<vmem>> -> memref<125xi32, #tpu.memory_space<vmem>>
      %dma_wait3A_1012 = arith.constant 0 : i32
      %dma_wait3A_1013 = arith.constant 0 : i32
      %dma_wait3A_1014 = tpu.memref_slice %arg2[%dma_wait3A_1012, %dma_wait3A_1013] : memref<10000x128xbf16, #tpu.memory_space<hbm>> -> memref<10000x128xbf16, #tpu.memory_space<hbm>>
      tpu.wait_indirect_dma semaphore(%arg25 : memref<!tpu.dma_semaphore, #tpu.memory_space<semaphore_mem>>) src(%dma_wait3A_1014 : memref<10000x128xbf16, #tpu.memory_space<hbm>>) dst(%arg12 : memref<125x128xbf16, #tpu.memory_space<vmem>>)
      %dma_start3A_1015 = arith.constant 3 : i32
      %dma_start3A_1016 = arith.constant 0 : i32
      %dma_start3A_1017 = tpu.memref_slice %arg8[%dma_start3A_1015, %dma_start3A_1016] : memref<10x125xi32, #tpu.memory_space<vmem>> -> memref<1x125xi32, #tpu.memory_space<vmem>>
      %dma_start3A_1018 = tpu.memref_squeeze %dma_start3A_1017 : memref<1x125xi32, #tpu.memory_space<vmem>> -> memref<125xi32, #tpu.memory_space<vmem>>
      %dma_start3A_1019 = arith.constant 0 : i32
      %dma_start3A_1020 = arith.constant 0 : i32
      %dma_start3A_1021 = tpu.memref_slice %arg19[%dma_start3A_1019, %dma_start3A_1020] : memref<10240x128xbf16, #tpu.memory_space<vmem_shared>> -> memref<10240x128xbf16, #tpu.memory_space<vmem_shared>>
      tpu.enqueue_indirect_dma source(%arg12 : memref<125x128xbf16, #tpu.memory_space<vmem>>) target(%dma_start3A_1021 : memref<10240x128xbf16, #tpu.memory_space<vmem_shared>>) offsets(%dma_start3A_1018 : memref<125xi32, #tpu.memory_space<vmem>>) semaphore(%arg35 : memref<!tpu.dma_semaphore, #tpu.memory_space<semaphore_mem>>) {add = true}
      %dma_wait3A_1022 = arith.constant 4 : i32
      %dma_wait3A_1023 = arith.constant 0 : i32
      %dma_wait3A_1024 = tpu.memref_slice %arg7[%dma_wait3A_1022, %dma_wait3A_1023] : memref<10x125xi32, #tpu.memory_space<vmem>> -> memref<1x125xi32, #tpu.memory_space<vmem>>
      %dma_wait3A_1025 = tpu.memref_squeeze %dma_wait3A_1024 : memref<1x125xi32, #tpu.memory_space<vmem>> -> memref<125xi32, #tpu.memory_space<vmem>>
      %dma_wait3A_1026 = arith.constant 0 : i32
      %dma_wait3A_1027 = arith.constant 0 : i32
      %dma_wait3A_1028 = tpu.memref_slice %arg2[%dma_wait3A_1026, %dma_wait3A_1027] : memref<10000x128xbf16, #tpu.memory_space<hbm>> -> memref<10000x128xbf16, #tpu.memory_space<hbm>>
      tpu.wait_indirect_dma semaphore(%arg26 : memref<!tpu.dma_semaphore, #tpu.memory_space<semaphore_mem>>) src(%dma_wait3A_1028 : memref<10000x128xbf16, #tpu.memory_space<hbm>>) dst(%arg13 : memref<125x128xbf16, #tpu.memory_space<vmem>>)
      %dma_start3A_1029 = arith.constant 4 : i32
      %dma_start3A_1030 = arith.constant 0 : i32
      %dma_start3A_1031 = tpu.memref_slice %arg8[%dma_start3A_1029, %dma_start3A_1030] : memref<10x125xi32, #tpu.memory_space<vmem>> -> memref<1x125xi32, #tpu.memory_space<vmem>>
      %dma_start3A_1032 = tpu.memref_squeeze %dma_start3A_1031 : memref<1x125xi32, #tpu.memory_space<vmem>> -> memref<125xi32, #tpu.memory_space<vmem>>
      %dma_start3A_1033 = arith.constant 0 : i32
      %dma_start3A_1034 = arith.constant 0 : i32
      %dma_start3A_1035 = tpu.memref_slice %arg19[%dma_start3A_1033, %dma_start3A_1034] : memref<10240x128xbf16, #tpu.memory_space<vmem_shared>> -> memref<10240x128xbf16, #tpu.memory_space<vmem_shared>>
      tpu.enqueue_indirect_dma source(%arg13 : memref<125x128xbf16, #tpu.memory_space<vmem>>) target(%dma_start3A_1035 : memref<10240x128xbf16, #tpu.memory_space<vmem_shared>>) offsets(%dma_start3A_1032 : memref<125xi32, #tpu.memory_space<vmem>>) semaphore(%arg36 : memref<!tpu.dma_semaphore, #tpu.memory_space<semaphore_mem>>) {add = true}
      %dma_wait3A_1036 = arith.constant 5 : i32
      %dma_wait3A_1037 = arith.constant 0 : i32
      %dma_wait3A_1038 = tpu.memref_slice %arg7[%dma_wait3A_1036, %dma_wait3A_1037] : memref<10x125xi32, #tpu.memory_space<vmem>> -> memref<1x125xi32, #tpu.memory_space<vmem>>
      %dma_wait3A_1039 = tpu.memref_squeeze %dma_wait3A_1038 : memref<1x125xi32, #tpu.memory_space<vmem>> -> memref<125xi32, #tpu.memory_space<vmem>>
      %dma_wait3A_1040 = arith.constant 0 : i32
      %dma_wait3A_1041 = arith.constant 0 : i32
      %dma_wait3A_1042 = tpu.memref_slice %arg2[%dma_wait3A_1040, %dma_wait3A_1041] : memref<10000x128xbf16, #tpu.memory_space<hbm>> -> memref<10000x128xbf16, #tpu.memory_space<hbm>>
      tpu.wait_indirect_dma semaphore(%arg27 : memref<!tpu.dma_semaphore, #tpu.memory_space<semaphore_mem>>) src(%dma_wait3A_1042 : memref<10000x128xbf16, #tpu.memory_space<hbm>>) dst(%arg14 : memref<125x128xbf16, #tpu.memory_space<vmem>>)
      %dma_start3A_1043 = arith.constant 5 : i32
      %dma_start3A_1044 = arith.constant 0 : i32
      %dma_start3A_1045 = tpu.memref_slice %arg8[%dma_start3A_1043, %dma_start3A_1044] : memref<10x125xi32, #tpu.memory_space<vmem>> -> memref<1x125xi32, #tpu.memory_space<vmem>>
      %dma_start3A_1046 = tpu.memref_squeeze %dma_start3A_1045 : memref<1x125xi32, #tpu.memory_space<vmem>> -> memref<125xi32, #tpu.memory_space<vmem>>
      %dma_start3A_1047 = arith.constant 0 : i32
      %dma_start3A_1048 = arith.constant 0 : i32
      %dma_start3A_1049 = tpu.memref_slice %arg19[%dma_start3A_1047, %dma_start3A_1048] : memref<10240x128xbf16, #tpu.memory_space<vmem_shared>> -> memref<10240x128xbf16, #tpu.memory_space<vmem_shared>>
      tpu.enqueue_indirect_dma source(%arg14 : memref<125x128xbf16, #tpu.memory_space<vmem>>) target(%dma_start3A_1049 : memref<10240x128xbf16, #tpu.memory_space<vmem_shared>>) offsets(%dma_start3A_1046 : memref<125xi32, #tpu.memory_space<vmem>>) semaphore(%arg37 : memref<!tpu.dma_semaphore, #tpu.memory_space<semaphore_mem>>) {add = true}
      %dma_wait3A_1050 = arith.constant 6 : i32
      %dma_wait3A_1051 = arith.constant 0 : i32
      %dma_wait3A_1052 = tpu.memref_slice %arg7[%dma_wait3A_1050, %dma_wait3A_1051] : memref<10x125xi32, #tpu.memory_space<vmem>> -> memref<1x125xi32, #tpu.memory_space<vmem>>
      %dma_wait3A_1053 = tpu.memref_squeeze %dma_wait3A_1052 : memref<1x125xi32, #tpu.memory_space<vmem>> -> memref<125xi32, #tpu.memory_space<vmem>>
      %dma_wait3A_1054 = arith.constant 0 : i32
      %dma_wait3A_1055 = arith.constant 0 : i32
      %dma_wait3A_1056 = tpu.memref_slice %arg2[%dma_wait3A_1054, %dma_wait3A_1055] : memref<10000x128xbf16, #tpu.memory_space<hbm>> -> memref<10000x128xbf16, #tpu.memory_space<hbm>>
      tpu.wait_indirect_dma semaphore(%arg28 : memref<!tpu.dma_semaphore, #tpu.memory_space<semaphore_mem>>) src(%dma_wait3A_1056 : memref<10000x128xbf16, #tpu.memory_space<hbm>>) dst(%arg15 : memref<125x128xbf16, #tpu.memory_space<vmem>>)
      %dma_start3A_1057 = arith.constant 6 : i32
      %dma_start3A_1058 = arith.constant 0 : i32
      %dma_start3A_1059 = tpu.memref_slice %arg8[%dma_start3A_1057, %dma_start3A_1058] : memref<10x125xi32, #tpu.memory_space<vmem>> -> memref<1x125xi32, #tpu.memory_space<vmem>>
      %dma_start3A_1060 = tpu.memref_squeeze %dma_start3A_1059 : memref<1x125xi32, #tpu.memory_space<vmem>> -> memref<125xi32, #tpu.memory_space<vmem>>
      %dma_start3A_1061 = arith.constant 0 : i32
      %dma_start3A_1062 = arith.constant 0 : i32
      %dma_start3A_1063 = tpu.memref_slice %arg19[%dma_start3A_1061, %dma_start3A_1062] : memref<10240x128xbf16, #tpu.memory_space<vmem_shared>> -> memref<10240x128xbf16, #tpu.memory_space<vmem_shared>>
      tpu.enqueue_indirect_dma source(%arg15 : memref<125x128xbf16, #tpu.memory_space<vmem>>) target(%dma_start3A_1063 : memref<10240x128xbf16, #tpu.memory_space<vmem_shared>>) offsets(%dma_start3A_1060 : memref<125xi32, #tpu.memory_space<vmem>>) semaphore(%arg38 : memref<!tpu.dma_semaphore, #tpu.memory_space<semaphore_mem>>) {add = true}
      %dma_wait3A_1064 = arith.constant 7 : i32
      %dma_wait3A_1065 = arith.constant 0 : i32
      %dma_wait3A_1066 = tpu.memref_slice %arg7[%dma_wait3A_1064, %dma_wait3A_1065] : memref<10x125xi32, #tpu.memory_space<vmem>> -> memref<1x125xi32, #tpu.memory_space<vmem>>
      %dma_wait3A_1067 = tpu.memref_squeeze %dma_wait3A_1066 : memref<1x125xi32, #tpu.memory_space<vmem>> -> memref<125xi32, #tpu.memory_space<vmem>>
      %dma_wait3A_1068 = arith.constant 0 : i32
      %dma_wait3A_1069 = arith.constant 0 : i32
      %dma_wait3A_1070 = tpu.memref_slice %arg2[%dma_wait3A_1068, %dma_wait3A_1069] : memref<10000x128xbf16, #tpu.memory_space<hbm>> -> memref<10000x128xbf16, #tpu.memory_space<hbm>>
      tpu.wait_indirect_dma semaphore(%arg29 : memref<!tpu.dma_semaphore, #tpu.memory_space<semaphore_mem>>) src(%dma_wait3A_1070 : memref<10000x128xbf16, #tpu.memory_space<hbm>>) dst(%arg16 : memref<125x128xbf16, #tpu.memory_space<vmem>>)
      %dma_start3A_1071 = arith.constant 7 : i32
      %dma_start3A_1072 = arith.constant 0 : i32
      %dma_start3A_1073 = tpu.memref_slice %arg8[%dma_start3A_1071, %dma_start3A_1072] : memref<10x125xi32, #tpu.memory_space<vmem>> -> memref<1x125xi32, #tpu.memory_space<vmem>>
      %dma_start3A_1074 = tpu.memref_squeeze %dma_start3A_1073 : memref<1x125xi32, #tpu.memory_space<vmem>> -> memref<125xi32, #tpu.memory_space<vmem>>
      %dma_start3A_1075 = arith.constant 0 : i32
      %dma_start3A_1076 = arith.constant 0 : i32
      %dma_start3A_1077 = tpu.memref_slice %arg19[%dma_start3A_1075, %dma_start3A_1076] : memref<10240x128xbf16, #tpu.memory_space<vmem_shared>> -> memref<10240x128xbf16, #tpu.memory_space<vmem_shared>>
      tpu.enqueue_indirect_dma source(%arg16 : memref<125x128xbf16, #tpu.memory_space<vmem>>) target(%dma_start3A_1077 : memref<10240x128xbf16, #tpu.memory_space<vmem_shared>>) offsets(%dma_start3A_1074 : memref<125xi32, #tpu.memory_space<vmem>>) semaphore(%arg39 : memref<!tpu.dma_semaphore, #tpu.memory_space<semaphore_mem>>) {add = true}
      %dma_wait3A_1078 = arith.constant 8 : i32
      %dma_wait3A_1079 = arith.constant 0 : i32
      %dma_wait3A_1080 = tpu.memref_slice %arg7[%dma_wait3A_1078, %dma_wait3A_1079] : memref<10x125xi32, #tpu.memory_space<vmem>> -> memref<1x125xi32, #tpu.memory_space<vmem>>
      %dma_wait3A_1081 = tpu.memref_squeeze %dma_wait3A_1080 : memref<1x125xi32, #tpu.memory_space<vmem>> -> memref<125xi32, #tpu.memory_space<vmem>>
      %dma_wait3A_1082 = arith.constant 0 : i32
      %dma_wait3A_1083 = arith.constant 0 : i32
      %dma_wait3A_1084 = tpu.memref_slice %arg2[%dma_wait3A_1082, %dma_wait3A_1083] : memref<10000x128xbf16, #tpu.memory_space<hbm>> -> memref<10000x128xbf16, #tpu.memory_space<hbm>>
      tpu.wait_indirect_dma semaphore(%arg30 : memref<!tpu.dma_semaphore, #tpu.memory_space<semaphore_mem>>) src(%dma_wait3A_1084 : memref<10000x128xbf16, #tpu.memory_space<hbm>>) dst(%arg17 : memref<125x128xbf16, #tpu.memory_space<vmem>>)
      %dma_start3A_1085 = arith.constant 8 : i32
      %dma_start3A_1086 = arith.constant 0 : i32
      %dma_start3A_1087 = tpu.memref_slice %arg8[%dma_start3A_1085, %dma_start3A_1086] : memref<10x125xi32, #tpu.memory_space<vmem>> -> memref<1x125xi32, #tpu.memory_space<vmem>>
      %dma_start3A_1088 = tpu.memref_squeeze %dma_start3A_1087 : memref<1x125xi32, #tpu.memory_space<vmem>> -> memref<125xi32, #tpu.memory_space<vmem>>
      %dma_start3A_1089 = arith.constant 0 : i32
      %dma_start3A_1090 = arith.constant 0 : i32
      %dma_start3A_1091 = tpu.memref_slice %arg19[%dma_start3A_1089, %dma_start3A_1090] : memref<10240x128xbf16, #tpu.memory_space<vmem_shared>> -> memref<10240x128xbf16, #tpu.memory_space<vmem_shared>>
      tpu.enqueue_indirect_dma source(%arg17 : memref<125x128xbf16, #tpu.memory_space<vmem>>) target(%dma_start3A_1091 : memref<10240x128xbf16, #tpu.memory_space<vmem_shared>>) offsets(%dma_start3A_1088 : memref<125xi32, #tpu.memory_space<vmem>>) semaphore(%arg40 : memref<!tpu.dma_semaphore, #tpu.memory_space<semaphore_mem>>) {add = true}
      %dma_wait3A_1092 = arith.constant 9 : i32
      %dma_wait3A_1093 = arith.constant 0 : i32
      %dma_wait3A_1094 = tpu.memref_slice %arg7[%dma_wait3A_1092, %dma_wait3A_1093] : memref<10x125xi32, #tpu.memory_space<vmem>> -> memref<1x125xi32, #tpu.memory_space<vmem>>
      %dma_wait3A_1095 = tpu.memref_squeeze %dma_wait3A_1094 : memref<1x125xi32, #tpu.memory_space<vmem>> -> memref<125xi32, #tpu.memory_space<vmem>>
      %dma_wait3A_1096 = arith.constant 0 : i32
      %dma_wait3A_1097 = arith.constant 0 : i32
      %dma_wait3A_1098 = tpu.memref_slice %arg2[%dma_wait3A_1096, %dma_wait3A_1097] : memref<10000x128xbf16, #tpu.memory_space<hbm>> -> memref<10000x128xbf16, #tpu.memory_space<hbm>>
      tpu.wait_indirect_dma semaphore(%arg31 : memref<!tpu.dma_semaphore, #tpu.memory_space<semaphore_mem>>) src(%dma_wait3A_1098 : memref<10000x128xbf16, #tpu.memory_space<hbm>>) dst(%arg18 : memref<125x128xbf16, #tpu.memory_space<vmem>>)
      %dma_start3A_1099 = arith.constant 9 : i32
      %dma_start3A_1100 = arith.constant 0 : i32
      %dma_start3A_1101 = tpu.memref_slice %arg8[%dma_start3A_1099, %dma_start3A_1100] : memref<10x125xi32, #tpu.memory_space<vmem>> -> memref<1x125xi32, #tpu.memory_space<vmem>>
      %dma_start3A_1102 = tpu.memref_squeeze %dma_start3A_1101 : memref<1x125xi32, #tpu.memory_space<vmem>> -> memref<125xi32, #tpu.memory_space<vmem>>
      %dma_start3A_1103 = arith.constant 0 : i32
      %dma_start3A_1104 = arith.constant 0 : i32
      %dma_start3A_1105 = tpu.memref_slice %arg19[%dma_start3A_1103, %dma_start3A_1104] : memref<10240x128xbf16, #tpu.memory_space<vmem_shared>> -> memref<10240x128xbf16, #tpu.memory_space<vmem_shared>>
      tpu.enqueue_indirect_dma source(%arg18 : memref<125x128xbf16, #tpu.memory_space<vmem>>) target(%dma_start3A_1105 : memref<10240x128xbf16, #tpu.memory_space<vmem_shared>>) offsets(%dma_start3A_1102 : memref<125xi32, #tpu.memory_space<vmem>>) semaphore(%arg41 : memref<!tpu.dma_semaphore, #tpu.memory_space<semaphore_mem>>) {add = true}
      %dma_wait3A_1106 = arith.constant 0 : i32
      %dma_wait3A_1107 = arith.constant 0 : i32
      %dma_wait3A_1108 = arith.constant 0 : i32
      %dma_wait3A_1109 = tpu.memref_slice %arg3[%dma_wait3A_1106, %add3A, %dma_wait3A_1107, %dma_wait3A_1108] : memref<2x32x80x125xi32, #tpu.memory_space<hbm>> -> memref<1x1x10x125xi32, #tpu.memory_space<hbm>>
      %dma_wait3A_1110 = tpu.memref_squeeze %dma_wait3A_1109 : memref<1x1x10x125xi32, #tpu.memory_space<hbm>> -> memref<10x125xi32, #tpu.memory_space<hbm>>
      %dma_wait3A_1111 = arith.constant 0 : i32
      %dma_wait3A_1112 = arith.constant 0 : i32
      %dma_wait3A_1113 = tpu.memref_slice %arg3[%dma_wait3A_1106, %add3A, %dma_wait3A_1111, %dma_wait3A_1112] : memref<2x32x80x125xi32, #tpu.memory_space<hbm>> -> memref<1x1x10x125xi32, #tpu.memory_space<hbm>>
      %dma_wait3A_1114 = tpu.memref_squeeze %dma_wait3A_1113 : memref<1x1x10x125xi32, #tpu.memory_space<hbm>> -> memref<10x125xi32, #tpu.memory_space<hbm>>
      tpu.wait_dma2 semaphore(%arg20 : memref<!tpu.dma_semaphore, #tpu.memory_space<semaphore_mem>>) src(%dma_wait3A_1114 : memref<10x125xi32, #tpu.memory_space<hbm>>) dst(%arg5 : memref<10x125xi32, #tpu.memory_space<vmem>>)
      %dma_wait3A_1115 = arith.constant 1 : i32
      %dma_wait3A_1116 = arith.constant 0 : i32
      %dma_wait3A_1117 = arith.constant 0 : i32
      %dma_wait3A_1118 = tpu.memref_slice %arg3[%dma_wait3A_1115, %add3A, %dma_wait3A_1116, %dma_wait3A_1117] : memref<2x32x80x125xi32, #tpu.memory_space<hbm>> -> memref<1x1x10x125xi32, #tpu.memory_space<hbm>>
      %dma_wait3A_1119 = tpu.memref_squeeze %dma_wait3A_1118 : memref<1x1x10x125xi32, #tpu.memory_space<hbm>> -> memref<10x125xi32, #tpu.memory_space<hbm>>
      %dma_wait3A_1120 = arith.constant 0 : i32
      %dma_wait3A_1121 = arith.constant 0 : i32
      %dma_wait3A_1122 = tpu.memref_slice %arg3[%dma_wait3A_1115, %add3A, %dma_wait3A_1120, %dma_wait3A_1121] : memref<2x32x80x125xi32, #tpu.memory_space<hbm>> -> memref<1x1x10x125xi32, #tpu.memory_space<hbm>>
      %dma_wait3A_1123 = tpu.memref_squeeze %dma_wait3A_1122 : memref<1x1x10x125xi32, #tpu.memory_space<hbm>> -> memref<10x125xi32, #tpu.memory_space<hbm>>
      tpu.wait_dma2 semaphore(%arg20 : memref<!tpu.dma_semaphore, #tpu.memory_space<semaphore_mem>>) src(%dma_wait3A_1123 : memref<10x125xi32, #tpu.memory_space<hbm>>) dst(%arg6 : memref<10x125xi32, #tpu.memory_space<vmem>>)
      %dma_wait3A_1124 = arith.constant 0 : i32
      %dma_wait3A_1125 = arith.constant 0 : i32
      %dma_wait3A_1126 = tpu.memref_slice %arg8[%dma_wait3A_1124, %dma_wait3A_1125] : memref<10x125xi32, #tpu.memory_space<vmem>> -> memref<1x125xi32, #tpu.memory_space<vmem>>
      %dma_wait3A_1127 = tpu.memref_squeeze %dma_wait3A_1126 : memref<1x125xi32, #tpu.memory_space<vmem>> -> memref<125xi32, #tpu.memory_space<vmem>>
      %dma_wait3A_1128 = arith.constant 0 : i32
      %dma_wait3A_1129 = arith.constant 0 : i32
      %dma_wait3A_1130 = tpu.memref_slice %arg19[%dma_wait3A_1128, %dma_wait3A_1129] : memref<10240x128xbf16, #tpu.memory_space<vmem_shared>> -> memref<10240x128xbf16, #tpu.memory_space<vmem_shared>>
      tpu.wait_indirect_dma semaphore(%arg32 : memref<!tpu.dma_semaphore, #tpu.memory_space<semaphore_mem>>) src(%arg9 : memref<125x128xbf16, #tpu.memory_space<vmem>>) dst(%dma_wait3A_1130 : memref<10240x128xbf16, #tpu.memory_space<vmem_shared>>)
      %dma_start3A_1131 = arith.constant 0 : i32
      %dma_start3A_1132 = arith.constant 0 : i32
      %dma_start3A_1133 = tpu.memref_slice %arg5[%dma_start3A_1131, %dma_start3A_1132] : memref<10x125xi32, #tpu.memory_space<vmem>> -> memref<1x125xi32, #tpu.memory_space<vmem>>
      %dma_start3A_1134 = tpu.memref_squeeze %dma_start3A_1133 : memref<1x125xi32, #tpu.memory_space<vmem>> -> memref<125xi32, #tpu.memory_space<vmem>>
      %dma_start3A_1135 = arith.constant 0 : i32
      %dma_start3A_1136 = arith.constant 0 : i32
      %dma_start3A_1137 = tpu.memref_slice %arg2[%dma_start3A_1135, %dma_start3A_1136] : memref<10000x128xbf16, #tpu.memory_space<hbm>> -> memref<10000x128xbf16, #tpu.memory_space<hbm>>
      tpu.enqueue_indirect_dma source(%dma_start3A_1137 : memref<10000x128xbf16, #tpu.memory_space<hbm>>) target(%arg9 : memref<125x128xbf16, #tpu.memory_space<vmem>>) offsets(%dma_start3A_1134 : memref<125xi32, #tpu.memory_space<vmem>>) semaphore(%arg22 : memref<!tpu.dma_semaphore, #tpu.memory_space<semaphore_mem>>)
      %dma_wait3A_1138 = arith.constant 1 : i32
      %dma_wait3A_1139 = arith.constant 0 : i32
      %dma_wait3A_1140 = tpu.memref_slice %arg8[%dma_wait3A_1138, %dma_wait3A_1139] : memref<10x125xi32, #tpu.memory_space<vmem>> -> memref<1x125xi32, #tpu.memory_space<vmem>>
      %dma_wait3A_1141 = tpu.memref_squeeze %dma_wait3A_1140 : memref<1x125xi32, #tpu.memory_space<vmem>> -> memref<125xi32, #tpu.memory_space<vmem>>
      %dma_wait3A_1142 = arith.constant 0 : i32
      %dma_wait3A_1143 = arith.constant 0 : i32
      %dma_wait3A_1144 = tpu.memref_slice %arg19[%dma_wait3A_1142, %dma_wait3A_1143] : memref<10240x128xbf16, #tpu.memory_space<vmem_shared>> -> memref<10240x128xbf16, #tpu.memory_space<vmem_shared>>
      tpu.wait_indirect_dma semaphore(%arg33 : memref<!tpu.dma_semaphore, #tpu.memory_space<semaphore_mem>>) src(%arg10 : memref<125x128xbf16, #tpu.memory_space<vmem>>) dst(%dma_wait3A_1144 : memref<10240x128xbf16, #tpu.memory_space<vmem_shared>>)
      %dma_start3A_1145 = arith.constant 1 : i32
      %dma_start3A_1146 = arith.constant 0 : i32
      %dma_start3A_1147 = tpu.memref_slice %arg5[%dma_start3A_1145, %dma_start3A_1146] : memref<10x125xi32, #tpu.memory_space<vmem>> -> memref<1x125xi32, #tpu.memory_space<vmem>>
      %dma_start3A_1148 = tpu.memref_squeeze %dma_start3A_1147 : memref<1x125xi32, #tpu.memory_space<vmem>> -> memref<125xi32, #tpu.memory_space<vmem>>
      %dma_start3A_1149 = arith.constant 0 : i32
      %dma_start3A_1150 = arith.constant 0 : i32
      %dma_start3A_1151 = tpu.memref_slice %arg2[%dma_start3A_1149, %dma_start3A_1150] : memref<10000x128xbf16, #tpu.memory_space<hbm>> -> memref<10000x128xbf16, #tpu.memory_space<hbm>>
      tpu.enqueue_indirect_dma source(%dma_start3A_1151 : memref<10000x128xbf16, #tpu.memory_space<hbm>>) target(%arg10 : memref<125x128xbf16, #tpu.memory_space<vmem>>) offsets(%dma_start3A_1148 : memref<125xi32, #tpu.memory_space<vmem>>) semaphore(%arg23 : memref<!tpu.dma_semaphore, #tpu.memory_space<semaphore_mem>>)
      %dma_wait3A_1152 = arith.constant 2 : i32
      %dma_wait3A_1153 = arith.constant 0 : i32
      %dma_wait3A_1154 = tpu.memref_slice %arg8[%dma_wait3A_1152, %dma_wait3A_1153] : memref<10x125xi32, #tpu.memory_space<vmem>> -> memref<1x125xi32, #tpu.memory_space<vmem>>
      %dma_wait3A_1155 = tpu.memref_squeeze %dma_wait3A_1154 : memref<1x125xi32, #tpu.memory_space<vmem>> -> memref<125xi32, #tpu.memory_space<vmem>>
      %dma_wait3A_1156 = arith.constant 0 : i32
      %dma_wait3A_1157 = arith.constant 0 : i32
      %dma_wait3A_1158 = tpu.memref_slice %arg19[%dma_wait3A_1156, %dma_wait3A_1157] : memref<10240x128xbf16, #tpu.memory_space<vmem_shared>> -> memref<10240x128xbf16, #tpu.memory_space<vmem_shared>>
      tpu.wait_indirect_dma semaphore(%arg34 : memref<!tpu.dma_semaphore, #tpu.memory_space<semaphore_mem>>) src(%arg11 : memref<125x128xbf16, #tpu.memory_space<vmem>>) dst(%dma_wait3A_1158 : memref<10240x128xbf16, #tpu.memory_space<vmem_shared>>)
      %dma_start3A_1159 = arith.constant 2 : i32
      %dma_start3A_1160 = arith.constant 0 : i32
      %dma_start3A_1161 = tpu.memref_slice %arg5[%dma_start3A_1159, %dma_start3A_1160] : memref<10x125xi32, #tpu.memory_space<vmem>> -> memref<1x125xi32, #tpu.memory_space<vmem>>
      %dma_start3A_1162 = tpu.memref_squeeze %dma_start3A_1161 : memref<1x125xi32, #tpu.memory_space<vmem>> -> memref<125xi32, #tpu.memory_space<vmem>>
      %dma_start3A_1163 = arith.constant 0 : i32
      %dma_start3A_1164 = arith.constant 0 : i32
      %dma_start3A_1165 = tpu.memref_slice %arg2[%dma_start3A_1163, %dma_start3A_1164] : memref<10000x128xbf16, #tpu.memory_space<hbm>> -> memref<10000x128xbf16, #tpu.memory_space<hbm>>
      tpu.enqueue_indirect_dma source(%dma_start3A_1165 : memref<10000x128xbf16, #tpu.memory_space<hbm>>) target(%arg11 : memref<125x128xbf16, #tpu.memory_space<vmem>>) offsets(%dma_start3A_1162 : memref<125xi32, #tpu.memory_space<vmem>>) semaphore(%arg24 : memref<!tpu.dma_semaphore, #tpu.memory_space<semaphore_mem>>)
      %dma_wait3A_1166 = arith.constant 3 : i32
      %dma_wait3A_1167 = arith.constant 0 : i32
      %dma_wait3A_1168 = tpu.memref_slice %arg8[%dma_wait3A_1166, %dma_wait3A_1167] : memref<10x125xi32, #tpu.memory_space<vmem>> -> memref<1x125xi32, #tpu.memory_space<vmem>>
      %dma_wait3A_1169 = tpu.memref_squeeze %dma_wait3A_1168 : memref<1x125xi32, #tpu.memory_space<vmem>> -> memref<125xi32, #tpu.memory_space<vmem>>
      %dma_wait3A_1170 = arith.constant 0 : i32
      %dma_wait3A_1171 = arith.constant 0 : i32
      %dma_wait3A_1172 = tpu.memref_slice %arg19[%dma_wait3A_1170, %dma_wait3A_1171] : memref<10240x128xbf16, #tpu.memory_space<vmem_shared>> -> memref<10240x128xbf16, #tpu.memory_space<vmem_shared>>
      tpu.wait_indirect_dma semaphore(%arg35 : memref<!tpu.dma_semaphore, #tpu.memory_space<semaphore_mem>>) src(%arg12 : memref<125x128xbf16, #tpu.memory_space<vmem>>) dst(%dma_wait3A_1172 : memref<10240x128xbf16, #tpu.memory_space<vmem_shared>>)
      %dma_start3A_1173 = arith.constant 3 : i32
      %dma_start3A_1174 = arith.constant 0 : i32
      %dma_start3A_1175 = tpu.memref_slice %arg5[%dma_start3A_1173, %dma_start3A_1174] : memref<10x125xi32, #tpu.memory_space<vmem>> -> memref<1x125xi32, #tpu.memory_space<vmem>>
      %dma_start3A_1176 = tpu.memref_squeeze %dma_start3A_1175 : memref<1x125xi32, #tpu.memory_space<vmem>> -> memref<125xi32, #tpu.memory_space<vmem>>
      %dma_start3A_1177 = arith.constant 0 : i32
      %dma_start3A_1178 = arith.constant 0 : i32
      %dma_start3A_1179 = tpu.memref_slice %arg2[%dma_start3A_1177, %dma_start3A_1178] : memref<10000x128xbf16, #tpu.memory_space<hbm>> -> memref<10000x128xbf16, #tpu.memory_space<hbm>>
      tpu.enqueue_indirect_dma source(%dma_start3A_1179 : memref<10000x128xbf16, #tpu.memory_space<hbm>>) target(%arg12 : memref<125x128xbf16, #tpu.memory_space<vmem>>) offsets(%dma_start3A_1176 : memref<125xi32, #tpu.memory_space<vmem>>) semaphore(%arg25 : memref<!tpu.dma_semaphore, #tpu.memory_space<semaphore_mem>>)
      %dma_wait3A_1180 = arith.constant 4 : i32
      %dma_wait3A_1181 = arith.constant 0 : i32
      %dma_wait3A_1182 = tpu.memref_slice %arg8[%dma_wait3A_1180, %dma_wait3A_1181] : memref<10x125xi32, #tpu.memory_space<vmem>> -> memref<1x125xi32, #tpu.memory_space<vmem>>
      %dma_wait3A_1183 = tpu.memref_squeeze %dma_wait3A_1182 : memref<1x125xi32, #tpu.memory_space<vmem>> -> memref<125xi32, #tpu.memory_space<vmem>>
      %dma_wait3A_1184 = arith.constant 0 : i32
      %dma_wait3A_1185 = arith.constant 0 : i32
      %dma_wait3A_1186 = tpu.memref_slice %arg19[%dma_wait3A_1184, %dma_wait3A_1185] : memref<10240x128xbf16, #tpu.memory_space<vmem_shared>> -> memref<10240x128xbf16, #tpu.memory_space<vmem_shared>>
      tpu.wait_indirect_dma semaphore(%arg36 : memref<!tpu.dma_semaphore, #tpu.memory_space<semaphore_mem>>) src(%arg13 : memref<125x128xbf16, #tpu.memory_space<vmem>>) dst(%dma_wait3A_1186 : memref<10240x128xbf16, #tpu.memory_space<vmem_shared>>)
      %dma_start3A_1187 = arith.constant 4 : i32
      %dma_start3A_1188 = arith.constant 0 : i32
      %dma_start3A_1189 = tpu.memref_slice %arg5[%dma_start3A_1187, %dma_start3A_1188] : memref<10x125xi32, #tpu.memory_space<vmem>> -> memref<1x125xi32, #tpu.memory_space<vmem>>
      %dma_start3A_1190 = tpu.memref_squeeze %dma_start3A_1189 : memref<1x125xi32, #tpu.memory_space<vmem>> -> memref<125xi32, #tpu.memory_space<vmem>>
      %dma_start3A_1191 = arith.constant 0 : i32
      %dma_start3A_1192 = arith.constant 0 : i32
      %dma_start3A_1193 = tpu.memref_slice %arg2[%dma_start3A_1191, %dma_start3A_1192] : memref<10000x128xbf16, #tpu.memory_space<hbm>> -> memref<10000x128xbf16, #tpu.memory_space<hbm>>
      tpu.enqueue_indirect_dma source(%dma_start3A_1193 : memref<10000x128xbf16, #tpu.memory_space<hbm>>) target(%arg13 : memref<125x128xbf16, #tpu.memory_space<vmem>>) offsets(%dma_start3A_1190 : memref<125xi32, #tpu.memory_space<vmem>>) semaphore(%arg26 : memref<!tpu.dma_semaphore, #tpu.memory_space<semaphore_mem>>)
      %dma_wait3A_1194 = arith.constant 5 : i32
      %dma_wait3A_1195 = arith.constant 0 : i32
      %dma_wait3A_1196 = tpu.memref_slice %arg8[%dma_wait3A_1194, %dma_wait3A_1195] : memref<10x125xi32, #tpu.memory_space<vmem>> -> memref<1x125xi32, #tpu.memory_space<vmem>>
      %dma_wait3A_1197 = tpu.memref_squeeze %dma_wait3A_1196 : memref<1x125xi32, #tpu.memory_space<vmem>> -> memref<125xi32, #tpu.memory_space<vmem>>
      %dma_wait3A_1198 = arith.constant 0 : i32
      %dma_wait3A_1199 = arith.constant 0 : i32
      %dma_wait3A_1200 = tpu.memref_slice %arg19[%dma_wait3A_1198, %dma_wait3A_1199] : memref<10240x128xbf16, #tpu.memory_space<vmem_shared>> -> memref<10240x128xbf16, #tpu.memory_space<vmem_shared>>
      tpu.wait_indirect_dma semaphore(%arg37 : memref<!tpu.dma_semaphore, #tpu.memory_space<semaphore_mem>>) src(%arg14 : memref<125x128xbf16, #tpu.memory_space<vmem>>) dst(%dma_wait3A_1200 : memref<10240x128xbf16, #tpu.memory_space<vmem_shared>>)
      %dma_start3A_1201 = arith.constant 5 : i32
      %dma_start3A_1202 = arith.constant 0 : i32
      %dma_start3A_1203 = tpu.memref_slice %arg5[%dma_start3A_1201, %dma_start3A_1202] : memref<10x125xi32, #tpu.memory_space<vmem>> -> memref<1x125xi32, #tpu.memory_space<vmem>>
      %dma_start3A_1204 = tpu.memref_squeeze %dma_start3A_1203 : memref<1x125xi32, #tpu.memory_space<vmem>> -> memref<125xi32, #tpu.memory_space<vmem>>
      %dma_start3A_1205 = arith.constant 0 : i32
      %dma_start3A_1206 = arith.constant 0 : i32
      %dma_start3A_1207 = tpu.memref_slice %arg2[%dma_start3A_1205, %dma_start3A_1206] : memref<10000x128xbf16, #tpu.memory_space<hbm>> -> memref<10000x128xbf16, #tpu.memory_space<hbm>>
      tpu.enqueue_indirect_dma source(%dma_start3A_1207 : memref<10000x128xbf16, #tpu.memory_space<hbm>>) target(%arg14 : memref<125x128xbf16, #tpu.memory_space<vmem>>) offsets(%dma_start3A_1204 : memref<125xi32, #tpu.memory_space<vmem>>) semaphore(%arg27 : memref<!tpu.dma_semaphore, #tpu.memory_space<semaphore_mem>>)
      %dma_wait3A_1208 = arith.constant 6 : i32
      %dma_wait3A_1209 = arith.constant 0 : i32
      %dma_wait3A_1210 = tpu.memref_slice %arg8[%dma_wait3A_1208, %dma_wait3A_1209] : memref<10x125xi32, #tpu.memory_space<vmem>> -> memref<1x125xi32, #tpu.memory_space<vmem>>
      %dma_wait3A_1211 = tpu.memref_squeeze %dma_wait3A_1210 : memref<1x125xi32, #tpu.memory_space<vmem>> -> memref<125xi32, #tpu.memory_space<vmem>>
      %dma_wait3A_1212 = arith.constant 0 : i32
      %dma_wait3A_1213 = arith.constant 0 : i32
      %dma_wait3A_1214 = tpu.memref_slice %arg19[%dma_wait3A_1212, %dma_wait3A_1213] : memref<10240x128xbf16, #tpu.memory_space<vmem_shared>> -> memref<10240x128xbf16, #tpu.memory_space<vmem_shared>>
      tpu.wait_indirect_dma semaphore(%arg38 : memref<!tpu.dma_semaphore, #tpu.memory_space<semaphore_mem>>) src(%arg15 : memref<125x128xbf16, #tpu.memory_space<vmem>>) dst(%dma_wait3A_1214 : memref<10240x128xbf16, #tpu.memory_space<vmem_shared>>)
      %dma_start3A_1215 = arith.constant 6 : i32
      %dma_start3A_1216 = arith.constant 0 : i32
      %dma_start3A_1217 = tpu.memref_slice %arg5[%dma_start3A_1215, %dma_start3A_1216] : memref<10x125xi32, #tpu.memory_space<vmem>> -> memref<1x125xi32, #tpu.memory_space<vmem>>
      %dma_start3A_1218 = tpu.memref_squeeze %dma_start3A_1217 : memref<1x125xi32, #tpu.memory_space<vmem>> -> memref<125xi32, #tpu.memory_space<vmem>>
      %dma_start3A_1219 = arith.constant 0 : i32
      %dma_start3A_1220 = arith.constant 0 : i32
      %dma_start3A_1221 = tpu.memref_slice %arg2[%dma_start3A_1219, %dma_start3A_1220] : memref<10000x128xbf16, #tpu.memory_space<hbm>> -> memref<10000x128xbf16, #tpu.memory_space<hbm>>
      tpu.enqueue_indirect_dma source(%dma_start3A_1221 : memref<10000x128xbf16, #tpu.memory_space<hbm>>) target(%arg15 : memref<125x128xbf16, #tpu.memory_space<vmem>>) offsets(%dma_start3A_1218 : memref<125xi32, #tpu.memory_space<vmem>>) semaphore(%arg28 : memref<!tpu.dma_semaphore, #tpu.memory_space<semaphore_mem>>)
      %dma_wait3A_1222 = arith.constant 7 : i32
      %dma_wait3A_1223 = arith.constant 0 : i32
      %dma_wait3A_1224 = tpu.memref_slice %arg8[%dma_wait3A_1222, %dma_wait3A_1223] : memref<10x125xi32, #tpu.memory_space<vmem>> -> memref<1x125xi32, #tpu.memory_space<vmem>>
      %dma_wait3A_1225 = tpu.memref_squeeze %dma_wait3A_1224 : memref<1x125xi32, #tpu.memory_space<vmem>> -> memref<125xi32, #tpu.memory_space<vmem>>
      %dma_wait3A_1226 = arith.constant 0 : i32
      %dma_wait3A_1227 = arith.constant 0 : i32
      %dma_wait3A_1228 = tpu.memref_slice %arg19[%dma_wait3A_1226, %dma_wait3A_1227] : memref<10240x128xbf16, #tpu.memory_space<vmem_shared>> -> memref<10240x128xbf16, #tpu.memory_space<vmem_shared>>
      tpu.wait_indirect_dma semaphore(%arg39 : memref<!tpu.dma_semaphore, #tpu.memory_space<semaphore_mem>>) src(%arg16 : memref<125x128xbf16, #tpu.memory_space<vmem>>) dst(%dma_wait3A_1228 : memref<10240x128xbf16, #tpu.memory_space<vmem_shared>>)
      %dma_start3A_1229 = arith.constant 7 : i32
      %dma_start3A_1230 = arith.constant 0 : i32
      %dma_start3A_1231 = tpu.memref_slice %arg5[%dma_start3A_1229, %dma_start3A_1230] : memref<10x125xi32, #tpu.memory_space<vmem>> -> memref<1x125xi32, #tpu.memory_space<vmem>>
      %dma_start3A_1232 = tpu.memref_squeeze %dma_start3A_1231 : memref<1x125xi32, #tpu.memory_space<vmem>> -> memref<125xi32, #tpu.memory_space<vmem>>
      %dma_start3A_1233 = arith.constant 0 : i32
      %dma_start3A_1234 = arith.constant 0 : i32
      %dma_start3A_1235 = tpu.memref_slice %arg2[%dma_start3A_1233, %dma_start3A_1234] : memref<10000x128xbf16, #tpu.memory_space<hbm>> -> memref<10000x128xbf16, #tpu.memory_space<hbm>>
      tpu.enqueue_indirect_dma source(%dma_start3A_1235 : memref<10000x128xbf16, #tpu.memory_space<hbm>>) target(%arg16 : memref<125x128xbf16, #tpu.memory_space<vmem>>) offsets(%dma_start3A_1232 : memref<125xi32, #tpu.memory_space<vmem>>) semaphore(%arg29 : memref<!tpu.dma_semaphore, #tpu.memory_space<semaphore_mem>>)
      %dma_wait3A_1236 = arith.constant 8 : i32
      %dma_wait3A_1237 = arith.constant 0 : i32
      %dma_wait3A_1238 = tpu.memref_slice %arg8[%dma_wait3A_1236, %dma_wait3A_1237] : memref<10x125xi32, #tpu.memory_space<vmem>> -> memref<1x125xi32, #tpu.memory_space<vmem>>
      %dma_wait3A_1239 = tpu.memref_squeeze %dma_wait3A_1238 : memref<1x125xi32, #tpu.memory_space<vmem>> -> memref<125xi32, #tpu.memory_space<vmem>>
      %dma_wait3A_1240 = arith.constant 0 : i32
      %dma_wait3A_1241 = arith.constant 0 : i32
      %dma_wait3A_1242 = tpu.memref_slice %arg19[%dma_wait3A_1240, %dma_wait3A_1241] : memref<10240x128xbf16, #tpu.memory_space<vmem_shared>> -> memref<10240x128xbf16, #tpu.memory_space<vmem_shared>>
      tpu.wait_indirect_dma semaphore(%arg40 : memref<!tpu.dma_semaphore, #tpu.memory_space<semaphore_mem>>) src(%arg17 : memref<125x128xbf16, #tpu.memory_space<vmem>>) dst(%dma_wait3A_1242 : memref<10240x128xbf16, #tpu.memory_space<vmem_shared>>)
      %dma_start3A_1243 = arith.constant 8 : i32
      %dma_start3A_1244 = arith.constant 0 : i32
      %dma_start3A_1245 = tpu.memref_slice %arg5[%dma_start3A_1243, %dma_start3A_1244] : memref<10x125xi32, #tpu.memory_space<vmem>> -> memref<1x125xi32, #tpu.memory_space<vmem>>
      %dma_start3A_1246 = tpu.memref_squeeze %dma_start3A_1245 : memref<1x125xi32, #tpu.memory_space<vmem>> -> memref<125xi32, #tpu.memory_space<vmem>>
      %dma_start3A_1247 = arith.constant 0 : i32
      %dma_start3A_1248 = arith.constant 0 : i32
      %dma_start3A_1249 = tpu.memref_slice %arg2[%dma_start3A_1247, %dma_start3A_1248] : memref<10000x128xbf16, #tpu.memory_space<hbm>> -> memref<10000x128xbf16, #tpu.memory_space<hbm>>
      tpu.enqueue_indirect_dma source(%dma_start3A_1249 : memref<10000x128xbf16, #tpu.memory_space<hbm>>) target(%arg17 : memref<125x128xbf16, #tpu.memory_space<vmem>>) offsets(%dma_start3A_1246 : memref<125xi32, #tpu.memory_space<vmem>>) semaphore(%arg30 : memref<!tpu.dma_semaphore, #tpu.memory_space<semaphore_mem>>)
      %dma_wait3A_1250 = arith.constant 9 : i32
      %dma_wait3A_1251 = arith.constant 0 : i32
      %dma_wait3A_1252 = tpu.memref_slice %arg8[%dma_wait3A_1250, %dma_wait3A_1251] : memref<10x125xi32, #tpu.memory_space<vmem>> -> memref<1x125xi32, #tpu.memory_space<vmem>>
      %dma_wait3A_1253 = tpu.memref_squeeze %dma_wait3A_1252 : memref<1x125xi32, #tpu.memory_space<vmem>> -> memref<125xi32, #tpu.memory_space<vmem>>
      %dma_wait3A_1254 = arith.constant 0 : i32
      %dma_wait3A_1255 = arith.constant 0 : i32
      %dma_wait3A_1256 = tpu.memref_slice %arg19[%dma_wait3A_1254, %dma_wait3A_1255] : memref<10240x128xbf16, #tpu.memory_space<vmem_shared>> -> memref<10240x128xbf16, #tpu.memory_space<vmem_shared>>
      tpu.wait_indirect_dma semaphore(%arg41 : memref<!tpu.dma_semaphore, #tpu.memory_space<semaphore_mem>>) src(%arg18 : memref<125x128xbf16, #tpu.memory_space<vmem>>) dst(%dma_wait3A_1256 : memref<10240x128xbf16, #tpu.memory_space<vmem_shared>>)
      %dma_start3A_1257 = arith.constant 9 : i32
      %dma_start3A_1258 = arith.constant 0 : i32
      %dma_start3A_1259 = tpu.memref_slice %arg5[%dma_start3A_1257, %dma_start3A_1258] : memref<10x125xi32, #tpu.memory_space<vmem>> -> memref<1x125xi32, #tpu.memory_space<vmem>>
      %dma_start3A_1260 = tpu.memref_squeeze %dma_start3A_1259 : memref<1x125xi32, #tpu.memory_space<vmem>> -> memref<125xi32, #tpu.memory_space<vmem>>
      %dma_start3A_1261 = arith.constant 0 : i32
      %dma_start3A_1262 = arith.constant 0 : i32
      %dma_start3A_1263 = tpu.memref_slice %arg2[%dma_start3A_1261, %dma_start3A_1262] : memref<10000x128xbf16, #tpu.memory_space<hbm>> -> memref<10000x128xbf16, #tpu.memory_space<hbm>>
      tpu.enqueue_indirect_dma source(%dma_start3A_1263 : memref<10000x128xbf16, #tpu.memory_space<hbm>>) target(%arg18 : memref<125x128xbf16, #tpu.memory_space<vmem>>) offsets(%dma_start3A_1260 : memref<125xi32, #tpu.memory_space<vmem>>) semaphore(%arg31 : memref<!tpu.dma_semaphore, #tpu.memory_space<semaphore_mem>>)
      %mul3A_1264 = arith.constant 2 : i32
      %mul3A_1265 = arith.muli %mul3A_1264, %scan3A_645 : i32
      %add3A_1266 = arith.constant 3 : i32
      %add3A_1267 = arith.addi %mul3A_1265, %add3A_1266 : i32
      %mul3A_1268 = arith.constant 10 : i32
      %mul3A_1269 = arith.muli %add3A_1267, %mul3A_1268 : i32
      %dma_start3A_1270 = arith.constant 0 : i32
      %dma_start3A_1271 = arith.constant 0 : i32
      %dma_start3A_1272 = tpu.memref_slice %arg3[%dma_start3A_1270, %add3A, %mul3A_1269, %dma_start3A_1271] : memref<2x32x80x125xi32, #tpu.memory_space<hbm>> -> memref<1x1x10x125xi32, #tpu.memory_space<hbm>>
      %dma_start3A_1273 = tpu.memref_squeeze %dma_start3A_1272 : memref<1x1x10x125xi32, #tpu.memory_space<hbm>> -> memref<10x125xi32, #tpu.memory_space<hbm>>
      %dma_start3A_1274 = arith.constant 0 : i32
      %dma_start3A_1275 = tpu.memref_slice %arg3[%dma_start3A_1270, %add3A, %mul3A_1269, %dma_start3A_1274] : memref<2x32x80x125xi32, #tpu.memory_space<hbm>> -> memref<1x1x10x125xi32, #tpu.memory_space<hbm>>
      %dma_start3A_1276 = tpu.memref_squeeze %dma_start3A_1275 : memref<1x1x10x125xi32, #tpu.memory_space<hbm>> -> memref<10x125xi32, #tpu.memory_space<hbm>>
      tpu.enqueue_dma source(%dma_start3A_1276 : memref<10x125xi32, #tpu.memory_space<hbm>>) target(%arg7 : memref<10x125xi32, #tpu.memory_space<vmem>>) target_semaphore(%arg21 : memref<!tpu.dma_semaphore, #tpu.memory_space<semaphore_mem>>)
      %mul3A_1277 = arith.constant 10 : i32
      %mul3A_1278 = arith.muli %add3A_1267, %mul3A_1277 : i32
      %dma_start3A_1279 = arith.constant 1 : i32
      %dma_start3A_1280 = arith.constant 0 : i32
      %dma_start3A_1281 = tpu.memref_slice %arg3[%dma_start3A_1279, %add3A, %mul3A_1278, %dma_start3A_1280] : memref<2x32x80x125xi32, #tpu.memory_space<hbm>> -> memref<1x1x10x125xi32, #tpu.memory_space<hbm>>
      %dma_start3A_1282 = tpu.memref_squeeze %dma_start3A_1281 : memref<1x1x10x125xi32, #tpu.memory_space<hbm>> -> memref<10x125xi32, #tpu.memory_space<hbm>>
      %dma_start3A_1283 = arith.constant 0 : i32
      %dma_start3A_1284 = tpu.memref_slice %arg3[%dma_start3A_1279, %add3A, %mul3A_1278, %dma_start3A_1283] : memref<2x32x80x125xi32, #tpu.memory_space<hbm>> -> memref<1x1x10x125xi32, #tpu.memory_space<hbm>>
      %dma_start3A_1285 = tpu.memref_squeeze %dma_start3A_1284 : memref<1x1x10x125xi32, #tpu.memory_space<hbm>> -> memref<10x125xi32, #tpu.memory_space<hbm>>
      tpu.enqueue_dma source(%dma_start3A_1285 : memref<10x125xi32, #tpu.memory_space<hbm>>) target(%arg8 : memref<10x125xi32, #tpu.memory_space<vmem>>) target_semaphore(%arg21 : memref<!tpu.dma_semaphore, #tpu.memory_space<semaphore_mem>>)
    }
    %scan3A_132 = arith.constant 3 : i32
    %dma_wait3A = arith.constant 0 : i32
    %dma_wait3A_133 = arith.constant 0 : i32
    %dma_wait3A_134 = tpu.memref_slice %arg5[%dma_wait3A, %dma_wait3A_133] : memref<10x125xi32, #tpu.memory_space<vmem>> -> memref<1x125xi32, #tpu.memory_space<vmem>>
    %dma_wait3A_135 = tpu.memref_squeeze %dma_wait3A_134 : memref<1x125xi32, #tpu.memory_space<vmem>> -> memref<125xi32, #tpu.memory_space<vmem>>
    %dma_wait3A_136 = arith.constant 0 : i32
    %dma_wait3A_137 = arith.constant 0 : i32
    %dma_wait3A_138 = tpu.memref_slice %arg2[%dma_wait3A_136, %dma_wait3A_137] : memref<10000x128xbf16, #tpu.memory_space<hbm>> -> memref<10000x128xbf16, #tpu.memory_space<hbm>>
    tpu.wait_indirect_dma semaphore(%arg22 : memref<!tpu.dma_semaphore, #tpu.memory_space<semaphore_mem>>) src(%dma_wait3A_138 : memref<10000x128xbf16, #tpu.memory_space<hbm>>) dst(%arg9 : memref<125x128xbf16, #tpu.memory_space<vmem>>)
    %dma_start3A_139 = arith.constant 0 : i32
    %dma_start3A_140 = arith.constant 0 : i32
    %dma_start3A_141 = tpu.memref_slice %arg6[%dma_start3A_139, %dma_start3A_140] : memref<10x125xi32, #tpu.memory_space<vmem>> -> memref<1x125xi32, #tpu.memory_space<vmem>>
    %dma_start3A_142 = tpu.memref_squeeze %dma_start3A_141 : memref<1x125xi32, #tpu.memory_space<vmem>> -> memref<125xi32, #tpu.memory_space<vmem>>
    %dma_start3A_143 = arith.constant 0 : i32
    %dma_start3A_144 = arith.constant 0 : i32
    %dma_start3A_145 = tpu.memref_slice %arg19[%dma_start3A_143, %dma_start3A_144] : memref<10240x128xbf16, #tpu.memory_space<vmem_shared>> -> memref<10240x128xbf16, #tpu.memory_space<vmem_shared>>
    tpu.enqueue_indirect_dma source(%arg9 : memref<125x128xbf16, #tpu.memory_space<vmem>>) target(%dma_start3A_145 : memref<10240x128xbf16, #tpu.memory_space<vmem_shared>>) offsets(%dma_start3A_142 : memref<125xi32, #tpu.memory_space<vmem>>) semaphore(%arg32 : memref<!tpu.dma_semaphore, #tpu.memory_space<semaphore_mem>>) {add = true}
    %dma_wait3A_146 = arith.constant 1 : i32
    %dma_wait3A_147 = arith.constant 0 : i32
    %dma_wait3A_148 = tpu.memref_slice %arg5[%dma_wait3A_146, %dma_wait3A_147] : memref<10x125xi32, #tpu.memory_space<vmem>> -> memref<1x125xi32, #tpu.memory_space<vmem>>
    %dma_wait3A_149 = tpu.memref_squeeze %dma_wait3A_148 : memref<1x125xi32, #tpu.memory_space<vmem>> -> memref<125xi32, #tpu.memory_space<vmem>>
    %dma_wait3A_150 = arith.constant 0 : i32
    %dma_wait3A_151 = arith.constant 0 : i32
    %dma_wait3A_152 = tpu.memref_slice %arg2[%dma_wait3A_150, %dma_wait3A_151] : memref<10000x128xbf16, #tpu.memory_space<hbm>> -> memref<10000x128xbf16, #tpu.memory_space<hbm>>
    tpu.wait_indirect_dma semaphore(%arg23 : memref<!tpu.dma_semaphore, #tpu.memory_space<semaphore_mem>>) src(%dma_wait3A_152 : memref<10000x128xbf16, #tpu.memory_space<hbm>>) dst(%arg10 : memref<125x128xbf16, #tpu.memory_space<vmem>>)
    %dma_start3A_153 = arith.constant 1 : i32
    %dma_start3A_154 = arith.constant 0 : i32
    %dma_start3A_155 = tpu.memref_slice %arg6[%dma_start3A_153, %dma_start3A_154] : memref<10x125xi32, #tpu.memory_space<vmem>> -> memref<1x125xi32, #tpu.memory_space<vmem>>
    %dma_start3A_156 = tpu.memref_squeeze %dma_start3A_155 : memref<1x125xi32, #tpu.memory_space<vmem>> -> memref<125xi32, #tpu.memory_space<vmem>>
    %dma_start3A_157 = arith.constant 0 : i32
    %dma_start3A_158 = arith.constant 0 : i32
    %dma_start3A_159 = tpu.memref_slice %arg19[%dma_start3A_157, %dma_start3A_158] : memref<10240x128xbf16, #tpu.memory_space<vmem_shared>> -> memref<10240x128xbf16, #tpu.memory_space<vmem_shared>>
    tpu.enqueue_indirect_dma source(%arg10 : memref<125x128xbf16, #tpu.memory_space<vmem>>) target(%dma_start3A_159 : memref<10240x128xbf16, #tpu.memory_space<vmem_shared>>) offsets(%dma_start3A_156 : memref<125xi32, #tpu.memory_space<vmem>>) semaphore(%arg33 : memref<!tpu.dma_semaphore, #tpu.memory_space<semaphore_mem>>) {add = true}
    %dma_wait3A_160 = arith.constant 2 : i32
    %dma_wait3A_161 = arith.constant 0 : i32
    %dma_wait3A_162 = tpu.memref_slice %arg5[%dma_wait3A_160, %dma_wait3A_161] : memref<10x125xi32, #tpu.memory_space<vmem>> -> memref<1x125xi32, #tpu.memory_space<vmem>>
    %dma_wait3A_163 = tpu.memref_squeeze %dma_wait3A_162 : memref<1x125xi32, #tpu.memory_space<vmem>> -> memref<125xi32, #tpu.memory_space<vmem>>
    %dma_wait3A_164 = arith.constant 0 : i32
    %dma_wait3A_165 = arith.constant 0 : i32
    %dma_wait3A_166 = tpu.memref_slice %arg2[%dma_wait3A_164, %dma_wait3A_165] : memref<10000x128xbf16, #tpu.memory_space<hbm>> -> memref<10000x128xbf16, #tpu.memory_space<hbm>>
    tpu.wait_indirect_dma semaphore(%arg24 : memref<!tpu.dma_semaphore, #tpu.memory_space<semaphore_mem>>) src(%dma_wait3A_166 : memref<10000x128xbf16, #tpu.memory_space<hbm>>) dst(%arg11 : memref<125x128xbf16, #tpu.memory_space<vmem>>)
    %dma_start3A_167 = arith.constant 2 : i32
    %dma_start3A_168 = arith.constant 0 : i32
    %dma_start3A_169 = tpu.memref_slice %arg6[%dma_start3A_167, %dma_start3A_168] : memref<10x125xi32, #tpu.memory_space<vmem>> -> memref<1x125xi32, #tpu.memory_space<vmem>>
    %dma_start3A_170 = tpu.memref_squeeze %dma_start3A_169 : memref<1x125xi32, #tpu.memory_space<vmem>> -> memref<125xi32, #tpu.memory_space<vmem>>
    %dma_start3A_171 = arith.constant 0 : i32
    %dma_start3A_172 = arith.constant 0 : i32
    %dma_start3A_173 = tpu.memref_slice %arg19[%dma_start3A_171, %dma_start3A_172] : memref<10240x128xbf16, #tpu.memory_space<vmem_shared>> -> memref<10240x128xbf16, #tpu.memory_space<vmem_shared>>
    tpu.enqueue_indirect_dma source(%arg11 : memref<125x128xbf16, #tpu.memory_space<vmem>>) target(%dma_start3A_173 : memref<10240x128xbf16, #tpu.memory_space<vmem_shared>>) offsets(%dma_start3A_170 : memref<125xi32, #tpu.memory_space<vmem>>) semaphore(%arg34 : memref<!tpu.dma_semaphore, #tpu.memory_space<semaphore_mem>>) {add = true}
    %dma_wait3A_174 = arith.constant 3 : i32
    %dma_wait3A_175 = arith.constant 0 : i32
    %dma_wait3A_176 = tpu.memref_slice %arg5[%dma_wait3A_174, %dma_wait3A_175] : memref<10x125xi32, #tpu.memory_space<vmem>> -> memref<1x125xi32, #tpu.memory_space<vmem>>
    %dma_wait3A_177 = tpu.memref_squeeze %dma_wait3A_176 : memref<1x125xi32, #tpu.memory_space<vmem>> -> memref<125xi32, #tpu.memory_space<vmem>>
    %dma_wait3A_178 = arith.constant 0 : i32
    %dma_wait3A_179 = arith.constant 0 : i32
    %dma_wait3A_180 = tpu.memref_slice %arg2[%dma_wait3A_178, %dma_wait3A_179] : memref<10000x128xbf16, #tpu.memory_space<hbm>> -> memref<10000x128xbf16, #tpu.memory_space<hbm>>
    tpu.wait_indirect_dma semaphore(%arg25 : memref<!tpu.dma_semaphore, #tpu.memory_space<semaphore_mem>>) src(%dma_wait3A_180 : memref<10000x128xbf16, #tpu.memory_space<hbm>>) dst(%arg12 : memref<125x128xbf16, #tpu.memory_space<vmem>>)
    %dma_start3A_181 = arith.constant 3 : i32
    %dma_start3A_182 = arith.constant 0 : i32
    %dma_start3A_183 = tpu.memref_slice %arg6[%dma_start3A_181, %dma_start3A_182] : memref<10x125xi32, #tpu.memory_space<vmem>> -> memref<1x125xi32, #tpu.memory_space<vmem>>
    %dma_start3A_184 = tpu.memref_squeeze %dma_start3A_183 : memref<1x125xi32, #tpu.memory_space<vmem>> -> memref<125xi32, #tpu.memory_space<vmem>>
    %dma_start3A_185 = arith.constant 0 : i32
    %dma_start3A_186 = arith.constant 0 : i32
    %dma_start3A_187 = tpu.memref_slice %arg19[%dma_start3A_185, %dma_start3A_186] : memref<10240x128xbf16, #tpu.memory_space<vmem_shared>> -> memref<10240x128xbf16, #tpu.memory_space<vmem_shared>>
    tpu.enqueue_indirect_dma source(%arg12 : memref<125x128xbf16, #tpu.memory_space<vmem>>) target(%dma_start3A_187 : memref<10240x128xbf16, #tpu.memory_space<vmem_shared>>) offsets(%dma_start3A_184 : memref<125xi32, #tpu.memory_space<vmem>>) semaphore(%arg35 : memref<!tpu.dma_semaphore, #tpu.memory_space<semaphore_mem>>) {add = true}
    %dma_wait3A_188 = arith.constant 4 : i32
    %dma_wait3A_189 = arith.constant 0 : i32
    %dma_wait3A_190 = tpu.memref_slice %arg5[%dma_wait3A_188, %dma_wait3A_189] : memref<10x125xi32, #tpu.memory_space<vmem>> -> memref<1x125xi32, #tpu.memory_space<vmem>>
    %dma_wait3A_191 = tpu.memref_squeeze %dma_wait3A_190 : memref<1x125xi32, #tpu.memory_space<vmem>> -> memref<125xi32, #tpu.memory_space<vmem>>
    %dma_wait3A_192 = arith.constant 0 : i32
    %dma_wait3A_193 = arith.constant 0 : i32
    %dma_wait3A_194 = tpu.memref_slice %arg2[%dma_wait3A_192, %dma_wait3A_193] : memref<10000x128xbf16, #tpu.memory_space<hbm>> -> memref<10000x128xbf16, #tpu.memory_space<hbm>>
    tpu.wait_indirect_dma semaphore(%arg26 : memref<!tpu.dma_semaphore, #tpu.memory_space<semaphore_mem>>) src(%dma_wait3A_194 : memref<10000x128xbf16, #tpu.memory_space<hbm>>) dst(%arg13 : memref<125x128xbf16, #tpu.memory_space<vmem>>)
    %dma_start3A_195 = arith.constant 4 : i32
    %dma_start3A_196 = arith.constant 0 : i32
    %dma_start3A_197 = tpu.memref_slice %arg6[%dma_start3A_195, %dma_start3A_196] : memref<10x125xi32, #tpu.memory_space<vmem>> -> memref<1x125xi32, #tpu.memory_space<vmem>>
    %dma_start3A_198 = tpu.memref_squeeze %dma_start3A_197 : memref<1x125xi32, #tpu.memory_space<vmem>> -> memref<125xi32, #tpu.memory_space<vmem>>
    %dma_start3A_199 = arith.constant 0 : i32
    %dma_start3A_200 = arith.constant 0 : i32
    %dma_start3A_201 = tpu.memref_slice %arg19[%dma_start3A_199, %dma_start3A_200] : memref<10240x128xbf16, #tpu.memory_space<vmem_shared>> -> memref<10240x128xbf16, #tpu.memory_space<vmem_shared>>
    tpu.enqueue_indirect_dma source(%arg13 : memref<125x128xbf16, #tpu.memory_space<vmem>>) target(%dma_start3A_201 : memref<10240x128xbf16, #tpu.memory_space<vmem_shared>>) offsets(%dma_start3A_198 : memref<125xi32, #tpu.memory_space<vmem>>) semaphore(%arg36 : memref<!tpu.dma_semaphore, #tpu.memory_space<semaphore_mem>>) {add = true}
    %dma_wait3A_202 = arith.constant 5 : i32
    %dma_wait3A_203 = arith.constant 0 : i32
    %dma_wait3A_204 = tpu.memref_slice %arg5[%dma_wait3A_202, %dma_wait3A_203] : memref<10x125xi32, #tpu.memory_space<vmem>> -> memref<1x125xi32, #tpu.memory_space<vmem>>
    %dma_wait3A_205 = tpu.memref_squeeze %dma_wait3A_204 : memref<1x125xi32, #tpu.memory_space<vmem>> -> memref<125xi32, #tpu.memory_space<vmem>>
    %dma_wait3A_206 = arith.constant 0 : i32
    %dma_wait3A_207 = arith.constant 0 : i32
    %dma_wait3A_208 = tpu.memref_slice %arg2[%dma_wait3A_206, %dma_wait3A_207] : memref<10000x128xbf16, #tpu.memory_space<hbm>> -> memref<10000x128xbf16, #tpu.memory_space<hbm>>
    tpu.wait_indirect_dma semaphore(%arg27 : memref<!tpu.dma_semaphore, #tpu.memory_space<semaphore_mem>>) src(%dma_wait3A_208 : memref<10000x128xbf16, #tpu.memory_space<hbm>>) dst(%arg14 : memref<125x128xbf16, #tpu.memory_space<vmem>>)
    %dma_start3A_209 = arith.constant 5 : i32
    %dma_start3A_210 = arith.constant 0 : i32
    %dma_start3A_211 = tpu.memref_slice %arg6[%dma_start3A_209, %dma_start3A_210] : memref<10x125xi32, #tpu.memory_space<vmem>> -> memref<1x125xi32, #tpu.memory_space<vmem>>
    %dma_start3A_212 = tpu.memref_squeeze %dma_start3A_211 : memref<1x125xi32, #tpu.memory_space<vmem>> -> memref<125xi32, #tpu.memory_space<vmem>>
    %dma_start3A_213 = arith.constant 0 : i32
    %dma_start3A_214 = arith.constant 0 : i32
    %dma_start3A_215 = tpu.memref_slice %arg19[%dma_start3A_213, %dma_start3A_214] : memref<10240x128xbf16, #tpu.memory_space<vmem_shared>> -> memref<10240x128xbf16, #tpu.memory_space<vmem_shared>>
    tpu.enqueue_indirect_dma source(%arg14 : memref<125x128xbf16, #tpu.memory_space<vmem>>) target(%dma_start3A_215 : memref<10240x128xbf16, #tpu.memory_space<vmem_shared>>) offsets(%dma_start3A_212 : memref<125xi32, #tpu.memory_space<vmem>>) semaphore(%arg37 : memref<!tpu.dma_semaphore, #tpu.memory_space<semaphore_mem>>) {add = true}
    %dma_wait3A_216 = arith.constant 6 : i32
    %dma_wait3A_217 = arith.constant 0 : i32
    %dma_wait3A_218 = tpu.memref_slice %arg5[%dma_wait3A_216, %dma_wait3A_217] : memref<10x125xi32, #tpu.memory_space<vmem>> -> memref<1x125xi32, #tpu.memory_space<vmem>>
    %dma_wait3A_219 = tpu.memref_squeeze %dma_wait3A_218 : memref<1x125xi32, #tpu.memory_space<vmem>> -> memref<125xi32, #tpu.memory_space<vmem>>
    %dma_wait3A_220 = arith.constant 0 : i32
    %dma_wait3A_221 = arith.constant 0 : i32
    %dma_wait3A_222 = tpu.memref_slice %arg2[%dma_wait3A_220, %dma_wait3A_221] : memref<10000x128xbf16, #tpu.memory_space<hbm>> -> memref<10000x128xbf16, #tpu.memory_space<hbm>>
    tpu.wait_indirect_dma semaphore(%arg28 : memref<!tpu.dma_semaphore, #tpu.memory_space<semaphore_mem>>) src(%dma_wait3A_222 : memref<10000x128xbf16, #tpu.memory_space<hbm>>) dst(%arg15 : memref<125x128xbf16, #tpu.memory_space<vmem>>)
    %dma_start3A_223 = arith.constant 6 : i32
    %dma_start3A_224 = arith.constant 0 : i32
    %dma_start3A_225 = tpu.memref_slice %arg6[%dma_start3A_223, %dma_start3A_224] : memref<10x125xi32, #tpu.memory_space<vmem>> -> memref<1x125xi32, #tpu.memory_space<vmem>>
    %dma_start3A_226 = tpu.memref_squeeze %dma_start3A_225 : memref<1x125xi32, #tpu.memory_space<vmem>> -> memref<125xi32, #tpu.memory_space<vmem>>
    %dma_start3A_227 = arith.constant 0 : i32
    %dma_start3A_228 = arith.constant 0 : i32
    %dma_start3A_229 = tpu.memref_slice %arg19[%dma_start3A_227, %dma_start3A_228] : memref<10240x128xbf16, #tpu.memory_space<vmem_shared>> -> memref<10240x128xbf16, #tpu.memory_space<vmem_shared>>
    tpu.enqueue_indirect_dma source(%arg15 : memref<125x128xbf16, #tpu.memory_space<vmem>>) target(%dma_start3A_229 : memref<10240x128xbf16, #tpu.memory_space<vmem_shared>>) offsets(%dma_start3A_226 : memref<125xi32, #tpu.memory_space<vmem>>) semaphore(%arg38 : memref<!tpu.dma_semaphore, #tpu.memory_space<semaphore_mem>>) {add = true}
    %dma_wait3A_230 = arith.constant 7 : i32
    %dma_wait3A_231 = arith.constant 0 : i32
    %dma_wait3A_232 = tpu.memref_slice %arg5[%dma_wait3A_230, %dma_wait3A_231] : memref<10x125xi32, #tpu.memory_space<vmem>> -> memref<1x125xi32, #tpu.memory_space<vmem>>
    %dma_wait3A_233 = tpu.memref_squeeze %dma_wait3A_232 : memref<1x125xi32, #tpu.memory_space<vmem>> -> memref<125xi32, #tpu.memory_space<vmem>>
    %dma_wait3A_234 = arith.constant 0 : i32
    %dma_wait3A_235 = arith.constant 0 : i32
    %dma_wait3A_236 = tpu.memref_slice %arg2[%dma_wait3A_234, %dma_wait3A_235] : memref<10000x128xbf16, #tpu.memory_space<hbm>> -> memref<10000x128xbf16, #tpu.memory_space<hbm>>
    tpu.wait_indirect_dma semaphore(%arg29 : memref<!tpu.dma_semaphore, #tpu.memory_space<semaphore_mem>>) src(%dma_wait3A_236 : memref<10000x128xbf16, #tpu.memory_space<hbm>>) dst(%arg16 : memref<125x128xbf16, #tpu.memory_space<vmem>>)
    %dma_start3A_237 = arith.constant 7 : i32
    %dma_start3A_238 = arith.constant 0 : i32
    %dma_start3A_239 = tpu.memref_slice %arg6[%dma_start3A_237, %dma_start3A_238] : memref<10x125xi32, #tpu.memory_space<vmem>> -> memref<1x125xi32, #tpu.memory_space<vmem>>
    %dma_start3A_240 = tpu.memref_squeeze %dma_start3A_239 : memref<1x125xi32, #tpu.memory_space<vmem>> -> memref<125xi32, #tpu.memory_space<vmem>>
    %dma_start3A_241 = arith.constant 0 : i32
    %dma_start3A_242 = arith.constant 0 : i32
    %dma_start3A_243 = tpu.memref_slice %arg19[%dma_start3A_241, %dma_start3A_242] : memref<10240x128xbf16, #tpu.memory_space<vmem_shared>> -> memref<10240x128xbf16, #tpu.memory_space<vmem_shared>>
    tpu.enqueue_indirect_dma source(%arg16 : memref<125x128xbf16, #tpu.memory_space<vmem>>) target(%dma_start3A_243 : memref<10240x128xbf16, #tpu.memory_space<vmem_shared>>) offsets(%dma_start3A_240 : memref<125xi32, #tpu.memory_space<vmem>>) semaphore(%arg39 : memref<!tpu.dma_semaphore, #tpu.memory_space<semaphore_mem>>) {add = true}
    %dma_wait3A_244 = arith.constant 8 : i32
    %dma_wait3A_245 = arith.constant 0 : i32
    %dma_wait3A_246 = tpu.memref_slice %arg5[%dma_wait3A_244, %dma_wait3A_245] : memref<10x125xi32, #tpu.memory_space<vmem>> -> memref<1x125xi32, #tpu.memory_space<vmem>>
    %dma_wait3A_247 = tpu.memref_squeeze %dma_wait3A_246 : memref<1x125xi32, #tpu.memory_space<vmem>> -> memref<125xi32, #tpu.memory_space<vmem>>
    %dma_wait3A_248 = arith.constant 0 : i32
    %dma_wait3A_249 = arith.constant 0 : i32
    %dma_wait3A_250 = tpu.memref_slice %arg2[%dma_wait3A_248, %dma_wait3A_249] : memref<10000x128xbf16, #tpu.memory_space<hbm>> -> memref<10000x128xbf16, #tpu.memory_space<hbm>>
    tpu.wait_indirect_dma semaphore(%arg30 : memref<!tpu.dma_semaphore, #tpu.memory_space<semaphore_mem>>) src(%dma_wait3A_250 : memref<10000x128xbf16, #tpu.memory_space<hbm>>) dst(%arg17 : memref<125x128xbf16, #tpu.memory_space<vmem>>)
    %dma_start3A_251 = arith.constant 8 : i32
    %dma_start3A_252 = arith.constant 0 : i32
    %dma_start3A_253 = tpu.memref_slice %arg6[%dma_start3A_251, %dma_start3A_252] : memref<10x125xi32, #tpu.memory_space<vmem>> -> memref<1x125xi32, #tpu.memory_space<vmem>>
    %dma_start3A_254 = tpu.memref_squeeze %dma_start3A_253 : memref<1x125xi32, #tpu.memory_space<vmem>> -> memref<125xi32, #tpu.memory_space<vmem>>
    %dma_start3A_255 = arith.constant 0 : i32
    %dma_start3A_256 = arith.constant 0 : i32
    %dma_start3A_257 = tpu.memref_slice %arg19[%dma_start3A_255, %dma_start3A_256] : memref<10240x128xbf16, #tpu.memory_space<vmem_shared>> -> memref<10240x128xbf16, #tpu.memory_space<vmem_shared>>
    tpu.enqueue_indirect_dma source(%arg17 : memref<125x128xbf16, #tpu.memory_space<vmem>>) target(%dma_start3A_257 : memref<10240x128xbf16, #tpu.memory_space<vmem_shared>>) offsets(%dma_start3A_254 : memref<125xi32, #tpu.memory_space<vmem>>) semaphore(%arg40 : memref<!tpu.dma_semaphore, #tpu.memory_space<semaphore_mem>>) {add = true}
    %dma_wait3A_258 = arith.constant 9 : i32
    %dma_wait3A_259 = arith.constant 0 : i32
    %dma_wait3A_260 = tpu.memref_slice %arg5[%dma_wait3A_258, %dma_wait3A_259] : memref<10x125xi32, #tpu.memory_space<vmem>> -> memref<1x125xi32, #tpu.memory_space<vmem>>
    %dma_wait3A_261 = tpu.memref_squeeze %dma_wait3A_260 : memref<1x125xi32, #tpu.memory_space<vmem>> -> memref<125xi32, #tpu.memory_space<vmem>>
    %dma_wait3A_262 = arith.constant 0 : i32
    %dma_wait3A_263 = arith.constant 0 : i32
    %dma_wait3A_264 = tpu.memref_slice %arg2[%dma_wait3A_262, %dma_wait3A_263] : memref<10000x128xbf16, #tpu.memory_space<hbm>> -> memref<10000x128xbf16, #tpu.memory_space<hbm>>
    tpu.wait_indirect_dma semaphore(%arg31 : memref<!tpu.dma_semaphore, #tpu.memory_space<semaphore_mem>>) src(%dma_wait3A_264 : memref<10000x128xbf16, #tpu.memory_space<hbm>>) dst(%arg18 : memref<125x128xbf16, #tpu.memory_space<vmem>>)
    %dma_start3A_265 = arith.constant 9 : i32
    %dma_start3A_266 = arith.constant 0 : i32
    %dma_start3A_267 = tpu.memref_slice %arg6[%dma_start3A_265, %dma_start3A_266] : memref<10x125xi32, #tpu.memory_space<vmem>> -> memref<1x125xi32, #tpu.memory_space<vmem>>
    %dma_start3A_268 = tpu.memref_squeeze %dma_start3A_267 : memref<1x125xi32, #tpu.memory_space<vmem>> -> memref<125xi32, #tpu.memory_space<vmem>>
    %dma_start3A_269 = arith.constant 0 : i32
    %dma_start3A_270 = arith.constant 0 : i32
    %dma_start3A_271 = tpu.memref_slice %arg19[%dma_start3A_269, %dma_start3A_270] : memref<10240x128xbf16, #tpu.memory_space<vmem_shared>> -> memref<10240x128xbf16, #tpu.memory_space<vmem_shared>>
    tpu.enqueue_indirect_dma source(%arg18 : memref<125x128xbf16, #tpu.memory_space<vmem>>) target(%dma_start3A_271 : memref<10240x128xbf16, #tpu.memory_space<vmem_shared>>) offsets(%dma_start3A_268 : memref<125xi32, #tpu.memory_space<vmem>>) semaphore(%arg41 : memref<!tpu.dma_semaphore, #tpu.memory_space<semaphore_mem>>) {add = true}
    %dma_wait3A_272 = arith.constant 0 : i32
    %dma_wait3A_273 = arith.constant 0 : i32
    %dma_wait3A_274 = arith.constant 0 : i32
    %dma_wait3A_275 = tpu.memref_slice %arg3[%dma_wait3A_272, %add3A, %dma_wait3A_273, %dma_wait3A_274] : memref<2x32x80x125xi32, #tpu.memory_space<hbm>> -> memref<1x1x10x125xi32, #tpu.memory_space<hbm>>
    %dma_wait3A_276 = tpu.memref_squeeze %dma_wait3A_275 : memref<1x1x10x125xi32, #tpu.memory_space<hbm>> -> memref<10x125xi32, #tpu.memory_space<hbm>>
    %dma_wait3A_277 = arith.constant 0 : i32
    %dma_wait3A_278 = arith.constant 0 : i32
    %dma_wait3A_279 = tpu.memref_slice %arg3[%dma_wait3A_272, %add3A, %dma_wait3A_277, %dma_wait3A_278] : memref<2x32x80x125xi32, #tpu.memory_space<hbm>> -> memref<1x1x10x125xi32, #tpu.memory_space<hbm>>
    %dma_wait3A_280 = tpu.memref_squeeze %dma_wait3A_279 : memref<1x1x10x125xi32, #tpu.memory_space<hbm>> -> memref<10x125xi32, #tpu.memory_space<hbm>>
    tpu.wait_dma2 semaphore(%arg21 : memref<!tpu.dma_semaphore, #tpu.memory_space<semaphore_mem>>) src(%dma_wait3A_280 : memref<10x125xi32, #tpu.memory_space<hbm>>) dst(%arg7 : memref<10x125xi32, #tpu.memory_space<vmem>>)
    %dma_wait3A_281 = arith.constant 1 : i32
    %dma_wait3A_282 = arith.constant 0 : i32
    %dma_wait3A_283 = arith.constant 0 : i32
    %dma_wait3A_284 = tpu.memref_slice %arg3[%dma_wait3A_281, %add3A, %dma_wait3A_282, %dma_wait3A_283] : memref<2x32x80x125xi32, #tpu.memory_space<hbm>> -> memref<1x1x10x125xi32, #tpu.memory_space<hbm>>
    %dma_wait3A_285 = tpu.memref_squeeze %dma_wait3A_284 : memref<1x1x10x125xi32, #tpu.memory_space<hbm>> -> memref<10x125xi32, #tpu.memory_space<hbm>>
    %dma_wait3A_286 = arith.constant 0 : i32
    %dma_wait3A_287 = arith.constant 0 : i32
    %dma_wait3A_288 = tpu.memref_slice %arg3[%dma_wait3A_281, %add3A, %dma_wait3A_286, %dma_wait3A_287] : memref<2x32x80x125xi32, #tpu.memory_space<hbm>> -> memref<1x1x10x125xi32, #tpu.memory_space<hbm>>
    %dma_wait3A_289 = tpu.memref_squeeze %dma_wait3A_288 : memref<1x1x10x125xi32, #tpu.memory_space<hbm>> -> memref<10x125xi32, #tpu.memory_space<hbm>>
    tpu.wait_dma2 semaphore(%arg21 : memref<!tpu.dma_semaphore, #tpu.memory_space<semaphore_mem>>) src(%dma_wait3A_289 : memref<10x125xi32, #tpu.memory_space<hbm>>) dst(%arg8 : memref<10x125xi32, #tpu.memory_space<vmem>>)
    %dma_wait3A_290 = arith.constant 0 : i32
    %dma_wait3A_291 = arith.constant 0 : i32
    %dma_wait3A_292 = tpu.memref_slice %arg6[%dma_wait3A_290, %dma_wait3A_291] : memref<10x125xi32, #tpu.memory_space<vmem>> -> memref<1x125xi32, #tpu.memory_space<vmem>>
    %dma_wait3A_293 = tpu.memref_squeeze %dma_wait3A_292 : memref<1x125xi32, #tpu.memory_space<vmem>> -> memref<125xi32, #tpu.memory_space<vmem>>
    %dma_wait3A_294 = arith.constant 0 : i32
    %dma_wait3A_295 = arith.constant 0 : i32
    %dma_wait3A_296 = tpu.memref_slice %arg19[%dma_wait3A_294, %dma_wait3A_295] : memref<10240x128xbf16, #tpu.memory_space<vmem_shared>> -> memref<10240x128xbf16, #tpu.memory_space<vmem_shared>>
    tpu.wait_indirect_dma semaphore(%arg32 : memref<!tpu.dma_semaphore, #tpu.memory_space<semaphore_mem>>) src(%arg9 : memref<125x128xbf16, #tpu.memory_space<vmem>>) dst(%dma_wait3A_296 : memref<10240x128xbf16, #tpu.memory_space<vmem_shared>>)
    %dma_start3A_297 = arith.constant 0 : i32
    %dma_start3A_298 = arith.constant 0 : i32
    %dma_start3A_299 = tpu.memref_slice %arg7[%dma_start3A_297, %dma_start3A_298] : memref<10x125xi32, #tpu.memory_space<vmem>> -> memref<1x125xi32, #tpu.memory_space<vmem>>
    %dma_start3A_300 = tpu.memref_squeeze %dma_start3A_299 : memref<1x125xi32, #tpu.memory_space<vmem>> -> memref<125xi32, #tpu.memory_space<vmem>>
    %dma_start3A_301 = arith.constant 0 : i32
    %dma_start3A_302 = arith.constant 0 : i32
    %dma_start3A_303 = tpu.memref_slice %arg2[%dma_start3A_301, %dma_start3A_302] : memref<10000x128xbf16, #tpu.memory_space<hbm>> -> memref<10000x128xbf16, #tpu.memory_space<hbm>>
    tpu.enqueue_indirect_dma source(%dma_start3A_303 : memref<10000x128xbf16, #tpu.memory_space<hbm>>) target(%arg9 : memref<125x128xbf16, #tpu.memory_space<vmem>>) offsets(%dma_start3A_300 : memref<125xi32, #tpu.memory_space<vmem>>) semaphore(%arg22 : memref<!tpu.dma_semaphore, #tpu.memory_space<semaphore_mem>>)
    %dma_wait3A_304 = arith.constant 1 : i32
    %dma_wait3A_305 = arith.constant 0 : i32
    %dma_wait3A_306 = tpu.memref_slice %arg6[%dma_wait3A_304, %dma_wait3A_305] : memref<10x125xi32, #tpu.memory_space<vmem>> -> memref<1x125xi32, #tpu.memory_space<vmem>>
    %dma_wait3A_307 = tpu.memref_squeeze %dma_wait3A_306 : memref<1x125xi32, #tpu.memory_space<vmem>> -> memref<125xi32, #tpu.memory_space<vmem>>
    %dma_wait3A_308 = arith.constant 0 : i32
    %dma_wait3A_309 = arith.constant 0 : i32
    %dma_wait3A_310 = tpu.memref_slice %arg19[%dma_wait3A_308, %dma_wait3A_309] : memref<10240x128xbf16, #tpu.memory_space<vmem_shared>> -> memref<10240x128xbf16, #tpu.memory_space<vmem_shared>>
    tpu.wait_indirect_dma semaphore(%arg33 : memref<!tpu.dma_semaphore, #tpu.memory_space<semaphore_mem>>) src(%arg10 : memref<125x128xbf16, #tpu.memory_space<vmem>>) dst(%dma_wait3A_310 : memref<10240x128xbf16, #tpu.memory_space<vmem_shared>>)
    %dma_start3A_311 = arith.constant 1 : i32
    %dma_start3A_312 = arith.constant 0 : i32
    %dma_start3A_313 = tpu.memref_slice %arg7[%dma_start3A_311, %dma_start3A_312] : memref<10x125xi32, #tpu.memory_space<vmem>> -> memref<1x125xi32, #tpu.memory_space<vmem>>
    %dma_start3A_314 = tpu.memref_squeeze %dma_start3A_313 : memref<1x125xi32, #tpu.memory_space<vmem>> -> memref<125xi32, #tpu.memory_space<vmem>>
    %dma_start3A_315 = arith.constant 0 : i32
    %dma_start3A_316 = arith.constant 0 : i32
    %dma_start3A_317 = tpu.memref_slice %arg2[%dma_start3A_315, %dma_start3A_316] : memref<10000x128xbf16, #tpu.memory_space<hbm>> -> memref<10000x128xbf16, #tpu.memory_space<hbm>>
    tpu.enqueue_indirect_dma source(%dma_start3A_317 : memref<10000x128xbf16, #tpu.memory_space<hbm>>) target(%arg10 : memref<125x128xbf16, #tpu.memory_space<vmem>>) offsets(%dma_start3A_314 : memref<125xi32, #tpu.memory_space<vmem>>) semaphore(%arg23 : memref<!tpu.dma_semaphore, #tpu.memory_space<semaphore_mem>>)
    %dma_wait3A_318 = arith.constant 2 : i32
    %dma_wait3A_319 = arith.constant 0 : i32
    %dma_wait3A_320 = tpu.memref_slice %arg6[%dma_wait3A_318, %dma_wait3A_319] : memref<10x125xi32, #tpu.memory_space<vmem>> -> memref<1x125xi32, #tpu.memory_space<vmem>>
    %dma_wait3A_321 = tpu.memref_squeeze %dma_wait3A_320 : memref<1x125xi32, #tpu.memory_space<vmem>> -> memref<125xi32, #tpu.memory_space<vmem>>
    %dma_wait3A_322 = arith.constant 0 : i32
    %dma_wait3A_323 = arith.constant 0 : i32
    %dma_wait3A_324 = tpu.memref_slice %arg19[%dma_wait3A_322, %dma_wait3A_323] : memref<10240x128xbf16, #tpu.memory_space<vmem_shared>> -> memref<10240x128xbf16, #tpu.memory_space<vmem_shared>>
    tpu.wait_indirect_dma semaphore(%arg34 : memref<!tpu.dma_semaphore, #tpu.memory_space<semaphore_mem>>) src(%arg11 : memref<125x128xbf16, #tpu.memory_space<vmem>>) dst(%dma_wait3A_324 : memref<10240x128xbf16, #tpu.memory_space<vmem_shared>>)
    %dma_start3A_325 = arith.constant 2 : i32
    %dma_start3A_326 = arith.constant 0 : i32
    %dma_start3A_327 = tpu.memref_slice %arg7[%dma_start3A_325, %dma_start3A_326] : memref<10x125xi32, #tpu.memory_space<vmem>> -> memref<1x125xi32, #tpu.memory_space<vmem>>
    %dma_start3A_328 = tpu.memref_squeeze %dma_start3A_327 : memref<1x125xi32, #tpu.memory_space<vmem>> -> memref<125xi32, #tpu.memory_space<vmem>>
    %dma_start3A_329 = arith.constant 0 : i32
    %dma_start3A_330 = arith.constant 0 : i32
    %dma_start3A_331 = tpu.memref_slice %arg2[%dma_start3A_329, %dma_start3A_330] : memref<10000x128xbf16, #tpu.memory_space<hbm>> -> memref<10000x128xbf16, #tpu.memory_space<hbm>>
    tpu.enqueue_indirect_dma source(%dma_start3A_331 : memref<10000x128xbf16, #tpu.memory_space<hbm>>) target(%arg11 : memref<125x128xbf16, #tpu.memory_space<vmem>>) offsets(%dma_start3A_328 : memref<125xi32, #tpu.memory_space<vmem>>) semaphore(%arg24 : memref<!tpu.dma_semaphore, #tpu.memory_space<semaphore_mem>>)
    %dma_wait3A_332 = arith.constant 3 : i32
    %dma_wait3A_333 = arith.constant 0 : i32
    %dma_wait3A_334 = tpu.memref_slice %arg6[%dma_wait3A_332, %dma_wait3A_333] : memref<10x125xi32, #tpu.memory_space<vmem>> -> memref<1x125xi32, #tpu.memory_space<vmem>>
    %dma_wait3A_335 = tpu.memref_squeeze %dma_wait3A_334 : memref<1x125xi32, #tpu.memory_space<vmem>> -> memref<125xi32, #tpu.memory_space<vmem>>
    %dma_wait3A_336 = arith.constant 0 : i32
    %dma_wait3A_337 = arith.constant 0 : i32
    %dma_wait3A_338 = tpu.memref_slice %arg19[%dma_wait3A_336, %dma_wait3A_337] : memref<10240x128xbf16, #tpu.memory_space<vmem_shared>> -> memref<10240x128xbf16, #tpu.memory_space<vmem_shared>>
    tpu.wait_indirect_dma semaphore(%arg35 : memref<!tpu.dma_semaphore, #tpu.memory_space<semaphore_mem>>) src(%arg12 : memref<125x128xbf16, #tpu.memory_space<vmem>>) dst(%dma_wait3A_338 : memref<10240x128xbf16, #tpu.memory_space<vmem_shared>>)
    %dma_start3A_339 = arith.constant 3 : i32
    %dma_start3A_340 = arith.constant 0 : i32
    %dma_start3A_341 = tpu.memref_slice %arg7[%dma_start3A_339, %dma_start3A_340] : memref<10x125xi32, #tpu.memory_space<vmem>> -> memref<1x125xi32, #tpu.memory_space<vmem>>
    %dma_start3A_342 = tpu.memref_squeeze %dma_start3A_341 : memref<1x125xi32, #tpu.memory_space<vmem>> -> memref<125xi32, #tpu.memory_space<vmem>>
    %dma_start3A_343 = arith.constant 0 : i32
    %dma_start3A_344 = arith.constant 0 : i32
    %dma_start3A_345 = tpu.memref_slice %arg2[%dma_start3A_343, %dma_start3A_344] : memref<10000x128xbf16, #tpu.memory_space<hbm>> -> memref<10000x128xbf16, #tpu.memory_space<hbm>>
    tpu.enqueue_indirect_dma source(%dma_start3A_345 : memref<10000x128xbf16, #tpu.memory_space<hbm>>) target(%arg12 : memref<125x128xbf16, #tpu.memory_space<vmem>>) offsets(%dma_start3A_342 : memref<125xi32, #tpu.memory_space<vmem>>) semaphore(%arg25 : memref<!tpu.dma_semaphore, #tpu.memory_space<semaphore_mem>>)
    %dma_wait3A_346 = arith.constant 4 : i32
    %dma_wait3A_347 = arith.constant 0 : i32
    %dma_wait3A_348 = tpu.memref_slice %arg6[%dma_wait3A_346, %dma_wait3A_347] : memref<10x125xi32, #tpu.memory_space<vmem>> -> memref<1x125xi32, #tpu.memory_space<vmem>>
    %dma_wait3A_349 = tpu.memref_squeeze %dma_wait3A_348 : memref<1x125xi32, #tpu.memory_space<vmem>> -> memref<125xi32, #tpu.memory_space<vmem>>
    %dma_wait3A_350 = arith.constant 0 : i32
    %dma_wait3A_351 = arith.constant 0 : i32
    %dma_wait3A_352 = tpu.memref_slice %arg19[%dma_wait3A_350, %dma_wait3A_351] : memref<10240x128xbf16, #tpu.memory_space<vmem_shared>> -> memref<10240x128xbf16, #tpu.memory_space<vmem_shared>>
    tpu.wait_indirect_dma semaphore(%arg36 : memref<!tpu.dma_semaphore, #tpu.memory_space<semaphore_mem>>) src(%arg13 : memref<125x128xbf16, #tpu.memory_space<vmem>>) dst(%dma_wait3A_352 : memref<10240x128xbf16, #tpu.memory_space<vmem_shared>>)
    %dma_start3A_353 = arith.constant 4 : i32
    %dma_start3A_354 = arith.constant 0 : i32
    %dma_start3A_355 = tpu.memref_slice %arg7[%dma_start3A_353, %dma_start3A_354] : memref<10x125xi32, #tpu.memory_space<vmem>> -> memref<1x125xi32, #tpu.memory_space<vmem>>
    %dma_start3A_356 = tpu.memref_squeeze %dma_start3A_355 : memref<1x125xi32, #tpu.memory_space<vmem>> -> memref<125xi32, #tpu.memory_space<vmem>>
    %dma_start3A_357 = arith.constant 0 : i32
    %dma_start3A_358 = arith.constant 0 : i32
    %dma_start3A_359 = tpu.memref_slice %arg2[%dma_start3A_357, %dma_start3A_358] : memref<10000x128xbf16, #tpu.memory_space<hbm>> -> memref<10000x128xbf16, #tpu.memory_space<hbm>>
    tpu.enqueue_indirect_dma source(%dma_start3A_359 : memref<10000x128xbf16, #tpu.memory_space<hbm>>) target(%arg13 : memref<125x128xbf16, #tpu.memory_space<vmem>>) offsets(%dma_start3A_356 : memref<125xi32, #tpu.memory_space<vmem>>) semaphore(%arg26 : memref<!tpu.dma_semaphore, #tpu.memory_space<semaphore_mem>>)
    %dma_wait3A_360 = arith.constant 5 : i32
    %dma_wait3A_361 = arith.constant 0 : i32
    %dma_wait3A_362 = tpu.memref_slice %arg6[%dma_wait3A_360, %dma_wait3A_361] : memref<10x125xi32, #tpu.memory_space<vmem>> -> memref<1x125xi32, #tpu.memory_space<vmem>>
    %dma_wait3A_363 = tpu.memref_squeeze %dma_wait3A_362 : memref<1x125xi32, #tpu.memory_space<vmem>> -> memref<125xi32, #tpu.memory_space<vmem>>
    %dma_wait3A_364 = arith.constant 0 : i32
    %dma_wait3A_365 = arith.constant 0 : i32
    %dma_wait3A_366 = tpu.memref_slice %arg19[%dma_wait3A_364, %dma_wait3A_365] : memref<10240x128xbf16, #tpu.memory_space<vmem_shared>> -> memref<10240x128xbf16, #tpu.memory_space<vmem_shared>>
    tpu.wait_indirect_dma semaphore(%arg37 : memref<!tpu.dma_semaphore, #tpu.memory_space<semaphore_mem>>) src(%arg14 : memref<125x128xbf16, #tpu.memory_space<vmem>>) dst(%dma_wait3A_366 : memref<10240x128xbf16, #tpu.memory_space<vmem_shared>>)
    %dma_start3A_367 = arith.constant 5 : i32
    %dma_start3A_368 = arith.constant 0 : i32
    %dma_start3A_369 = tpu.memref_slice %arg7[%dma_start3A_367, %dma_start3A_368] : memref<10x125xi32, #tpu.memory_space<vmem>> -> memref<1x125xi32, #tpu.memory_space<vmem>>
    %dma_start3A_370 = tpu.memref_squeeze %dma_start3A_369 : memref<1x125xi32, #tpu.memory_space<vmem>> -> memref<125xi32, #tpu.memory_space<vmem>>
    %dma_start3A_371 = arith.constant 0 : i32
    %dma_start3A_372 = arith.constant 0 : i32
    %dma_start3A_373 = tpu.memref_slice %arg2[%dma_start3A_371, %dma_start3A_372] : memref<10000x128xbf16, #tpu.memory_space<hbm>> -> memref<10000x128xbf16, #tpu.memory_space<hbm>>
    tpu.enqueue_indirect_dma source(%dma_start3A_373 : memref<10000x128xbf16, #tpu.memory_space<hbm>>) target(%arg14 : memref<125x128xbf16, #tpu.memory_space<vmem>>) offsets(%dma_start3A_370 : memref<125xi32, #tpu.memory_space<vmem>>) semaphore(%arg27 : memref<!tpu.dma_semaphore, #tpu.memory_space<semaphore_mem>>)
    %dma_wait3A_374 = arith.constant 6 : i32
    %dma_wait3A_375 = arith.constant 0 : i32
    %dma_wait3A_376 = tpu.memref_slice %arg6[%dma_wait3A_374, %dma_wait3A_375] : memref<10x125xi32, #tpu.memory_space<vmem>> -> memref<1x125xi32, #tpu.memory_space<vmem>>
    %dma_wait3A_377 = tpu.memref_squeeze %dma_wait3A_376 : memref<1x125xi32, #tpu.memory_space<vmem>> -> memref<125xi32, #tpu.memory_space<vmem>>
    %dma_wait3A_378 = arith.constant 0 : i32
    %dma_wait3A_379 = arith.constant 0 : i32
    %dma_wait3A_380 = tpu.memref_slice %arg19[%dma_wait3A_378, %dma_wait3A_379] : memref<10240x128xbf16, #tpu.memory_space<vmem_shared>> -> memref<10240x128xbf16, #tpu.memory_space<vmem_shared>>
    tpu.wait_indirect_dma semaphore(%arg38 : memref<!tpu.dma_semaphore, #tpu.memory_space<semaphore_mem>>) src(%arg15 : memref<125x128xbf16, #tpu.memory_space<vmem>>) dst(%dma_wait3A_380 : memref<10240x128xbf16, #tpu.memory_space<vmem_shared>>)
    %dma_start3A_381 = arith.constant 6 : i32
    %dma_start3A_382 = arith.constant 0 : i32
    %dma_start3A_383 = tpu.memref_slice %arg7[%dma_start3A_381, %dma_start3A_382] : memref<10x125xi32, #tpu.memory_space<vmem>> -> memref<1x125xi32, #tpu.memory_space<vmem>>
    %dma_start3A_384 = tpu.memref_squeeze %dma_start3A_383 : memref<1x125xi32, #tpu.memory_space<vmem>> -> memref<125xi32, #tpu.memory_space<vmem>>
    %dma_start3A_385 = arith.constant 0 : i32
    %dma_start3A_386 = arith.constant 0 : i32
    %dma_start3A_387 = tpu.memref_slice %arg2[%dma_start3A_385, %dma_start3A_386] : memref<10000x128xbf16, #tpu.memory_space<hbm>> -> memref<10000x128xbf16, #tpu.memory_space<hbm>>
    tpu.enqueue_indirect_dma source(%dma_start3A_387 : memref<10000x128xbf16, #tpu.memory_space<hbm>>) target(%arg15 : memref<125x128xbf16, #tpu.memory_space<vmem>>) offsets(%dma_start3A_384 : memref<125xi32, #tpu.memory_space<vmem>>) semaphore(%arg28 : memref<!tpu.dma_semaphore, #tpu.memory_space<semaphore_mem>>)
    %dma_wait3A_388 = arith.constant 7 : i32
    %dma_wait3A_389 = arith.constant 0 : i32
    %dma_wait3A_390 = tpu.memref_slice %arg6[%dma_wait3A_388, %dma_wait3A_389] : memref<10x125xi32, #tpu.memory_space<vmem>> -> memref<1x125xi32, #tpu.memory_space<vmem>>
    %dma_wait3A_391 = tpu.memref_squeeze %dma_wait3A_390 : memref<1x125xi32, #tpu.memory_space<vmem>> -> memref<125xi32, #tpu.memory_space<vmem>>
    %dma_wait3A_392 = arith.constant 0 : i32
    %dma_wait3A_393 = arith.constant 0 : i32
    %dma_wait3A_394 = tpu.memref_slice %arg19[%dma_wait3A_392, %dma_wait3A_393] : memref<10240x128xbf16, #tpu.memory_space<vmem_shared>> -> memref<10240x128xbf16, #tpu.memory_space<vmem_shared>>
    tpu.wait_indirect_dma semaphore(%arg39 : memref<!tpu.dma_semaphore, #tpu.memory_space<semaphore_mem>>) src(%arg16 : memref<125x128xbf16, #tpu.memory_space<vmem>>) dst(%dma_wait3A_394 : memref<10240x128xbf16, #tpu.memory_space<vmem_shared>>)
    %dma_start3A_395 = arith.constant 7 : i32
    %dma_start3A_396 = arith.constant 0 : i32
    %dma_start3A_397 = tpu.memref_slice %arg7[%dma_start3A_395, %dma_start3A_396] : memref<10x125xi32, #tpu.memory_space<vmem>> -> memref<1x125xi32, #tpu.memory_space<vmem>>
    %dma_start3A_398 = tpu.memref_squeeze %dma_start3A_397 : memref<1x125xi32, #tpu.memory_space<vmem>> -> memref<125xi32, #tpu.memory_space<vmem>>
    %dma_start3A_399 = arith.constant 0 : i32
    %dma_start3A_400 = arith.constant 0 : i32
    %dma_start3A_401 = tpu.memref_slice %arg2[%dma_start3A_399, %dma_start3A_400] : memref<10000x128xbf16, #tpu.memory_space<hbm>> -> memref<10000x128xbf16, #tpu.memory_space<hbm>>
    tpu.enqueue_indirect_dma source(%dma_start3A_401 : memref<10000x128xbf16, #tpu.memory_space<hbm>>) target(%arg16 : memref<125x128xbf16, #tpu.memory_space<vmem>>) offsets(%dma_start3A_398 : memref<125xi32, #tpu.memory_space<vmem>>) semaphore(%arg29 : memref<!tpu.dma_semaphore, #tpu.memory_space<semaphore_mem>>)
    %dma_wait3A_402 = arith.constant 8 : i32
    %dma_wait3A_403 = arith.constant 0 : i32
    %dma_wait3A_404 = tpu.memref_slice %arg6[%dma_wait3A_402, %dma_wait3A_403] : memref<10x125xi32, #tpu.memory_space<vmem>> -> memref<1x125xi32, #tpu.memory_space<vmem>>
    %dma_wait3A_405 = tpu.memref_squeeze %dma_wait3A_404 : memref<1x125xi32, #tpu.memory_space<vmem>> -> memref<125xi32, #tpu.memory_space<vmem>>
    %dma_wait3A_406 = arith.constant 0 : i32
    %dma_wait3A_407 = arith.constant 0 : i32
    %dma_wait3A_408 = tpu.memref_slice %arg19[%dma_wait3A_406, %dma_wait3A_407] : memref<10240x128xbf16, #tpu.memory_space<vmem_shared>> -> memref<10240x128xbf16, #tpu.memory_space<vmem_shared>>
    tpu.wait_indirect_dma semaphore(%arg40 : memref<!tpu.dma_semaphore, #tpu.memory_space<semaphore_mem>>) src(%arg17 : memref<125x128xbf16, #tpu.memory_space<vmem>>) dst(%dma_wait3A_408 : memref<10240x128xbf16, #tpu.memory_space<vmem_shared>>)
    %dma_start3A_409 = arith.constant 8 : i32
    %dma_start3A_410 = arith.constant 0 : i32
    %dma_start3A_411 = tpu.memref_slice %arg7[%dma_start3A_409, %dma_start3A_410] : memref<10x125xi32, #tpu.memory_space<vmem>> -> memref<1x125xi32, #tpu.memory_space<vmem>>
    %dma_start3A_412 = tpu.memref_squeeze %dma_start3A_411 : memref<1x125xi32, #tpu.memory_space<vmem>> -> memref<125xi32, #tpu.memory_space<vmem>>
    %dma_start3A_413 = arith.constant 0 : i32
    %dma_start3A_414 = arith.constant 0 : i32
    %dma_start3A_415 = tpu.memref_slice %arg2[%dma_start3A_413, %dma_start3A_414] : memref<10000x128xbf16, #tpu.memory_space<hbm>> -> memref<10000x128xbf16, #tpu.memory_space<hbm>>
    tpu.enqueue_indirect_dma source(%dma_start3A_415 : memref<10000x128xbf16, #tpu.memory_space<hbm>>) target(%arg17 : memref<125x128xbf16, #tpu.memory_space<vmem>>) offsets(%dma_start3A_412 : memref<125xi32, #tpu.memory_space<vmem>>) semaphore(%arg30 : memref<!tpu.dma_semaphore, #tpu.memory_space<semaphore_mem>>)
    %dma_wait3A_416 = arith.constant 9 : i32
    %dma_wait3A_417 = arith.constant 0 : i32
    %dma_wait3A_418 = tpu.memref_slice %arg6[%dma_wait3A_416, %dma_wait3A_417] : memref<10x125xi32, #tpu.memory_space<vmem>> -> memref<1x125xi32, #tpu.memory_space<vmem>>
    %dma_wait3A_419 = tpu.memref_squeeze %dma_wait3A_418 : memref<1x125xi32, #tpu.memory_space<vmem>> -> memref<125xi32, #tpu.memory_space<vmem>>
    %dma_wait3A_420 = arith.constant 0 : i32
    %dma_wait3A_421 = arith.constant 0 : i32
    %dma_wait3A_422 = tpu.memref_slice %arg19[%dma_wait3A_420, %dma_wait3A_421] : memref<10240x128xbf16, #tpu.memory_space<vmem_shared>> -> memref<10240x128xbf16, #tpu.memory_space<vmem_shared>>
    tpu.wait_indirect_dma semaphore(%arg41 : memref<!tpu.dma_semaphore, #tpu.memory_space<semaphore_mem>>) src(%arg18 : memref<125x128xbf16, #tpu.memory_space<vmem>>) dst(%dma_wait3A_422 : memref<10240x128xbf16, #tpu.memory_space<vmem_shared>>)
    %dma_start3A_423 = arith.constant 9 : i32
    %dma_start3A_424 = arith.constant 0 : i32
    %dma_start3A_425 = tpu.memref_slice %arg7[%dma_start3A_423, %dma_start3A_424] : memref<10x125xi32, #tpu.memory_space<vmem>> -> memref<1x125xi32, #tpu.memory_space<vmem>>
    %dma_start3A_426 = tpu.memref_squeeze %dma_start3A_425 : memref<1x125xi32, #tpu.memory_space<vmem>> -> memref<125xi32, #tpu.memory_space<vmem>>
    %dma_start3A_427 = arith.constant 0 : i32
    %dma_start3A_428 = arith.constant 0 : i32
    %dma_start3A_429 = tpu.memref_slice %arg2[%dma_start3A_427, %dma_start3A_428] : memref<10000x128xbf16, #tpu.memory_space<hbm>> -> memref<10000x128xbf16, #tpu.memory_space<hbm>>
    tpu.enqueue_indirect_dma source(%dma_start3A_429 : memref<10000x128xbf16, #tpu.memory_space<hbm>>) target(%arg18 : memref<125x128xbf16, #tpu.memory_space<vmem>>) offsets(%dma_start3A_426 : memref<125xi32, #tpu.memory_space<vmem>>) semaphore(%arg31 : memref<!tpu.dma_semaphore, #tpu.memory_space<semaphore_mem>>)
    %dma_wait3A_430 = arith.constant 0 : i32
    %dma_wait3A_431 = arith.constant 0 : i32
    %dma_wait3A_432 = tpu.memref_slice %arg7[%dma_wait3A_430, %dma_wait3A_431] : memref<10x125xi32, #tpu.memory_space<vmem>> -> memref<1x125xi32, #tpu.memory_space<vmem>>
    %dma_wait3A_433 = tpu.memref_squeeze %dma_wait3A_432 : memref<1x125xi32, #tpu.memory_space<vmem>> -> memref<125xi32, #tpu.memory_space<vmem>>
    %dma_wait3A_434 = arith.constant 0 : i32
    %dma_wait3A_435 = arith.constant 0 : i32
    %dma_wait3A_436 = tpu.memref_slice %arg2[%dma_wait3A_434, %dma_wait3A_435] : memref<10000x128xbf16, #tpu.memory_space<hbm>> -> memref<10000x128xbf16, #tpu.memory_space<hbm>>
    tpu.wait_indirect_dma semaphore(%arg22 : memref<!tpu.dma_semaphore, #tpu.memory_space<semaphore_mem>>) src(%dma_wait3A_436 : memref<10000x128xbf16, #tpu.memory_space<hbm>>) dst(%arg9 : memref<125x128xbf16, #tpu.memory_space<vmem>>)
    %dma_start3A_437 = arith.constant 0 : i32
    %dma_start3A_438 = arith.constant 0 : i32
    %dma_start3A_439 = tpu.memref_slice %arg8[%dma_start3A_437, %dma_start3A_438] : memref<10x125xi32, #tpu.memory_space<vmem>> -> memref<1x125xi32, #tpu.memory_space<vmem>>
    %dma_start3A_440 = tpu.memref_squeeze %dma_start3A_439 : memref<1x125xi32, #tpu.memory_space<vmem>> -> memref<125xi32, #tpu.memory_space<vmem>>
    %dma_start3A_441 = arith.constant 0 : i32
    %dma_start3A_442 = arith.constant 0 : i32
    %dma_start3A_443 = tpu.memref_slice %arg19[%dma_start3A_441, %dma_start3A_442] : memref<10240x128xbf16, #tpu.memory_space<vmem_shared>> -> memref<10240x128xbf16, #tpu.memory_space<vmem_shared>>
    tpu.enqueue_indirect_dma source(%arg9 : memref<125x128xbf16, #tpu.memory_space<vmem>>) target(%dma_start3A_443 : memref<10240x128xbf16, #tpu.memory_space<vmem_shared>>) offsets(%dma_start3A_440 : memref<125xi32, #tpu.memory_space<vmem>>) semaphore(%arg32 : memref<!tpu.dma_semaphore, #tpu.memory_space<semaphore_mem>>) {add = true}
    %dma_wait3A_444 = arith.constant 1 : i32
    %dma_wait3A_445 = arith.constant 0 : i32
    %dma_wait3A_446 = tpu.memref_slice %arg7[%dma_wait3A_444, %dma_wait3A_445] : memref<10x125xi32, #tpu.memory_space<vmem>> -> memref<1x125xi32, #tpu.memory_space<vmem>>
    %dma_wait3A_447 = tpu.memref_squeeze %dma_wait3A_446 : memref<1x125xi32, #tpu.memory_space<vmem>> -> memref<125xi32, #tpu.memory_space<vmem>>
    %dma_wait3A_448 = arith.constant 0 : i32
    %dma_wait3A_449 = arith.constant 0 : i32
    %dma_wait3A_450 = tpu.memref_slice %arg2[%dma_wait3A_448, %dma_wait3A_449] : memref<10000x128xbf16, #tpu.memory_space<hbm>> -> memref<10000x128xbf16, #tpu.memory_space<hbm>>
    tpu.wait_indirect_dma semaphore(%arg23 : memref<!tpu.dma_semaphore, #tpu.memory_space<semaphore_mem>>) src(%dma_wait3A_450 : memref<10000x128xbf16, #tpu.memory_space<hbm>>) dst(%arg10 : memref<125x128xbf16, #tpu.memory_space<vmem>>)
    %dma_start3A_451 = arith.constant 1 : i32
    %dma_start3A_452 = arith.constant 0 : i32
    %dma_start3A_453 = tpu.memref_slice %arg8[%dma_start3A_451, %dma_start3A_452] : memref<10x125xi32, #tpu.memory_space<vmem>> -> memref<1x125xi32, #tpu.memory_space<vmem>>
    %dma_start3A_454 = tpu.memref_squeeze %dma_start3A_453 : memref<1x125xi32, #tpu.memory_space<vmem>> -> memref<125xi32, #tpu.memory_space<vmem>>
    %dma_start3A_455 = arith.constant 0 : i32
    %dma_start3A_456 = arith.constant 0 : i32
    %dma_start3A_457 = tpu.memref_slice %arg19[%dma_start3A_455, %dma_start3A_456] : memref<10240x128xbf16, #tpu.memory_space<vmem_shared>> -> memref<10240x128xbf16, #tpu.memory_space<vmem_shared>>
    tpu.enqueue_indirect_dma source(%arg10 : memref<125x128xbf16, #tpu.memory_space<vmem>>) target(%dma_start3A_457 : memref<10240x128xbf16, #tpu.memory_space<vmem_shared>>) offsets(%dma_start3A_454 : memref<125xi32, #tpu.memory_space<vmem>>) semaphore(%arg33 : memref<!tpu.dma_semaphore, #tpu.memory_space<semaphore_mem>>) {add = true}
    %dma_wait3A_458 = arith.constant 2 : i32
    %dma_wait3A_459 = arith.constant 0 : i32
    %dma_wait3A_460 = tpu.memref_slice %arg7[%dma_wait3A_458, %dma_wait3A_459] : memref<10x125xi32, #tpu.memory_space<vmem>> -> memref<1x125xi32, #tpu.memory_space<vmem>>
    %dma_wait3A_461 = tpu.memref_squeeze %dma_wait3A_460 : memref<1x125xi32, #tpu.memory_space<vmem>> -> memref<125xi32, #tpu.memory_space<vmem>>
    %dma_wait3A_462 = arith.constant 0 : i32
    %dma_wait3A_463 = arith.constant 0 : i32
    %dma_wait3A_464 = tpu.memref_slice %arg2[%dma_wait3A_462, %dma_wait3A_463] : memref<10000x128xbf16, #tpu.memory_space<hbm>> -> memref<10000x128xbf16, #tpu.memory_space<hbm>>
    tpu.wait_indirect_dma semaphore(%arg24 : memref<!tpu.dma_semaphore, #tpu.memory_space<semaphore_mem>>) src(%dma_wait3A_464 : memref<10000x128xbf16, #tpu.memory_space<hbm>>) dst(%arg11 : memref<125x128xbf16, #tpu.memory_space<vmem>>)
    %dma_start3A_465 = arith.constant 2 : i32
    %dma_start3A_466 = arith.constant 0 : i32
    %dma_start3A_467 = tpu.memref_slice %arg8[%dma_start3A_465, %dma_start3A_466] : memref<10x125xi32, #tpu.memory_space<vmem>> -> memref<1x125xi32, #tpu.memory_space<vmem>>
    %dma_start3A_468 = tpu.memref_squeeze %dma_start3A_467 : memref<1x125xi32, #tpu.memory_space<vmem>> -> memref<125xi32, #tpu.memory_space<vmem>>
    %dma_start3A_469 = arith.constant 0 : i32
    %dma_start3A_470 = arith.constant 0 : i32
    %dma_start3A_471 = tpu.memref_slice %arg19[%dma_start3A_469, %dma_start3A_470] : memref<10240x128xbf16, #tpu.memory_space<vmem_shared>> -> memref<10240x128xbf16, #tpu.memory_space<vmem_shared>>
    tpu.enqueue_indirect_dma source(%arg11 : memref<125x128xbf16, #tpu.memory_space<vmem>>) target(%dma_start3A_471 : memref<10240x128xbf16, #tpu.memory_space<vmem_shared>>) offsets(%dma_start3A_468 : memref<125xi32, #tpu.memory_space<vmem>>) semaphore(%arg34 : memref<!tpu.dma_semaphore, #tpu.memory_space<semaphore_mem>>) {add = true}
    %dma_wait3A_472 = arith.constant 3 : i32
    %dma_wait3A_473 = arith.constant 0 : i32
    %dma_wait3A_474 = tpu.memref_slice %arg7[%dma_wait3A_472, %dma_wait3A_473] : memref<10x125xi32, #tpu.memory_space<vmem>> -> memref<1x125xi32, #tpu.memory_space<vmem>>
    %dma_wait3A_475 = tpu.memref_squeeze %dma_wait3A_474 : memref<1x125xi32, #tpu.memory_space<vmem>> -> memref<125xi32, #tpu.memory_space<vmem>>
    %dma_wait3A_476 = arith.constant 0 : i32
    %dma_wait3A_477 = arith.constant 0 : i32
    %dma_wait3A_478 = tpu.memref_slice %arg2[%dma_wait3A_476, %dma_wait3A_477] : memref<10000x128xbf16, #tpu.memory_space<hbm>> -> memref<10000x128xbf16, #tpu.memory_space<hbm>>
    tpu.wait_indirect_dma semaphore(%arg25 : memref<!tpu.dma_semaphore, #tpu.memory_space<semaphore_mem>>) src(%dma_wait3A_478 : memref<10000x128xbf16, #tpu.memory_space<hbm>>) dst(%arg12 : memref<125x128xbf16, #tpu.memory_space<vmem>>)
    %dma_start3A_479 = arith.constant 3 : i32
    %dma_start3A_480 = arith.constant 0 : i32
    %dma_start3A_481 = tpu.memref_slice %arg8[%dma_start3A_479, %dma_start3A_480] : memref<10x125xi32, #tpu.memory_space<vmem>> -> memref<1x125xi32, #tpu.memory_space<vmem>>
    %dma_start3A_482 = tpu.memref_squeeze %dma_start3A_481 : memref<1x125xi32, #tpu.memory_space<vmem>> -> memref<125xi32, #tpu.memory_space<vmem>>
    %dma_start3A_483 = arith.constant 0 : i32
    %dma_start3A_484 = arith.constant 0 : i32
    %dma_start3A_485 = tpu.memref_slice %arg19[%dma_start3A_483, %dma_start3A_484] : memref<10240x128xbf16, #tpu.memory_space<vmem_shared>> -> memref<10240x128xbf16, #tpu.memory_space<vmem_shared>>
    tpu.enqueue_indirect_dma source(%arg12 : memref<125x128xbf16, #tpu.memory_space<vmem>>) target(%dma_start3A_485 : memref<10240x128xbf16, #tpu.memory_space<vmem_shared>>) offsets(%dma_start3A_482 : memref<125xi32, #tpu.memory_space<vmem>>) semaphore(%arg35 : memref<!tpu.dma_semaphore, #tpu.memory_space<semaphore_mem>>) {add = true}
    %dma_wait3A_486 = arith.constant 4 : i32
    %dma_wait3A_487 = arith.constant 0 : i32
    %dma_wait3A_488 = tpu.memref_slice %arg7[%dma_wait3A_486, %dma_wait3A_487] : memref<10x125xi32, #tpu.memory_space<vmem>> -> memref<1x125xi32, #tpu.memory_space<vmem>>
    %dma_wait3A_489 = tpu.memref_squeeze %dma_wait3A_488 : memref<1x125xi32, #tpu.memory_space<vmem>> -> memref<125xi32, #tpu.memory_space<vmem>>
    %dma_wait3A_490 = arith.constant 0 : i32
    %dma_wait3A_491 = arith.constant 0 : i32
    %dma_wait3A_492 = tpu.memref_slice %arg2[%dma_wait3A_490, %dma_wait3A_491] : memref<10000x128xbf16, #tpu.memory_space<hbm>> -> memref<10000x128xbf16, #tpu.memory_space<hbm>>
    tpu.wait_indirect_dma semaphore(%arg26 : memref<!tpu.dma_semaphore, #tpu.memory_space<semaphore_mem>>) src(%dma_wait3A_492 : memref<10000x128xbf16, #tpu.memory_space<hbm>>) dst(%arg13 : memref<125x128xbf16, #tpu.memory_space<vmem>>)
    %dma_start3A_493 = arith.constant 4 : i32
    %dma_start3A_494 = arith.constant 0 : i32
    %dma_start3A_495 = tpu.memref_slice %arg8[%dma_start3A_493, %dma_start3A_494] : memref<10x125xi32, #tpu.memory_space<vmem>> -> memref<1x125xi32, #tpu.memory_space<vmem>>
    %dma_start3A_496 = tpu.memref_squeeze %dma_start3A_495 : memref<1x125xi32, #tpu.memory_space<vmem>> -> memref<125xi32, #tpu.memory_space<vmem>>
    %dma_start3A_497 = arith.constant 0 : i32
    %dma_start3A_498 = arith.constant 0 : i32
    %dma_start3A_499 = tpu.memref_slice %arg19[%dma_start3A_497, %dma_start3A_498] : memref<10240x128xbf16, #tpu.memory_space<vmem_shared>> -> memref<10240x128xbf16, #tpu.memory_space<vmem_shared>>
    tpu.enqueue_indirect_dma source(%arg13 : memref<125x128xbf16, #tpu.memory_space<vmem>>) target(%dma_start3A_499 : memref<10240x128xbf16, #tpu.memory_space<vmem_shared>>) offsets(%dma_start3A_496 : memref<125xi32, #tpu.memory_space<vmem>>) semaphore(%arg36 : memref<!tpu.dma_semaphore, #tpu.memory_space<semaphore_mem>>) {add = true}
    %dma_wait3A_500 = arith.constant 5 : i32
    %dma_wait3A_501 = arith.constant 0 : i32
    %dma_wait3A_502 = tpu.memref_slice %arg7[%dma_wait3A_500, %dma_wait3A_501] : memref<10x125xi32, #tpu.memory_space<vmem>> -> memref<1x125xi32, #tpu.memory_space<vmem>>
    %dma_wait3A_503 = tpu.memref_squeeze %dma_wait3A_502 : memref<1x125xi32, #tpu.memory_space<vmem>> -> memref<125xi32, #tpu.memory_space<vmem>>
    %dma_wait3A_504 = arith.constant 0 : i32
    %dma_wait3A_505 = arith.constant 0 : i32
    %dma_wait3A_506 = tpu.memref_slice %arg2[%dma_wait3A_504, %dma_wait3A_505] : memref<10000x128xbf16, #tpu.memory_space<hbm>> -> memref<10000x128xbf16, #tpu.memory_space<hbm>>
    tpu.wait_indirect_dma semaphore(%arg27 : memref<!tpu.dma_semaphore, #tpu.memory_space<semaphore_mem>>) src(%dma_wait3A_506 : memref<10000x128xbf16, #tpu.memory_space<hbm>>) dst(%arg14 : memref<125x128xbf16, #tpu.memory_space<vmem>>)
    %dma_start3A_507 = arith.constant 5 : i32
    %dma_start3A_508 = arith.constant 0 : i32
    %dma_start3A_509 = tpu.memref_slice %arg8[%dma_start3A_507, %dma_start3A_508] : memref<10x125xi32, #tpu.memory_space<vmem>> -> memref<1x125xi32, #tpu.memory_space<vmem>>
    %dma_start3A_510 = tpu.memref_squeeze %dma_start3A_509 : memref<1x125xi32, #tpu.memory_space<vmem>> -> memref<125xi32, #tpu.memory_space<vmem>>
    %dma_start3A_511 = arith.constant 0 : i32
    %dma_start3A_512 = arith.constant 0 : i32
    %dma_start3A_513 = tpu.memref_slice %arg19[%dma_start3A_511, %dma_start3A_512] : memref<10240x128xbf16, #tpu.memory_space<vmem_shared>> -> memref<10240x128xbf16, #tpu.memory_space<vmem_shared>>
    tpu.enqueue_indirect_dma source(%arg14 : memref<125x128xbf16, #tpu.memory_space<vmem>>) target(%dma_start3A_513 : memref<10240x128xbf16, #tpu.memory_space<vmem_shared>>) offsets(%dma_start3A_510 : memref<125xi32, #tpu.memory_space<vmem>>) semaphore(%arg37 : memref<!tpu.dma_semaphore, #tpu.memory_space<semaphore_mem>>) {add = true}
    %dma_wait3A_514 = arith.constant 6 : i32
    %dma_wait3A_515 = arith.constant 0 : i32
    %dma_wait3A_516 = tpu.memref_slice %arg7[%dma_wait3A_514, %dma_wait3A_515] : memref<10x125xi32, #tpu.memory_space<vmem>> -> memref<1x125xi32, #tpu.memory_space<vmem>>
    %dma_wait3A_517 = tpu.memref_squeeze %dma_wait3A_516 : memref<1x125xi32, #tpu.memory_space<vmem>> -> memref<125xi32, #tpu.memory_space<vmem>>
    %dma_wait3A_518 = arith.constant 0 : i32
    %dma_wait3A_519 = arith.constant 0 : i32
    %dma_wait3A_520 = tpu.memref_slice %arg2[%dma_wait3A_518, %dma_wait3A_519] : memref<10000x128xbf16, #tpu.memory_space<hbm>> -> memref<10000x128xbf16, #tpu.memory_space<hbm>>
    tpu.wait_indirect_dma semaphore(%arg28 : memref<!tpu.dma_semaphore, #tpu.memory_space<semaphore_mem>>) src(%dma_wait3A_520 : memref<10000x128xbf16, #tpu.memory_space<hbm>>) dst(%arg15 : memref<125x128xbf16, #tpu.memory_space<vmem>>)
    %dma_start3A_521 = arith.constant 6 : i32
    %dma_start3A_522 = arith.constant 0 : i32
    %dma_start3A_523 = tpu.memref_slice %arg8[%dma_start3A_521, %dma_start3A_522] : memref<10x125xi32, #tpu.memory_space<vmem>> -> memref<1x125xi32, #tpu.memory_space<vmem>>
    %dma_start3A_524 = tpu.memref_squeeze %dma_start3A_523 : memref<1x125xi32, #tpu.memory_space<vmem>> -> memref<125xi32, #tpu.memory_space<vmem>>
    %dma_start3A_525 = arith.constant 0 : i32
    %dma_start3A_526 = arith.constant 0 : i32
    %dma_start3A_527 = tpu.memref_slice %arg19[%dma_start3A_525, %dma_start3A_526] : memref<10240x128xbf16, #tpu.memory_space<vmem_shared>> -> memref<10240x128xbf16, #tpu.memory_space<vmem_shared>>
    tpu.enqueue_indirect_dma source(%arg15 : memref<125x128xbf16, #tpu.memory_space<vmem>>) target(%dma_start3A_527 : memref<10240x128xbf16, #tpu.memory_space<vmem_shared>>) offsets(%dma_start3A_524 : memref<125xi32, #tpu.memory_space<vmem>>) semaphore(%arg38 : memref<!tpu.dma_semaphore, #tpu.memory_space<semaphore_mem>>) {add = true}
    %dma_wait3A_528 = arith.constant 7 : i32
    %dma_wait3A_529 = arith.constant 0 : i32
    %dma_wait3A_530 = tpu.memref_slice %arg7[%dma_wait3A_528, %dma_wait3A_529] : memref<10x125xi32, #tpu.memory_space<vmem>> -> memref<1x125xi32, #tpu.memory_space<vmem>>
    %dma_wait3A_531 = tpu.memref_squeeze %dma_wait3A_530 : memref<1x125xi32, #tpu.memory_space<vmem>> -> memref<125xi32, #tpu.memory_space<vmem>>
    %dma_wait3A_532 = arith.constant 0 : i32
    %dma_wait3A_533 = arith.constant 0 : i32
    %dma_wait3A_534 = tpu.memref_slice %arg2[%dma_wait3A_532, %dma_wait3A_533] : memref<10000x128xbf16, #tpu.memory_space<hbm>> -> memref<10000x128xbf16, #tpu.memory_space<hbm>>
    tpu.wait_indirect_dma semaphore(%arg29 : memref<!tpu.dma_semaphore, #tpu.memory_space<semaphore_mem>>) src(%dma_wait3A_534 : memref<10000x128xbf16, #tpu.memory_space<hbm>>) dst(%arg16 : memref<125x128xbf16, #tpu.memory_space<vmem>>)
    %dma_start3A_535 = arith.constant 7 : i32
    %dma_start3A_536 = arith.constant 0 : i32
    %dma_start3A_537 = tpu.memref_slice %arg8[%dma_start3A_535, %dma_start3A_536] : memref<10x125xi32, #tpu.memory_space<vmem>> -> memref<1x125xi32, #tpu.memory_space<vmem>>
    %dma_start3A_538 = tpu.memref_squeeze %dma_start3A_537 : memref<1x125xi32, #tpu.memory_space<vmem>> -> memref<125xi32, #tpu.memory_space<vmem>>
    %dma_start3A_539 = arith.constant 0 : i32
    %dma_start3A_540 = arith.constant 0 : i32
    %dma_start3A_541 = tpu.memref_slice %arg19[%dma_start3A_539, %dma_start3A_540] : memref<10240x128xbf16, #tpu.memory_space<vmem_shared>> -> memref<10240x128xbf16, #tpu.memory_space<vmem_shared>>
    tpu.enqueue_indirect_dma source(%arg16 : memref<125x128xbf16, #tpu.memory_space<vmem>>) target(%dma_start3A_541 : memref<10240x128xbf16, #tpu.memory_space<vmem_shared>>) offsets(%dma_start3A_538 : memref<125xi32, #tpu.memory_space<vmem>>) semaphore(%arg39 : memref<!tpu.dma_semaphore, #tpu.memory_space<semaphore_mem>>) {add = true}
    %dma_wait3A_542 = arith.constant 8 : i32
    %dma_wait3A_543 = arith.constant 0 : i32
    %dma_wait3A_544 = tpu.memref_slice %arg7[%dma_wait3A_542, %dma_wait3A_543] : memref<10x125xi32, #tpu.memory_space<vmem>> -> memref<1x125xi32, #tpu.memory_space<vmem>>
    %dma_wait3A_545 = tpu.memref_squeeze %dma_wait3A_544 : memref<1x125xi32, #tpu.memory_space<vmem>> -> memref<125xi32, #tpu.memory_space<vmem>>
    %dma_wait3A_546 = arith.constant 0 : i32
    %dma_wait3A_547 = arith.constant 0 : i32
    %dma_wait3A_548 = tpu.memref_slice %arg2[%dma_wait3A_546, %dma_wait3A_547] : memref<10000x128xbf16, #tpu.memory_space<hbm>> -> memref<10000x128xbf16, #tpu.memory_space<hbm>>
    tpu.wait_indirect_dma semaphore(%arg30 : memref<!tpu.dma_semaphore, #tpu.memory_space<semaphore_mem>>) src(%dma_wait3A_548 : memref<10000x128xbf16, #tpu.memory_space<hbm>>) dst(%arg17 : memref<125x128xbf16, #tpu.memory_space<vmem>>)
    %dma_start3A_549 = arith.constant 8 : i32
    %dma_start3A_550 = arith.constant 0 : i32
    %dma_start3A_551 = tpu.memref_slice %arg8[%dma_start3A_549, %dma_start3A_550] : memref<10x125xi32, #tpu.memory_space<vmem>> -> memref<1x125xi32, #tpu.memory_space<vmem>>
    %dma_start3A_552 = tpu.memref_squeeze %dma_start3A_551 : memref<1x125xi32, #tpu.memory_space<vmem>> -> memref<125xi32, #tpu.memory_space<vmem>>
    %dma_start3A_553 = arith.constant 0 : i32
    %dma_start3A_554 = arith.constant 0 : i32
    %dma_start3A_555 = tpu.memref_slice %arg19[%dma_start3A_553, %dma_start3A_554] : memref<10240x128xbf16, #tpu.memory_space<vmem_shared>> -> memref<10240x128xbf16, #tpu.memory_space<vmem_shared>>
    tpu.enqueue_indirect_dma source(%arg17 : memref<125x128xbf16, #tpu.memory_space<vmem>>) target(%dma_start3A_555 : memref<10240x128xbf16, #tpu.memory_space<vmem_shared>>) offsets(%dma_start3A_552 : memref<125xi32, #tpu.memory_space<vmem>>) semaphore(%arg40 : memref<!tpu.dma_semaphore, #tpu.memory_space<semaphore_mem>>) {add = true}
    %dma_wait3A_556 = arith.constant 9 : i32
    %dma_wait3A_557 = arith.constant 0 : i32
    %dma_wait3A_558 = tpu.memref_slice %arg7[%dma_wait3A_556, %dma_wait3A_557] : memref<10x125xi32, #tpu.memory_space<vmem>> -> memref<1x125xi32, #tpu.memory_space<vmem>>
    %dma_wait3A_559 = tpu.memref_squeeze %dma_wait3A_558 : memref<1x125xi32, #tpu.memory_space<vmem>> -> memref<125xi32, #tpu.memory_space<vmem>>
    %dma_wait3A_560 = arith.constant 0 : i32
    %dma_wait3A_561 = arith.constant 0 : i32
    %dma_wait3A_562 = tpu.memref_slice %arg2[%dma_wait3A_560, %dma_wait3A_561] : memref<10000x128xbf16, #tpu.memory_space<hbm>> -> memref<10000x128xbf16, #tpu.memory_space<hbm>>
    tpu.wait_indirect_dma semaphore(%arg31 : memref<!tpu.dma_semaphore, #tpu.memory_space<semaphore_mem>>) src(%dma_wait3A_562 : memref<10000x128xbf16, #tpu.memory_space<hbm>>) dst(%arg18 : memref<125x128xbf16, #tpu.memory_space<vmem>>)
    %dma_start3A_563 = arith.constant 9 : i32
    %dma_start3A_564 = arith.constant 0 : i32
    %dma_start3A_565 = tpu.memref_slice %arg8[%dma_start3A_563, %dma_start3A_564] : memref<10x125xi32, #tpu.memory_space<vmem>> -> memref<1x125xi32, #tpu.memory_space<vmem>>
    %dma_start3A_566 = tpu.memref_squeeze %dma_start3A_565 : memref<1x125xi32, #tpu.memory_space<vmem>> -> memref<125xi32, #tpu.memory_space<vmem>>
    %dma_start3A_567 = arith.constant 0 : i32
    %dma_start3A_568 = arith.constant 0 : i32
    %dma_start3A_569 = tpu.memref_slice %arg19[%dma_start3A_567, %dma_start3A_568] : memref<10240x128xbf16, #tpu.memory_space<vmem_shared>> -> memref<10240x128xbf16, #tpu.memory_space<vmem_shared>>
    tpu.enqueue_indirect_dma source(%arg18 : memref<125x128xbf16, #tpu.memory_space<vmem>>) target(%dma_start3A_569 : memref<10240x128xbf16, #tpu.memory_space<vmem_shared>>) offsets(%dma_start3A_566 : memref<125xi32, #tpu.memory_space<vmem>>) semaphore(%arg41 : memref<!tpu.dma_semaphore, #tpu.memory_space<semaphore_mem>>) {add = true}
    %dma_wait3A_570 = arith.constant 0 : i32
    %dma_wait3A_571 = arith.constant 0 : i32
    %dma_wait3A_572 = tpu.memref_slice %arg8[%dma_wait3A_570, %dma_wait3A_571] : memref<10x125xi32, #tpu.memory_space<vmem>> -> memref<1x125xi32, #tpu.memory_space<vmem>>
    %dma_wait3A_573 = tpu.memref_squeeze %dma_wait3A_572 : memref<1x125xi32, #tpu.memory_space<vmem>> -> memref<125xi32, #tpu.memory_space<vmem>>
    %dma_wait3A_574 = arith.constant 0 : i32
    %dma_wait3A_575 = arith.constant 0 : i32
    %dma_wait3A_576 = tpu.memref_slice %arg19[%dma_wait3A_574, %dma_wait3A_575] : memref<10240x128xbf16, #tpu.memory_space<vmem_shared>> -> memref<10240x128xbf16, #tpu.memory_space<vmem_shared>>
    tpu.wait_indirect_dma semaphore(%arg32 : memref<!tpu.dma_semaphore, #tpu.memory_space<semaphore_mem>>) src(%arg9 : memref<125x128xbf16, #tpu.memory_space<vmem>>) dst(%dma_wait3A_576 : memref<10240x128xbf16, #tpu.memory_space<vmem_shared>>)
    %dma_wait3A_577 = arith.constant 1 : i32
    %dma_wait3A_578 = arith.constant 0 : i32
    %dma_wait3A_579 = tpu.memref_slice %arg8[%dma_wait3A_577, %dma_wait3A_578] : memref<10x125xi32, #tpu.memory_space<vmem>> -> memref<1x125xi32, #tpu.memory_space<vmem>>
    %dma_wait3A_580 = tpu.memref_squeeze %dma_wait3A_579 : memref<1x125xi32, #tpu.memory_space<vmem>> -> memref<125xi32, #tpu.memory_space<vmem>>
    %dma_wait3A_581 = arith.constant 0 : i32
    %dma_wait3A_582 = arith.constant 0 : i32
    %dma_wait3A_583 = tpu.memref_slice %arg19[%dma_wait3A_581, %dma_wait3A_582] : memref<10240x128xbf16, #tpu.memory_space<vmem_shared>> -> memref<10240x128xbf16, #tpu.memory_space<vmem_shared>>
    tpu.wait_indirect_dma semaphore(%arg33 : memref<!tpu.dma_semaphore, #tpu.memory_space<semaphore_mem>>) src(%arg10 : memref<125x128xbf16, #tpu.memory_space<vmem>>) dst(%dma_wait3A_583 : memref<10240x128xbf16, #tpu.memory_space<vmem_shared>>)
    %dma_wait3A_584 = arith.constant 2 : i32
    %dma_wait3A_585 = arith.constant 0 : i32
    %dma_wait3A_586 = tpu.memref_slice %arg8[%dma_wait3A_584, %dma_wait3A_585] : memref<10x125xi32, #tpu.memory_space<vmem>> -> memref<1x125xi32, #tpu.memory_space<vmem>>
    %dma_wait3A_587 = tpu.memref_squeeze %dma_wait3A_586 : memref<1x125xi32, #tpu.memory_space<vmem>> -> memref<125xi32, #tpu.memory_space<vmem>>
    %dma_wait3A_588 = arith.constant 0 : i32
    %dma_wait3A_589 = arith.constant 0 : i32
    %dma_wait3A_590 = tpu.memref_slice %arg19[%dma_wait3A_588, %dma_wait3A_589] : memref<10240x128xbf16, #tpu.memory_space<vmem_shared>> -> memref<10240x128xbf16, #tpu.memory_space<vmem_shared>>
    tpu.wait_indirect_dma semaphore(%arg34 : memref<!tpu.dma_semaphore, #tpu.memory_space<semaphore_mem>>) src(%arg11 : memref<125x128xbf16, #tpu.memory_space<vmem>>) dst(%dma_wait3A_590 : memref<10240x128xbf16, #tpu.memory_space<vmem_shared>>)
    %dma_wait3A_591 = arith.constant 3 : i32
    %dma_wait3A_592 = arith.constant 0 : i32
    %dma_wait3A_593 = tpu.memref_slice %arg8[%dma_wait3A_591, %dma_wait3A_592] : memref<10x125xi32, #tpu.memory_space<vmem>> -> memref<1x125xi32, #tpu.memory_space<vmem>>
    %dma_wait3A_594 = tpu.memref_squeeze %dma_wait3A_593 : memref<1x125xi32, #tpu.memory_space<vmem>> -> memref<125xi32, #tpu.memory_space<vmem>>
    %dma_wait3A_595 = arith.constant 0 : i32
    %dma_wait3A_596 = arith.constant 0 : i32
    %dma_wait3A_597 = tpu.memref_slice %arg19[%dma_wait3A_595, %dma_wait3A_596] : memref<10240x128xbf16, #tpu.memory_space<vmem_shared>> -> memref<10240x128xbf16, #tpu.memory_space<vmem_shared>>
    tpu.wait_indirect_dma semaphore(%arg35 : memref<!tpu.dma_semaphore, #tpu.memory_space<semaphore_mem>>) src(%arg12 : memref<125x128xbf16, #tpu.memory_space<vmem>>) dst(%dma_wait3A_597 : memref<10240x128xbf16, #tpu.memory_space<vmem_shared>>)
    %dma_wait3A_598 = arith.constant 4 : i32
    %dma_wait3A_599 = arith.constant 0 : i32
    %dma_wait3A_600 = tpu.memref_slice %arg8[%dma_wait3A_598, %dma_wait3A_599] : memref<10x125xi32, #tpu.memory_space<vmem>> -> memref<1x125xi32, #tpu.memory_space<vmem>>
    %dma_wait3A_601 = tpu.memref_squeeze %dma_wait3A_600 : memref<1x125xi32, #tpu.memory_space<vmem>> -> memref<125xi32, #tpu.memory_space<vmem>>
    %dma_wait3A_602 = arith.constant 0 : i32
    %dma_wait3A_603 = arith.constant 0 : i32
    %dma_wait3A_604 = tpu.memref_slice %arg19[%dma_wait3A_602, %dma_wait3A_603] : memref<10240x128xbf16, #tpu.memory_space<vmem_shared>> -> memref<10240x128xbf16, #tpu.memory_space<vmem_shared>>
    tpu.wait_indirect_dma semaphore(%arg36 : memref<!tpu.dma_semaphore, #tpu.memory_space<semaphore_mem>>) src(%arg13 : memref<125x128xbf16, #tpu.memory_space<vmem>>) dst(%dma_wait3A_604 : memref<10240x128xbf16, #tpu.memory_space<vmem_shared>>)
    %dma_wait3A_605 = arith.constant 5 : i32
    %dma_wait3A_606 = arith.constant 0 : i32
    %dma_wait3A_607 = tpu.memref_slice %arg8[%dma_wait3A_605, %dma_wait3A_606] : memref<10x125xi32, #tpu.memory_space<vmem>> -> memref<1x125xi32, #tpu.memory_space<vmem>>
    %dma_wait3A_608 = tpu.memref_squeeze %dma_wait3A_607 : memref<1x125xi32, #tpu.memory_space<vmem>> -> memref<125xi32, #tpu.memory_space<vmem>>
    %dma_wait3A_609 = arith.constant 0 : i32
    %dma_wait3A_610 = arith.constant 0 : i32
    %dma_wait3A_611 = tpu.memref_slice %arg19[%dma_wait3A_609, %dma_wait3A_610] : memref<10240x128xbf16, #tpu.memory_space<vmem_shared>> -> memref<10240x128xbf16, #tpu.memory_space<vmem_shared>>
    tpu.wait_indirect_dma semaphore(%arg37 : memref<!tpu.dma_semaphore, #tpu.memory_space<semaphore_mem>>) src(%arg14 : memref<125x128xbf16, #tpu.memory_space<vmem>>) dst(%dma_wait3A_611 : memref<10240x128xbf16, #tpu.memory_space<vmem_shared>>)
    %dma_wait3A_612 = arith.constant 6 : i32
    %dma_wait3A_613 = arith.constant 0 : i32
    %dma_wait3A_614 = tpu.memref_slice %arg8[%dma_wait3A_612, %dma_wait3A_613] : memref<10x125xi32, #tpu.memory_space<vmem>> -> memref<1x125xi32, #tpu.memory_space<vmem>>
    %dma_wait3A_615 = tpu.memref_squeeze %dma_wait3A_614 : memref<1x125xi32, #tpu.memory_space<vmem>> -> memref<125xi32, #tpu.memory_space<vmem>>
    %dma_wait3A_616 = arith.constant 0 : i32
    %dma_wait3A_617 = arith.constant 0 : i32
    %dma_wait3A_618 = tpu.memref_slice %arg19[%dma_wait3A_616, %dma_wait3A_617] : memref<10240x128xbf16, #tpu.memory_space<vmem_shared>> -> memref<10240x128xbf16, #tpu.memory_space<vmem_shared>>
    tpu.wait_indirect_dma semaphore(%arg38 : memref<!tpu.dma_semaphore, #tpu.memory_space<semaphore_mem>>) src(%arg15 : memref<125x128xbf16, #tpu.memory_space<vmem>>) dst(%dma_wait3A_618 : memref<10240x128xbf16, #tpu.memory_space<vmem_shared>>)
    %dma_wait3A_619 = arith.constant 7 : i32
    %dma_wait3A_620 = arith.constant 0 : i32
    %dma_wait3A_621 = tpu.memref_slice %arg8[%dma_wait3A_619, %dma_wait3A_620] : memref<10x125xi32, #tpu.memory_space<vmem>> -> memref<1x125xi32, #tpu.memory_space<vmem>>
    %dma_wait3A_622 = tpu.memref_squeeze %dma_wait3A_621 : memref<1x125xi32, #tpu.memory_space<vmem>> -> memref<125xi32, #tpu.memory_space<vmem>>
    %dma_wait3A_623 = arith.constant 0 : i32
    %dma_wait3A_624 = arith.constant 0 : i32
    %dma_wait3A_625 = tpu.memref_slice %arg19[%dma_wait3A_623, %dma_wait3A_624] : memref<10240x128xbf16, #tpu.memory_space<vmem_shared>> -> memref<10240x128xbf16, #tpu.memory_space<vmem_shared>>
    tpu.wait_indirect_dma semaphore(%arg39 : memref<!tpu.dma_semaphore, #tpu.memory_space<semaphore_mem>>) src(%arg16 : memref<125x128xbf16, #tpu.memory_space<vmem>>) dst(%dma_wait3A_625 : memref<10240x128xbf16, #tpu.memory_space<vmem_shared>>)
    %dma_wait3A_626 = arith.constant 8 : i32
    %dma_wait3A_627 = arith.constant 0 : i32
    %dma_wait3A_628 = tpu.memref_slice %arg8[%dma_wait3A_626, %dma_wait3A_627] : memref<10x125xi32, #tpu.memory_space<vmem>> -> memref<1x125xi32, #tpu.memory_space<vmem>>
    %dma_wait3A_629 = tpu.memref_squeeze %dma_wait3A_628 : memref<1x125xi32, #tpu.memory_space<vmem>> -> memref<125xi32, #tpu.memory_space<vmem>>
    %dma_wait3A_630 = arith.constant 0 : i32
    %dma_wait3A_631 = arith.constant 0 : i32
    %dma_wait3A_632 = tpu.memref_slice %arg19[%dma_wait3A_630, %dma_wait3A_631] : memref<10240x128xbf16, #tpu.memory_space<vmem_shared>> -> memref<10240x128xbf16, #tpu.memory_space<vmem_shared>>
    tpu.wait_indirect_dma semaphore(%arg40 : memref<!tpu.dma_semaphore, #tpu.memory_space<semaphore_mem>>) src(%arg17 : memref<125x128xbf16, #tpu.memory_space<vmem>>) dst(%dma_wait3A_632 : memref<10240x128xbf16, #tpu.memory_space<vmem_shared>>)
    %dma_wait3A_633 = arith.constant 9 : i32
    %dma_wait3A_634 = arith.constant 0 : i32
    %dma_wait3A_635 = tpu.memref_slice %arg8[%dma_wait3A_633, %dma_wait3A_634] : memref<10x125xi32, #tpu.memory_space<vmem>> -> memref<1x125xi32, #tpu.memory_space<vmem>>
    %dma_wait3A_636 = tpu.memref_squeeze %dma_wait3A_635 : memref<1x125xi32, #tpu.memory_space<vmem>> -> memref<125xi32, #tpu.memory_space<vmem>>
    %dma_wait3A_637 = arith.constant 0 : i32
    %dma_wait3A_638 = arith.constant 0 : i32
    %dma_wait3A_639 = tpu.memref_slice %arg19[%dma_wait3A_637, %dma_wait3A_638] : memref<10240x128xbf16, #tpu.memory_space<vmem_shared>> -> memref<10240x128xbf16, #tpu.memory_space<vmem_shared>>
    tpu.wait_indirect_dma semaphore(%arg41 : memref<!tpu.dma_semaphore, #tpu.memory_space<semaphore_mem>>) src(%arg18 : memref<125x128xbf16, #tpu.memory_space<vmem>>) dst(%dma_wait3A_639 : memref<10240x128xbf16, #tpu.memory_space<vmem_shared>>)
    %barrier3A_640 = arith.constant 0 : index
    tpu.barrier barrier_id(%barrier3A_640)
    %mul3A_641 = arith.constant 640 : i32
    %mul3A_642 = arith.muli %arg1, %mul3A_641 : i32
    %mul3A_643 = arith.constant 640 : i32
    %mul3A_644 = arith.muli %arg1, %mul3A_643 : i32
    "tpu.region"() ({
      %run_scoped3A_645 = tpu.sem_alloc : memref<!tpu.dma_semaphore, #tpu.memory_space<semaphore_mem>>
      %dma_start3A_646 = arith.constant 0 : i32
      %dma_start3A_647 = tpu.memref_slice %arg4[%arg0, %mul3A_644, %dma_start3A_646] : memref<2x10240x128xbf16, #tpu.memory_space<hbm>> -> memref<1x640x128xbf16, #tpu.memory_space<hbm>>
      %dma_start3A_648 = tpu.memref_squeeze %dma_start3A_647 : memref<1x640x128xbf16, #tpu.memory_space<hbm>> -> memref<640x128xbf16, #tpu.memory_space<hbm>>
      %dma_start3A_649 = arith.constant 0 : i32
      %dma_start3A_650 = tpu.memref_slice %arg19[%mul3A_642, %dma_start3A_649] : memref<10240x128xbf16, #tpu.memory_space<vmem_shared>> -> memref<640x128xbf16, #tpu.memory_space<vmem_shared>>
      tpu.enqueue_dma source(%dma_start3A_650 : memref<640x128xbf16, #tpu.memory_space<vmem_shared>>) target(%dma_start3A_648 : memref<640x128xbf16, #tpu.memory_space<hbm>>) target_semaphore(%run_scoped3A_645 : memref<!tpu.dma_semaphore, #tpu.memory_space<semaphore_mem>>)
      %dma_wait3A_651 = arith.constant 0 : i32
      %dma_wait3A_652 = tpu.memref_slice %arg4[%arg0, %mul3A_644, %dma_wait3A_651] : memref<2x10240x128xbf16, #tpu.memory_space<hbm>> -> memref<1x640x128xbf16, #tpu.memory_space<hbm>>
      %dma_wait3A_653 = tpu.memref_squeeze %dma_wait3A_652 : memref<1x640x128xbf16, #tpu.memory_space<hbm>> -> memref<640x128xbf16, #tpu.memory_space<hbm>>
      %dma_wait3A_654 = arith.constant 0 : i32
      %dma_wait3A_655 = tpu.memref_slice %arg19[%mul3A_642, %dma_wait3A_654] : memref<10240x128xbf16, #tpu.memory_space<vmem_shared>> -> memref<640x128xbf16, #tpu.memory_space<vmem_shared>>
      tpu.wait_dma2 semaphore(%run_scoped3A_645 : memref<!tpu.dma_semaphore, #tpu.memory_space<semaphore_mem>>) src(%dma_wait3A_655 : memref<640x128xbf16, #tpu.memory_space<vmem_shared>>) dst(%dma_wait3A_653 : memref<640x128xbf16, #tpu.memory_space<hbm>>)
      tpu.yield
    }) : () -> ()
    return
  }
}

#map = affine_map<(d0, d1) -> (0, 0, 0)>
#map1 = affine_map<(d0, d1) -> (0, 0)>
module attributes {stable_mosaic.version = 14 : i64} {
  func.func @sc_combine(%arg0: i32, %arg1: i32, %arg2: memref<2x10240x128xbf16, #tpu.memory_space<hbm>>, %arg3: memref<10240x128xbf16, #tpu.memory_space<hbm>>, %arg4: memref<320x128xbf16, #tpu.memory_space<vmem>>, %arg5: memref<320x128xbf16, #tpu.memory_space<vmem>>, %arg6: memref<320x128xbf16, #tpu.memory_space<vmem>>) attributes {dimension_semantics = [#tpu.dimension_semantics<core_parallel>, #tpu.dimension_semantics<subcore_parallel>], iteration_bounds = array<i64: 2, 16>, scalar_prefetch = 0 : i64, scratch_operands = 3 : i64, tpu.core_type = #tpu.core_type<sc_vector_subcore>, window_params = [{transform_indices = #map}, {transform_indices = #map1}]} {
    %mul3A = arith.constant 2 : i32
    %mul3A_0 = arith.muli %arg1, %mul3A : i32
    %add3A = arith.addi %mul3A_0, %arg0 : i32
    %mul3A_1 = arith.constant 320 : i32
    %mul3A_2 = arith.muli %add3A, %mul3A_1 : i32
    %run_scoped3A = arith.constant 0 : i32
    "tpu.region"() ({
      %run_scoped3A_9 = tpu.sem_alloc : memref<!tpu.dma_semaphore, #tpu.memory_space<semaphore_mem>>
      %dma_start3A = arith.constant 0 : i32
      %dma_start3A_10 = tpu.memref_slice %arg2[%run_scoped3A, %mul3A_2, %dma_start3A] : memref<2x10240x128xbf16, #tpu.memory_space<hbm>> -> memref<1x320x128xbf16, #tpu.memory_space<hbm>>
      %dma_start3A_11 = tpu.memref_squeeze %dma_start3A_10 : memref<1x320x128xbf16, #tpu.memory_space<hbm>> -> memref<320x128xbf16, #tpu.memory_space<hbm>>
      %dma_start3A_12 = arith.constant 0 : i32
      %dma_start3A_13 = tpu.memref_slice %arg2[%run_scoped3A, %mul3A_2, %dma_start3A_12] : memref<2x10240x128xbf16, #tpu.memory_space<hbm>> -> memref<1x320x128xbf16, #tpu.memory_space<hbm>>
      %dma_start3A_14 = tpu.memref_squeeze %dma_start3A_13 : memref<1x320x128xbf16, #tpu.memory_space<hbm>> -> memref<320x128xbf16, #tpu.memory_space<hbm>>
      tpu.enqueue_dma source(%dma_start3A_14 : memref<320x128xbf16, #tpu.memory_space<hbm>>) target(%arg4 : memref<320x128xbf16, #tpu.memory_space<vmem>>) target_semaphore(%run_scoped3A_9 : memref<!tpu.dma_semaphore, #tpu.memory_space<semaphore_mem>>)
      %dma_wait3A = arith.constant 0 : i32
      %dma_wait3A_15 = tpu.memref_slice %arg2[%run_scoped3A, %mul3A_2, %dma_wait3A] : memref<2x10240x128xbf16, #tpu.memory_space<hbm>> -> memref<1x320x128xbf16, #tpu.memory_space<hbm>>
      %dma_wait3A_16 = tpu.memref_squeeze %dma_wait3A_15 : memref<1x320x128xbf16, #tpu.memory_space<hbm>> -> memref<320x128xbf16, #tpu.memory_space<hbm>>
      %dma_wait3A_17 = arith.constant 0 : i32
      %dma_wait3A_18 = tpu.memref_slice %arg2[%run_scoped3A, %mul3A_2, %dma_wait3A_17] : memref<2x10240x128xbf16, #tpu.memory_space<hbm>> -> memref<1x320x128xbf16, #tpu.memory_space<hbm>>
      %dma_wait3A_19 = tpu.memref_squeeze %dma_wait3A_18 : memref<1x320x128xbf16, #tpu.memory_space<hbm>> -> memref<320x128xbf16, #tpu.memory_space<hbm>>
      tpu.wait_dma2 semaphore(%run_scoped3A_9 : memref<!tpu.dma_semaphore, #tpu.memory_space<semaphore_mem>>) src(%dma_wait3A_19 : memref<320x128xbf16, #tpu.memory_space<hbm>>) dst(%arg4 : memref<320x128xbf16, #tpu.memory_space<vmem>>)
      tpu.yield
    }) : () -> ()
    %run_scoped3A_3 = arith.constant 1 : i32
    "tpu.region"() ({
      %run_scoped3A_9 = tpu.sem_alloc : memref<!tpu.dma_semaphore, #tpu.memory_space<semaphore_mem>>
      %dma_start3A = arith.constant 0 : i32
      %dma_start3A_10 = tpu.memref_slice %arg2[%run_scoped3A_3, %mul3A_2, %dma_start3A] : memref<2x10240x128xbf16, #tpu.memory_space<hbm>> -> memref<1x320x128xbf16, #tpu.memory_space<hbm>>
      %dma_start3A_11 = tpu.memref_squeeze %dma_start3A_10 : memref<1x320x128xbf16, #tpu.memory_space<hbm>> -> memref<320x128xbf16, #tpu.memory_space<hbm>>
      %dma_start3A_12 = arith.constant 0 : i32
      %dma_start3A_13 = tpu.memref_slice %arg2[%run_scoped3A_3, %mul3A_2, %dma_start3A_12] : memref<2x10240x128xbf16, #tpu.memory_space<hbm>> -> memref<1x320x128xbf16, #tpu.memory_space<hbm>>
      %dma_start3A_14 = tpu.memref_squeeze %dma_start3A_13 : memref<1x320x128xbf16, #tpu.memory_space<hbm>> -> memref<320x128xbf16, #tpu.memory_space<hbm>>
      tpu.enqueue_dma source(%dma_start3A_14 : memref<320x128xbf16, #tpu.memory_space<hbm>>) target(%arg5 : memref<320x128xbf16, #tpu.memory_space<vmem>>) target_semaphore(%run_scoped3A_9 : memref<!tpu.dma_semaphore, #tpu.memory_space<semaphore_mem>>)
      %dma_wait3A = arith.constant 0 : i32
      %dma_wait3A_15 = tpu.memref_slice %arg2[%run_scoped3A_3, %mul3A_2, %dma_wait3A] : memref<2x10240x128xbf16, #tpu.memory_space<hbm>> -> memref<1x320x128xbf16, #tpu.memory_space<hbm>>
      %dma_wait3A_16 = tpu.memref_squeeze %dma_wait3A_15 : memref<1x320x128xbf16, #tpu.memory_space<hbm>> -> memref<320x128xbf16, #tpu.memory_space<hbm>>
      %dma_wait3A_17 = arith.constant 0 : i32
      %dma_wait3A_18 = tpu.memref_slice %arg2[%run_scoped3A_3, %mul3A_2, %dma_wait3A_17] : memref<2x10240x128xbf16, #tpu.memory_space<hbm>> -> memref<1x320x128xbf16, #tpu.memory_space<hbm>>
      %dma_wait3A_19 = tpu.memref_squeeze %dma_wait3A_18 : memref<1x320x128xbf16, #tpu.memory_space<hbm>> -> memref<320x128xbf16, #tpu.memory_space<hbm>>
      tpu.wait_dma2 semaphore(%run_scoped3A_9 : memref<!tpu.dma_semaphore, #tpu.memory_space<semaphore_mem>>) src(%dma_wait3A_19 : memref<320x128xbf16, #tpu.memory_space<hbm>>) dst(%arg5 : memref<320x128xbf16, #tpu.memory_space<vmem>>)
      tpu.yield
    }) : () -> ()
    %scan3A = arith.constant 0 : i32
    %scan3A_4 = arith.constant 0 : i32
    %scan3A_5 = arith.constant 160 : i32
    %scan3A_6 = arith.addi %scan3A_4, %scan3A_5 : i32
    %scan3A_7 = arith.constant 1 : i32
    scf.for %scan3A_9 = %scan3A_4 to %scan3A_6 step %scan3A_7  : i32 {
      %mul3A_10 = arith.constant 2 : i32
      %mul3A_11 = arith.muli %scan3A_9, %mul3A_10 : i32
      %multiple_of3A = tpu.assume_multiple %mul3A_11, 2 : i32
      %get3A = arith.index_cast %multiple_of3A : i32 to index
      %get3A_12 = arith.constant 0 : index
      %get3A_13 = tpu.vector_load %arg4[%get3A, %get3A_12] {strides = array<i32>} : memref<320x128xbf16, #tpu.memory_space<vmem>>, vector<2x16xbf16>,
      %get3A_14 = vector.shape_cast %get3A_13 : vector<2x16xbf16> to vector<2x16xbf16>
      %get3A_15 = arith.index_cast %multiple_of3A : i32 to index
      %get3A_16 = arith.constant 0 : index
      %get3A_17 = tpu.vector_load %arg5[%get3A_15, %get3A_16] {strides = array<i32>} : memref<320x128xbf16, #tpu.memory_space<vmem>>, vector<2x16xbf16>,
      %get3A_18 = vector.shape_cast %get3A_17 : vector<2x16xbf16> to vector<2x16xbf16>
      %add3A_19 = arith.addf %get3A_14, %get3A_18 : vector<2x16xbf16>
      %swap3A = arith.index_cast %multiple_of3A : i32 to index
      %swap3A_20 = arith.constant 0 : index
      %swap3A_21 = tpu.vector_load %arg6[%swap3A, %swap3A_20] {strides = array<i32>} : memref<320x128xbf16, #tpu.memory_space<vmem>>, vector<2x16xbf16>,
      %swap3A_22 = vector.shape_cast %swap3A_21 : vector<2x16xbf16> to vector<2x16xbf16>
      %swap3A_23 = vector.shape_cast %add3A_19 : vector<2x16xbf16> to vector<2x16xbf16>
      tpu.vector_store %arg6[%swap3A, %swap3A_20], %swap3A_23 {strides = array<i32>} : memref<320x128xbf16, #tpu.memory_space<vmem>>, vector<2x16xbf16>,
      %get3A_24 = arith.index_cast %multiple_of3A : i32 to index
      %get3A_25 = arith.constant 16 : index
      %get3A_26 = tpu.vector_load %arg4[%get3A_24, %get3A_25] {strides = array<i32>} : memref<320x128xbf16, #tpu.memory_space<vmem>>, vector<2x16xbf16>,
      %get3A_27 = vector.shape_cast %get3A_26 : vector<2x16xbf16> to vector<2x16xbf16>
      %get3A_28 = arith.index_cast %multiple_of3A : i32 to index
      %get3A_29 = arith.constant 16 : index
      %get3A_30 = tpu.vector_load %arg5[%get3A_28, %get3A_29] {strides = array<i32>} : memref<320x128xbf16, #tpu.memory_space<vmem>>, vector<2x16xbf16>,
      %get3A_31 = vector.shape_cast %get3A_30 : vector<2x16xbf16> to vector<2x16xbf16>
      %add3A_32 = arith.addf %get3A_27, %get3A_31 : vector<2x16xbf16>
      %swap3A_33 = arith.index_cast %multiple_of3A : i32 to index
      %swap3A_34 = arith.constant 16 : index
      %swap3A_35 = tpu.vector_load %arg6[%swap3A_33, %swap3A_34] {strides = array<i32>} : memref<320x128xbf16, #tpu.memory_space<vmem>>, vector<2x16xbf16>,
      %swap3A_36 = vector.shape_cast %swap3A_35 : vector<2x16xbf16> to vector<2x16xbf16>
      %swap3A_37 = vector.shape_cast %add3A_32 : vector<2x16xbf16> to vector<2x16xbf16>
      tpu.vector_store %arg6[%swap3A_33, %swap3A_34], %swap3A_37 {strides = array<i32>} : memref<320x128xbf16, #tpu.memory_space<vmem>>, vector<2x16xbf16>,
      %get3A_38 = arith.index_cast %multiple_of3A : i32 to index
      %get3A_39 = arith.constant 32 : index
      %get3A_40 = tpu.vector_load %arg4[%get3A_38, %get3A_39] {strides = array<i32>} : memref<320x128xbf16, #tpu.memory_space<vmem>>, vector<2x16xbf16>,
      %get3A_41 = vector.shape_cast %get3A_40 : vector<2x16xbf16> to vector<2x16xbf16>
      %get3A_42 = arith.index_cast %multiple_of3A : i32 to index
      %get3A_43 = arith.constant 32 : index
      %get3A_44 = tpu.vector_load %arg5[%get3A_42, %get3A_43] {strides = array<i32>} : memref<320x128xbf16, #tpu.memory_space<vmem>>, vector<2x16xbf16>,
      %get3A_45 = vector.shape_cast %get3A_44 : vector<2x16xbf16> to vector<2x16xbf16>
      %add3A_46 = arith.addf %get3A_41, %get3A_45 : vector<2x16xbf16>
      %swap3A_47 = arith.index_cast %multiple_of3A : i32 to index
      %swap3A_48 = arith.constant 32 : index
      %swap3A_49 = tpu.vector_load %arg6[%swap3A_47, %swap3A_48] {strides = array<i32>} : memref<320x128xbf16, #tpu.memory_space<vmem>>, vector<2x16xbf16>,
      %swap3A_50 = vector.shape_cast %swap3A_49 : vector<2x16xbf16> to vector<2x16xbf16>
      %swap3A_51 = vector.shape_cast %add3A_46 : vector<2x16xbf16> to vector<2x16xbf16>
      tpu.vector_store %arg6[%swap3A_47, %swap3A_48], %swap3A_51 {strides = array<i32>} : memref<320x128xbf16, #tpu.memory_space<vmem>>, vector<2x16xbf16>,
      %get3A_52 = arith.index_cast %multiple_of3A : i32 to index
      %get3A_53 = arith.constant 48 : index
      %get3A_54 = tpu.vector_load %arg4[%get3A_52, %get3A_53] {strides = array<i32>} : memref<320x128xbf16, #tpu.memory_space<vmem>>, vector<2x16xbf16>,
      %get3A_55 = vector.shape_cast %get3A_54 : vector<2x16xbf16> to vector<2x16xbf16>
      %get3A_56 = arith.index_cast %multiple_of3A : i32 to index
      %get3A_57 = arith.constant 48 : index
      %get3A_58 = tpu.vector_load %arg5[%get3A_56, %get3A_57] {strides = array<i32>} : memref<320x128xbf16, #tpu.memory_space<vmem>>, vector<2x16xbf16>,
      %get3A_59 = vector.shape_cast %get3A_58 : vector<2x16xbf16> to vector<2x16xbf16>
      %add3A_60 = arith.addf %get3A_55, %get3A_59 : vector<2x16xbf16>
      %swap3A_61 = arith.index_cast %multiple_of3A : i32 to index
      %swap3A_62 = arith.constant 48 : index
      %swap3A_63 = tpu.vector_load %arg6[%swap3A_61, %swap3A_62] {strides = array<i32>} : memref<320x128xbf16, #tpu.memory_space<vmem>>, vector<2x16xbf16>,
      %swap3A_64 = vector.shape_cast %swap3A_63 : vector<2x16xbf16> to vector<2x16xbf16>
      %swap3A_65 = vector.shape_cast %add3A_60 : vector<2x16xbf16> to vector<2x16xbf16>
      tpu.vector_store %arg6[%swap3A_61, %swap3A_62], %swap3A_65 {strides = array<i32>} : memref<320x128xbf16, #tpu.memory_space<vmem>>, vector<2x16xbf16>,
      %get3A_66 = arith.index_cast %multiple_of3A : i32 to index
      %get3A_67 = arith.constant 64 : index
      %get3A_68 = tpu.vector_load %arg4[%get3A_66, %get3A_67] {strides = array<i32>} : memref<320x128xbf16, #tpu.memory_space<vmem>>, vector<2x16xbf16>,
      %get3A_69 = vector.shape_cast %get3A_68 : vector<2x16xbf16> to vector<2x16xbf16>
      %get3A_70 = arith.index_cast %multiple_of3A : i32 to index
      %get3A_71 = arith.constant 64 : index
      %get3A_72 = tpu.vector_load %arg5[%get3A_70, %get3A_71] {strides = array<i32>} : memref<320x128xbf16, #tpu.memory_space<vmem>>, vector<2x16xbf16>,
      %get3A_73 = vector.shape_cast %get3A_72 : vector<2x16xbf16> to vector<2x16xbf16>
      %add3A_74 = arith.addf %get3A_69, %get3A_73 : vector<2x16xbf16>
      %swap3A_75 = arith.index_cast %multiple_of3A : i32 to index
      %swap3A_76 = arith.constant 64 : index
      %swap3A_77 = tpu.vector_load %arg6[%swap3A_75, %swap3A_76] {strides = array<i32>} : memref<320x128xbf16, #tpu.memory_space<vmem>>, vector<2x16xbf16>,
      %swap3A_78 = vector.shape_cast %swap3A_77 : vector<2x16xbf16> to vector<2x16xbf16>
      %swap3A_79 = vector.shape_cast %add3A_74 : vector<2x16xbf16> to vector<2x16xbf16>
      tpu.vector_store %arg6[%swap3A_75, %swap3A_76], %swap3A_79 {strides = array<i32>} : memref<320x128xbf16, #tpu.memory_space<vmem>>, vector<2x16xbf16>,
      %get3A_80 = arith.index_cast %multiple_of3A : i32 to index
      %get3A_81 = arith.constant 80 : index
      %get3A_82 = tpu.vector_load %arg4[%get3A_80, %get3A_81] {strides = array<i32>} : memref<320x128xbf16, #tpu.memory_space<vmem>>, vector<2x16xbf16>,
      %get3A_83 = vector.shape_cast %get3A_82 : vector<2x16xbf16> to vector<2x16xbf16>
      %get3A_84 = arith.index_cast %multiple_of3A : i32 to index
      %get3A_85 = arith.constant 80 : index
      %get3A_86 = tpu.vector_load %arg5[%get3A_84, %get3A_85] {strides = array<i32>} : memref<320x128xbf16, #tpu.memory_space<vmem>>, vector<2x16xbf16>,
      %get3A_87 = vector.shape_cast %get3A_86 : vector<2x16xbf16> to vector<2x16xbf16>
      %add3A_88 = arith.addf %get3A_83, %get3A_87 : vector<2x16xbf16>
      %swap3A_89 = arith.index_cast %multiple_of3A : i32 to index
      %swap3A_90 = arith.constant 80 : index
      %swap3A_91 = tpu.vector_load %arg6[%swap3A_89, %swap3A_90] {strides = array<i32>} : memref<320x128xbf16, #tpu.memory_space<vmem>>, vector<2x16xbf16>,
      %swap3A_92 = vector.shape_cast %swap3A_91 : vector<2x16xbf16> to vector<2x16xbf16>
      %swap3A_93 = vector.shape_cast %add3A_88 : vector<2x16xbf16> to vector<2x16xbf16>
      tpu.vector_store %arg6[%swap3A_89, %swap3A_90], %swap3A_93 {strides = array<i32>} : memref<320x128xbf16, #tpu.memory_space<vmem>>, vector<2x16xbf16>,
      %get3A_94 = arith.index_cast %multiple_of3A : i32 to index
      %get3A_95 = arith.constant 96 : index
      %get3A_96 = tpu.vector_load %arg4[%get3A_94, %get3A_95] {strides = array<i32>} : memref<320x128xbf16, #tpu.memory_space<vmem>>, vector<2x16xbf16>,
      %get3A_97 = vector.shape_cast %get3A_96 : vector<2x16xbf16> to vector<2x16xbf16>
      %get3A_98 = arith.index_cast %multiple_of3A : i32 to index
      %get3A_99 = arith.constant 96 : index
      %get3A_100 = tpu.vector_load %arg5[%get3A_98, %get3A_99] {strides = array<i32>} : memref<320x128xbf16, #tpu.memory_space<vmem>>, vector<2x16xbf16>,
      %get3A_101 = vector.shape_cast %get3A_100 : vector<2x16xbf16> to vector<2x16xbf16>
      %add3A_102 = arith.addf %get3A_97, %get3A_101 : vector<2x16xbf16>
      %swap3A_103 = arith.index_cast %multiple_of3A : i32 to index
      %swap3A_104 = arith.constant 96 : index
      %swap3A_105 = tpu.vector_load %arg6[%swap3A_103, %swap3A_104] {strides = array<i32>} : memref<320x128xbf16, #tpu.memory_space<vmem>>, vector<2x16xbf16>,
      %swap3A_106 = vector.shape_cast %swap3A_105 : vector<2x16xbf16> to vector<2x16xbf16>
      %swap3A_107 = vector.shape_cast %add3A_102 : vector<2x16xbf16> to vector<2x16xbf16>
      tpu.vector_store %arg6[%swap3A_103, %swap3A_104], %swap3A_107 {strides = array<i32>} : memref<320x128xbf16, #tpu.memory_space<vmem>>, vector<2x16xbf16>,
      %get3A_108 = arith.index_cast %multiple_of3A : i32 to index
      %get3A_109 = arith.constant 112 : index
      %get3A_110 = tpu.vector_load %arg4[%get3A_108, %get3A_109] {strides = array<i32>} : memref<320x128xbf16, #tpu.memory_space<vmem>>, vector<2x16xbf16>,
      %get3A_111 = vector.shape_cast %get3A_110 : vector<2x16xbf16> to vector<2x16xbf16>
      %get3A_112 = arith.index_cast %multiple_of3A : i32 to index
      %get3A_113 = arith.constant 112 : index
      %get3A_114 = tpu.vector_load %arg5[%get3A_112, %get3A_113] {strides = array<i32>} : memref<320x128xbf16, #tpu.memory_space<vmem>>, vector<2x16xbf16>,
      %get3A_115 = vector.shape_cast %get3A_114 : vector<2x16xbf16> to vector<2x16xbf16>
      %add3A_116 = arith.addf %get3A_111, %get3A_115 : vector<2x16xbf16>
      %swap3A_117 = arith.index_cast %multiple_of3A : i32 to index
      %swap3A_118 = arith.constant 112 : index
      %swap3A_119 = tpu.vector_load %arg6[%swap3A_117, %swap3A_118] {strides = array<i32>} : memref<320x128xbf16, #tpu.memory_space<vmem>>, vector<2x16xbf16>,
      %swap3A_120 = vector.shape_cast %swap3A_119 : vector<2x16xbf16> to vector<2x16xbf16>
      %swap3A_121 = vector.shape_cast %add3A_116 : vector<2x16xbf16> to vector<2x16xbf16>
      tpu.vector_store %arg6[%swap3A_117, %swap3A_118], %swap3A_121 {strides = array<i32>} : memref<320x128xbf16, #tpu.memory_space<vmem>>, vector<2x16xbf16>,
    }
    %scan3A_8 = arith.constant 160 : i32
    "tpu.region"() ({
      %run_scoped3A_9 = tpu.sem_alloc : memref<!tpu.dma_semaphore, #tpu.memory_space<semaphore_mem>>
      %dma_start3A = arith.constant 0 : i32
      %dma_start3A_10 = tpu.memref_slice %arg3[%mul3A_2, %dma_start3A] : memref<10240x128xbf16, #tpu.memory_space<hbm>> -> memref<320x128xbf16, #tpu.memory_space<hbm>>
      %dma_start3A_11 = arith.constant 0 : i32
      %dma_start3A_12 = tpu.memref_slice %arg3[%mul3A_2, %dma_start3A_11] : memref<10240x128xbf16, #tpu.memory_space<hbm>> -> memref<320x128xbf16, #tpu.memory_space<hbm>>
      tpu.enqueue_dma source(%arg6 : memref<320x128xbf16, #tpu.memory_space<vmem>>) target(%dma_start3A_12 : memref<320x128xbf16, #tpu.memory_space<hbm>>) target_semaphore(%run_scoped3A_9 : memref<!tpu.dma_semaphore, #tpu.memory_space<semaphore_mem>>)
      %dma_wait3A = arith.constant 0 : i32
      %dma_wait3A_13 = tpu.memref_slice %arg3[%mul3A_2, %dma_wait3A] : memref<10240x128xbf16, #tpu.memory_space<hbm>> -> memref<320x128xbf16, #tpu.memory_space<hbm>>
      %dma_wait3A_14 = arith.constant 0 : i32
      %dma_wait3A_15 = tpu.memref_slice %arg3[%mul3A_2, %dma_wait3A_14] : memref<10240x128xbf16, #tpu.memory_space<hbm>> -> memref<320x128xbf16, #tpu.memory_space<hbm>>
      tpu.wait_dma2 semaphore(%run_scoped3A_9 : memref<!tpu.dma_semaphore, #tpu.memory_space<semaphore_mem>>) src(%arg6 : memref<320x128xbf16, #tpu.memory_space<vmem>>) dst(%dma_wait3A_15 : memref<320x128xbf16, #tpu.memory_space<hbm>>)
      tpu.yield
    }) : () -> ()
    return
  }
}

</mosaic_0001>

<sc_bundles>
// kernel: kernel.4.cloned.1.call-start
scs
__scs_entry_jumppad:
0x0: {  	(pc) =	sbr.rel $0x88, $3  }
0x1: {  	(tag) =	ssettag $0x0;
	lr =	simm.s32 $0x1  }
0x2: {  	[smem:$0x3F9E] =	sst lr;
	_ =	strace $0xD0000000  }
0x3: {  	_ = 	snop  }
0x4: {  	_ = 	snop  }
0x5: {  	_ = 	snop  }
0x6: {  	_ = 	snop  }
0x7: {  	_ = 	snop  }
__scs_overlays_trampoline_lowered:
0x8: {  	[smem:$0x3FAD] =	sst s0  }
0x9: {  	[smem:$0x3FAE] =	sst s1  }
0xa: {  	[smem:$0x3FAF] =	sst s2  }
0xb: {  	[smem:$0x3FB0] =	sst s3  }
0xc: {  	[smem:$0x3FB1] =	sst s4  }
0xd: {  	[smem:$0x3FB2] =	sst s5  }
0xe: {  	[smem:$0x3FB3] =	sst s6  }
0xf: {  	[smem:$0x3FB4] =	sst s7  }
0x10: {  	[smem:$0x3FB5] =	sst s8  }
0x11: {  	[smem:$0x3FB6] =	sst s9;
	s0 =	simm.s32 @!p0 $0x0  }
0x12: {  	s1 =	sld [smem:$0x3F9C];
	s0 =	simm.s32 @p0 $0x1  }
0x13: {  	[smem:$0x3FB7] =	sst s0;
	s0 =	simm.s32 @!p1 $0x0  }
0x14: {  	s2 =	sld [smem:$0x3F9B];
	s0 =	simm.s32 @p1 $0x1  }
0x15: {  	[smem:$0x3FB8] =	sst s0;
	s0 =	simm.s32 @!p2 $0x0  }
0x16: {  	s3 =	sld [smem:$0x3FDB];
	s0 =	simm.s32 @p2 $0x1  }
0x17: {  	s4 =	simm.s32 $0x1BF5;
	[smem:$0x3FBA] =	sst s0  }
0x18: {  	s0 =	sld [smem:$0x3F9D];
	_ =	swait.ge [sflag:s4], $0x0  }
0x19: {  	s7 =	sld [smem:$0x3F9E]  }
0x1a: {  	s8 =	sadd.s32 $0xFFFFE003, lr  }
0x1b: {  	s9 =	sadd.s32 $0xFFFFFEF7, lr;
	s5 =	simm.s32 $0xFFFFFFFF;
	p2 =	slt.u32 s8, $0xFFFFF086  }
0x1c: {  	p1 =	slt.u32 s9, $0xF7A;
	s5 =	simm.s32 @!p2 $0x0  }
0x1d: {  	s5 =	simm.s32 @p1 $0x1;
	p0 =	seq.s32 s7, s2  }
0x1e: {  	s7 =	smul.u32 @!p0 $0xF7A, s2;
	p2 =	seq.s32 @!p0 s5, $0x0  }
0x1f: {  	s9 =	smul.u32 $0xF7A, s1;
	s8 =	simm.s32 @!p0 $0x1BF5;
	p2 =	por !p2, p0  }
0x20: {  	[sflag:s8] =	ssyncset.s32 @!p0 $0xFFFFF086;
	s6 =	sadd.s32 @!p0 s3, s7;
	s7 =	simm.s32 @!p0 $0x108  }
0x21: {  	s3 =	sadd.s32 s3, s9;
	s6 =	sadd.s32 @!p0 $0x88, s6;
	s7 =	simm.s32 @p2 $0x1082  }
0x22: {  	[simem:s7], [sflag:s8] =	dma.local @!p0 [hbm:s6], $0xF7A  }
0x23: {  	s9 =	sor.u32 $0xD0000000, s2;
	s6 =	simm.s32 $0x108;
	_ =	swait.ge @!p0 [sflag:s8], $0x0  }
0x24: {  	s3 =	sadd.s32 $0x88, s3;
	s6 =	simm.s32 @!p1 $0x1082;
	[sflag:s4] =	ssyncset.s32 $0xFFFFF086  }
0x25: {  	[simem:s6], [sflag:s4] =	dma.local [hbm:s3], $0xF7A  }
0x26: {  	[smem:$0x3F9E] =	sst s1;
	(tag) =	ssettag s2;
	_ =	strace s9  }
0x27: {  	s1 =	sld [smem:$0x3FAE]  }
0x28: {  	s2 =	sld [smem:$0x3FAF]  }
0x29: {  	s4 =	sld [smem:$0x3FB1]  }
0x2a: {  	p0 =	seq.s32 s5, $0x0;
	s5 =	sld [smem:$0x3FB2]  }
0x2b: {  	s6 =	sld [smem:$0x3FB3]  }
0x2c: {  	s7 =	sld [smem:$0x3FB4]  }
0x2d: {  	s3 =	simm.s32 $0x108;
	s8 =	sld [smem:$0x3FB5]  }
0x2e: {  	s3 =	simm.s32 @!p0 $0x1082;
	s9 =	sld [smem:$0x3FB6]  }
0x2f: {  	lr =	sadd.s32 s0, s3;
	s0 =	sld [smem:$0x3FAD]  }
0x30: {  	s3 =	sld [smem:$0x3FB0]  }
0x31: {  	[smem:$0x3FB9] =	sst s10  }
0x32: {  	s10 =	sld [smem:$0x3FB7];
	_ =	sdelay $0x3  }
0x33: {  	p0 =	seq.s32 s10, $0x1;
	s10 =	sld [smem:$0x3FB9];
	_ =	sdelay $0x3  }
0x34: {  	[smem:$0x3FB9] =	sst s10  }
0x35: {  	s10 =	sld [smem:$0x3FB8];
	_ =	sdelay $0x3  }
0x36: {  	p1 =	seq.s32 s10, $0x1;
	s10 =	sld [smem:$0x3FB9];
	_ =	sdelay $0x3  }
0x37: {  	[smem:$0x3FB9] =	sst s10  }
0x38: {  	s10 =	sld [smem:$0x3FBA]  }
0x39: {  	_ = 	snop;
	(pc) =	sbr.ind lr, $3  }
0x3a: {  	_ = 	snop  }
0x3b: {  	_ = 	snop  }
0x3c: {  	p2 =	seq.s32 s10, $0x1;
	s10 =	sld [smem:$0x3FB9]  }
0x3d: {  	_ =	shalt  }
0x3e: {  	_ =	shalt  }
0x3f: {  	_ =	shalt  }
0x40: {  	_ =	shalt  }
0x41: {  	_ =	shalt  }
0x42: {  	_ =	shalt  }
0x43: {  	_ =	shalt  }
0x44: {  	_ =	shalt  }
0x45: {  	_ =	shalt  }
0x46: {  	_ =	shalt  }
0x47: {  	_ =	shalt  }
0x48: {  	_ =	shalt  }
0x49: {  	_ =	shalt  }
0x4a: {  	_ =	shalt  }
0x4b: {  	_ =	shalt  }
0x4c: {  	_ =	shalt  }
0x4d: {  	_ =	shalt  }
0x4e: {  	_ =	shalt  }
0x4f: {  	_ =	shalt  }
0x50: {  	_ =	shalt  }
0x51: {  	_ =	shalt  }
0x52: {  	_ =	shalt  }
0x53: {  	_ =	shalt  }
0x54: {  	_ =	shalt  }
0x55: {  	_ =	shalt  }
0x56: {  	_ =	shalt  }
0x57: {  	_ =	shalt  }
0x58: {  	_ =	shalt  }
0x59: {  	_ =	shalt  }
0x5a: {  	_ =	shalt  }
0x5b: {  	_ =	shalt  }
0x5c: {  	_ =	shalt  }
0x5d: {  	_ =	shalt  }
0x5e: {  	_ =	shalt  }
0x5f: {  	_ =	shalt  }
0x60: {  	_ =	shalt  }
0x61: {  	_ =	shalt  }
0x62: {  	_ =	shalt  }
0x63: {  	_ =	shalt  }
0x64: {  	_ =	shalt  }
0x65: {  	_ =	shalt  }
0x66: {  	_ =	shalt  }
0x67: {  	_ =	shalt  }
0x68: {  	_ =	shalt  }
0x69: {  	_ =	shalt  }
0x6a: {  	_ =	shalt  }
0x6b: {  	_ =	shalt  }
0x6c: {  	_ =	shalt  }
0x6d: {  	_ =	shalt  }
0x6e: {  	_ =	shalt  }
0x6f: {  	_ =	shalt  }
0x70: {  	_ =	shalt  }
0x71: {  	_ =	shalt  }
0x72: {  	_ =	shalt  }
0x73: {  	_ =	shalt  }
0x74: {  	_ =	shalt  }
0x75: {  	_ =	shalt  }
0x76: {  	_ =	shalt  }
0x77: {  	_ =	shalt  }
0x78: {  	_ =	shalt  }
0x79: {  	_ =	shalt  }
0x7a: {  	_ =	shalt  }
0x7b: {  	_ =	shalt  }
0x7c: {  	_ =	shalt  }
0x7d: {  	_ =	shalt  }
0x7e: {  	_ =	shalt  }
0x7f: {  	_ =	shalt  }
0x80: {  	_ =	shalt  }
0x81: {  	_ =	shalt  }
0x82: {  	_ =	shalt  }
0x83: {  	_ =	shalt  }
0x84: {  	_ =	shalt  }
0x85: {  	_ =	shalt  }
0x86: {  	_ =	shalt  }
0x87: {  	_ =	shalt  }
.Lfunc_end0:
.L_simem_size_0:
called_computation_lowered:
.L_overlay_start_0:
0x88: {  	s2 =	sld [smem:$0x3FD9]  }
0x89: {  	s3 =	sld [smem:$0x3FFE];
	_ =	sdelay $0x1  }
0x8a: {  	s1 =	srdreg.scid  }
0x8b: {  	s0 =	sand.u32 $0x1, s1  }
0x8c: {  	s17 =	sshll.u32 s0, $0xA;
	s2 =	sadd.s32 s3, s2  }
0x8d: {  	s2 =	sadd.s32 s2, s17  }
0x8e: {  	[smem:$0x3FC5] =	sst s2  }
0x8f: {  	_ = 	snop  }
0x90: {  	s2 =	sld [smem:$0x3FD0];
	(tm) =	ssettm $0x1  }
0x91: {  	s18 =	sld [smem:$0x3FFB];
	_ =	sdelay $0x3  }
0x92: {  	_ =	strace s18  }
0x93: {  	s3 =	sld [smem:$0x3FFC];
	_ =	sdelay $0x3  }
0x94: {  	_ =	strace s3  }
0x95: {  	s3 =	sld [smem:$0x3FFD];
	_ =	sdelay $0x3  }
0x96: {  	_ =	strace s3  }
0x97: {  	_ =	strace $0x8FFFFFFF  }
0x98: {  	s19 =	sld [smem:$0x3FDB];
	_ =	sdelay $0x1  }
0x99: {  	s4 =	simm.s32 $_scs_section_size  }
0x9a: {  	s5 =	simm.s32 $_size__tile_overlayer_lowered;
	s6 =	simm.s32 $_tile_overlayer_lowered  }
0x9b: {  	s22 =	simm.s32 $0x1BFF;
	s21 =	sshll.u32 s6, $0x1;
	s3 =	sadd.s32 s4, s19  }
0x9c: {  	s7 =	simm.s32 $0x0;
	s20 =	sshll.u32 s5, $0x1;
	s5 =	sadd.s32 s21, s3  }
0x9d: {  	[timem:s7], [sflag:s22] =	dma.local [hbm:s5], s20  }
0x9e: {  	_ =	swait.ge [sflag:s22], s20  }
0x9f: {  	s4 =	ssub.s32 $0x0, s20;
	[sflag:s22] =	ssyncset.done $0x0  }
0xa0: {  	[sflag:s22] =	ssyncadd.s32 s4;
	_ =	sdelay $0x1  }
0xa1: {  	s23 =	simm.s32 $0x1B8B  }
0xa2: {  	_ =	swait.ge [sflag:s23], $0x1  }
0xa3: {  	[sflag:s23] =	ssyncset.done $0x0  }
0xa4: {  	s25 =	simm.s32 $0x1B8E;
	s24 =	sld [smem:$0x3FFE];
	[sflag:s23] =	ssyncadd.s32 $0xFFFFFFFF  }
0xa5: {  	s26 =	simm.s32 $execute0_lowered;
	[smem:$0x3FD2] =	sst s25  }
0xa6: {  	s5 =	sshll.u32 s26, $0x1;
	_ =	strace $0x80000046;
	[dreg:$0x1] =	wrdreg $0xFFFFFFFF  }
0xa7: {  	s28 =	simm.s32 $_size_execute0_lowered;
	s3 =	sadd.s32 s3, s5;
	[dreg:$0x0] =	wrdreg $0x0  }
0xa8: {  	s5 =	sshll.u32 s28, $0x1;
	[dreg:$0x2] =	wrdreg s3  }
0xa9: {  	[dreg:$0x3] =	wrdreg s5  }
0xaa: {  	[dreg:$0x4] =	wrdreg $0xC0  }
0xab: {  	_ =	task [dreg:s7], $0x5FFFF  }
0xac: {  	[dreg:$0x1] =	wrdreg $0xFFFFFFFF  }
0xad: {  	[dreg:$0x0] =	wrdreg $0x60  }
0xae: {  	[dreg:$0x2] =	wrdreg s24  }
0xaf: {  	[dreg:$0x3] =	wrdreg s2  }
0xb0: {  	[dreg:$0x4] =	wrdreg $0x14C800  }
0xb1: {  	[dreg:$0x5] =	wrdreg $0x9  }
0xb2: {  	_ =	task.clear_ibuf [dreg:s7], $0x6FFFF;
	_ =	strace $0x90000046  }
0xb3: {  	s29 =	simm.s32 $0x9;
	_ =	strace $0x80000048  }
0xb4: {  	_ =	swait.ge [sflag:s29], $0x1  }
0xb5: {  	[sflag:s29] =	ssyncadd.s32 $0xFFFFFFFF  }
0xb6: {  	_ =	strace $0x90000048  }
0xb7: {  	_ =	sfence  }
0xb8: {  	s30 =	sld [smem:$0x0];
	_ =	sdelay $0x2  }
0xb9: {  	s31 =	sshll.u32 s1, $0xD;
	s1 =	sshrl.u32 s1, $0x2  }
0xba: {  	s3 =	sand.u32 $0x4000, s31;
	s1 =	sadd.s32 s1, s30  }
0xbb: {  	s0 =	sor.u32 s3, s0;
	s1 =	sshll.u32 s1, $0x11  }
0xbc: {  	s0 =	sor.u32 s1, s0  }
0xbd: {  	s0 =	sadd.s32 $0x8F2B, s0  }
0xbe: {  	[sflag:s0] =	ssyncadd.remote.s32 $0x1  }
0xbf: {  	_ =	sfence.sel $0xFFFF  }
0xc0: {  	[dreg:$0x0] =	wrdreg $0xFFFFFFFF;
	(pc) =	sbr.abs _section_cstart, $3  }
0xc1: {  	[dreg:$0x1] =	wrdreg $0xFFFFFFFF  }
0xc2: {  	_ =	task.clear_ibuf [dreg:s7], $0x2FFFF;
	_ =	strace $0x9FFFFFFF  }
0xc3: {  	(tm) =	ssettm $0x7FFFFFFF  }
tec
execute0_lowered:
.L_overlay_start_1:
0x0: {  	(tag) =	ssettag $0x1  }
0x1: {  	s0 =	rddreg [dreg:$0x0]  }
0x2: {  	s4 =	rddreg [dreg:$0x1];
	s10 =	stileid.u32  }
0x3: {  	s1 =	srdreg.scid;
	s2 =	smul.u32 $0x14000, s10  }
0x4: {  	s16 =	rddreg [dreg:$0x2];
	s3 =	simm.s32 $0x0;
	s8 =	smul.u32 $0x28000, s10  }
0x5: {  	s1 =	sand.u32 $0x1, s1;
	[smem:$0x7FF] =	sst s3;
	s11 =	smul.u32 $0x5000, s10  }
0x6: {  	s5 =	sadd.s32 $0xC00, s0;
	s9 =	sshll.u32 s10, $0x1;
	s6 =	smul.u32 $0x140000, s1  }
0x7: {  	_ =	strace $0x80000047;
	s7 =	ssub.s32 $0x2, s1;
	s8 =	sshrl.u32 s8, $0x2  }
0x8: {  	s31 =	sor.u32 s1, s9;
	s1 =	smul.u32 $0x2800, s1;
	s8 =	sadd.s32 s8, s16  }
0x9: {  	s30 =	sshrl.u32 s7, $0x1;
	s6 =	sadd.s32 s2, s6;
	s9 =	sadd.s32 $0x1400, s8  }
0xa: {  	s2 =	sshrl.u32 s2, $0x1;
	s12 =	sadd.s32 $0x2800, s8;
	[dreg:$0x9] =	wrdreg s9  }
0xb: {  	s1 =	sadd.s32 s1, s11;
	s13 =	sadd.s32 $0x3C00, s8;
	[dreg:$0xa] =	wrdreg s12  }
0xc: {  	s6 =	sshrl.u32 s6, $0x4;
	s14 =	sadd.s32 $0x5000, s8;
	[dreg:$0xb] =	wrdreg s13  }
0xd: {  	s17 =	sadd.s32 s2, s16;
	s15 =	sadd.s32 $0x6400, s8;
	[dreg:$0xc] =	wrdreg s14  }
0xe: {  	s18 =	sadd.s32 $0x7800, s8;
	s20 =	sadd.s32 $0x8C00, s8;
	[dreg:$0xd] =	wrdreg s15  }
0xf: {  	s22 =	sadd.s32 $0x50F00, s1;
	s0 =	sadd.s32 s6, s0;
	[dreg:$0xe] =	wrdreg s18  }
0x10: {  	s6 =	ssub.s32 s7, s30;
	s7 =	smul.u32 $0x2800, s31;
	[dreg:$0x10] =	wrdreg s20  }
0x11: {  	s2 =	sshrl.u32 s22, $0x3;
	s31 =	sadd.s32 $0xA00, s1;
	[dreg:$0x8] =	wrdreg s17  }
0x12: {  	s2 =	sadd.s32 s2, s4;
	[dreg:$0x16] =	wrdreg s31  }
0x13: {  	s24 =	sadd.s32 $0x50A00, s1;
	s0 =	sadd.s32 $0x14600, s0;
	[dreg:$0x4] =	wrdreg s2  }
0x14: {  	s26 =	sshrl.u32 s24, $0x3;
	s30 =	smax.u32 s6, $0x1;
	[dreg:$0x14] =	wrdreg s0  }
0x15: {  	s29 =	sadd.s32 s26, s4;
	s7 =	sshrl.u32 s7, $0x3;
	[dreg:$0x15] =	wrdreg s30  }
0x16: {  	[dreg:$0x6] =	wrdreg s29;
	s19 =	sadd.s32 s4, s7  }
0x17: {  	s23 =	sadd.s32 $0xF00, s1;
	s21 =	sadd.s32 $0xA000, s19;
	[dreg:$0xf] =	wrdreg s19  }
0x18: {  	s13 =	simm.s32 $0x17;
	s7 =	sadd.s32 $0xA0, s19;
	[dreg:$0x11] =	wrdreg s21  }
0x19: {  	s28 =	sadd.s32 $0xA0A0, s19;
	[dreg:$0x12] =	wrdreg s7;
	s7 =	sshrl.u32 s23, $0x3  }
0x1a: {  	s26 =	simm.s32 $0x7D;
	[dreg:$0x13] =	wrdreg s28;
	s25 =	sadd.s32 s7, s4  }
0x1b: {  	v0 =	vimm.bf16 $0.0e+00;
	s0 =	simm.s32 $0x0;
	s19 =	simm.s32 $0x1400;
	[dreg:$0x5] =	wrdreg s25  }
.LBB2_1:
0x1c: {  	[dreg:$0x17] =	wrdreg s0;
	s10 =	simm.s32 $0x0;
	s12 =	simm.s32 $0x200  }
.LBB2_2:
0x1d: {  	p0 =	sne.s32 s12, $0x4E00;
	[tilespmem:s10+$0x1478] =	vst.msk $0xff, v0  }
0x1e: {  	[tilespmem:s10+$0x1400] =	vst.msk $0xff, v0  }
0x1f: {  	[tilespmem:s10+$0x1440] =	vst.msk $0xff, v0  }
0x20: {  	[tilespmem:s10+$0x1408] =	vst.msk $0xff, v0  }
0x21: {  	[tilespmem:s10+$0x1448] =	vst.msk $0xff, v0  }
0x22: {  	[tilespmem:s10+$0x1410] =	vst.msk $0xff, v0  }
0x23: {  	[tilespmem:s10+$0x1450] =	vst.msk $0xff, v0  }
0x24: {  	[tilespmem:s10+$0x1418] =	vst.msk $0xff, v0  }
0x25: {  	[tilespmem:s10+$0x1458] =	vst.msk $0xff, v0  }
0x26: {  	[tilespmem:s10+$0x1420] =	vst.msk $0xff, v0  }
0x27: {  	[tilespmem:s10+$0x1460] =	vst.msk $0xff, v0  }
.Ltmp0:
0x28: {  	[tilespmem:s10+$0x1428] =	vst.msk $0xff, v0;
	(pc) =	sbr.rel @p0 .LBB2_2-.Ltmp0, $4  }
0x29: {  	[tilespmem:s10+$0x1468] =	vst.msk $0xff, v0  }
0x2a: {  	[tilespmem:s10+$0x1430] =	vst.msk $0xff, v0  }
0x2b: {  	[tilespmem:s10+$0x1470] =	vst.msk $0xff, v0  }
0x2c: {  	[tilespmem:s10+$0x1438] =	vst.msk $0xff, v0;
	s10 =	sshra.s32 s12, $0x2;
	s12 =	sadd.s32 $0x200, s12  }
0x2d: {  	[tilespmem:s10+$0x1478] =	vst.msk $0xff, v0  }
0x2e: {  	[tilespmem:s10+$0x1400] =	vst.msk $0xff, v0  }
0x2f: {  	[tilespmem:s10+$0x1440] =	vst.msk $0xff, v0  }
0x30: {  	[tilespmem:s10+$0x1408] =	vst.msk $0xff, v0  }
0x31: {  	[tilespmem:s10+$0x1448] =	vst.msk $0xff, v0  }
0x32: {  	[tilespmem:s10+$0x1410] =	vst.msk $0xff, v0  }
0x33: {  	[tilespmem:s10+$0x1450] =	vst.msk $0xff, v0  }
0x34: {  	[tilespmem:s10+$0x1418] =	vst.msk $0xff, v0  }
0x35: {  	[tilespmem:s10+$0x1458] =	vst.msk $0xff, v0  }
0x36: {  	[tilespmem:s10+$0x1420] =	vst.msk $0xff, v0  }
0x37: {  	[tilespmem:s10+$0x1460] =	vst.msk $0xff, v0  }
0x38: {  	[tilespmem:s10+$0x1428] =	vst.msk $0xff, v0  }
0x39: {  	[tilespmem:s10+$0x1468] =	vst.msk $0xff, v0  }
0x3a: {  	[tilespmem:s10+$0x1430] =	vst.msk $0xff, v0  }
0x3b: {  	[tilespmem:s10+$0x1470] =	vst.msk $0xff, v0  }
0x3c: {  	[tilespmem:s10+$0x1438] =	vst.msk $0xff, v0  }
0x3d: {  	[spmem:s17] =	stream.linear.scatter [tilespmem:s19], [sflag:$0x17], $0x1400, $0x38;
	[tilespmem:$0x1EC80] =	vst v63  }
0x3e: {  	_ =	swait.ge [sflag:s13], $0x1400  }
0x3f: {  	[sflag:s13] =	ssyncset.done $0x0  }
0x40: {  	s12 =	rddreg [dreg:$0x9];
	[sflag:s13] =	ssyncadd.s32 $0xFFFFEC00  }
0x41: {  	[spmem:s12] =	stream.linear.scatter [tilespmem:s19], [sflag:$0x17], $0x1400, $0x38;
	[tilespmem:$0x1EC80] =	vst v63  }
0x42: {  	_ =	swait.ge [sflag:s13], $0x1400  }
0x43: {  	[sflag:s13] =	ssyncset.done $0x0  }
0x44: {  	s14 =	rddreg [dreg:$0xa];
	[sflag:s13] =	ssyncadd.s32 $0xFFFFEC00  }
0x45: {  	[spmem:s14] =	stream.linear.scatter [tilespmem:s19], [sflag:$0x17], $0x1400, $0x38;
	[tilespmem:$0x1EC80] =	vst v63  }
0x46: {  	_ =	swait.ge [sflag:s13], $0x1400  }
0x47: {  	[sflag:s13] =	ssyncset.done $0x0  }
0x48: {  	s15 =	rddreg [dreg:$0xb];
	[sflag:s13] =	ssyncadd.s32 $0xFFFFEC00  }
0x49: {  	[spmem:s15] =	stream.linear.scatter [tilespmem:s19], [sflag:$0x17], $0x1400, $0x38;
	[tilespmem:$0x1EC80] =	vst v63  }
0x4a: {  	_ =	swait.ge [sflag:s13], $0x1400  }
0x4b: {  	[sflag:s13] =	ssyncset.done $0x0  }
0x4c: {  	s17 =	rddreg [dreg:$0xc];
	[sflag:s13] =	ssyncadd.s32 $0xFFFFEC00  }
0x4d: {  	[spmem:s17] =	stream.linear.scatter [tilespmem:s19], [sflag:$0x17], $0x1400, $0x38;
	[tilespmem:$0x1EC80] =	vst v63  }
0x4e: {  	_ =	swait.ge [sflag:s13], $0x1400  }
0x4f: {  	[sflag:s13] =	ssyncset.done $0x0  }
0x50: {  	s18 =	rddreg [dreg:$0xd];
	[sflag:s13] =	ssyncadd.s32 $0xFFFFEC00  }
0x51: {  	[spmem:s18] =	stream.linear.scatter [tilespmem:s19], [sflag:$0x17], $0x1400, $0x38;
	[tilespmem:$0x1EC80] =	vst v63  }
0x52: {  	_ =	swait.ge [sflag:s13], $0x1400  }
0x53: {  	[sflag:s13] =	ssyncset.done $0x0  }
0x54: {  	s20 =	rddreg [dreg:$0xe];
	[sflag:s13] =	ssyncadd.s32 $0xFFFFEC00  }
0x55: {  	[spmem:s20] =	stream.linear.scatter [tilespmem:s19], [sflag:$0x17], $0x1400, $0x38;
	[tilespmem:$0x1EC80] =	vst v63  }
0x56: {  	_ =	swait.ge [sflag:s13], $0x1400  }
0x57: {  	[sflag:s13] =	ssyncset.done $0x0  }
0x58: {  	s21 =	rddreg [dreg:$0x10];
	[sflag:s13] =	ssyncadd.s32 $0xFFFFEC00  }
0x59: {  	[spmem:s21] =	stream.linear.scatter [tilespmem:s19], [sflag:$0x17], $0x1400, $0x38;
	[tilespmem:$0x1EC80] =	vst v63  }
0x5a: {  	_ =	swait.ge [sflag:s13], $0x1400  }
0x5b: {  	[sflag:s13] =	ssyncset.done $0x0  }
0x5c: {  	[sflag:s13] =	ssyncadd.s32 $0xFFFFEC00  }
0x5d: {  	[bflag:$0x0] =	sbarrier.arrive $0xFFFF  }
0x5e: {  	s22 =	simm.s32 $0x0;
	s12 =	rddreg [dreg:$0xf]  }
0x5f: {  	[tilespmem:s22], [sflag:$0x17] =	stream.linear.gather [hbm4b:s12+s22], $0x500, $0x38;
	[tilespmem:$0x1EC80] =	vst v63  }
0x60: {  	_ =	swait.ge [sflag:s13], $0x500  }
0x61: {  	[sflag:s13] =	ssyncset.done $0x0  }
0x62: {  	s6 =	simm.s32 $0x500;
	s23 =	rddreg [dreg:$0x11];
	[sflag:s13] =	ssyncadd.s32 $0xFFFFFB00  }
0x63: {  	[tilespmem:s6], [sflag:$0x17] =	stream.linear.gather [hbm4b:s23+s22], $0x500, $0x38;
	[tilespmem:$0x1EC80] =	vst v63  }
0x64: {  	_ =	swait.ge [sflag:s13], $0x500  }
0x65: {  	[sflag:s13] =	ssyncset.done $0x0  }
0x66: {  	s6 =	simm.s32 $0xA00;
	s24 =	rddreg [dreg:$0x12];
	[sflag:s13] =	ssyncadd.s32 $0xFFFFFB00  }
0x67: {  	[tilespmem:s6], [sflag:$0x2] =	stream.linear.gather [hbm4b:s24+s22], $0x500, $0x38;
	[tilespmem:$0x1EC80] =	vst v63  }
0x68: {  	s0 =	simm.s32 $0xF00;
	s25 =	rddreg [dreg:$0x13]  }
0x69: {  	[tilespmem:s0], [sflag:$0x2] =	stream.linear.gather [hbm4b:s25+s22], $0x500, $0x38;
	[tilespmem:$0x1EC80] =	vst v63  }
0x6a: {  	_ = 	snop  }
0x6b: {  	[tilespmem:s19], [sflag:$0x3] =	stream.indirect.gather [hbm4b:s5+s26], $0x40, s22, s26, $0xb8;
	[tilespmem:$0x1EC80] =	vst v63  }
0x6c: {  	s28 =	simm.s32 $0x80;
	s1 =	simm.s32 $0x3340  }
0x6d: {  	[tilespmem:s1], [sflag:$0x4] =	stream.indirect.gather [hbm4b:s5+s26], $0x40, s28, s26, $0xb8;
	[tilespmem:$0x1EC80] =	vst v63  }
0x6e: {  	s29 =	simm.s32 $0x100;
	s30 =	simm.s32 $0x5280  }
0x6f: {  	[tilespmem:s30], [sflag:$0x5] =	stream.indirect.gather [hbm4b:s5+s26], $0x40, s29, s26, $0xb8;
	[tilespmem:$0x1EC80] =	vst v63  }
0x70: {  	s7 =	simm.s32 $0x180;
	s8 =	simm.s32 $0x71C0  }
0x71: {  	[tilespmem:s8], [sflag:$0x6] =	stream.indirect.gather [hbm4b:s5+s26], $0x40, s7, s26, $0xb8;
	[tilespmem:$0x1EC80] =	vst v63  }
0x72: {  	s9 =	simm.s32 $0x200;
	s10 =	simm.s32 $0x9100  }
0x73: {  	[tilespmem:s10], [sflag:$0x7] =	stream.indirect.gather [hbm4b:s5+s26], $0x40, s9, s26, $0xb8;
	[tilespmem:$0x1EC80] =	vst v63  }
0x74: {  	s15 =	simm.s32 $0x280;
	s17 =	simm.s32 $0xB040  }
0x75: {  	[tilespmem:s17], [sflag:$0x8] =	stream.indirect.gather [hbm4b:s5+s26], $0x40, s15, s26, $0xb8;
	[tilespmem:$0x1EC80] =	vst v63  }
0x76: {  	s18 =	simm.s32 $0x300;
	s20 =	simm.s32 $0xCF80  }
0x77: {  	[tilespmem:s20], [sflag:$0x9] =	stream.indirect.gather [hbm4b:s5+s26], $0x40, s18, s26, $0xb8;
	[tilespmem:$0x1EC80] =	vst v63  }
0x78: {  	s21 =	simm.s32 $0x380;
	s22 =	simm.s32 $0xEEC0  }
0x79: {  	[tilespmem:s22], [sflag:$0xA] =	stream.indirect.gather [hbm4b:s5+s26], $0x40, s21, s26, $0xb8;
	[tilespmem:$0x1EC80] =	vst v63  }
0x7a: {  	s23 =	simm.s32 $0x400;
	s24 =	simm.s32 $0x10E00  }
0x7b: {  	[tilespmem:s24], [sflag:$0xB] =	stream.indirect.gather [hbm4b:s5+s26], $0x40, s23, s26, $0xb8;
	[tilespmem:$0x1EC80] =	vst v63  }
0x7c: {  	s25 =	simm.s32 $0x480;
	s28 =	simm.s32 $0x12D40;
	s24 =	simm.s32 $0x3  }
0x7d: {  	[tilespmem:s28], [sflag:$0xC] =	stream.indirect.gather [hbm4b:s5+s26], $0x40, s25, s26, $0xb8;
	[tilespmem:$0x1EC80] =	vst v63  }
0x7e: {  	_ =	swait.ge [sflag:s24], $0x1F40  }
0x7f: {  	[sflag:s24] =	ssyncset.done $0x0  }
0x80: {  	s13 =	simm.s32 $0x500;
	s21 =	simm.s32 $0x4;
	[sflag:s24] =	ssyncadd.s32 $0xFFFFE0C0  }
0x81: {  	[spmem:s16] =	stream.indirect.scatter.add.bf16 [tilespmem:s19], [sflag:$0xD], $0x40, s13, s26, $0xb8;
	[tilespmem:$0x1EC80] =	vst v63  }
0x82: {  	_ =	swait.ge [sflag:s21], $0x1F40  }
0x83: {  	s14 =	simm.s32 $0x3340;
	[sflag:s21] =	ssyncset.done $0x0  }
0x84: {  	s29 =	simm.s32 $0x580;
	s25 =	simm.s32 $0x5;
	[sflag:s21] =	ssyncadd.s32 $0xFFFFE0C0  }
0x85: {  	[spmem:s16] =	stream.indirect.scatter.add.bf16 [tilespmem:s14], [sflag:$0xE], $0x40, s29, s26, $0xb8;
	[tilespmem:$0x1EC80] =	vst v63  }
0x86: {  	_ =	swait.ge [sflag:s25], $0x1F40  }
0x87: {  	s31 =	simm.s32 $0x5280;
	[sflag:s25] =	ssyncset.done $0x0  }
0x88: {  	s30 =	simm.s32 $0x600;
	s29 =	simm.s32 $0x6;
	[sflag:s25] =	ssyncadd.s32 $0xFFFFE0C0  }
0x89: {  	[spmem:s16] =	stream.indirect.scatter.add.bf16 [tilespmem:s31], [sflag:$0xF], $0x40, s30, s26, $0xb8;
	[tilespmem:$0x1EC80] =	vst v63  }
0x8a: {  	_ =	swait.ge [sflag:s29], $0x1F40  }
0x8b: {  	[sflag:s29] =	ssyncset.done $0x0  }
0x8c: {  	s11 =	simm.s32 $0x71C0;
	s31 =	simm.s32 $0x680;
	[sflag:s29] =	ssyncadd.s32 $0xFFFFE0C0  }
0x8d: {  	[spmem:s16] =	stream.indirect.scatter.add.bf16 [tilespmem:s11], [sflag:$0x10], $0x40, s31, s26, $0xb8;
	[tilespmem:$0x1EC80] =	vst v63  }
0x8e: {  	s31 =	simm.s32 $0x7  }
0x8f: {  	_ =	swait.ge [sflag:s31], $0x1F40  }
0x90: {  	s1 =	simm.s32 $0x700;
	[sflag:s31] =	ssyncset.done $0x0  }
0x91: {  	s10 =	simm.s32 $0x9100;
	s20 =	simm.s32 $0x8;
	[sflag:s31] =	ssyncadd.s32 $0xFFFFE0C0  }
0x92: {  	[spmem:s16] =	stream.indirect.scatter.add.bf16 [tilespmem:s10], [sflag:$0x11], $0x40, s1, s26, $0xb8;
	[tilespmem:$0x1EC80] =	vst v63  }
0x93: {  	_ =	swait.ge [sflag:s20], $0x1F40  }
0x94: {  	[sflag:s20] =	ssyncset.done $0x0  }
0x95: {  	s8 =	simm.s32 $0xB040;
	s10 =	simm.s32 $0x780;
	[sflag:s20] =	ssyncadd.s32 $0xFFFFE0C0  }
0x96: {  	[spmem:s16] =	stream.indirect.scatter.add.bf16 [tilespmem:s8], [sflag:$0x12], $0x40, s10, s26, $0xb8;
	[tilespmem:$0x1EC80] =	vst v63  }
0x97: {  	s8 =	simm.s32 $0x9  }
0x98: {  	_ =	swait.ge [sflag:s8], $0x1F40  }
0x99: {  	s2 =	simm.s32 $0xCF80;
	s12 =	simm.s32 $0x800;
	[sflag:s8] =	ssyncset.done $0x0  }
0x9a: {  	s7 =	smov.u32 s16;
	s1 =	simm.s32 $0xA;
	[sflag:s8] =	ssyncadd.s32 $0xFFFFE0C0  }
0x9b: {  	[spmem:s7] =	stream.indirect.scatter.add.bf16 [tilespmem:s2], [sflag:$0x13], $0x40, s12, s26, $0xb8;
	[tilespmem:$0x1EC80] =	vst v63  }
0x9c: {  	_ =	swait.ge [sflag:s1], $0x1F40  }
0x9d: {  	s9 =	simm.s32 $0xEEC0;
	[sflag:s1] =	ssyncset.done $0x0  }
0x9e: {  	s15 =	simm.s32 $0x880;
	s30 =	simm.s32 $0xB;
	[sflag:s1] =	ssyncadd.s32 $0xFFFFE0C0  }
0x9f: {  	[spmem:s7] =	stream.indirect.scatter.add.bf16 [tilespmem:s9], [sflag:$0x14], $0x40, s15, s26, $0xb8;
	[tilespmem:$0x1EC80] =	vst v63  }
0xa0: {  	_ =	swait.ge [sflag:s30], $0x1F40  }
0xa1: {  	s0 =	simm.s32 $0x10E00;
	[sflag:s30] =	ssyncset.done $0x0  }
0xa2: {  	s23 =	simm.s32 $0x900;
	s15 =	simm.s32 $0xC;
	[sflag:s30] =	ssyncadd.s32 $0xFFFFE0C0  }
0xa3: {  	[spmem:s7] =	stream.indirect.scatter.add.bf16 [tilespmem:s0], [sflag:$0x15], $0x40, s23, s26, $0xb8;
	[tilespmem:$0x1EC80] =	vst v63  }
0xa4: {  	_ =	swait.ge [sflag:s15], $0x1F40  }
0xa5: {  	s4 =	simm.s32 $0x12D40;
	[sflag:s15] =	ssyncset.done $0x0  }
0xa6: {  	s28 =	simm.s32 $0x980;
	s9 =	simm.s32 $0x2;
	[sflag:s15] =	ssyncadd.s32 $0xFFFFE0C0  }
0xa7: {  	[spmem:s7] =	stream.indirect.scatter.add.bf16 [tilespmem:s4], [sflag:$0x16], $0x40, s28, s26, $0xb8;
	[tilespmem:$0x1EC80] =	vst v63  }
0xa8: {  	_ =	swait.ge [sflag:s9], $0x500  }
0xa9: {  	[sflag:s9] =	ssyncset.done $0x0  }
0xaa: {  	[sflag:s9] =	ssyncadd.s32 $0xFFFFFB00  }
0xab: {  	_ =	swait.ge [sflag:s9], $0x500  }
0xac: {  	[sflag:s9] =	ssyncset.done $0x0  }
0xad: {  	s4 =	simm.s32 $0xD;
	[sflag:s9] =	ssyncadd.s32 $0xFFFFFB00  }
0xae: {  	_ =	swait.ge [sflag:s4], $0x1F40  }
0xaf: {  	[sflag:s4] =	ssyncset.done $0x0  }
0xb0: {  	s2 =	simm.s32 $0xE;
	[sflag:s4] =	ssyncadd.s32 $0xFFFFE0C0  }
0xb1: {  	[tilespmem:s19], [sflag:$0x3] =	stream.indirect.gather [hbm4b:s5+s26], $0x40, s6, s26, $0xb8;
	[tilespmem:$0x1EC80] =	vst v63  }
0xb2: {  	_ =	swait.ge [sflag:s2], $0x1F40  }
0xb3: {  	[sflag:s2] =	ssyncset.done $0x0  }
0xb4: {  	s17 =	simm.s32 $0x3340;
	s10 =	simm.s32 $0xA80;
	[sflag:s2] =	ssyncadd.s32 $0xFFFFE0C0  }
0xb5: {  	[tilespmem:s17], [sflag:$0x4] =	stream.indirect.gather [hbm4b:s5+s26], $0x40, s10, s26, $0xb8;
	[tilespmem:$0x1EC80] =	vst v63  }
0xb6: {  	s17 =	simm.s32 $0xF  }
0xb7: {  	_ =	swait.ge [sflag:s17], $0x1F40  }
0xb8: {  	s22 =	simm.s32 $0x5280;
	[sflag:s17] =	ssyncset.done $0x0  }
0xb9: {  	s23 =	simm.s32 $0xB00;
	s9 =	simm.s32 $0x10;
	[sflag:s17] =	ssyncadd.s32 $0xFFFFE0C0  }
0xba: {  	[tilespmem:s22], [sflag:$0x5] =	stream.indirect.gather [hbm4b:s5+s26], $0x40, s23, s26, $0xb8;
	[tilespmem:$0x1EC80] =	vst v63  }
0xbb: {  	_ =	swait.ge [sflag:s9], $0x1F40  }
0xbc: {  	[sflag:s9] =	ssyncset.done $0x0  }
0xbd: {  	s11 =	simm.s32 $0x71C0;
	s28 =	simm.s32 $0xB80;
	[sflag:s9] =	ssyncadd.s32 $0xFFFFE0C0  }
0xbe: {  	[tilespmem:s11], [sflag:$0x6] =	stream.indirect.gather [hbm4b:s5+s26], $0x40, s28, s26, $0xb8;
	[tilespmem:$0x1EC80] =	vst v63  }
0xbf: {  	s11 =	simm.s32 $0x11  }
0xc0: {  	_ =	swait.ge [sflag:s11], $0x1F40  }
0xc1: {  	[sflag:s11] =	ssyncset.done $0x0  }
0xc2: {  	s14 =	simm.s32 $0x9100;
	s22 =	simm.s32 $0xC00;
	[sflag:s11] =	ssyncadd.s32 $0xFFFFE0C0  }
0xc3: {  	[tilespmem:s14], [sflag:$0x7] =	stream.indirect.gather [hbm4b:s5+s26], $0x40, s22, s26, $0xb8;
	[tilespmem:$0x1EC80] =	vst v63  }
0xc4: {  	s14 =	simm.s32 $0x12  }
0xc5: {  	_ =	swait.ge [sflag:s14], $0x1F40  }
0xc6: {  	[sflag:s14] =	ssyncset.done $0x0  }
0xc7: {  	s16 =	simm.s32 $0xB040;
	s23 =	simm.s32 $0xC80;
	[sflag:s14] =	ssyncadd.s32 $0xFFFFE0C0  }
0xc8: {  	[tilespmem:s16], [sflag:$0x8] =	stream.indirect.gather [hbm4b:s5+s26], $0x40, s23, s26, $0xb8;
	[tilespmem:$0x1EC80] =	vst v63  }
0xc9: {  	s16 =	simm.s32 $0x13  }
0xca: {  	_ =	swait.ge [sflag:s16], $0x1F40  }
0xcb: {  	[sflag:s16] =	ssyncset.done $0x0  }
0xcc: {  	s18 =	simm.s32 $0xCF80;
	s28 =	simm.s32 $0xD00;
	[sflag:s16] =	ssyncadd.s32 $0xFFFFE0C0  }
0xcd: {  	[tilespmem:s18], [sflag:$0x9] =	stream.indirect.gather [hbm4b:s5+s26], $0x40, s28, s26, $0xb8;
	[tilespmem:$0x1EC80] =	vst v63  }
0xce: {  	s18 =	simm.s32 $0x14  }
0xcf: {  	_ =	swait.ge [sflag:s18], $0x1F40  }
0xd0: {  	s12 =	simm.s32 $0xEEC0;
	[sflag:s18] =	ssyncset.done $0x0  }
0xd1: {  	s22 =	simm.s32 $0xD80;
	s28 =	simm.s32 $0x15;
	[sflag:s18] =	ssyncadd.s32 $0xFFFFE0C0  }
0xd2: {  	[tilespmem:s12], [sflag:$0xA] =	stream.indirect.gather [hbm4b:s5+s26], $0x40, s22, s26, $0xb8;
	[tilespmem:$0x1EC80] =	vst v63  }
0xd3: {  	_ =	swait.ge [sflag:s28], $0x1F40  }
0xd4: {  	[sflag:s28] =	ssyncset.done $0x0  }
0xd5: {  	s23 =	simm.s32 $0xE00;
	s22 =	simm.s32 $0x16;
	[sflag:s28] =	ssyncadd.s32 $0xFFFFE0C0  }
0xd6: {  	[tilespmem:s0], [sflag:$0xB] =	stream.indirect.gather [hbm4b:s5+s26], $0x40, s23, s26, $0xb8;
	[tilespmem:$0x1EC80] =	vst v63  }
0xd7: {  	_ =	swait.ge [sflag:s22], $0x1F40  }
0xd8: {  	s0 =	simm.s32 $0xE80;
	[sflag:s22] =	ssyncset.done $0x0  }
0xd9: {  	s23 =	simm.s32 $0x12D40;
	s12 =	rddreg [dreg:$0x16];
	[sflag:s22] =	ssyncadd.s32 $0xFFFFE0C0  }
0xda: {  	[tilespmem:s23], [sflag:$0xC] =	stream.indirect.gather [hbm4b:s5+s26], $0x40, s0, s26, $0xb8;
	[tilespmem:$0x1EC80] =	vst v63  }
0xdb: {  	s10 =	sshrl.u32 s12, $0x3;
	s23 =	rddreg [dreg:$0x1]  }
0xdc: {  	s12 =	rddreg [dreg:$0x6];
	s10 =	sadd.s32 s23, s10  }
0xdd: {  	[tilespmem:s3], [sflag:$0x1] =	stream.linear.gather [hbm4b:s10+s3], $0x500, $0x38;
	[tilespmem:$0x1EC80] =	vst v63  }
0xde: {  	s23 =	sadd.s32 $0x0, s12  }
0xdf: {  	[tilespmem:s13], [sflag:$0x1] =	stream.linear.gather [hbm4b:s23+s3], $0x500, $0x38;
	[tilespmem:$0x1EC80] =	vst v63  }
0xe0: {  	_ =	swait.ge [sflag:s24], $0x1F40  }
0xe1: {  	[sflag:s24] =	ssyncset.done $0x0  }
0xe2: {  	[sflag:s24] =	ssyncadd.s32 $0xFFFFE0C0;
	s24 =	simm.s32 $0xF00  }
0xe3: {  	[spmem:s7] =	stream.indirect.scatter.add.bf16 [tilespmem:s19], [sflag:$0xD], $0x40, s24, s26, $0xb8;
	[tilespmem:$0x1EC80] =	vst v63  }
0xe4: {  	_ =	swait.ge [sflag:s21], $0x1F40  }
0xe5: {  	[sflag:s21] =	ssyncset.done $0x0  }
0xe6: {  	s12 =	simm.s32 $0x3340;
	s10 =	simm.s32 $0xF80;
	[sflag:s21] =	ssyncadd.s32 $0xFFFFE0C0  }
0xe7: {  	[spmem:s7] =	stream.indirect.scatter.add.bf16 [tilespmem:s12], [sflag:$0xE], $0x40, s10, s26, $0xb8;
	[tilespmem:$0x1EC80] =	vst v63  }
0xe8: {  	_ =	swait.ge [sflag:s25], $0x1F40  }
0xe9: {  	[sflag:s25] =	ssyncset.done $0x0  }
0xea: {  	s23 =	simm.s32 $0x1000;
	s24 =	simm.s32 $0x5280;
	[sflag:s25] =	ssyncadd.s32 $0xFFFFE0C0  }
0xeb: {  	[spmem:s7] =	stream.indirect.scatter.add.bf16 [tilespmem:s24], [sflag:$0xF], $0x40, s23, s26, $0xb8;
	[tilespmem:$0x1EC80] =	vst v63  }
0xec: {  	_ =	swait.ge [sflag:s29], $0x1F40  }
0xed: {  	[sflag:s29] =	ssyncset.done $0x0  }
0xee: {  	s25 =	simm.s32 $0x1080;
	[sflag:s29] =	ssyncadd.s32 $0xFFFFE0C0;
	s29 =	simm.s32 $0x71C0  }
0xef: {  	[spmem:s7] =	stream.indirect.scatter.add.bf16 [tilespmem:s29], [sflag:$0x10], $0x40, s25, s26, $0xb8;
	[tilespmem:$0x1EC80] =	vst v63  }
0xf0: {  	_ =	swait.ge [sflag:s31], $0x1F40  }
0xf1: {  	[sflag:s31] =	ssyncset.done $0x0  }
0xf2: {  	s10 =	simm.s32 $0x1100;
	s12 =	simm.s32 $0x9100;
	[sflag:s31] =	ssyncadd.s32 $0xFFFFE0C0  }
0xf3: {  	[spmem:s7] =	stream.indirect.scatter.add.bf16 [tilespmem:s12], [sflag:$0x11], $0x40, s10, s26, $0xb8;
	[tilespmem:$0x1EC80] =	vst v63  }
0xf4: {  	_ =	swait.ge [sflag:s20], $0x1F40  }
0xf5: {  	[sflag:s20] =	ssyncset.done $0x0  }
0xf6: {  	s23 =	simm.s32 $0xB040;
	[sflag:s20] =	ssyncadd.s32 $0xFFFFE0C0;
	s20 =	simm.s32 $0x1180  }
0xf7: {  	[spmem:s7] =	stream.indirect.scatter.add.bf16 [tilespmem:s23], [sflag:$0x12], $0x40, s20, s26, $0xb8;
	[tilespmem:$0x1EC80] =	vst v63  }
0xf8: {  	_ =	swait.ge [sflag:s8], $0x1F40  }
0xf9: {  	[sflag:s8] =	ssyncset.done $0x0  }
0xfa: {  	s29 =	simm.s32 $0x1200;
	s12 =	simm.s32 $0xCF80;
	[sflag:s8] =	ssyncadd.s32 $0xFFFFE0C0  }
0xfb: {  	[spmem:s7] =	stream.indirect.scatter.add.bf16 [tilespmem:s12], [sflag:$0x13], $0x40, s29, s26, $0xb8;
	[tilespmem:$0x1EC80] =	vst v63  }
0xfc: {  	_ =	swait.ge [sflag:s1], $0x1F40  }
0xfd: {  	[sflag:s1] =	ssyncset.done $0x0  }
0xfe: {  	s31 =	simm.s32 $0x1280;
	s10 =	simm.s32 $0xEEC0;
	[sflag:s1] =	ssyncadd.s32 $0xFFFFE0C0  }
0xff: {  	[spmem:s7] =	stream.indirect.scatter.add.bf16 [tilespmem:s10], [sflag:$0x14], $0x40, s31, s26, $0xb8;
	[tilespmem:$0x1EC80] =	vst v63  }
0x100: {  	_ =	swait.ge [sflag:s30], $0x1F40  }
0x101: {  	[sflag:s30] =	ssyncset.done $0x0  }
0x102: {  	s8 =	simm.s32 $0x10E00;
	s1 =	simm.s32 $0x1300;
	[sflag:s30] =	ssyncadd.s32 $0xFFFFE0C0  }
0x103: {  	[spmem:s7] =	stream.indirect.scatter.add.bf16 [tilespmem:s8], [sflag:$0x15], $0x40, s1, s26, $0xb8;
	[tilespmem:$0x1EC80] =	vst v63  }
0x104: {  	_ =	swait.ge [sflag:s15], $0x1F40  }
0x105: {  	s23 =	simm.s32 $0x1380;
	[sflag:s15] =	ssyncset.done $0x0  }
0x106: {  	s29 =	simm.s32 $0x1;
	s1 =	simm.s32 $0x12D40;
	[sflag:s15] =	ssyncadd.s32 $0xFFFFE0C0  }
0x107: {  	[spmem:s7] =	stream.indirect.scatter.add.bf16 [tilespmem:s1], [sflag:$0x16], $0x40, s23, s26, $0xb8;
	[tilespmem:$0x1EC80] =	vst v63  }
0x108: {  	_ =	swait.ge [sflag:s29], $0x500  }
0x109: {  	[sflag:s29] =	ssyncset.done $0x0  }
0x10a: {  	[sflag:s29] =	ssyncadd.s32 $0xFFFFFB00  }
0x10b: {  	_ =	swait.ge [sflag:s29], $0x500  }
0x10c: {  	[sflag:s29] =	ssyncset.done $0x0  }
0x10d: {  	[sflag:s29] =	ssyncadd.s32 $0xFFFFFB00  }
0x10e: {  	_ =	swait.ge [sflag:s4], $0x1F40  }
0x10f: {  	[sflag:s4] =	ssyncset.done $0x0  }
0x110: {  	[sflag:s4] =	ssyncadd.s32 $0xFFFFE0C0  }
0x111: {  	[tilespmem:s19], [sflag:$0x3] =	stream.indirect.gather [hbm4b:s5+s26], $0x40, s3, s26, $0xb8;
	[tilespmem:$0x1EC80] =	vst v63  }
0x112: {  	_ =	swait.ge [sflag:s2], $0x1F40  }
0x113: {  	[sflag:s2] =	ssyncset.done $0x0  }
0x114: {  	s31 =	simm.s32 $0x3340;
	s30 =	simm.s32 $0x80;
	[sflag:s2] =	ssyncadd.s32 $0xFFFFE0C0  }
0x115: {  	[tilespmem:s31], [sflag:$0x4] =	stream.indirect.gather [hbm4b:s5+s26], $0x40, s30, s26, $0xb8;
	[tilespmem:$0x1EC80] =	vst v63  }
0x116: {  	_ =	swait.ge [sflag:s17], $0x1F40  }
0x117: {  	[sflag:s17] =	ssyncset.done $0x0  }
0x118: {  	s4 =	simm.s32 $0x5280;
	s2 =	simm.s32 $0x100;
	[sflag:s17] =	ssyncadd.s32 $0xFFFFE0C0  }
0x119: {  	[tilespmem:s4], [sflag:$0x5] =	stream.indirect.gather [hbm4b:s5+s26], $0x40, s2, s26, $0xb8;
	[tilespmem:$0x1EC80] =	vst v63  }
0x11a: {  	_ =	swait.ge [sflag:s9], $0x1F40  }
0x11b: {  	[sflag:s9] =	ssyncset.done $0x0  }
0x11c: {  	s25 =	simm.s32 $0x71C0;
	[sflag:s9] =	ssyncadd.s32 $0xFFFFE0C0;
	s9 =	simm.s32 $0x180  }
0x11d: {  	[tilespmem:s25], [sflag:$0x6] =	stream.indirect.gather [hbm4b:s5+s26], $0x40, s9, s26, $0xb8;
	[tilespmem:$0x1EC80] =	vst v63  }
0x11e: {  	_ =	swait.ge [sflag:s11], $0x1F40  }
0x11f: {  	[sflag:s11] =	ssyncset.done $0x0  }
0x120: {  	s24 =	simm.s32 $0x9100;
	s15 =	simm.s32 $0x200;
	[sflag:s11] =	ssyncadd.s32 $0xFFFFE0C0  }
0x121: {  	[tilespmem:s24], [sflag:$0x7] =	stream.indirect.gather [hbm4b:s5+s26], $0x40, s15, s26, $0xb8;
	[tilespmem:$0x1EC80] =	vst v63  }
0x122: {  	_ =	swait.ge [sflag:s14], $0x1F40  }
0x123: {  	[sflag:s14] =	ssyncset.done $0x0  }
0x124: {  	s20 =	simm.s32 $0xB040;
	s17 =	simm.s32 $0x280;
	[sflag:s14] =	ssyncadd.s32 $0xFFFFE0C0  }
0x125: {  	[tilespmem:s20], [sflag:$0x8] =	stream.indirect.gather [hbm4b:s5+s26], $0x40, s17, s26, $0xb8;
	[tilespmem:$0x1EC80] =	vst v63  }
0x126: {  	_ =	swait.ge [sflag:s16], $0x1F40  }
0x127: {  	[sflag:s16] =	ssyncset.done $0x0  }
0x128: {  	s23 =	simm.s32 $0x300;
	[sflag:s16] =	ssyncadd.s32 $0xFFFFE0C0  }
0x129: {  	[tilespmem:s12], [sflag:$0x9] =	stream.indirect.gather [hbm4b:s5+s26], $0x40, s23, s26, $0xb8;
	[tilespmem:$0x1EC80] =	vst v63  }
0x12a: {  	_ =	swait.ge [sflag:s18], $0x1F40  }
0x12b: {  	[sflag:s18] =	ssyncset.done $0x0  }
0x12c: {  	s24 =	simm.s32 $0x380;
	[sflag:s18] =	ssyncadd.s32 $0xFFFFE0C0  }
0x12d: {  	[tilespmem:s10], [sflag:$0xA] =	stream.indirect.gather [hbm4b:s5+s26], $0x40, s24, s26, $0xb8;
	[tilespmem:$0x1EC80] =	vst v63  }
0x12e: {  	_ =	swait.ge [sflag:s28], $0x1F40  }
0x12f: {  	[sflag:s28] =	ssyncset.done $0x0  }
0x130: {  	s25 =	simm.s32 $0x400;
	[sflag:s28] =	ssyncadd.s32 $0xFFFFE0C0  }
0x131: {  	[tilespmem:s8], [sflag:$0xB] =	stream.indirect.gather [hbm4b:s5+s26], $0x40, s25, s26, $0xb8;
	[tilespmem:$0x1EC80] =	vst v63  }
0x132: {  	_ =	swait.ge [sflag:s22], $0x1F40  }
0x133: {  	[sflag:s22] =	ssyncset.done $0x0;
	s28 =	rddreg [dreg:$0x5]  }
0x134: {  	s29 =	simm.s32 $0x480;
	s30 =	rddreg [dreg:$0x4];
	[sflag:s22] =	ssyncadd.s32 $0xFFFFE0C0  }
0x135: {  	[tilespmem:s1], [sflag:$0xC] =	stream.indirect.gather [hbm4b:s5+s26], $0x40, s29, s26, $0xb8;
	[tilespmem:$0x1EC80] =	vst v63  }
0x136: {  	s21 =	smov.u32 s7;
	s31 =	rddreg [dreg:$0x16];
	s10 =	sadd.s32 $0x0, s28  }
0x137: {  	[tilespmem:s6], [sflag:$0x2] =	stream.linear.gather [hbm4b:s10+s3], $0x500, $0x38;
	[tilespmem:$0x1EC80] =	vst v63  }
0x138: {  	s15 =	sadd.s32 $0x0, s30;
	s12 =	sadd.s32 $0xA00, s31;
	s10 =	simm.s32 $0x140  }
.LBB2_4:
0x139: {  	s0 =	simm.s32 $0xF00;
	s24 =	smov.u32 s10  }
0x13a: {  	[tilespmem:s0], [sflag:$0x2] =	stream.linear.gather [hbm4b:s15+s3], $0x500, $0x38;
	[tilespmem:$0x1EC80] =	vst v63  }
0x13b: {  	[dreg:$0x7] =	wrdreg s24;
	s24 =	simm.s32 $0x3  }
0x13c: {  	_ =	swait.ge [sflag:s24], $0x1F40  }
0x13d: {  	[sflag:s24] =	ssyncset.done $0x0  }
0x13e: {  	[sflag:s24] =	ssyncadd.s32 $0xFFFFE0C0  }
0x13f: {  	[spmem:s21] =	stream.indirect.scatter.add.bf16 [tilespmem:s19], [sflag:$0xD], $0x40, s13, s26, $0xb8;
	[tilespmem:$0x1EC80] =	vst v63  }
0x140: {  	s21 =	simm.s32 $0x4  }
0x141: {  	_ =	swait.ge [sflag:s21], $0x1F40  }
0x142: {  	[sflag:s21] =	ssyncset.done $0x0  }
0x143: {  	s1 =	simm.s32 $0x3340;
	s25 =	simm.s32 $0x580;
	[sflag:s21] =	ssyncadd.s32 $0xFFFFE0C0  }
0x144: {  	[spmem:s7] =	stream.indirect.scatter.add.bf16 [tilespmem:s1], [sflag:$0xE], $0x40, s25, s26, $0xb8;
	[tilespmem:$0x1EC80] =	vst v63  }
0x145: {  	s25 =	simm.s32 $0x5  }
0x146: {  	_ =	swait.ge [sflag:s25], $0x1F40  }
0x147: {  	[sflag:s25] =	ssyncset.done $0x0  }
0x148: {  	s28 =	simm.s32 $0x5280;
	s29 =	simm.s32 $0x600;
	[sflag:s25] =	ssyncadd.s32 $0xFFFFE0C0  }
0x149: {  	[spmem:s7] =	stream.indirect.scatter.add.bf16 [tilespmem:s28], [sflag:$0xF], $0x40, s29, s26, $0xb8;
	[tilespmem:$0x1EC80] =	vst v63  }
0x14a: {  	s29 =	simm.s32 $0x6  }
0x14b: {  	_ =	swait.ge [sflag:s29], $0x1F40  }
0x14c: {  	[sflag:s29] =	ssyncset.done $0x0  }
0x14d: {  	s30 =	simm.s32 $0x71C0;
	s31 =	simm.s32 $0x680;
	[sflag:s29] =	ssyncadd.s32 $0xFFFFE0C0  }
0x14e: {  	[spmem:s7] =	stream.indirect.scatter.add.bf16 [tilespmem:s30], [sflag:$0x10], $0x40, s31, s26, $0xb8;
	[tilespmem:$0x1EC80] =	vst v63  }
0x14f: {  	s31 =	simm.s32 $0x7  }
0x150: {  	_ =	swait.ge [sflag:s31], $0x1F40  }
0x151: {  	[sflag:s31] =	ssyncset.done $0x0  }
0x152: {  	s2 =	simm.s32 $0x700;
	s0 =	simm.s32 $0x9100;
	[sflag:s31] =	ssyncadd.s32 $0xFFFFE0C0  }
0x153: {  	[spmem:s7] =	stream.indirect.scatter.add.bf16 [tilespmem:s0], [sflag:$0x11], $0x40, s2, s26, $0xb8;
	[tilespmem:$0x1EC80] =	vst v63  }
0x154: {  	s0 =	simm.s32 $0x8  }
0x155: {  	_ =	swait.ge [sflag:s0], $0x1F40  }
0x156: {  	s8 =	simm.s32 $0x9;
	[sflag:s0] =	ssyncset.done $0x0  }
0x157: {  	s3 =	simm.s32 $0x780;
	s2 =	simm.s32 $0xB040;
	[sflag:s0] =	ssyncadd.s32 $0xFFFFE0C0  }
0x158: {  	[spmem:s7] =	stream.indirect.scatter.add.bf16 [tilespmem:s2], [sflag:$0x12], $0x40, s3, s26, $0xb8;
	[tilespmem:$0x1EC80] =	vst v63  }
0x159: {  	_ =	swait.ge [sflag:s8], $0x1F40  }
0x15a: {  	s4 =	simm.s32 $0xCF80;
	[sflag:s8] =	ssyncset.done $0x0  }
0x15b: {  	s9 =	simm.s32 $0x800;
	s1 =	simm.s32 $0xA;
	[sflag:s8] =	ssyncadd.s32 $0xFFFFE0C0  }
0x15c: {  	[spmem:s7] =	stream.indirect.scatter.add.bf16 [tilespmem:s4], [sflag:$0x13], $0x40, s9, s26, $0xb8;
	[tilespmem:$0x1EC80] =	vst v63  }
0x15d: {  	_ =	swait.ge [sflag:s1], $0x1F40  }
0x15e: {  	s15 =	simm.s32 $0x880;
	[sflag:s1] =	ssyncset.done $0x0  }
0x15f: {  	s13 =	simm.s32 $0xEEC0;
	s30 =	simm.s32 $0xB;
	[sflag:s1] =	ssyncadd.s32 $0xFFFFE0C0  }
0x160: {  	[spmem:s7] =	stream.indirect.scatter.add.bf16 [tilespmem:s13], [sflag:$0x14], $0x40, s15, s26, $0xb8;
	[tilespmem:$0x1EC80] =	vst v63  }
0x161: {  	_ =	swait.ge [sflag:s30], $0x1F40  }
0x162: {  	s22 =	simm.s32 $0x10E00;
	[sflag:s30] =	ssyncset.done $0x0  }
0x163: {  	s23 =	simm.s32 $0x900;
	s2 =	simm.s32 $0xC;
	[sflag:s30] =	ssyncadd.s32 $0xFFFFE0C0  }
0x164: {  	[spmem:s7] =	stream.indirect.scatter.add.bf16 [tilespmem:s22], [sflag:$0x15], $0x40, s23, s26, $0xb8;
	[tilespmem:$0x1EC80] =	vst v63  }
0x165: {  	_ =	swait.ge [sflag:s2], $0x1F40  }
0x166: {  	s28 =	simm.s32 $0x980;
	[sflag:s2] =	ssyncset.done $0x0  }
0x167: {  	s4 =	simm.s32 $0x12D40;
	s9 =	simm.s32 $0x2;
	[sflag:s2] =	ssyncadd.s32 $0xFFFFE0C0  }
0x168: {  	[spmem:s7] =	stream.indirect.scatter.add.bf16 [tilespmem:s4], [sflag:$0x16], $0x40, s28, s26, $0xb8;
	[tilespmem:$0x1EC80] =	vst v63  }
0x169: {  	_ =	swait.ge [sflag:s9], $0x500  }
0x16a: {  	[sflag:s9] =	ssyncset.done $0x0  }
0x16b: {  	[sflag:s9] =	ssyncadd.s32 $0xFFFFFB00  }
0x16c: {  	_ =	swait.ge [sflag:s9], $0x500  }
0x16d: {  	[sflag:s9] =	ssyncset.done $0x0  }
0x16e: {  	s3 =	simm.s32 $0xD;
	[sflag:s9] =	ssyncadd.s32 $0xFFFFFB00  }
0x16f: {  	_ =	swait.ge [sflag:s3], $0x1F40  }
0x170: {  	[sflag:s3] =	ssyncset.done $0x0  }
0x171: {  	s23 =	simm.s32 $0xE;
	[sflag:s3] =	ssyncadd.s32 $0xFFFFE0C0  }
0x172: {  	[tilespmem:s19], [sflag:$0x3] =	stream.indirect.gather [hbm4b:s5+s26], $0x40, s6, s26, $0xb8;
	[tilespmem:$0x1EC80] =	vst v63  }
0x173: {  	_ =	swait.ge [sflag:s23], $0x1F40  }
0x174: {  	[sflag:s23] =	ssyncset.done $0x0  }
0x175: {  	s11 =	simm.s32 $0x3340;
	s22 =	simm.s32 $0xA80;
	[sflag:s23] =	ssyncadd.s32 $0xFFFFE0C0  }
0x176: {  	[tilespmem:s11], [sflag:$0x4] =	stream.indirect.gather [hbm4b:s5+s26], $0x40, s22, s26, $0xb8;
	[tilespmem:$0x1EC80] =	vst v63  }
0x177: {  	s11 =	simm.s32 $0xF  }
0x178: {  	_ =	swait.ge [sflag:s11], $0x1F40  }
0x179: {  	[sflag:s11] =	ssyncset.done $0x0  }
0x17a: {  	s14 =	simm.s32 $0x5280;
	s28 =	simm.s32 $0xB00;
	[sflag:s11] =	ssyncadd.s32 $0xFFFFE0C0  }
0x17b: {  	[tilespmem:s14], [sflag:$0x5] =	stream.indirect.gather [hbm4b:s5+s26], $0x40, s28, s26, $0xb8;
	[tilespmem:$0x1EC80] =	vst v63  }
0x17c: {  	s14 =	simm.s32 $0x10  }
0x17d: {  	_ =	swait.ge [sflag:s14], $0x1F40  }
0x17e: {  	[sflag:s14] =	ssyncset.done $0x0  }
0x17f: {  	s16 =	simm.s32 $0x71C0;
	s6 =	simm.s32 $0xB80;
	[sflag:s14] =	ssyncadd.s32 $0xFFFFE0C0  }
0x180: {  	[tilespmem:s16], [sflag:$0x6] =	stream.indirect.gather [hbm4b:s5+s26], $0x40, s6, s26, $0xb8;
	[tilespmem:$0x1EC80] =	vst v63  }
0x181: {  	s16 =	simm.s32 $0x11  }
0x182: {  	_ =	swait.ge [sflag:s16], $0x1F40  }
0x183: {  	[sflag:s16] =	ssyncset.done $0x0  }
0x184: {  	s18 =	simm.s32 $0x9100;
	s9 =	simm.s32 $0xC00;
	[sflag:s16] =	ssyncadd.s32 $0xFFFFE0C0  }
0x185: {  	[tilespmem:s18], [sflag:$0x7] =	stream.indirect.gather [hbm4b:s5+s26], $0x40, s9, s26, $0xb8;
	[tilespmem:$0x1EC80] =	vst v63  }
0x186: {  	s18 =	simm.s32 $0x12  }
0x187: {  	_ =	swait.ge [sflag:s18], $0x1F40  }
0x188: {  	[sflag:s18] =	ssyncset.done $0x0  }
0x189: {  	s20 =	simm.s32 $0xB040;
	s19 =	simm.s32 $0xC80;
	[sflag:s18] =	ssyncadd.s32 $0xFFFFE0C0  }
0x18a: {  	[tilespmem:s20], [sflag:$0x8] =	stream.indirect.gather [hbm4b:s5+s26], $0x40, s19, s26, $0xb8;
	[tilespmem:$0x1EC80] =	vst v63  }
0x18b: {  	s20 =	simm.s32 $0x13  }
0x18c: {  	_ =	swait.ge [sflag:s20], $0x1F40  }
0x18d: {  	[sflag:s20] =	ssyncset.done $0x0  }
0x18e: {  	s17 =	simm.s32 $0xCF80;
	s22 =	simm.s32 $0xD00;
	[sflag:s20] =	ssyncadd.s32 $0xFFFFE0C0  }
0x18f: {  	[tilespmem:s17], [sflag:$0x9] =	stream.indirect.gather [hbm4b:s5+s26], $0x40, s22, s26, $0xb8;
	[tilespmem:$0x1EC80] =	vst v63  }
0x190: {  	s22 =	simm.s32 $0x14  }
0x191: {  	_ =	swait.ge [sflag:s22], $0x1F40  }
0x192: {  	[sflag:s22] =	ssyncset.done $0x0  }
0x193: {  	s15 =	simm.s32 $0xEEC0;
	s28 =	simm.s32 $0xD80;
	[sflag:s22] =	ssyncadd.s32 $0xFFFFE0C0  }
0x194: {  	[tilespmem:s15], [sflag:$0xA] =	stream.indirect.gather [hbm4b:s5+s26], $0x40, s28, s26, $0xb8;
	[tilespmem:$0x1EC80] =	vst v63  }
0x195: {  	s28 =	simm.s32 $0x15  }
0x196: {  	_ =	swait.ge [sflag:s28], $0x1F40  }
0x197: {  	s13 =	simm.s32 $0x10E00;
	[sflag:s28] =	ssyncset.done $0x0  }
0x198: {  	s4 =	simm.s32 $0x16;
	s6 =	simm.s32 $0xE00;
	[sflag:s28] =	ssyncadd.s32 $0xFFFFE0C0  }
0x199: {  	[tilespmem:s13], [sflag:$0xB] =	stream.indirect.gather [hbm4b:s5+s26], $0x40, s6, s26, $0xb8;
	[tilespmem:$0x1EC80] =	vst v63  }
0x19a: {  	_ =	swait.ge [sflag:s4], $0x1F40  }
0x19b: {  	[sflag:s4] =	ssyncset.done $0x0  }
0x19c: {  	s9 =	simm.s32 $0x12D40;
	s15 =	simm.s32 $0xE80;
	[sflag:s4] =	ssyncadd.s32 $0xFFFFE0C0  }
0x19d: {  	[tilespmem:s9], [sflag:$0xC] =	stream.indirect.gather [hbm4b:s5+s26], $0x40, s15, s26, $0xb8;
	[tilespmem:$0x1EC80] =	vst v63  }
0x19e: {  	s17 =	sshrl.u32 s12, $0x3;
	s9 =	rddreg [dreg:$0x1]  }
0x19f: {  	s13 =	simm.s32 $0x0;
	s19 =	rddreg [dreg:$0x6];
	s17 =	sadd.s32 s9, s17  }
0x1a0: {  	[tilespmem:s13], [sflag:$0x1] =	stream.linear.gather [hbm4b:s17+s13], $0x500, $0x38;
	[tilespmem:$0x1EC80] =	vst v63  }
0x1a1: {  	s17 =	rddreg [dreg:$0x7]  }
0x1a2: {  	s6 =	simm.s32 $0x500;
	s9 =	sadd.s32 s17, s19  }
0x1a3: {  	[tilespmem:s6], [sflag:$0x1] =	stream.linear.gather [hbm4b:s9+s13], $0x500, $0x38;
	[tilespmem:$0x1EC80] =	vst v63  }
0x1a4: {  	_ =	swait.ge [sflag:s24], $0x1F40  }
0x1a5: {  	[sflag:s24] =	ssyncset.done $0x0  }
0x1a6: {  	s15 =	simm.s32 $0x1400;
	s17 =	simm.s32 $0xF00;
	[sflag:s24] =	ssyncadd.s32 $0xFFFFE0C0  }
0x1a7: {  	[spmem:s7] =	stream.indirect.scatter.add.bf16 [tilespmem:s15], [sflag:$0xD], $0x40, s17, s26, $0xb8;
	[tilespmem:$0x1EC80] =	vst v63  }
0x1a8: {  	_ =	swait.ge [sflag:s21], $0x1F40  }
0x1a9: {  	[sflag:s21] =	ssyncset.done $0x0  }
0x1aa: {  	s19 =	simm.s32 $0xF80;
	s6 =	simm.s32 $0x3340;
	[sflag:s21] =	ssyncadd.s32 $0xFFFFE0C0  }
0x1ab: {  	[spmem:s7] =	stream.indirect.scatter.add.bf16 [tilespmem:s6], [sflag:$0xE], $0x40, s19, s26, $0xb8;
	[tilespmem:$0x1EC80] =	vst v63  }
0x1ac: {  	_ =	swait.ge [sflag:s25], $0x1F40  }
0x1ad: {  	[sflag:s25] =	ssyncset.done $0x0  }
0x1ae: {  	s24 =	simm.s32 $0x1000;
	[sflag:s25] =	ssyncadd.s32 $0xFFFFE0C0;
	s25 =	simm.s32 $0x5280  }
0x1af: {  	[spmem:s7] =	stream.indirect.scatter.add.bf16 [tilespmem:s25], [sflag:$0xF], $0x40, s24, s26, $0xb8;
	[tilespmem:$0x1EC80] =	vst v63  }
0x1b0: {  	_ =	swait.ge [sflag:s29], $0x1F40  }
0x1b1: {  	[sflag:s29] =	ssyncset.done $0x0  }
0x1b2: {  	s24 =	simm.s32 $0x71C0;
	[sflag:s29] =	ssyncadd.s32 $0xFFFFE0C0;
	s29 =	simm.s32 $0x1080  }
0x1b3: {  	[spmem:s7] =	stream.indirect.scatter.add.bf16 [tilespmem:s24], [sflag:$0x10], $0x40, s29, s26, $0xb8;
	[tilespmem:$0x1EC80] =	vst v63  }
0x1b4: {  	_ =	swait.ge [sflag:s31], $0x1F40  }
0x1b5: {  	[sflag:s31] =	ssyncset.done $0x0  }
0x1b6: {  	s9 =	simm.s32 $0x1100;
	s19 =	simm.s32 $0x9100;
	[sflag:s31] =	ssyncadd.s32 $0xFFFFE0C0  }
0x1b7: {  	[spmem:s7] =	stream.indirect.scatter.add.bf16 [tilespmem:s19], [sflag:$0x11], $0x40, s9, s26, $0xb8;
	[tilespmem:$0x1EC80] =	vst v63  }
0x1b8: {  	_ =	swait.ge [sflag:s0], $0x1F40  }
0x1b9: {  	[sflag:s0] =	ssyncset.done $0x0  }
0x1ba: {  	s15 =	simm.s32 $0x1180;
	s17 =	simm.s32 $0xB040;
	[sflag:s0] =	ssyncadd.s32 $0xFFFFE0C0  }
0x1bb: {  	[spmem:s7] =	stream.indirect.scatter.add.bf16 [tilespmem:s17], [sflag:$0x12], $0x40, s15, s26, $0xb8;
	[tilespmem:$0x1EC80] =	vst v63  }
0x1bc: {  	_ =	swait.ge [sflag:s8], $0x1F40  }
0x1bd: {  	[sflag:s8] =	ssyncset.done $0x0  }
0x1be: {  	s29 =	simm.s32 $0x1200;
	s15 =	simm.s32 $0xCF80;
	[sflag:s8] =	ssyncadd.s32 $0xFFFFE0C0  }
0x1bf: {  	[spmem:s7] =	stream.indirect.scatter.add.bf16 [tilespmem:s15], [sflag:$0x13], $0x40, s29, s26, $0xb8;
	[tilespmem:$0x1EC80] =	vst v63  }
0x1c0: {  	_ =	swait.ge [sflag:s1], $0x1F40  }
0x1c1: {  	[sflag:s1] =	ssyncset.done $0x0  }
0x1c2: {  	s31 =	simm.s32 $0x1280;
	s9 =	simm.s32 $0xEEC0;
	[sflag:s1] =	ssyncadd.s32 $0xFFFFE0C0  }
0x1c3: {  	[spmem:s7] =	stream.indirect.scatter.add.bf16 [tilespmem:s9], [sflag:$0x14], $0x40, s31, s26, $0xb8;
	[tilespmem:$0x1EC80] =	vst v63  }
0x1c4: {  	_ =	swait.ge [sflag:s30], $0x1F40  }
0x1c5: {  	[sflag:s30] =	ssyncset.done $0x0  }
0x1c6: {  	s8 =	simm.s32 $0x10E00;
	s1 =	simm.s32 $0x1300;
	[sflag:s30] =	ssyncadd.s32 $0xFFFFE0C0  }
0x1c7: {  	[spmem:s7] =	stream.indirect.scatter.add.bf16 [tilespmem:s8], [sflag:$0x15], $0x40, s1, s26, $0xb8;
	[tilespmem:$0x1EC80] =	vst v63  }
0x1c8: {  	_ =	swait.ge [sflag:s2], $0x1F40  }
0x1c9: {  	s29 =	simm.s32 $0x1380;
	[sflag:s2] =	ssyncset.done $0x0  }
0x1ca: {  	s30 =	simm.s32 $0x1;
	s1 =	simm.s32 $0x12D40;
	[sflag:s2] =	ssyncadd.s32 $0xFFFFE0C0  }
0x1cb: {  	[spmem:s7] =	stream.indirect.scatter.add.bf16 [tilespmem:s1], [sflag:$0x16], $0x40, s29, s26, $0xb8;
	[tilespmem:$0x1EC80] =	vst v63  }
0x1cc: {  	_ =	swait.ge [sflag:s30], $0x500  }
0x1cd: {  	[sflag:s30] =	ssyncset.done $0x0  }
0x1ce: {  	[sflag:s30] =	ssyncadd.s32 $0xFFFFFB00  }
0x1cf: {  	_ =	swait.ge [sflag:s30], $0x500  }
0x1d0: {  	[sflag:s30] =	ssyncset.done $0x0  }
0x1d1: {  	[sflag:s30] =	ssyncadd.s32 $0xFFFFFB00  }
0x1d2: {  	_ =	swait.ge [sflag:s3], $0x1F40  }
0x1d3: {  	[sflag:s3] =	ssyncset.done $0x0  }
0x1d4: {  	s31 =	simm.s32 $0x1400;
	[sflag:s3] =	ssyncadd.s32 $0xFFFFE0C0  }
0x1d5: {  	[tilespmem:s31], [sflag:$0x3] =	stream.indirect.gather [hbm4b:s5+s26], $0x40, s13, s26, $0xb8;
	[tilespmem:$0x1EC80] =	vst v63  }
0x1d6: {  	_ =	swait.ge [sflag:s23], $0x1F40  }
0x1d7: {  	[sflag:s23] =	ssyncset.done $0x0  }
0x1d8: {  	s2 =	simm.s32 $0x80;
	[sflag:s23] =	ssyncadd.s32 $0xFFFFE0C0  }
0x1d9: {  	[tilespmem:s6], [sflag:$0x4] =	stream.indirect.gather [hbm4b:s5+s26], $0x40, s2, s26, $0xb8;
	[tilespmem:$0x1EC80] =	vst v63  }
0x1da: {  	_ =	swait.ge [sflag:s11], $0x1F40  }
0x1db: {  	[sflag:s11] =	ssyncset.done $0x0  }
0x1dc: {  	[sflag:s11] =	ssyncadd.s32 $0xFFFFE0C0;
	s11 =	simm.s32 $0x100  }
0x1dd: {  	[tilespmem:s25], [sflag:$0x5] =	stream.indirect.gather [hbm4b:s5+s26], $0x40, s11, s26, $0xb8;
	[tilespmem:$0x1EC80] =	vst v63  }
0x1de: {  	_ =	swait.ge [sflag:s14], $0x1F40  }
0x1df: {  	[sflag:s14] =	ssyncset.done $0x0  }
0x1e0: {  	[sflag:s14] =	ssyncadd.s32 $0xFFFFE0C0;
	s14 =	simm.s32 $0x180  }
0x1e1: {  	[tilespmem:s24], [sflag:$0x6] =	stream.indirect.gather [hbm4b:s5+s26], $0x40, s14, s26, $0xb8;
	[tilespmem:$0x1EC80] =	vst v63  }
0x1e2: {  	_ =	swait.ge [sflag:s16], $0x1F40  }
0x1e3: {  	[sflag:s16] =	ssyncset.done $0x0  }
0x1e4: {  	[sflag:s16] =	ssyncadd.s32 $0xFFFFE0C0;
	s16 =	simm.s32 $0x200  }
0x1e5: {  	[tilespmem:s19], [sflag:$0x7] =	stream.indirect.gather [hbm4b:s5+s26], $0x40, s16, s26, $0xb8;
	[tilespmem:$0x1EC80] =	vst v63  }
0x1e6: {  	_ =	swait.ge [sflag:s18], $0x1F40  }
0x1e7: {  	[sflag:s18] =	ssyncset.done $0x0  }
0x1e8: {  	s19 =	simm.s32 $0x280;
	[sflag:s18] =	ssyncadd.s32 $0xFFFFE0C0  }
0x1e9: {  	[tilespmem:s17], [sflag:$0x8] =	stream.indirect.gather [hbm4b:s5+s26], $0x40, s19, s26, $0xb8;
	[tilespmem:$0x1EC80] =	vst v63  }
0x1ea: {  	_ =	swait.ge [sflag:s20], $0x1F40  }
0x1eb: {  	[sflag:s20] =	ssyncset.done $0x0  }
0x1ec: {  	s23 =	simm.s32 $0x300;
	[sflag:s20] =	ssyncadd.s32 $0xFFFFE0C0  }
0x1ed: {  	[tilespmem:s15], [sflag:$0x9] =	stream.indirect.gather [hbm4b:s5+s26], $0x40, s23, s26, $0xb8;
	[tilespmem:$0x1EC80] =	vst v63  }
0x1ee: {  	_ =	swait.ge [sflag:s22], $0x1F40  }
0x1ef: {  	[sflag:s22] =	ssyncset.done $0x0  }
0x1f0: {  	s24 =	simm.s32 $0x380;
	[sflag:s22] =	ssyncadd.s32 $0xFFFFE0C0  }
0x1f1: {  	[tilespmem:s9], [sflag:$0xA] =	stream.indirect.gather [hbm4b:s5+s26], $0x40, s24, s26, $0xb8;
	[tilespmem:$0x1EC80] =	vst v63  }
0x1f2: {  	_ =	swait.ge [sflag:s28], $0x1F40  }
0x1f3: {  	p0 =	sne.s32 s10, $0x280;
	s10 =	sadd.s32 $0x140, s10;
	[sflag:s28] =	ssyncset.done $0x0  }
0x1f4: {  	s12 =	sadd.s32 $0xA00, s12;
	s25 =	simm.s32 $0x400;
	[sflag:s28] =	ssyncadd.s32 $0xFFFFE0C0  }
0x1f5: {  	[tilespmem:s8], [sflag:$0xB] =	stream.indirect.gather [hbm4b:s5+s26], $0x40, s25, s26, $0xb8;
	[tilespmem:$0x1EC80] =	vst v63  }
0x1f6: {  	s21 =	smov.u32 s7;
	s30 =	simm.s32 $0x480;
	_ =	swait.ge [sflag:s4], $0x1F40  }
0x1f7: {  	s3 =	simm.s32 $0x0;
	s13 =	simm.s32 $0x500;
	s28 =	rddreg [dreg:$0x5]  }
.Ltmp1:
0x1f8: {  	[sflag:s4] =	ssyncset.done $0x0;
	s29 =	rddreg [dreg:$0x4];
	(pc) =	sbr.rel @p0 .LBB2_4-.Ltmp1, $4  }
0x1f9: {  	s6 =	simm.s32 $0xA00;
	s31 =	rddreg [dreg:$0x7];
	[sflag:s4] =	ssyncadd.s32 $0xFFFFE0C0  }
0x1fa: {  	[tilespmem:s1], [sflag:$0xC] =	stream.indirect.gather [hbm4b:s5+s26], $0x40, s30, s26, $0xb8;
	[tilespmem:$0x1EC80] =	vst v63  }
0x1fb: {  	s19 =	simm.s32 $0x1400;
	s17 =	sadd.s32 s31, s28;
	s15 =	sadd.s32 s31, s29  }
0x1fc: {  	[tilespmem:s6], [sflag:$0x2] =	stream.linear.gather [hbm4b:s17+s3], $0x500, $0x38;
	[tilespmem:$0x1EC80] =	vst v63  }
0x1fd: {  	s0 =	simm.s32 $0xF00;
	s17 =	simm.s32 $0x3  }
0x1fe: {  	[tilespmem:s0], [sflag:$0x2] =	stream.linear.gather [hbm4b:s15+s3], $0x500, $0x38;
	[tilespmem:$0x1EC80] =	vst v63  }
0x1ff: {  	_ =	swait.ge [sflag:s17], $0x1F40  }
0x200: {  	[sflag:s17] =	ssyncset.done $0x0  }
0x201: {  	s18 =	simm.s32 $0x4;
	[sflag:s17] =	ssyncadd.s32 $0xFFFFE0C0  }
0x202: {  	[spmem:s21] =	stream.indirect.scatter.add.bf16 [tilespmem:s19], [sflag:$0xD], $0x40, s13, s26, $0xb8;
	[tilespmem:$0x1EC80] =	vst v63  }
0x203: {  	_ =	swait.ge [sflag:s18], $0x1F40  }
0x204: {  	s23 =	simm.s32 $0x3340;
	[sflag:s18] =	ssyncset.done $0x0  }
0x205: {  	s22 =	simm.s32 $0x580;
	s16 =	simm.s32 $0x5;
	[sflag:s18] =	ssyncadd.s32 $0xFFFFE0C0  }
0x206: {  	[spmem:s21] =	stream.indirect.scatter.add.bf16 [tilespmem:s23], [sflag:$0xE], $0x40, s22, s26, $0xb8;
	[tilespmem:$0x1EC80] =	vst v63  }
0x207: {  	_ =	swait.ge [sflag:s16], $0x1F40  }
0x208: {  	[sflag:s16] =	ssyncset.done $0x0  }
0x209: {  	s24 =	simm.s32 $0x600;
	s15 =	simm.s32 $0x5280;
	[sflag:s16] =	ssyncadd.s32 $0xFFFFE0C0  }
0x20a: {  	[spmem:s21] =	stream.indirect.scatter.add.bf16 [tilespmem:s15], [sflag:$0xF], $0x40, s24, s26, $0xb8;
	[tilespmem:$0x1EC80] =	vst v63  }
0x20b: {  	s21 =	simm.s32 $0x6  }
0x20c: {  	_ =	swait.ge [sflag:s21], $0x1F40  }
0x20d: {  	s1 =	simm.s32 $0x71C0;
	[sflag:s21] =	ssyncset.done $0x0  }
0x20e: {  	s25 =	simm.s32 $0x680;
	s20 =	simm.s32 $0x7;
	[sflag:s21] =	ssyncadd.s32 $0xFFFFE0C0  }
0x20f: {  	[spmem:s7] =	stream.indirect.scatter.add.bf16 [tilespmem:s1], [sflag:$0x10], $0x40, s25, s26, $0xb8;
	[tilespmem:$0x1EC80] =	vst v63  }
0x210: {  	_ =	swait.ge [sflag:s20], $0x1F40  }
0x211: {  	s28 =	simm.s32 $0x700;
	[sflag:s20] =	ssyncset.done $0x0  }
0x212: {  	s10 =	simm.s32 $0x8;
	s13 =	simm.s32 $0x9100;
	[sflag:s20] =	ssyncadd.s32 $0xFFFFE0C0  }
0x213: {  	[spmem:s7] =	stream.indirect.scatter.add.bf16 [tilespmem:s13], [sflag:$0x11], $0x40, s28, s26, $0xb8;
	[tilespmem:$0x1EC80] =	vst v63  }
0x214: {  	_ =	swait.ge [sflag:s10], $0x1F40  }
0x215: {  	s12 =	simm.s32 $0xB040;
	[sflag:s10] =	ssyncset.done $0x0  }
0x216: {  	s29 =	simm.s32 $0x780;
	s8 =	simm.s32 $0x9;
	[sflag:s10] =	ssyncadd.s32 $0xFFFFE0C0  }
0x217: {  	[spmem:s7] =	stream.indirect.scatter.add.bf16 [tilespmem:s12], [sflag:$0x12], $0x40, s29, s26, $0xb8;
	[tilespmem:$0x1EC80] =	vst v63  }
0x218: {  	_ =	swait.ge [sflag:s8], $0x1F40  }
0x219: {  	s30 =	simm.s32 $0xCF80;
	[sflag:s8] =	ssyncset.done $0x0  }
0x21a: {  	s31 =	simm.s32 $0x800;
	s9 =	simm.s32 $0xA;
	[sflag:s8] =	ssyncadd.s32 $0xFFFFE0C0  }
0x21b: {  	[spmem:s7] =	stream.indirect.scatter.add.bf16 [tilespmem:s30], [sflag:$0x13], $0x40, s31, s26, $0xb8;
	[tilespmem:$0x1EC80] =	vst v63  }
0x21c: {  	_ =	swait.ge [sflag:s9], $0x1F40  }
0x21d: {  	[sflag:s9] =	ssyncset.done $0x0  }
0x21e: {  	s4 =	simm.s32 $0x880;
	s0 =	simm.s32 $0xEEC0;
	[sflag:s9] =	ssyncadd.s32 $0xFFFFE0C0  }
0x21f: {  	[spmem:s7] =	stream.indirect.scatter.add.bf16 [tilespmem:s0], [sflag:$0x14], $0x40, s4, s26, $0xb8;
	[tilespmem:$0x1EC80] =	vst v63  }
0x220: {  	s4 =	simm.s32 $0xB  }
0x221: {  	_ =	swait.ge [sflag:s4], $0x1F40  }
0x222: {  	s11 =	simm.s32 $0x10E00;
	[sflag:s4] =	ssyncset.done $0x0  }
0x223: {  	s14 =	simm.s32 $0x900;
	s24 =	simm.s32 $0xC;
	[sflag:s4] =	ssyncadd.s32 $0xFFFFE0C0  }
0x224: {  	[spmem:s7] =	stream.indirect.scatter.add.bf16 [tilespmem:s11], [sflag:$0x15], $0x40, s14, s26, $0xb8;
	[tilespmem:$0x1EC80] =	vst v63  }
0x225: {  	_ =	swait.ge [sflag:s24], $0x1F40  }
0x226: {  	s22 =	simm.s32 $0x980;
	[sflag:s24] =	ssyncset.done $0x0  }
0x227: {  	s25 =	simm.s32 $0x2;
	s14 =	simm.s32 $0x12D40;
	[sflag:s24] =	ssyncadd.s32 $0xFFFFE0C0  }
0x228: {  	[spmem:s7] =	stream.indirect.scatter.add.bf16 [tilespmem:s14], [sflag:$0x16], $0x40, s22, s26, $0xb8;
	[tilespmem:$0x1EC80] =	vst v63  }
0x229: {  	_ =	swait.ge [sflag:s25], $0x500  }
0x22a: {  	[sflag:s25] =	ssyncset.done $0x0  }
0x22b: {  	[sflag:s25] =	ssyncadd.s32 $0xFFFFFB00  }
0x22c: {  	_ =	swait.ge [sflag:s25], $0x500  }
0x22d: {  	[sflag:s25] =	ssyncset.done $0x0  }
0x22e: {  	[sflag:s25] =	ssyncadd.s32 $0xFFFFFB00;
	s25 =	simm.s32 $0xD  }
0x22f: {  	_ =	swait.ge [sflag:s25], $0x1F40  }
0x230: {  	[sflag:s25] =	ssyncset.done $0x0  }
0x231: {  	[sflag:s25] =	ssyncadd.s32 $0xFFFFE0C0  }
0x232: {  	[tilespmem:s19], [sflag:$0x3] =	stream.indirect.gather [hbm4b:s5+s26], $0x40, s6, s26, $0xb8;
	[tilespmem:$0x1EC80] =	vst v63  }
0x233: {  	s6 =	simm.s32 $0xE  }
0x234: {  	_ =	swait.ge [sflag:s6], $0x1F40  }
0x235: {  	[sflag:s6] =	ssyncset.done $0x0  }
0x236: {  	s29 =	simm.s32 $0xA80;
	s22 =	simm.s32 $0xF;
	[sflag:s6] =	ssyncadd.s32 $0xFFFFE0C0  }
0x237: {  	[tilespmem:s23], [sflag:$0x4] =	stream.indirect.gather [hbm4b:s5+s26], $0x40, s29, s26, $0xb8;
	[tilespmem:$0x1EC80] =	vst v63  }
0x238: {  	_ =	swait.ge [sflag:s22], $0x1F40  }
0x239: {  	[sflag:s22] =	ssyncset.done $0x0  }
0x23a: {  	s30 =	simm.s32 $0xB00;
	s29 =	simm.s32 $0x10;
	[sflag:s22] =	ssyncadd.s32 $0xFFFFE0C0  }
0x23b: {  	[tilespmem:s15], [sflag:$0x5] =	stream.indirect.gather [hbm4b:s5+s26], $0x40, s30, s26, $0xb8;
	[tilespmem:$0x1EC80] =	vst v63  }
0x23c: {  	_ =	swait.ge [sflag:s29], $0x1F40  }
0x23d: {  	s2 =	simm.s32 $0x71C0;
	[sflag:s29] =	ssyncset.done $0x0  }
0x23e: {  	s31 =	simm.s32 $0xB80;
	s30 =	simm.s32 $0x11;
	[sflag:s29] =	ssyncadd.s32 $0xFFFFE0C0  }
0x23f: {  	[tilespmem:s2], [sflag:$0x6] =	stream.indirect.gather [hbm4b:s5+s26], $0x40, s31, s26, $0xb8;
	[tilespmem:$0x1EC80] =	vst v63  }
0x240: {  	_ =	swait.ge [sflag:s30], $0x1F40  }
0x241: {  	[sflag:s30] =	ssyncset.done $0x0  }
0x242: {  	s1 =	simm.s32 $0xC00;
	s31 =	simm.s32 $0x12;
	[sflag:s30] =	ssyncadd.s32 $0xFFFFE0C0  }
0x243: {  	[tilespmem:s13], [sflag:$0x7] =	stream.indirect.gather [hbm4b:s5+s26], $0x40, s1, s26, $0xb8;
	[tilespmem:$0x1EC80] =	vst v63  }
0x244: {  	_ =	swait.ge [sflag:s31], $0x1F40  }
0x245: {  	[sflag:s31] =	ssyncset.done $0x0  }
0x246: {  	s2 =	simm.s32 $0xC80;
	[sflag:s31] =	ssyncadd.s32 $0xFFFFE0C0  }
0x247: {  	[tilespmem:s12], [sflag:$0x8] =	stream.indirect.gather [hbm4b:s5+s26], $0x40, s2, s26, $0xb8;
	[tilespmem:$0x1EC80] =	vst v63  }
0x248: {  	s2 =	simm.s32 $0x13  }
0x249: {  	_ =	swait.ge [sflag:s2], $0x1F40  }
0x24a: {  	[sflag:s2] =	ssyncset.done $0x0  }
0x24b: {  	s0 =	simm.s32 $0xD00;
	s1 =	simm.s32 $0xCF80;
	[sflag:s2] =	ssyncadd.s32 $0xFFFFE0C0  }
0x24c: {  	[tilespmem:s1], [sflag:$0x9] =	stream.indirect.gather [hbm4b:s5+s26], $0x40, s0, s26, $0xb8;
	[tilespmem:$0x1EC80] =	vst v63  }
0x24d: {  	s1 =	simm.s32 $0x14  }
0x24e: {  	_ =	swait.ge [sflag:s1], $0x1F40  }
0x24f: {  	[sflag:s1] =	ssyncset.done $0x0  }
0x250: {  	s28 =	simm.s32 $0xEEC0;
	s0 =	simm.s32 $0xD80;
	[sflag:s1] =	ssyncadd.s32 $0xFFFFE0C0  }
0x251: {  	[tilespmem:s28], [sflag:$0xA] =	stream.indirect.gather [hbm4b:s5+s26], $0x40, s0, s26, $0xb8;
	[tilespmem:$0x1EC80] =	vst v63  }
0x252: {  	s28 =	simm.s32 $0x15  }
0x253: {  	_ =	swait.ge [sflag:s28], $0x1F40  }
0x254: {  	[sflag:s28] =	ssyncset.done $0x0  }
0x255: {  	s11 =	simm.s32 $0x10E00;
	s0 =	simm.s32 $0xE00;
	[sflag:s28] =	ssyncadd.s32 $0xFFFFE0C0  }
0x256: {  	[tilespmem:s11], [sflag:$0xB] =	stream.indirect.gather [hbm4b:s5+s26], $0x40, s0, s26, $0xb8;
	[tilespmem:$0x1EC80] =	vst v63  }
0x257: {  	s0 =	simm.s32 $0x16  }
0x258: {  	_ =	swait.ge [sflag:s0], $0x1F40  }
0x259: {  	[sflag:s0] =	ssyncset.done $0x0  }
0x25a: {  	s11 =	simm.s32 $0xE80;
	[sflag:s0] =	ssyncadd.s32 $0xFFFFE0C0  }
0x25b: {  	[tilespmem:s14], [sflag:$0xC] =	stream.indirect.gather [hbm4b:s5+s26], $0x40, s11, s26, $0xb8;
	[tilespmem:$0x1EC80] =	vst v63  }
0x25c: {  	_ =	swait.ge [sflag:s17], $0x1F40  }
0x25d: {  	[sflag:s17] =	ssyncset.done $0x0  }
0x25e: {  	[sflag:s17] =	ssyncadd.s32 $0xFFFFE0C0;
	s17 =	simm.s32 $0xF00  }
0x25f: {  	[spmem:s7] =	stream.indirect.scatter.add.bf16 [tilespmem:s19], [sflag:$0xD], $0x40, s17, s26, $0xb8;
	[tilespmem:$0x1EC80] =	vst v63  }
0x260: {  	_ =	swait.ge [sflag:s18], $0x1F40  }
0x261: {  	[sflag:s18] =	ssyncset.done $0x0  }
0x262: {  	s17 =	simm.s32 $0xF80;
	[sflag:s18] =	ssyncadd.s32 $0xFFFFE0C0  }
0x263: {  	[spmem:s7] =	stream.indirect.scatter.add.bf16 [tilespmem:s23], [sflag:$0xE], $0x40, s17, s26, $0xb8;
	[tilespmem:$0x1EC80] =	vst v63  }
0x264: {  	_ =	swait.ge [sflag:s16], $0x1F40  }
0x265: {  	[sflag:s16] =	ssyncset.done $0x0  }
0x266: {  	s18 =	simm.s32 $0x1000;
	[sflag:s16] =	ssyncadd.s32 $0xFFFFE0C0  }
0x267: {  	[spmem:s7] =	stream.indirect.scatter.add.bf16 [tilespmem:s15], [sflag:$0xF], $0x40, s18, s26, $0xb8;
	[tilespmem:$0x1EC80] =	vst v63  }
0x268: {  	_ =	swait.ge [sflag:s21], $0x1F40  }
0x269: {  	s23 =	simm.s32 $0x71C0;
	[sflag:s21] =	ssyncset.done $0x0  }
0x26a: {  	s16 =	smov.u32 s7;
	[sflag:s21] =	ssyncadd.s32 $0xFFFFE0C0;
	s21 =	simm.s32 $0x1080  }
0x26b: {  	[spmem:s16] =	stream.indirect.scatter.add.bf16 [tilespmem:s23], [sflag:$0x10], $0x40, s21, s26, $0xb8;
	[tilespmem:$0x1EC80] =	vst v63  }
0x26c: {  	_ =	swait.ge [sflag:s20], $0x1F40  }
0x26d: {  	[sflag:s20] =	ssyncset.done $0x0  }
0x26e: {  	s11 =	simm.s32 $0x1100;
	[sflag:s20] =	ssyncadd.s32 $0xFFFFE0C0  }
0x26f: {  	[spmem:s16] =	stream.indirect.scatter.add.bf16 [tilespmem:s13], [sflag:$0x11], $0x40, s11, s26, $0xb8;
	[tilespmem:$0x1EC80] =	vst v63  }
0x270: {  	_ =	swait.ge [sflag:s10], $0x1F40  }
0x271: {  	[sflag:s10] =	ssyncset.done $0x0  }
0x272: {  	s13 =	simm.s32 $0x1180;
	[sflag:s10] =	ssyncadd.s32 $0xFFFFE0C0  }
0x273: {  	[spmem:s16] =	stream.indirect.scatter.add.bf16 [tilespmem:s12], [sflag:$0x12], $0x40, s13, s26, $0xb8;
	[tilespmem:$0x1EC80] =	vst v63  }
0x274: {  	_ =	swait.ge [sflag:s8], $0x1F40  }
0x275: {  	[sflag:s8] =	ssyncset.done $0x0  }
0x276: {  	s17 =	simm.s32 $0xCF80;
	s15 =	simm.s32 $0x1200;
	[sflag:s8] =	ssyncadd.s32 $0xFFFFE0C0  }
0x277: {  	[spmem:s16] =	stream.indirect.scatter.add.bf16 [tilespmem:s17], [sflag:$0x13], $0x40, s15, s26, $0xb8;
	[tilespmem:$0x1EC80] =	vst v63  }
0x278: {  	_ =	swait.ge [sflag:s9], $0x1F40  }
0x279: {  	[sflag:s9] =	ssyncset.done $0x0  }
0x27a: {  	s18 =	simm.s32 $0x1280;
	s20 =	simm.s32 $0xEEC0;
	[sflag:s9] =	ssyncadd.s32 $0xFFFFE0C0  }
0x27b: {  	[spmem:s16] =	stream.indirect.scatter.add.bf16 [tilespmem:s20], [sflag:$0x14], $0x40, s18, s26, $0xb8;
	[tilespmem:$0x1EC80] =	vst v63  }
0x27c: {  	_ =	swait.ge [sflag:s4], $0x1F40  }
0x27d: {  	[sflag:s4] =	ssyncset.done $0x0  }
0x27e: {  	s21 =	simm.s32 $0x1300;
	s23 =	simm.s32 $0x10E00;
	[sflag:s4] =	ssyncadd.s32 $0xFFFFE0C0  }
0x27f: {  	[spmem:s16] =	stream.indirect.scatter.add.bf16 [tilespmem:s23], [sflag:$0x15], $0x40, s21, s26, $0xb8;
	[tilespmem:$0x1EC80] =	vst v63  }
0x280: {  	_ =	swait.ge [sflag:s24], $0x1F40  }
0x281: {  	[sflag:s24] =	ssyncset.done $0x0  }
0x282: {  	[sflag:s24] =	ssyncadd.s32 $0xFFFFE0C0;
	s24 =	simm.s32 $0x1380  }
0x283: {  	[spmem:s16] =	stream.indirect.scatter.add.bf16 [tilespmem:s14], [sflag:$0x16], $0x40, s24, s26, $0xb8;
	[tilespmem:$0x1EC80] =	vst v63  }
0x284: {  	_ =	swait.ge [sflag:s25], $0x1F40  }
0x285: {  	[sflag:s25] =	ssyncset.done $0x0  }
0x286: {  	[sflag:s25] =	ssyncadd.s32 $0xFFFFE0C0  }
0x287: {  	_ =	swait.ge [sflag:s6], $0x1F40  }
0x288: {  	[sflag:s6] =	ssyncset.done $0x0  }
0x289: {  	[sflag:s6] =	ssyncadd.s32 $0xFFFFE0C0  }
0x28a: {  	_ =	swait.ge [sflag:s22], $0x1F40  }
0x28b: {  	[sflag:s22] =	ssyncset.done $0x0  }
0x28c: {  	[sflag:s22] =	ssyncadd.s32 $0xFFFFE0C0  }
0x28d: {  	_ =	swait.ge [sflag:s29], $0x1F40  }
0x28e: {  	[sflag:s29] =	ssyncset.done $0x0  }
0x28f: {  	[sflag:s29] =	ssyncadd.s32 $0xFFFFE0C0  }
0x290: {  	_ =	swait.ge [sflag:s30], $0x1F40  }
0x291: {  	[sflag:s30] =	ssyncset.done $0x0  }
0x292: {  	[sflag:s30] =	ssyncadd.s32 $0xFFFFE0C0  }
0x293: {  	_ =	swait.ge [sflag:s31], $0x1F40  }
0x294: {  	[sflag:s31] =	ssyncset.done $0x0  }
0x295: {  	[sflag:s31] =	ssyncadd.s32 $0xFFFFE0C0  }
0x296: {  	_ =	swait.ge [sflag:s2], $0x1F40  }
0x297: {  	[sflag:s2] =	ssyncset.done $0x0  }
0x298: {  	[sflag:s2] =	ssyncadd.s32 $0xFFFFE0C0  }
0x299: {  	_ =	swait.ge [sflag:s1], $0x1F40  }
0x29a: {  	[sflag:s1] =	ssyncset.done $0x0  }
0x29b: {  	[sflag:s1] =	ssyncadd.s32 $0xFFFFE0C0  }
0x29c: {  	_ =	swait.ge [sflag:s28], $0x1F40  }
0x29d: {  	[sflag:s28] =	ssyncset.done $0x0  }
0x29e: {  	[sflag:s28] =	ssyncadd.s32 $0xFFFFE0C0  }
0x29f: {  	_ =	swait.ge [sflag:s0], $0x1F40  }
0x2a0: {  	[sflag:s0] =	ssyncset.done $0x0  }
0x2a1: {  	[sflag:s0] =	ssyncadd.s32 $0xFFFFE0C0  }
0x2a2: {  	s25 =	stileid.u32;
	[bflag:$0x0] =	sbarrier.arrive $0xFFFF  }
0x2a3: {  	s13 =	simm.s32 $0x17;
	s10 =	sshll.u32 s25, $0x6;
	s17 =	rddreg [dreg:$0x8]  }
0x2a4: {  	s10 =	sor.u32 $0x1C17, s10;
	s29 =	rddreg [dreg:$0x14];
	s28 =	sshrl.u32 s17, $0x3  }
0x2a5: {  	[hbm:s29], [sflag:s10] =	dma.local [spmem:s28], $0x1400  }
0x2a6: {  	_ =	swait.ge [sflag:s13], $0x1400  }
0x2a7: {  	s30 =	rddreg [dreg:$0x17]  }
0x2a8: {  	s31 =	rddreg [dreg:$0x15];
	s0 =	sadd.s32 $0x1, s30  }
0x2a9: {  	p0 =	sne.s32 s0, s31  }
.Ltmp2:
0x2aa: {  	_ = 	snop;
	(pc) =	sbr.rel @p0 .LBB2_1-.Ltmp2, $3  }
0x2ab: {  	_ =	sdelay $0x1  }
0x2ac: {  	[sflag:s13] =	ssyncset.done $0x0  }
0x2ad: {  	[sflag:s13] =	ssyncadd.s32 $0xFFFFEC00  }
0x2ae: {  	_ =	sfence.sel $0x180000  }
0x2af: {  	[bflag:$0x0] =	sbarrier.arrive $0xFFFF  }
0x2b0: {  	_ =	strace $0x90000047  }
0x2b1: {  	s0 =	stileid.u32;
	[bflag:$0x2] =	sbarrier.arrive $0xFFFF  }
0x2b2: {  	p0 =	sne.s32 s0, $0x0;
	s0 =	rddreg [dreg:$0x3]  }
0x2b3: {  	s0 =	sadd.s32 @!p0 $0x100000, s0  }
0x2b4: {  	[sflag:s0] =	ssyncadd.tile.s32 @!p0 $0x1;
	_ =	shalt  }
.Lfunc_end2:
_tile_overlayer_lowered:
.L_overlay_start_2:
0x2b5: {  	(tag) =	ssettag $0x2  }
0x2b6: {  	s0 =	rddreg [dreg:$0x0];
	s2 =	stileid.u32  }
0x2b7: {  	s1 =	rddreg [dreg:$0x1];
	p0 =	sne.s32 s2, $0x0  }
0x2b8: {  	s3 =	rddreg [dreg:$0x2];
	[bflag:$0x3] =	sbarrier.arrive $0xFFFF;
	s2 =	simm.s32 @!p0 $0x1C17  }
0x2b9: {  	[timem:s3], [sflag:s2] =	dma.local @!p0 [hbm:s0], s1  }
0x2ba: {  	s0 =	simm.s32 @!p0 $0x17  }
0x2bb: {  	_ =	swait.ge @!p0 [sflag:s0], s1  }
0x2bc: {  	s1 =	ssub.s32 @!p0 $0x0, s1;
	[sflag:s0] =	ssyncset.done @!p0 $0x0  }
0x2bd: {  	[sflag:s0] =	ssyncadd.s32 @!p0 s1  }
0x2be: {  	[bflag:$0x3] =	sbarrier.arrive $0xFFFF  }
0x2bf: {  	_ =	shalt  }

// kernel: kernel.7.cloned.1.call-start
scs
__scs_entry_jumppad:
0x0: {  	(pc) =	sbr.rel $0x88, $3  }
0x1: {  	(tag) =	ssettag $0x0;
	lr =	simm.s32 $0x1  }
0x2: {  	[smem:$0x3F9E] =	sst lr;
	_ =	strace $0xD0000000  }
0x3: {  	_ = 	snop  }
0x4: {  	_ = 	snop  }
0x5: {  	_ = 	snop  }
0x6: {  	_ = 	snop  }
0x7: {  	_ = 	snop  }
__scs_overlays_trampoline_lowered:
0x8: {  	[smem:$0x3FAD] =	sst s0  }
0x9: {  	[smem:$0x3FAE] =	sst s1  }
0xa: {  	[smem:$0x3FAF] =	sst s2  }
0xb: {  	[smem:$0x3FB0] =	sst s3  }
0xc: {  	[smem:$0x3FB1] =	sst s4  }
0xd: {  	[smem:$0x3FB2] =	sst s5  }
0xe: {  	[smem:$0x3FB3] =	sst s6  }
0xf: {  	[smem:$0x3FB4] =	sst s7  }
0x10: {  	[smem:$0x3FB5] =	sst s8  }
0x11: {  	[smem:$0x3FB6] =	sst s9;
	s0 =	simm.s32 @!p0 $0x0  }
0x12: {  	s1 =	sld [smem:$0x3F9C];
	s0 =	simm.s32 @p0 $0x1  }
0x13: {  	[smem:$0x3FB7] =	sst s0;
	s0 =	simm.s32 @!p1 $0x0  }
0x14: {  	s2 =	sld [smem:$0x3F9B];
	s0 =	simm.s32 @p1 $0x1  }
0x15: {  	[smem:$0x3FB8] =	sst s0;
	s0 =	simm.s32 @!p2 $0x0  }
0x16: {  	s3 =	sld [smem:$0x3FDB];
	s0 =	simm.s32 @p2 $0x1  }
0x17: {  	s4 =	simm.s32 $0x1BF5;
	[smem:$0x3FBA] =	sst s0  }
0x18: {  	s0 =	sld [smem:$0x3F9D];
	_ =	swait.ge [sflag:s4], $0x0  }
0x19: {  	s7 =	sld [smem:$0x3F9E]  }
0x1a: {  	s8 =	sadd.s32 $0xFFFFE003, lr  }
0x1b: {  	s9 =	sadd.s32 $0xFFFFFEF7, lr;
	s5 =	simm.s32 $0xFFFFFFFF;
	p2 =	slt.u32 s8, $0xFFFFF086  }
0x1c: {  	p1 =	slt.u32 s9, $0xF7A;
	s5 =	simm.s32 @!p2 $0x0  }
0x1d: {  	s5 =	simm.s32 @p1 $0x1;
	p0 =	seq.s32 s7, s2  }
0x1e: {  	s7 =	smul.u32 @!p0 $0xF7A, s2;
	p2 =	seq.s32 @!p0 s5, $0x0  }
0x1f: {  	s9 =	smul.u32 $0xF7A, s1;
	s8 =	simm.s32 @!p0 $0x1BF5;
	p2 =	por !p2, p0  }
0x20: {  	[sflag:s8] =	ssyncset.s32 @!p0 $0xFFFFF086;
	s6 =	sadd.s32 @!p0 s3, s7;
	s7 =	simm.s32 @!p0 $0x108  }
0x21: {  	s3 =	sadd.s32 s3, s9;
	s6 =	sadd.s32 @!p0 $0x88, s6;
	s7 =	simm.s32 @p2 $0x1082  }
0x22: {  	[simem:s7], [sflag:s8] =	dma.local @!p0 [hbm:s6], $0xF7A  }
0x23: {  	s9 =	sor.u32 $0xD0000000, s2;
	s6 =	simm.s32 $0x108;
	_ =	swait.ge @!p0 [sflag:s8], $0x0  }
0x24: {  	s3 =	sadd.s32 $0x88, s3;
	s6 =	simm.s32 @!p1 $0x1082;
	[sflag:s4] =	ssyncset.s32 $0xFFFFF086  }
0x25: {  	[simem:s6], [sflag:s4] =	dma.local [hbm:s3], $0xF7A  }
0x26: {  	[smem:$0x3F9E] =	sst s1;
	(tag) =	ssettag s2;
	_ =	strace s9  }
0x27: {  	s1 =	sld [smem:$0x3FAE]  }
0x28: {  	s2 =	sld [smem:$0x3FAF]  }
0x29: {  	s4 =	sld [smem:$0x3FB1]  }
0x2a: {  	p0 =	seq.s32 s5, $0x0;
	s5 =	sld [smem:$0x3FB2]  }
0x2b: {  	s6 =	sld [smem:$0x3FB3]  }
0x2c: {  	s7 =	sld [smem:$0x3FB4]  }
0x2d: {  	s3 =	simm.s32 $0x108;
	s8 =	sld [smem:$0x3FB5]  }
0x2e: {  	s3 =	simm.s32 @!p0 $0x1082;
	s9 =	sld [smem:$0x3FB6]  }
0x2f: {  	lr =	sadd.s32 s0, s3;
	s0 =	sld [smem:$0x3FAD]  }
0x30: {  	s3 =	sld [smem:$0x3FB0]  }
0x31: {  	[smem:$0x3FB9] =	sst s10  }
0x32: {  	s10 =	sld [smem:$0x3FB7];
	_ =	sdelay $0x3  }
0x33: {  	p0 =	seq.s32 s10, $0x1;
	s10 =	sld [smem:$0x3FB9];
	_ =	sdelay $0x3  }
0x34: {  	[smem:$0x3FB9] =	sst s10  }
0x35: {  	s10 =	sld [smem:$0x3FB8];
	_ =	sdelay $0x3  }
0x36: {  	p1 =	seq.s32 s10, $0x1;
	s10 =	sld [smem:$0x3FB9];
	_ =	sdelay $0x3  }
0x37: {  	[smem:$0x3FB9] =	sst s10  }
0x38: {  	s10 =	sld [smem:$0x3FBA]  }
0x39: {  	_ = 	snop;
	(pc) =	sbr.ind lr, $3  }
0x3a: {  	_ = 	snop  }
0x3b: {  	_ = 	snop  }
0x3c: {  	p2 =	seq.s32 s10, $0x1;
	s10 =	sld [smem:$0x3FB9]  }
0x3d: {  	_ =	shalt  }
0x3e: {  	_ =	shalt  }
0x3f: {  	_ =	shalt  }
0x40: {  	_ =	shalt  }
0x41: {  	_ =	shalt  }
0x42: {  	_ =	shalt  }
0x43: {  	_ =	shalt  }
0x44: {  	_ =	shalt  }
0x45: {  	_ =	shalt  }
0x46: {  	_ =	shalt  }
0x47: {  	_ =	shalt  }
0x48: {  	_ =	shalt  }
0x49: {  	_ =	shalt  }
0x4a: {  	_ =	shalt  }
0x4b: {  	_ =	shalt  }
0x4c: {  	_ =	shalt  }
0x4d: {  	_ =	shalt  }
0x4e: {  	_ =	shalt  }
0x4f: {  	_ =	shalt  }
0x50: {  	_ =	shalt  }
0x51: {  	_ =	shalt  }
0x52: {  	_ =	shalt  }
0x53: {  	_ =	shalt  }
0x54: {  	_ =	shalt  }
0x55: {  	_ =	shalt  }
0x56: {  	_ =	shalt  }
0x57: {  	_ =	shalt  }
0x58: {  	_ =	shalt  }
0x59: {  	_ =	shalt  }
0x5a: {  	_ =	shalt  }
0x5b: {  	_ =	shalt  }
0x5c: {  	_ =	shalt  }
0x5d: {  	_ =	shalt  }
0x5e: {  	_ =	shalt  }
0x5f: {  	_ =	shalt  }
0x60: {  	_ =	shalt  }
0x61: {  	_ =	shalt  }
0x62: {  	_ =	shalt  }
0x63: {  	_ =	shalt  }
0x64: {  	_ =	shalt  }
0x65: {  	_ =	shalt  }
0x66: {  	_ =	shalt  }
0x67: {  	_ =	shalt  }
0x68: {  	_ =	shalt  }
0x69: {  	_ =	shalt  }
0x6a: {  	_ =	shalt  }
0x6b: {  	_ =	shalt  }
0x6c: {  	_ =	shalt  }
0x6d: {  	_ =	shalt  }
0x6e: {  	_ =	shalt  }
0x6f: {  	_ =	shalt  }
0x70: {  	_ =	shalt  }
0x71: {  	_ =	shalt  }
0x72: {  	_ =	shalt  }
0x73: {  	_ =	shalt  }
0x74: {  	_ =	shalt  }
0x75: {  	_ =	shalt  }
0x76: {  	_ =	shalt  }
0x77: {  	_ =	shalt  }
0x78: {  	_ =	shalt  }
0x79: {  	_ =	shalt  }
0x7a: {  	_ =	shalt  }
0x7b: {  	_ =	shalt  }
0x7c: {  	_ =	shalt  }
0x7d: {  	_ =	shalt  }
0x7e: {  	_ =	shalt  }
0x7f: {  	_ =	shalt  }
0x80: {  	_ =	shalt  }
0x81: {  	_ =	shalt  }
0x82: {  	_ =	shalt  }
0x83: {  	_ =	shalt  }
0x84: {  	_ =	shalt  }
0x85: {  	_ =	shalt  }
0x86: {  	_ =	shalt  }
0x87: {  	_ =	shalt  }
.Lfunc_end0:
.L_simem_size_0:
called_computation.1_lowered:
.L_overlay_start_0:
0x88: {  	s2 =	sld [smem:$0x3FD9]  }
0x89: {  	s3 =	sld [smem:$0x3FFE];
	_ =	sdelay $0x1  }
0x8a: {  	s1 =	srdreg.scid  }
0x8b: {  	s0 =	sand.u32 $0x1, s1  }
0x8c: {  	s17 =	sshll.u32 s0, $0xA;
	s2 =	sadd.s32 s3, s2  }
0x8d: {  	s2 =	sadd.s32 s2, s17  }
0x8e: {  	[smem:$0x3FC5] =	sst s2  }
0x8f: {  	_ = 	snop  }
0x90: {  	s2 =	sld [smem:$0x3FD0];
	(tm) =	ssettm $0x1  }
0x91: {  	s18 =	sld [smem:$0x3FFB];
	_ =	sdelay $0x3  }
0x92: {  	_ =	strace s18  }
0x93: {  	s3 =	sld [smem:$0x3FFC];
	_ =	sdelay $0x3  }
0x94: {  	_ =	strace s3  }
0x95: {  	s3 =	sld [smem:$0x3FFD];
	_ =	sdelay $0x3  }
0x96: {  	_ =	strace s3  }
0x97: {  	_ =	strace $0x8FFFFFFF  }
0x98: {  	s19 =	sld [smem:$0x3FDB];
	_ =	sdelay $0x1  }
0x99: {  	s4 =	simm.s32 $_scs_section_size  }
0x9a: {  	s5 =	simm.s32 $_size__tile_overlayer_lowered;
	s6 =	simm.s32 $_tile_overlayer_lowered  }
0x9b: {  	s22 =	simm.s32 $0x1BFF;
	s21 =	sshll.u32 s6, $0x1;
	s3 =	sadd.s32 s4, s19  }
0x9c: {  	s7 =	simm.s32 $0x0;
	s20 =	sshll.u32 s5, $0x1;
	s5 =	sadd.s32 s21, s3  }
0x9d: {  	[timem:s7], [sflag:s22] =	dma.local [hbm:s5], s20  }
0x9e: {  	_ =	swait.ge [sflag:s22], s20  }
0x9f: {  	s4 =	ssub.s32 $0x0, s20;
	[sflag:s22] =	ssyncset.done $0x0  }
0xa0: {  	[sflag:s22] =	ssyncadd.s32 s4;
	_ =	sdelay $0x1  }
0xa1: {  	s23 =	simm.s32 $0x1B8B  }
0xa2: {  	_ =	swait.ge [sflag:s23], $0x1  }
0xa3: {  	[sflag:s23] =	ssyncset.done $0x0  }
0xa4: {  	s25 =	simm.s32 $0x1B8E;
	s24 =	sld [smem:$0x3FFE];
	[sflag:s23] =	ssyncadd.s32 $0xFFFFFFFF  }
0xa5: {  	s26 =	simm.s32 $execute0_lowered;
	[smem:$0x3FD2] =	sst s25  }
0xa6: {  	s5 =	sshll.u32 s26, $0x1;
	_ =	strace $0x80000049;
	[dreg:$0x1] =	wrdreg $0xFFFFFFFF  }
0xa7: {  	s28 =	simm.s32 $_size_execute0_lowered;
	s3 =	sadd.s32 s3, s5;
	[dreg:$0x0] =	wrdreg $0x0  }
0xa8: {  	s5 =	sshll.u32 s28, $0x1;
	[dreg:$0x2] =	wrdreg s3  }
0xa9: {  	[dreg:$0x3] =	wrdreg s5  }
0xaa: {  	[dreg:$0x4] =	wrdreg $0xC0  }
0xab: {  	_ =	task [dreg:s7], $0x5FFFF  }
0xac: {  	[dreg:$0x1] =	wrdreg $0xFFFFFFFF  }
0xad: {  	[dreg:$0x0] =	wrdreg $0x60  }
0xae: {  	[dreg:$0x2] =	wrdreg s24  }
0xaf: {  	[dreg:$0x3] =	wrdreg s2  }
0xb0: {  	[dreg:$0x4] =	wrdreg $0x9  }
0xb1: {  	_ =	task.clear_ibuf [dreg:s7], $0x5FFFF;
	_ =	strace $0x90000049  }
0xb2: {  	s29 =	simm.s32 $0x9;
	_ =	strace $0x8000004B  }
0xb3: {  	_ =	swait.ge [sflag:s29], $0x1  }
0xb4: {  	[sflag:s29] =	ssyncadd.s32 $0xFFFFFFFF  }
0xb5: {  	_ =	strace $0x9000004B  }
0xb6: {  	_ =	sfence  }
0xb7: {  	s30 =	sld [smem:$0x0];
	_ =	sdelay $0x2  }
0xb8: {  	s31 =	sshll.u32 s1, $0xD;
	s1 =	sshrl.u32 s1, $0x2  }
0xb9: {  	s3 =	sand.u32 $0x4000, s31;
	s1 =	sadd.s32 s1, s30  }
0xba: {  	s0 =	sor.u32 s3, s0;
	s1 =	sshll.u32 s1, $0x11  }
0xbb: {  	s0 =	sor.u32 s1, s0  }
0xbc: {  	s0 =	sadd.s32 $0x8F2B, s0  }
0xbd: {  	[sflag:s0] =	ssyncadd.remote.s32 $0x1  }
0xbe: {  	_ =	sfence.sel $0xFFFF  }
0xbf: {  	[dreg:$0x0] =	wrdreg $0xFFFFFFFF;
	(pc) =	sbr.abs _section_cstart, $3  }
0xc0: {  	[dreg:$0x1] =	wrdreg $0xFFFFFFFF  }
0xc1: {  	_ =	task.clear_ibuf [dreg:s7], $0x2FFFF;
	_ =	strace $0x9FFFFFFF  }
0xc2: {  	(tm) =	ssettm $0x7FFFFFFF  }
0xc3: {  	_ =	shalt  }
tec
execute0_lowered:
.L_overlay_start_1:
0x0: {  	(tag) =	ssettag $0x1  }
0x1: {  	s1 =	srdreg.scid;
	s4 =	rddreg [dreg:$0x0]  }
0x2: {  	s0 =	stileid.u32;
	s5 =	rddreg [dreg:$0x1]  }
0x3: {  	s2 =	simm.s32 $0x0;
	s3 =	sand.u32 $0x1, s1;
	s31 =	sshll.u32 s0, $0x1  }
0x4: {  	s8 =	simm.s32 $0x5000;
	s9 =	simm.s32 $0xA000;
	s1 =	sor.u32 s3, s31  }
0x5: {  	[smem:$0x7FF] =	sst s2;
	s3 =	ssub.s32 $0x2, s3;
	s6 =	smul.u32 $0xA000, s1  }
0x6: {  	s10 =	simm.s32 $0x0;
	s1 =	rddreg [dreg:$0x2];
	s7 =	sshrl.u32 s3, $0x1  }
0x7: {  	_ =	strace $0x8000004A;
	s7 =	ssub.s32 s3, s7;
	s6 =	sshrl.u32 s6, $0x4  }
0x8: {  	s4 =	sadd.s32 s6, s4;
	s5 =	sadd.s32 s5, s6;
	s6 =	smax.u32 s7, $0x1  }
0x9: {  	s7 =	simm.s32 $0x1;
	s3 =	sadd.s32 $0x14600, s4;
	s4 =	sadd.s32 $0x28600, s4  }
.LBB2_1:
0xa: {  	[tilespmem:s2], [sflag:$0x1] =	stream.linear.gather [hbm4b:s3+s2], $0x5000, $0x38;
	[tilespmem:$0xF000] =	vst v63  }
0xb: {  	_ =	swait.ge [sflag:s7], $0x5000  }
0xc: {  	[sflag:s7] =	ssyncset.done $0x0  }
0xd: {  	[sflag:s7] =	ssyncadd.s32 $0xFFFFB000  }
0xe: {  	[tilespmem:s8], [sflag:$0x1] =	stream.linear.gather [hbm4b:s4+s2], $0x5000, $0x38;
	[tilespmem:$0xF000] =	vst v63  }
0xf: {  	_ =	swait.ge [sflag:s7], $0x5000  }
0x10: {  	[sflag:s7] =	ssyncset.done $0x0  }
0x11: {  	s11 =	simm.s32 $0x0;
	[sflag:s7] =	ssyncadd.s32 $0xFFFFB000  }
0x12: {  	v0 =	vld.msk [tilespmem:s11+$0x78], $0xff  }
0x13: {  	v1 =	vld.msk [tilespmem:s11+$0x5078], $0xff  }
0x14: {  	v2 =	vld.msk [tilespmem:s11+$0x0], $0xff  }
0x15: {  	v3 =	vld.msk [tilespmem:s11+$0x40], $0xff  }
0x16: {  	v4 =	vld.msk [tilespmem:s11+$0x5000], $0xff  }
0x17: {  	v5 =	vld.msk [tilespmem:s11+$0x5040], $0xff  }
0x18: {  	v6 =	vld.msk [tilespmem:s11+$0x8], $0xff  }
0x19: {  	v7 =	vld.msk [tilespmem:s11+$0x5008], $0xff  }
0x1a: {  	v8 =	vld.msk [tilespmem:s11+$0x68], $0xff;
	v0 =	vadd.bf16 v1, v0  }
0x1b: {  	v1 =	vld.msk [tilespmem:s11+$0x48], $0xff  }
0x1c: {  	v3 =	vadd.bf16 v5, v3;
	[tilespmem:s11+$0xA078] =	vst.msk $0xff, v0;
	v0 =	vadd.bf16 v4, v2;
	v2 =	vld.msk [tilespmem:s11+$0x5048], $0xff  }
0x1d: {  	v4 =	vld.msk [tilespmem:s11+$0x10], $0xff  }
0x1e: {  	[tilespmem:s11+$0xA040] =	vst.msk $0xff, v3;
	v3 =	vld.msk [tilespmem:s11+$0x5010], $0xff  }
0x1f: {  	v5 =	vadd.bf16 v7, v6;
	v6 =	vld.msk [tilespmem:s11+$0x5050], $0xff  }
0x20: {  	v7 =	vld.msk [tilespmem:s11+$0x18], $0xff  }
0x21: {  	[tilespmem:s11+$0xA000] =	vst.msk $0xff, v0;
	v0 =	vld.msk [tilespmem:s11+$0x50], $0xff  }
0x22: {  	v1 =	vadd.bf16 v2, v1;
	v2 =	vld.msk [tilespmem:s11+$0x58], $0xff  }
0x23: {  	v3 =	vadd.bf16 v3, v4;
	v4 =	vld.msk [tilespmem:s11+$0x5058], $0xff  }
0x24: {  	[tilespmem:s11+$0xA048] =	vst.msk $0xff, v1;
	v1 =	vld.msk [tilespmem:s11+$0x5018], $0xff  }
0x25: {  	[tilespmem:s11+$0xA008] =	vst.msk $0xff, v5;
	v5 =	vld.msk [tilespmem:s11+$0x20], $0xff  }
0x26: {  	v0 =	vadd.bf16 v6, v0;
	[tilespmem:s11+$0xA010] =	vst.msk $0xff, v3;
	v3 =	vld.msk [tilespmem:s11+$0x60], $0xff  }
0x27: {  	v6 =	vld.msk [tilespmem:s11+$0x5060], $0xff  }
0x28: {  	[tilespmem:s11+$0xA050] =	vst.msk $0xff, v0;
	v0 =	vld.msk [tilespmem:s11+$0x5020], $0xff;
	v2 =	vadd.bf16 v4, v2  }
0x29: {  	v1 =	vadd.bf16 v1, v7;
	v7 =	vld.msk [tilespmem:s11+$0x28], $0xff  }
0x2a: {  	[tilespmem:s11+$0xA058] =	vst.msk $0xff, v2;
	v2 =	vld.msk [tilespmem:s11+$0x5028], $0xff  }
0x2b: {  	v9 =	vld.msk [tilespmem:s11+$0x5068], $0xff  }
0x2c: {  	v4 =	vld.msk [tilespmem:s11+$0x5070], $0xff;
	v3 =	vadd.bf16 v6, v3  }
0x2d: {  	[tilespmem:s11+$0xA018] =	vst.msk $0xff, v1;
	v1 =	vadd.bf16 v0, v5;
	v0 =	vld.msk [tilespmem:s11+$0x30], $0xff  }
0x2e: {  	[tilespmem:s11+$0xA060] =	vst.msk $0xff, v3;
	v5 =	vld.msk [tilespmem:s11+$0x5030], $0xff  }
0x2f: {  	[tilespmem:s11+$0xA020] =	vst.msk $0xff, v1;
	v1 =	vld.msk [tilespmem:s11+$0x70], $0xff;
	v3 =	vadd.bf16 v2, v7  }
0x30: {  	v6 =	vld.msk [tilespmem:s11+$0x5038], $0xff;
	v7 =	vadd.bf16 v9, v8  }
0x31: {  	s13 =	simm.s32 $0x80;
	v2 =	vld.msk [tilespmem:s11+$0x38], $0xff;
	[tilespmem:s11+$0xA028] =	vst.msk $0xff, v3  }
0x32: {  	s12 =	simm.s32 $0x400;
	v3 =	vld.msk [tilespmem:s13+$0x78], $0xff;
	[tilespmem:s11+$0xA068] =	vst.msk $0xff, v7  }
.LBB2_2:
0x33: {  	p0 =	sne.s32 s12, $0x13E00;
	v7 =	vld.msk [tilespmem:s13+$0x5078], $0xff;
	v0 =	vadd.bf16 v5, v0  }
0x34: {  	v5 =	vld.msk [tilespmem:s13+$0x0], $0xff;
	v1 =	vadd.bf16 v4, v1  }
0x35: {  	v4 =	vld.msk [tilespmem:s13+$0x40], $0xff;
	[tilespmem:s11+$0xA030] =	vst.msk $0xff, v0  }
0x36: {  	v0 =	vld.msk [tilespmem:s13+$0x5000], $0xff;
	[tilespmem:s11+$0xA070] =	vst.msk $0xff, v1;
	v1 =	vadd.bf16 v6, v2  }
0x37: {  	v2 =	vld.msk [tilespmem:s13+$0x5040], $0xff  }
0x38: {  	v6 =	vld.msk [tilespmem:s13+$0x8], $0xff;
	v3 =	vadd.bf16 v7, v3;
	[tilespmem:s11+$0xA038] =	vst.msk $0xff, v1;
	s11 =	smov.u32 s13  }
0x39: {  	v1 =	vld.msk [tilespmem:s11+$0x48], $0xff  }
0x3a: {  	v7 =	vld.msk [tilespmem:s11+$0x5008], $0xff;
	[tilespmem:s11+$0xA078] =	vst.msk $0xff, v3  }
0x3b: {  	v0 =	vadd.bf16 v0, v5;
	v3 =	vld.msk [tilespmem:s11+$0x5048], $0xff  }
0x3c: {  	v2 =	vadd.bf16 v2, v4;
	v4 =	vld.msk [tilespmem:s11+$0x10], $0xff  }
0x3d: {  	[tilespmem:s11+$0xA000] =	vst.msk $0xff, v0;
	v0 =	vld.msk [tilespmem:s11+$0x50], $0xff  }
0x3e: {  	[tilespmem:s11+$0xA040] =	vst.msk $0xff, v2;
	v2 =	vld.msk [tilespmem:s11+$0x5010], $0xff  }
0x3f: {  	v5 =	vadd.bf16 v7, v6;
	v6 =	vld.msk [tilespmem:s11+$0x5050], $0xff  }
0x40: {  	v1 =	vadd.bf16 v3, v1;
	v3 =	vld.msk [tilespmem:s11+$0x18], $0xff  }
0x41: {  	[tilespmem:s11+$0xA008] =	vst.msk $0xff, v5;
	v5 =	vld.msk [tilespmem:s11+$0x58], $0xff  }
0x42: {  	[tilespmem:s11+$0xA048] =	vst.msk $0xff, v1;
	v1 =	vld.msk [tilespmem:s11+$0x5018], $0xff  }
0x43: {  	v2 =	vadd.bf16 v2, v4;
	v4 =	vld.msk [tilespmem:s11+$0x5058], $0xff  }
0x44: {  	v0 =	vadd.bf16 v6, v0;
	v6 =	vld.msk [tilespmem:s11+$0x20], $0xff  }
0x45: {  	[tilespmem:s11+$0xA010] =	vst.msk $0xff, v2;
	v2 =	vld.msk [tilespmem:s11+$0x60], $0xff  }
0x46: {  	[tilespmem:s11+$0xA050] =	vst.msk $0xff, v0;
	v0 =	vld.msk [tilespmem:s11+$0x5020], $0xff  }
0x47: {  	v1 =	vadd.bf16 v1, v3;
	v3 =	vld.msk [tilespmem:s11+$0x5060], $0xff  }
0x48: {  	v4 =	vadd.bf16 v4, v5;
	v7 =	vld.msk [tilespmem:s11+$0x28], $0xff  }
0x49: {  	[tilespmem:s11+$0xA018] =	vst.msk $0xff, v1;
	v8 =	vld.msk [tilespmem:s11+$0x68], $0xff  }
0x4a: {  	[tilespmem:s11+$0xA058] =	vst.msk $0xff, v4;
	v4 =	vld.msk [tilespmem:s11+$0x5028], $0xff  }
0x4b: {  	v1 =	vadd.bf16 v0, v6;
	v6 =	vld.msk [tilespmem:s11+$0x5068], $0xff  }
0x4c: {  	v2 =	vadd.bf16 v3, v2;
	v0 =	vld.msk [tilespmem:s11+$0x30], $0xff  }
0x4d: {  	[tilespmem:s11+$0xA020] =	vst.msk $0xff, v1;
	v1 =	vld.msk [tilespmem:s11+$0x70], $0xff  }
.Ltmp0:
0x4e: {  	[tilespmem:s11+$0xA060] =	vst.msk $0xff, v2;
	v5 =	vld.msk [tilespmem:s11+$0x5030], $0xff;
	(pc) =	sbr.rel @p0 .LBB2_2-.Ltmp0, $4  }
0x4f: {  	v3 =	vadd.bf16 v4, v7;
	v4 =	vld.msk [tilespmem:s11+$0x5070], $0xff  }
0x50: {  	v7 =	vadd.bf16 v6, v8;
	v2 =	vld.msk [tilespmem:s11+$0x38], $0xff  }
0x51: {  	s13 =	sshra.s32 s12, $0x2;
	[tilespmem:s11+$0xA028] =	vst.msk $0xff, v3;
	v6 =	vld.msk [tilespmem:s11+$0x5038], $0xff  }
0x52: {  	s12 =	sadd.s32 $0x200, s12;
	v3 =	vld.msk [tilespmem:s13+$0x78], $0xff;
	[tilespmem:s11+$0xA068] =	vst.msk $0xff, v7  }
0x53: {  	v7 =	vld.msk [tilespmem:s13+$0x5078], $0xff;
	v0 =	vadd.bf16 v5, v0  }
0x54: {  	v33 =	vld.msk [tilespmem:s13+$0x0], $0xff;
	v1 =	vadd.bf16 v4, v1  }
0x55: {  	v8 =	vld.msk [tilespmem:s13+$0x40], $0xff;
	[tilespmem:s11+$0xA030] =	vst.msk $0xff, v0  }
0x56: {  	v0 =	vld.msk [tilespmem:s13+$0x5000], $0xff;
	[tilespmem:s11+$0xA070] =	vst.msk $0xff, v1;
	v34 =	vadd.bf16 v6, v2  }
0x57: {  	v35 =	vld.msk [tilespmem:s13+$0x5040], $0xff  }
0x58: {  	v36 =	vld.msk [tilespmem:s13+$0x8], $0xff;
	[tilespmem:s11+$0xA038] =	vst.msk $0xff, v34  }
0x59: {  	v38 =	vld.msk [tilespmem:s13+$0x48], $0xff  }
0x5a: {  	v39 =	vld.msk [tilespmem:s13+$0x5008], $0xff  }
0x5b: {  	v40 =	vld.msk [tilespmem:s13+$0x5048], $0xff  }
0x5c: {  	v41 =	vld.msk [tilespmem:s13+$0x10], $0xff  }
0x5d: {  	v42 =	vld.msk [tilespmem:s13+$0x50], $0xff  }
0x5e: {  	v43 =	vld.msk [tilespmem:s13+$0x5010], $0xff  }
0x5f: {  	v44 =	vld.msk [tilespmem:s13+$0x5050], $0xff  }
0x60: {  	v45 =	vld.msk [tilespmem:s13+$0x18], $0xff  }
0x61: {  	v46 =	vld.msk [tilespmem:s13+$0x58], $0xff  }
0x62: {  	v47 =	vld.msk [tilespmem:s13+$0x5018], $0xff  }
0x63: {  	v48 =	vld.msk [tilespmem:s13+$0x5058], $0xff  }
0x64: {  	v49 =	vld.msk [tilespmem:s13+$0x20], $0xff  }
0x65: {  	v50 =	vld.msk [tilespmem:s13+$0x60], $0xff  }
0x66: {  	v51 =	vld.msk [tilespmem:s13+$0x5020], $0xff  }
0x67: {  	v37 =	vadd.bf16 v7, v3;
	v52 =	vld.msk [tilespmem:s13+$0x5060], $0xff  }
0x68: {  	v53 =	vld.msk [tilespmem:s13+$0x28], $0xff;
	v0 =	vadd.bf16 v0, v33  }
0x69: {  	v61 =	vld.msk [tilespmem:s13+$0x38], $0xff;
	[tilespmem:s13+$0xA078] =	vst.msk $0xff, v37;
	v2 =	vadd.bf16 v35, v8  }
0x6a: {  	v62 =	vld.msk [tilespmem:s13+$0x5038], $0xff;
	[tilespmem:s13+$0xA000] =	vst.msk $0xff, v0;
	v4 =	vadd.bf16 v39, v36  }
0x6b: {  	v54 =	vld.msk [tilespmem:s13+$0x68], $0xff;
	[tilespmem:s13+$0xA040] =	vst.msk $0xff, v2;
	v1 =	vadd.bf16 v40, v38  }
0x6c: {  	v55 =	vld.msk [tilespmem:s13+$0x5028], $0xff;
	v2 =	vadd.bf16 v43, v41;
	[tilespmem:s13+$0xA008] =	vst.msk $0xff, v4  }
0x6d: {  	v56 =	vld.msk [tilespmem:s13+$0x5068], $0xff;
	v0 =	vadd.bf16 v44, v42;
	[tilespmem:s13+$0xA048] =	vst.msk $0xff, v1  }
0x6e: {  	v57 =	vld.msk [tilespmem:s13+$0x30], $0xff;
	v3 =	vadd.bf16 v48, v46;
	[tilespmem:s13+$0xA010] =	vst.msk $0xff, v2  }
0x6f: {  	v58 =	vld.msk [tilespmem:s13+$0x70], $0xff;
	v63 =	vadd.bf16 v62, v61;
	[tilespmem:s13+$0xA050] =	vst.msk $0xff, v0  }
0x70: {  	v59 =	vld.msk [tilespmem:s13+$0x5030], $0xff;
	v1 =	vadd.bf16 v47, v45;
	[tilespmem:s13+$0xA058] =	vst.msk $0xff, v3  }
0x71: {  	v60 =	vld.msk [tilespmem:s13+$0x5070], $0xff;
	v0 =	vadd.bf16 v51, v49;
	[tilespmem:s13+$0xA038] =	vst.msk $0xff, v63  }
0x72: {  	v2 =	vadd.bf16 v52, v50;
	[tilespmem:s13+$0xA018] =	vst.msk $0xff, v1  }
0x73: {  	v3 =	vadd.bf16 v55, v53;
	[tilespmem:s13+$0xA020] =	vst.msk $0xff, v0  }
0x74: {  	[tilespmem:s13+$0xA060] =	vst.msk $0xff, v2;
	v1 =	vadd.bf16 v56, v54  }
0x75: {  	[tilespmem:s13+$0xA028] =	vst.msk $0xff, v3;
	v2 =	vadd.bf16 v59, v57  }
0x76: {  	s10 =	sadd.s32 $0x1, s10;
	v0 =	vadd.bf16 v60, v58;
	[tilespmem:s13+$0xA068] =	vst.msk $0xff, v1  }
0x77: {  	p0 =	sne.s32 s10, s6;
	[tilespmem:s13+$0xA030] =	vst.msk $0xff, v2  }
.Ltmp1:
0x78: {  	[tilespmem:s13+$0xA070] =	vst.msk $0xff, v0;
	(pc) =	sbr.rel @p0 .LBB2_1-.Ltmp1, $4  }
0x79: {  	[hbm4b:s5+s2] =	stream.linear.scatter [tilespmem:s9], [sflag:$0x1], $0x5000, $0x38;
	[tilespmem:$0xF000] =	vst v63  }
0x7a: {  	_ =	swait.ge [sflag:s7], $0x5000  }
0x7b: {  	[sflag:s7] =	ssyncset.done $0x0  }
0x7c: {  	[sflag:s7] =	ssyncadd.s32 $0xFFFFB000  }
0x7d: {  	_ =	sfence.sel $0x180000  }
0x7e: {  	[bflag:$0x0] =	sbarrier.arrive $0xFFFF  }
0x7f: {  	p0 =	sne.s32 s0, $0x0;
	_ =	strace $0x9000004A  }
0x80: {  	s0 =	sadd.s32 @!p0 $0x100000, s1;
	[bflag:$0x2] =	sbarrier.arrive $0xFFFF  }
0x81: {  	[sflag:s0] =	ssyncadd.tile.s32 @!p0 $0x1;
	_ =	shalt  }
.Lfunc_end2:
_tile_overlayer_lowered:
.L_overlay_start_2:
0x82: {  	(tag) =	ssettag $0x2  }
0x83: {  	s0 =	rddreg [dreg:$0x0];
	s2 =	stileid.u32  }
0x84: {  	s1 =	rddreg [dreg:$0x1];
	p0 =	sne.s32 s2, $0x0  }
0x85: {  	s3 =	rddreg [dreg:$0x2];
	[bflag:$0x3] =	sbarrier.arrive $0xFFFF;
	s2 =	simm.s32 @!p0 $0x1C01  }
0x86: {  	[timem:s3], [sflag:s2] =	dma.local @!p0 [hbm:s0], s1  }
0x87: {  	s0 =	simm.s32 @!p0 $0x1  }
0x88: {  	_ =	swait.ge @!p0 [sflag:s0], s1  }
0x89: {  	s1 =	ssub.s32 @!p0 $0x0, s1;
	[sflag:s0] =	ssyncset.done @!p0 $0x0  }
0x8a: {  	[sflag:s0] =	ssyncadd.s32 @!p0 s1  }
0x8b: {  	[bflag:$0x3] =	sbarrier.arrive $0xFFFF  }
0x8c: {  	_ =	shalt  }

</sc_bundles>
